<compile_context>
chip_gen: v7x
topology: tpu7x:2x2x1
jax: 0.10.2.dev20260603
libtpu: 0.0.44.dev20260713+nightly
codegen_flags: <defaults>
</compile_context>

<pallas_src>
import functools

import jax
import jax.numpy as jnp
from jax import lax
from jax.experimental import pallas as pl
from jax.experimental.pallas import tpu as pltpu
from jax.experimental.pallas import tpu_sc as plsc

_NH = 4
_NPNT = 4
_KQ = 8
_TAPS = 16


def _proj_body(x1_ref, x2_ref, qpos_ref, ln1w_ref, ln1b_ref, ln2w_ref, ln2b_ref,
               sow_ref, sob_ref, aww_ref, awb_ref, vpw_ref, vpb_ref,
               vh_ref, tidx_ref, tw_ref):
    nq, C = x1_ref.shape[1], x1_ref.shape[2]
    W = 32
    hd = C // _NH
    b = pl.program_id(0)

    x1b = x1_ref[0]
    x2b = x2_ref[0]

    def ln(x, w, b_):
        mu = jnp.mean(x, axis=-1, keepdims=True)
        xc = x - mu
        var = jnp.mean(xc * xc, axis=-1, keepdims=True)
        return xc * lax.rsqrt(var + 1e-5) * w + b_

    query = ln(x1b, ln1w_ref[0], ln1b_ref[0]) + qpos_ref[...]
    value = ln(x2b, ln2w_ref[0], ln2b_ref[0])
    v = jnp.dot(value, vpw_ref[...], preferred_element_type=jnp.float32) + vpb_ref[0]

    soT = lax.dot_general(sow_ref[...], query, (((0,), (1,)), ((), ())),
                          preferred_element_type=jnp.float32) + sob_ref[...].reshape(-1, 1)
    awT = lax.dot_general(aww_ref[...], query, (((0,), (1,)), ((), ())),
                          preferred_element_type=jnp.float32) + awb_ref[...].reshape(-1, 1)

    qi = lax.broadcasted_iota(jnp.int32, (1, nq), 1)
    colq = (qi % W).astype(jnp.float32)
    rowq = (qi // W).astype(jnp.float32)

    pad = jnp.zeros((nq, 128 - hd), jnp.float32)
    for h in range(_NH):
        vh_ref[0, h] = jnp.concatenate([v[:, h * hd:(h + 1) * hd], pad], axis=1)
        base = (b * _NH + h) * nq

        rows = [awT[h * _NPNT + p:h * _NPNT + p + 1, :] for p in range(_NPNT)]
        m = jnp.maximum(jnp.maximum(rows[0], rows[1]), jnp.maximum(rows[2], rows[3]))
        es = [jnp.exp(r - m) for r in rows]
        inv = 1.0 / (es[0] + es[1] + es[2] + es[3])

        w_rows = []
        j_rows = []
        for p in range(_NPNT):
            o = (h * _NPNT + p) * 2
            x = colq + soT[o:o + 1, :]
            y = rowq + soT[o + 1:o + 2, :]
            x0f = jnp.floor(x)
            y0f = jnp.floor(y)
            wx1 = x - x0f
            wx0 = 1.0 - wx1
            wy1 = y - y0f
            wy0 = 1.0 - wy1
            x0i = x0f.astype(jnp.int32)
            y0i = y0f.astype(jnp.int32)
            awp = es[p] * inv
            for dy, wyc in ((0, wy0), (1, wy1)):
                yi = y0i + dy
                for dx, wxc in ((0, wx0), (1, wx1)):
                    xi = x0i + dx
                    valid = (xi >= 0) & (xi <= W - 1) & (yi >= 0) & (yi <= W - 1)
                    wc = jnp.where(valid, wxc * wyc * awp, 0.0)
                    jloc = jnp.clip(yi, 0, W - 1) * W + jnp.clip(xi, 0, W - 1)
                    w_rows.append(wc)
                    j_rows.append(jloc + base)
        tw_ref[0, h] = lax.transpose(jnp.concatenate(w_rows, axis=0), (1, 0))
        tidx_ref[0, h] = lax.transpose(jnp.concatenate(j_rows, axis=0), (1, 0))


def _dense_body(x1_ref, x2_ref, qpos_ref, ln1w_ref, ln1b_ref, ln2w_ref, ln2b_ref,
                sow_ref, sob_ref, aww_ref, awb_ref, vpw_ref, vpb_ref,
                opw_ref, opb_ref, out_ref):
    nq, C = x1_ref.shape[1], x1_ref.shape[2]
    W = 32
    hd = C // _NH

    x1b = x1_ref[0]
    x2b = x2_ref[0]

    def ln(x, w, b):
        mu = jnp.mean(x, axis=-1, keepdims=True)
        xc = x - mu
        var = jnp.mean(xc * xc, axis=-1, keepdims=True)
        return xc * lax.rsqrt(var + 1e-5) * w + b

    query = ln(x1b, ln1w_ref[0], ln1b_ref[0]) + qpos_ref[...]
    value = ln(x2b, ln2w_ref[0], ln2b_ref[0])
    v = jnp.dot(value, vpw_ref[...], preferred_element_type=jnp.float32) + vpb_ref[0]

    soT = lax.dot_general(sow_ref[...], query, (((0,), (1,)), ((), ())),
                          preferred_element_type=jnp.float32) + sob_ref[...].reshape(-1, 1)
    awT = lax.dot_general(aww_ref[...], query, (((0,), (1,)), ((), ())),
                          preferred_element_type=jnp.float32) + awb_ref[...].reshape(-1, 1)

    qi = lax.broadcasted_iota(jnp.int32, (1, nq), 1)
    colq = (qi % W).astype(jnp.float32)
    rowq = (qi // W).astype(jnp.float32)
    xg = lax.broadcasted_iota(jnp.int32, (W, nq), 0).astype(jnp.float32)

    outs = []
    for h in range(_NH):
        rows = [awT[h * _NPNT + p:h * _NPNT + p + 1, :] for p in range(_NPNT)]
        m = jnp.maximum(jnp.maximum(rows[0], rows[1]), jnp.maximum(rows[2], rows[3]))
        es = [jnp.exp(r - m) for r in rows]
        inv = 1.0 / (es[0] + es[1] + es[2] + es[3])

        at3 = None
        for p in range(_NPNT):
            o = (h * _NPNT + p) * 2
            x = colq + soT[o:o + 1, :]
            y = rowq + soT[o + 1:o + 2, :]
            wx = jnp.maximum(1.0 - jnp.abs(x - xg), 0.0)
            wy = jnp.maximum(1.0 - jnp.abs(y - xg), 0.0)
            wxa = wx * (es[p] * inv)
            term = wy[:, None, :] * wxa[None, :, :]
            at3 = term if at3 is None else at3 + term
        atm = at3.reshape(nq, nq)
        v_h = v[:, h * hd:(h + 1) * hd]
        out_h = lax.dot_general(atm, v_h, (((0,), (0,)), ((), ())),
                                preferred_element_type=jnp.float32)
        outs.append(out_h)

    sampled = jnp.concatenate(outs, axis=1)
    final = jnp.dot(sampled, opw_ref[...], preferred_element_type=jnp.float32)
    out_ref[0] = final + opb_ref[0] + x2b


def _out_body(sam_ref, x2_ref, opw_ref, opb_ref, out_ref):
    nq, C = x2_ref.shape[1], x2_ref.shape[2]
    hd = C // _NH
    sampled = jnp.concatenate([sam_ref[0, h] for h in range(_NH)], axis=1)
    final = jnp.dot(sampled, opw_ref[...], preferred_element_type=jnp.float32)
    out_ref[0] = final + opb_ref[0] + x2_ref[0]


def _sc_sample(table_hbm, tidx_hbm, tw_hbm, out_hbm, idx_v, w_v, rows_v, acc_v, sem):
    nslab = out_hbm.shape[0]
    nq = out_hbm.shape[1]
    hd = out_hbm.shape[2]
    wps = 32 // nslab
    qspan = nq // wps
    nchunks = qspan // _KQ
    ntap = _KQ * _TAPS
    wid = lax.axis_index("s") * 2 + lax.axis_index("c")
    slab = wid // wps
    qoff = (wid % wps) * qspan
    zeros16 = jnp.zeros((16,), jnp.int32)

    def chunk_body(ci, carry):
        base = qoff + ci * _KQ
        pltpu.sync_copy(tidx_hbm.at[slab, pl.ds(base * _TAPS, ntap)], idx_v)
        pltpu.sync_copy(tw_hbm.at[slab, pl.ds(base * _TAPS, ntap)], w_v)
        pltpu.async_copy(table_hbm.at[idx_v], rows_v, sem).wait()

        def q_body(qi, carry2):
            r0 = qi * _TAPS
            accs = [jnp.zeros((16,), jnp.float32) for _ in range(hd // 16)]
            for j in range(_TAPS):
                wj = plsc.load_gather(w_v, [zeros16 + (r0 + j)])
                for cb in range(hd // 16):
                    accs[cb] = accs[cb] + wj * rows_v[r0 + j, pl.ds(cb * 16, 16)]
            for cb in range(hd // 16):
                acc_v[qi, pl.ds(cb * 16, 16)] = accs[cb]
            return carry2

        lax.fori_loop(0, _KQ, q_body, 0)
        pltpu.sync_copy(acc_v, out_hbm.at[slab, pl.ds(base, _KQ)])
        return carry

    lax.fori_loop(0, nchunks, chunk_body, 0)


def kernel(x1, x2, ln1_w, ln1_b, ln2_w, ln2_b, pos_scale, so_w, so_b,
           aw_w, aw_b, vp_w, vp_b, op_w, op_b):
    B, C, H, W = x1.shape
    nq = H * W
    hd = C // _NH
    B_SC = 2
    B_TC = B - B_SC

    x1t = x1.reshape(B, C, nq).transpose(0, 2, 1)
    x2t = x2.reshape(B, C, nq).transpose(0, 2, 1)

    inv_freq = 1.0 / (10000.0 ** (jnp.arange(0, C, 2, dtype=jnp.float32) / C))
    t = jnp.arange(nq, dtype=jnp.float32)
    sinu = t[:, None] * inv_freq[None, :]
    qpos = jnp.concatenate([jnp.sin(sinu), jnp.cos(sinu)], axis=-1) * pos_scale

    full = lambda shape: pl.BlockSpec(shape, lambda b: (0,) * len(shape))

    vheads, tidx, tw = pl.pallas_call(
        _proj_body,
        grid=(B_SC,),
        in_specs=[
            pl.BlockSpec((1, nq, C), lambda b: (b, 0, 0)),
            pl.BlockSpec((1, nq, C), lambda b: (b, 0, 0)),
            full((nq, C)),
            full((1, C)), full((1, C)), full((1, C)), full((1, C)),
            full((C, _NH * _NPNT * 2)), full((_NH * _NPNT * 2,)),
            full((C, _NH * _NPNT)), full((_NH * _NPNT,)),
            full((C, C)), full((1, C)),
        ],
        out_specs=[
            pl.BlockSpec((1, _NH, nq, 128), lambda b: (b, 0, 0, 0)),
            pl.BlockSpec((1, _NH, nq, _TAPS), lambda b: (b, 0, 0, 0)),
            pl.BlockSpec((1, _NH, nq, _TAPS), lambda b: (b, 0, 0, 0)),
        ],
        out_shape=[
            jax.ShapeDtypeStruct((B_SC, _NH, nq, 128), jnp.float32),
            jax.ShapeDtypeStruct((B_SC, _NH, nq, _TAPS), jnp.int32),
            jax.ShapeDtypeStruct((B_SC, _NH, nq, _TAPS), jnp.float32),
        ],
    )(x1t[B_TC:], x2t[B_TC:], qpos,
      ln1_w.reshape(1, C), ln1_b.reshape(1, C), ln2_w.reshape(1, C), ln2_b.reshape(1, C),
      so_w, so_b, aw_w, aw_b, vp_w, vp_b.reshape(1, C))

    table = vheads.reshape(B_SC * _NH * nq, 128)
    tidx_f = tidx.reshape(B_SC * _NH, nq * _TAPS)
    tw_f = tw.reshape(B_SC * _NH, nq * _TAPS)

    mesh = plsc.VectorSubcoreMesh(core_axis_name="c", subcore_axis_name="s")
    sampled = pl.kernel(
        _sc_sample,
        out_type=jax.ShapeDtypeStruct((B_SC * _NH, nq, hd), jnp.float32),
        mesh=mesh,
        scratch_types=[
            pltpu.VMEM((_KQ * _TAPS,), jnp.int32),
            pltpu.VMEM((_KQ * _TAPS,), jnp.float32),
            pltpu.VMEM((_KQ * _TAPS, 128), jnp.float32),
            pltpu.VMEM((_KQ, hd), jnp.float32),
            pltpu.SemaphoreType.DMA,
        ],
        compiler_params=pltpu.CompilerParams(needs_layout_passes=False),
    )(table, tidx_f, tw_f)

    sam4 = sampled.reshape(B_SC, _NH, nq, hd)

    out_sc = pl.pallas_call(
        _out_body,
        grid=(B_SC,),
        in_specs=[
            pl.BlockSpec((1, _NH, nq, hd), lambda b: (b, 0, 0, 0)),
            pl.BlockSpec((1, nq, C), lambda b: (b, 0, 0)),
            full((C, C)), full((1, C)),
        ],
        out_specs=pl.BlockSpec((1, nq, C), lambda b: (b, 0, 0)),
        out_shape=jax.ShapeDtypeStruct((B_SC, nq, C), jnp.float32),
    )(sam4, x2t[B_TC:], op_w, op_b.reshape(1, C))

    out_tc = pl.pallas_call(
        _dense_body,
        grid=(B_TC,),
        in_specs=[
            pl.BlockSpec((1, nq, C), lambda b: (b, 0, 0)),
            pl.BlockSpec((1, nq, C), lambda b: (b, 0, 0)),
            full((nq, C)),
            full((1, C)), full((1, C)), full((1, C)), full((1, C)),
            full((C, _NH * _NPNT * 2)), full((_NH * _NPNT * 2,)),
            full((C, _NH * _NPNT)), full((_NH * _NPNT,)),
            full((C, C)), full((1, C)),
            full((C, C)), full((1, C)),
        ],
        out_specs=pl.BlockSpec((1, nq, C), lambda b: (b, 0, 0)),
        out_shape=jax.ShapeDtypeStruct((B_TC, nq, C), jnp.float32),
    )(x1t[:B_TC], x2t[:B_TC], qpos,
      ln1_w.reshape(1, C), ln1_b.reshape(1, C), ln2_w.reshape(1, C), ln2_b.reshape(1, C),
      so_w, so_b, aw_w, aw_b,
      vp_w, vp_b.reshape(1, C), op_w, op_b.reshape(1, C))

    out = jnp.concatenate([out_tc, out_sc], axis=0)
    return out.transpose(0, 2, 1).reshape(B, C, H, W)

# --- scband reference (transcript-rebuilt; emitter-appended) ---
"""Pipeline reference for scband-cross-attn-46797963657494 (READ-ONLY COPY).

The authoritative reference and input builder live on the scoring server;
editing this copy changes nothing except your own understanding.
"""

import jax, jax.numpy as jnp
import numpy as np


def _grid_sample(im, grid):
    # im: (N, C, H, W); grid: (N, Hg, Wg, 2) in [-1, 1]
    # bilinear, padding_mode='zeros', align_corners=False (matches F.grid_sample)
    N, C, H, W = im.shape
    Hg, Wg = grid.shape[1], grid.shape[2]
    x = (grid[..., 0] + 1.0) * W / 2.0 - 0.5
    y = (grid[..., 1] + 1.0) * H / 2.0 - 0.5
    x0 = jnp.floor(x)
    y0 = jnp.floor(y)
    x1 = x0 + 1.0
    y1 = y0 + 1.0
    wx1 = x - x0
    wx0 = 1.0 - wx1
    wy1 = y - y0
    wy0 = 1.0 - wy1
    flat = im.reshape(N, C, H * W)

    def gather(ix, iy):
        valid = (ix >= 0) & (ix <= W - 1) & (iy >= 0) & (iy <= H - 1)
        ixc = jnp.clip(ix, 0, W - 1).astype(jnp.int32)
        iyc = jnp.clip(iy, 0, H - 1).astype(jnp.int32)
        idx = (iyc * W + ixc).reshape(N, 1, Hg * Wg)
        idx = jnp.broadcast_to(idx, (N, C, Hg * Wg))
        vals = jnp.take_along_axis(flat, idx, axis=2).reshape(N, C, Hg, Wg)
        return vals * valid.reshape(N, 1, Hg, Wg).astype(im.dtype)

    out = (gather(x0, y0) * (wx0 * wy0)[:, None]
           + gather(x1, y0) * (wx1 * wy0)[:, None]
           + gather(x0, y1) * (wx0 * wy1)[:, None]
           + gather(x1, y1) * (wx1 * wy1)[:, None])
    return out


def _layer_norm(x, w, b):
    mu = jnp.mean(x, axis=-1, keepdims=True)
    var = jnp.mean((x - mu) ** 2, axis=-1, keepdims=True)
    return (x - mu) / jnp.sqrt(var + 1e-5) * w + b


def setup_inputs(seed: int = 0):
    key = jax.random.key(seed)
    ks = jax.random.split(key, 12)
    B, C, H, W = 8, 384, 32, 32
    nh, nl, npnt = 4, 1, 4
    inp = {}
    inp["x1"] = jax.random.normal(ks[0], (B, C, H, W), dtype=jnp.float32)
    inp["x2"] = jax.random.normal(ks[1], (B, C, H, W), dtype=jnp.float32)
    inp["ln1_w"] = jnp.ones((C,), dtype=jnp.float32)
    inp["ln1_b"] = jnp.zeros((C,), dtype=jnp.float32)
    inp["ln2_w"] = jnp.ones((C,), dtype=jnp.float32)
    inp["ln2_b"] = jnp.zeros((C,), dtype=jnp.float32)
    inp["pos_scale"] = jnp.ones((1,), dtype=jnp.float32)
    inp["so_w"] = jax.random.normal(ks[2], (C, nh * nl * npnt * 2), dtype=jnp.float32) * 0.01
    inp["so_b"] = jax.random.normal(ks[3], (nh * nl * npnt * 2,), dtype=jnp.float32) * 0.5
    inp["aw_w"] = jax.random.normal(ks[4], (C, nh * nl * npnt), dtype=jnp.float32) * 0.02
    inp["aw_b"] = jnp.zeros((nh * nl * npnt,), dtype=jnp.float32)
    inp["vp_w"] = jax.random.normal(ks[5], (C, C), dtype=jnp.float32) * (C ** -0.5)
    inp["vp_b"] = jnp.zeros((C,), dtype=jnp.float32)
    inp["op_w"] = jax.random.normal(ks[6], (C, C), dtype=jnp.float32) * (C ** -0.5)
    inp["op_b"] = jnp.zeros((C,), dtype=jnp.float32)
    return inp


def reference(x1, x2, ln1_w, ln1_b, ln2_w, ln2_b, pos_scale, so_w, so_b, aw_w, aw_b, vp_w, vp_b, op_w, op_b):
    B, C, H, W = x1.shape
    H2, W2 = x2.shape[2], x2.shape[3]
    nh, nl, npnt = 4, 1, 4
    hd = C // nh
    nq = H * W
    nv = H2 * W2
    # reference points (get_reference_points on x1 grid)
    ref_y, ref_x = jnp.meshgrid(jnp.linspace(0.5, H - 0.5, H, dtype=jnp.float32),
                                jnp.linspace(0.5, W - 0.5, W, dtype=jnp.float32), indexing='ij')
    ref = jnp.stack([ref_x.reshape(-1) / W, ref_y.reshape(-1) / H], axis=-1)  # (nq, 2)
    x1t = x1.reshape(B, C, nq).transpose(0, 2, 1)
    x2t = x2.reshape(B, C, nv).transpose(0, 2, 1)
    # ScaledSinuEmbedding
    inv_freq = 1.0 / (10000.0 ** (jnp.arange(0, C, 2, dtype=jnp.float32) / C))
    t = jnp.arange(nq, dtype=jnp.float32)
    sinu = t[:, None] * inv_freq[None, :]
    query_pos = jnp.concatenate([jnp.sin(sinu), jnp.cos(sinu)], axis=-1) * pos_scale
    query = _layer_norm(x1t, ln1_w, ln1_b) + query_pos[None]
    value = _layer_norm(x2t, ln2_w, ln2_b)
    identity = x2t
    v = (value @ vp_w + vp_b).reshape(B, nv, nh, hd)
    so = (query @ so_w + so_b).reshape(B, nq, nh, nl, npnt, 2)
    aw = (query @ aw_w + aw_b).reshape(B, nq, nh, nl * npnt)
    aw = jax.nn.softmax(aw, axis=-1).reshape(B, nq, nh, nl, npnt)
    offset_normalizer = jnp.array([[W2, H2]], dtype=jnp.float32)  # (nl, 2)
    loc = ref[None, :, None, None, None, :] + so / offset_normalizer[None, None, None, :, None, :]
    grids = 2.0 * loc - 1.0
    # single level deformable attention core
    value_l = v.reshape(B, nv, nh * hd).transpose(0, 2, 1).reshape(B * nh, hd, H2, W2)
    grid_l = grids[:, :, :, 0].transpose(0, 2, 1, 3, 4).reshape(B * nh, nq, npnt, 2)
    sampled = _grid_sample(value_l, grid_l)  # (B*nh, hd, nq, npnt)
    aw_r = aw.transpose(0, 2, 1, 3, 4).reshape(B * nh, 1, nq, nl * npnt)
    out = (sampled * aw_r).sum(-1)  # (B*nh, hd, nq)
    out = out.reshape(B, nh * hd, nq).transpose(0, 2, 1)
    out = out @ op_w + op_b
    out = out + identity
    return out.transpose(0, 2, 1).reshape(B, C, H, W)

if __name__ == "__main__":
    import jax
    _d = setup_inputs()
    print(jax.jit(kernel)(*tuple(_d.values())))

</pallas_src>

<mosaic_0001>
#map = affine_map<(d0, d1) -> (0, 0)>
#map1 = affine_map<(d0, d1) -> (0, 0, 0)>
module attributes {stable_mosaic.version = 14 : i64} {
  func.func @_sc_sample(%arg0: i32, %arg1: i32, %arg2: memref<8192x128xf32, #tpu.memory_space<hbm>>, %arg3: memref<8x16384xi32, #tpu.memory_space<hbm>>, %arg4: memref<8x16384xf32, #tpu.memory_space<hbm>>, %arg5: memref<8x1024x96xf32, #tpu.memory_space<hbm>>, %arg6: memref<128xi32, #tpu.memory_space<vmem>>, %arg7: memref<128xf32, #tpu.memory_space<vmem>>, %arg8: memref<128x128xf32, #tpu.memory_space<vmem>>, %arg9: memref<8x96xf32, #tpu.memory_space<vmem>>, %arg10: memref<!tpu.dma_semaphore, #tpu.memory_space<semaphore_mem>>) attributes {dimension_semantics = [#tpu.dimension_semantics<core_parallel>, #tpu.dimension_semantics<subcore_parallel>], iteration_bounds = array<i64: 2, 16>, scalar_prefetch = 0 : i64, scratch_operands = 5 : i64, tpu.core_type = #tpu.core_type<sc_vector_subcore>, window_params = [{transform_indices = #map}, {transform_indices = #map}, {transform_indices = #map}, {transform_indices = #map1}]} {
    %mul3A = arith.constant 2 : i32
    %mul3A_0 = arith.muli %arg1, %mul3A : i32
    %add3A = arith.addi %mul3A_0, %arg0 : i32
    %jit3A = arith.constant 4 : i32
    %div3A = arith.divsi %add3A, %jit3A : i32
    %sign3A = arith.constant 0 : i32
    %sign3A_1 = arith.cmpi sgt, %add3A, %sign3A : i32
    %sign3A_2 = arith.extui %sign3A_1 : i1 to i32
    %sign3A_3 = arith.constant 0 : i32
    %sign3A_4 = arith.cmpi slt, %add3A, %sign3A_3 : i32
    %sign3A_5 = arith.extui %sign3A_4 : i1 to i32
    %sign3A_6 = arith.subi %sign3A_2, %sign3A_5 : i32
    %sign3A_7 = arith.constant 0 : i32
    %sign3A_8 = arith.cmpi sgt, %jit3A, %sign3A_7 : i32
    %sign3A_9 = arith.extui %sign3A_8 : i1 to i32
    %sign3A_10 = arith.constant 0 : i32
    %sign3A_11 = arith.cmpi slt, %jit3A, %sign3A_10 : i32
    %sign3A_12 = arith.extui %sign3A_11 : i1 to i32
    %sign3A_13 = arith.subi %sign3A_9, %sign3A_12 : i32
    %ne3A = arith.cmpi ne, %sign3A_6, %sign3A_13 : i32
    %rem3A = arith.remsi %add3A, %jit3A : i32
    %ne3A_14 = arith.constant 0 : i32
    %ne3A_15 = arith.cmpi ne, %rem3A, %ne3A_14 : i32
    %and3A = arith.andi %ne3A, %ne3A_15 : i1
    %sub3A = arith.constant 1 : i32
    %sub3A_16 = arith.subi %div3A, %sub3A : i32
    %select_n3A = arith.select %and3A, %sub3A_16, %div3A : i32
    %jit3A_17 = arith.constant 4 : i32
    %eq3A = arith.constant 0 : i32
    %eq3A_18 = arith.cmpi eq, %jit3A_17, %eq3A : i32
    %jit3A_19 = arith.constant 1 : i32
    %select_n3A_20 = arith.select %eq3A_18, %jit3A_19, %jit3A_17 : i32
    %rem3A_21 = arith.remsi %add3A, %select_n3A_20 : i32
    %ne3A_22 = arith.constant 0 : i32
    %ne3A_23 = arith.cmpi ne, %rem3A_21, %ne3A_22 : i32
    %lt3A = arith.constant 0 : i32
    %lt3A_24 = arith.cmpi slt, %rem3A_21, %lt3A : i32
    %lt3A_25 = arith.constant 0 : i32
    %lt3A_26 = arith.cmpi slt, %select_n3A_20, %lt3A_25 : i32
    %ne3A_27 = arith.xori %lt3A_24, %lt3A_26 : i1
    %and3A_28 = arith.andi %ne3A_27, %ne3A_23 : i1
    %add3A_29 = arith.addi %rem3A_21, %select_n3A_20 : i32
    %select_n3A_30 = arith.select %and3A_28, %add3A_29, %rem3A_21 : i32
    %mul3A_31 = arith.constant 256 : i32
    %mul3A_32 = arith.muli %select_n3A_30, %mul3A_31 : i32
    %broadcast_in_dim3A = arith.constant 0 : i32
    %broadcast_in_dim3A_33 = vector.broadcast %broadcast_in_dim3A : i32 to vector<16xi32>
    %scan3A = arith.constant 0 : i32
    %scan3A_34 = arith.constant 0 : i32
    %scan3A_35 = arith.constant 32 : i32
    %scan3A_36 = arith.addi %scan3A_34, %scan3A_35 : i32
    %scan3A_37 = arith.constant 1 : i32
    scf.for %scan3A_39 = %scan3A_34 to %scan3A_36 step %scan3A_37  : i32 {
      %mul3A_40 = arith.constant 8 : i32
      %mul3A_41 = arith.muli %scan3A_39, %mul3A_40 : i32
      %add3A_42 = arith.addi %mul3A_32, %mul3A_41 : i32
      %mul3A_43 = arith.constant 16 : i32
      %mul3A_44 = arith.muli %add3A_42, %mul3A_43 : i32
      "tpu.region"() ({
        %run_scoped3A = tpu.sem_alloc : memref<!tpu.dma_semaphore, #tpu.memory_space<semaphore_mem>>
        %dma_start3A_57 = tpu.memref_slice %arg3[%select_n3A, %mul3A_44] : memref<8x16384xi32, #tpu.memory_space<hbm>> -> memref<1x128xi32, #tpu.memory_space<hbm>>
        %dma_start3A_58 = tpu.memref_squeeze %dma_start3A_57 : memref<1x128xi32, #tpu.memory_space<hbm>> -> memref<128xi32, #tpu.memory_space<hbm>>
        %dma_start3A_59 = tpu.memref_slice %arg3[%select_n3A, %mul3A_44] : memref<8x16384xi32, #tpu.memory_space<hbm>> -> memref<1x128xi32, #tpu.memory_space<hbm>>
        %dma_start3A_60 = tpu.memref_squeeze %dma_start3A_59 : memref<1x128xi32, #tpu.memory_space<hbm>> -> memref<128xi32, #tpu.memory_space<hbm>>
        tpu.enqueue_dma source(%dma_start3A_60 : memref<128xi32, #tpu.memory_space<hbm>>) target(%arg6 : memref<128xi32, #tpu.memory_space<vmem>>) target_semaphore(%run_scoped3A : memref<!tpu.dma_semaphore, #tpu.memory_space<semaphore_mem>>)
        %dma_wait3A_61 = tpu.memref_slice %arg3[%select_n3A, %mul3A_44] : memref<8x16384xi32, #tpu.memory_space<hbm>> -> memref<1x128xi32, #tpu.memory_space<hbm>>
        %dma_wait3A_62 = tpu.memref_squeeze %dma_wait3A_61 : memref<1x128xi32, #tpu.memory_space<hbm>> -> memref<128xi32, #tpu.memory_space<hbm>>
        %dma_wait3A_63 = tpu.memref_slice %arg3[%select_n3A, %mul3A_44] : memref<8x16384xi32, #tpu.memory_space<hbm>> -> memref<1x128xi32, #tpu.memory_space<hbm>>
        %dma_wait3A_64 = tpu.memref_squeeze %dma_wait3A_63 : memref<1x128xi32, #tpu.memory_space<hbm>> -> memref<128xi32, #tpu.memory_space<hbm>>
        tpu.wait_dma2 semaphore(%run_scoped3A : memref<!tpu.dma_semaphore, #tpu.memory_space<semaphore_mem>>) src(%dma_wait3A_64 : memref<128xi32, #tpu.memory_space<hbm>>) dst(%arg6 : memref<128xi32, #tpu.memory_space<vmem>>)
        tpu.yield
      }) : () -> ()
      %mul3A_45 = arith.constant 16 : i32
      %mul3A_46 = arith.muli %add3A_42, %mul3A_45 : i32
      "tpu.region"() ({
        %run_scoped3A = tpu.sem_alloc : memref<!tpu.dma_semaphore, #tpu.memory_space<semaphore_mem>>
        %dma_start3A_57 = tpu.memref_slice %arg4[%select_n3A, %mul3A_46] : memref<8x16384xf32, #tpu.memory_space<hbm>> -> memref<1x128xf32, #tpu.memory_space<hbm>>
        %dma_start3A_58 = tpu.memref_squeeze %dma_start3A_57 : memref<1x128xf32, #tpu.memory_space<hbm>> -> memref<128xf32, #tpu.memory_space<hbm>>
        %dma_start3A_59 = tpu.memref_slice %arg4[%select_n3A, %mul3A_46] : memref<8x16384xf32, #tpu.memory_space<hbm>> -> memref<1x128xf32, #tpu.memory_space<hbm>>
        %dma_start3A_60 = tpu.memref_squeeze %dma_start3A_59 : memref<1x128xf32, #tpu.memory_space<hbm>> -> memref<128xf32, #tpu.memory_space<hbm>>
        tpu.enqueue_dma source(%dma_start3A_60 : memref<128xf32, #tpu.memory_space<hbm>>) target(%arg7 : memref<128xf32, #tpu.memory_space<vmem>>) target_semaphore(%run_scoped3A : memref<!tpu.dma_semaphore, #tpu.memory_space<semaphore_mem>>)
        %dma_wait3A_61 = tpu.memref_slice %arg4[%select_n3A, %mul3A_46] : memref<8x16384xf32, #tpu.memory_space<hbm>> -> memref<1x128xf32, #tpu.memory_space<hbm>>
        %dma_wait3A_62 = tpu.memref_squeeze %dma_wait3A_61 : memref<1x128xf32, #tpu.memory_space<hbm>> -> memref<128xf32, #tpu.memory_space<hbm>>
        %dma_wait3A_63 = tpu.memref_slice %arg4[%select_n3A, %mul3A_46] : memref<8x16384xf32, #tpu.memory_space<hbm>> -> memref<1x128xf32, #tpu.memory_space<hbm>>
        %dma_wait3A_64 = tpu.memref_squeeze %dma_wait3A_63 : memref<1x128xf32, #tpu.memory_space<hbm>> -> memref<128xf32, #tpu.memory_space<hbm>>
        tpu.wait_dma2 semaphore(%run_scoped3A : memref<!tpu.dma_semaphore, #tpu.memory_space<semaphore_mem>>) src(%dma_wait3A_64 : memref<128xf32, #tpu.memory_space<hbm>>) dst(%arg7 : memref<128xf32, #tpu.memory_space<vmem>>)
        tpu.yield
      }) : () -> ()
      %dma_start3A = arith.constant 0 : i32
      %dma_start3A_47 = arith.constant 0 : i32
      %dma_start3A_48 = tpu.memref_slice %arg2[%dma_start3A, %dma_start3A_47] : memref<8192x128xf32, #tpu.memory_space<hbm>> -> memref<8192x128xf32, #tpu.memory_space<hbm>>
      tpu.enqueue_indirect_dma source(%dma_start3A_48 : memref<8192x128xf32, #tpu.memory_space<hbm>>) target(%arg8 : memref<128x128xf32, #tpu.memory_space<vmem>>) offsets(%arg6 : memref<128xi32, #tpu.memory_space<vmem>>) semaphore(%arg10 : memref<!tpu.dma_semaphore, #tpu.memory_space<semaphore_mem>>)
      %dma_wait3A = arith.constant 0 : i32
      %dma_wait3A_49 = arith.constant 0 : i32
      %dma_wait3A_50 = tpu.memref_slice %arg2[%dma_wait3A, %dma_wait3A_49] : memref<8192x128xf32, #tpu.memory_space<hbm>> -> memref<8192x128xf32, #tpu.memory_space<hbm>>
      tpu.wait_indirect_dma semaphore(%arg10 : memref<!tpu.dma_semaphore, #tpu.memory_space<semaphore_mem>>) src(%dma_wait3A_50 : memref<8192x128xf32, #tpu.memory_space<hbm>>) dst(%arg8 : memref<128x128xf32, #tpu.memory_space<vmem>>)
      %scan3A_51 = arith.constant 0 : i32
      %scan3A_52 = arith.constant 0 : i32
      %scan3A_53 = arith.constant 8 : i32
      %scan3A_54 = arith.addi %scan3A_52, %scan3A_53 : i32
      %scan3A_55 = arith.constant 1 : i32
      scf.for %scan3A_57 = %scan3A_52 to %scan3A_54 step %scan3A_55  : i32 {
        %mul3A_58 = arith.constant 16 : i32
        %mul3A_59 = arith.muli %scan3A_57, %mul3A_58 : i32
        %broadcast_in_dim3A_60 = arith.constant 0.000000e+00 : f32
        %broadcast_in_dim3A_61 = vector.broadcast %broadcast_in_dim3A_60 : f32 to vector<16xf32>
        %broadcast_in_dim3A_62 = arith.constant 0.000000e+00 : f32
        %broadcast_in_dim3A_63 = vector.broadcast %broadcast_in_dim3A_62 : f32 to vector<16xf32>
        %broadcast_in_dim3A_64 = arith.constant 0.000000e+00 : f32
        %broadcast_in_dim3A_65 = vector.broadcast %broadcast_in_dim3A_64 : f32 to vector<16xf32>
        %broadcast_in_dim3A_66 = arith.constant 0.000000e+00 : f32
        %broadcast_in_dim3A_67 = vector.broadcast %broadcast_in_dim3A_66 : f32 to vector<16xf32>
        %broadcast_in_dim3A_68 = arith.constant 0.000000e+00 : f32
        %broadcast_in_dim3A_69 = vector.broadcast %broadcast_in_dim3A_68 : f32 to vector<16xf32>
        %broadcast_in_dim3A_70 = arith.constant 0.000000e+00 : f32
        %broadcast_in_dim3A_71 = vector.broadcast %broadcast_in_dim3A_70 : f32 to vector<16xf32>
        %add3A_72 = arith.constant 0 : i32
        %add3A_73 = arith.addi %mul3A_59, %add3A_72 : i32
        %add3A_74 = vector.broadcast %add3A_73 : i32 to vector<16xi32>
        %add3A_75 = arith.addi %broadcast_in_dim3A_33, %add3A_74 : vector<16xi32>
        %gather3A = tpu.vector_load_idx %arg7[%add3A_75] : memref<128xf32, #tpu.memory_space<vmem>>[vector<16xi32>], vector<16xf32>,
        %add3A_76 = arith.constant 0 : i32
        %add3A_77 = arith.addi %mul3A_59, %add3A_76 : i32
        %get3A = arith.index_cast %add3A_77 : i32 to index
        %get3A_78 = arith.constant 0 : index
        %get3A_79 = tpu.vector_load %arg8[%get3A, %get3A_78] {strides = array<i32>} : memref<128x128xf32, #tpu.memory_space<vmem>>, vector<16xf32>,
        %mul3A_80 = arith.mulf %gather3A, %get3A_79 : vector<16xf32>
        %add3A_81 = arith.addf %broadcast_in_dim3A_61, %mul3A_80 : vector<16xf32>
        %add3A_82 = arith.constant 0 : i32
        %add3A_83 = arith.addi %mul3A_59, %add3A_82 : i32
        %get3A_84 = arith.index_cast %add3A_83 : i32 to index
        %get3A_85 = arith.constant 16 : index
        %get3A_86 = tpu.vector_load %arg8[%get3A_84, %get3A_85] {strides = array<i32>} : memref<128x128xf32, #tpu.memory_space<vmem>>, vector<16xf32>,
        %mul3A_87 = arith.mulf %gather3A, %get3A_86 : vector<16xf32>
        %add3A_88 = arith.addf %broadcast_in_dim3A_63, %mul3A_87 : vector<16xf32>
        %add3A_89 = arith.constant 0 : i32
        %add3A_90 = arith.addi %mul3A_59, %add3A_89 : i32
        %get3A_91 = arith.index_cast %add3A_90 : i32 to index
        %get3A_92 = arith.constant 32 : index
        %get3A_93 = tpu.vector_load %arg8[%get3A_91, %get3A_92] {strides = array<i32>} : memref<128x128xf32, #tpu.memory_space<vmem>>, vector<16xf32>,
        %mul3A_94 = arith.mulf %gather3A, %get3A_93 : vector<16xf32>
        %add3A_95 = arith.addf %broadcast_in_dim3A_65, %mul3A_94 : vector<16xf32>
        %add3A_96 = arith.constant 0 : i32
        %add3A_97 = arith.addi %mul3A_59, %add3A_96 : i32
        %get3A_98 = arith.index_cast %add3A_97 : i32 to index
        %get3A_99 = arith.constant 48 : index
        %get3A_100 = tpu.vector_load %arg8[%get3A_98, %get3A_99] {strides = array<i32>} : memref<128x128xf32, #tpu.memory_space<vmem>>, vector<16xf32>,
        %mul3A_101 = arith.mulf %gather3A, %get3A_100 : vector<16xf32>
        %add3A_102 = arith.addf %broadcast_in_dim3A_67, %mul3A_101 : vector<16xf32>
        %add3A_103 = arith.constant 0 : i32
        %add3A_104 = arith.addi %mul3A_59, %add3A_103 : i32
        %get3A_105 = arith.index_cast %add3A_104 : i32 to index
        %get3A_106 = arith.constant 64 : index
        %get3A_107 = tpu.vector_load %arg8[%get3A_105, %get3A_106] {strides = array<i32>} : memref<128x128xf32, #tpu.memory_space<vmem>>, vector<16xf32>,
        %mul3A_108 = arith.mulf %gather3A, %get3A_107 : vector<16xf32>
        %add3A_109 = arith.addf %broadcast_in_dim3A_69, %mul3A_108 : vector<16xf32>
        %add3A_110 = arith.constant 0 : i32
        %add3A_111 = arith.addi %mul3A_59, %add3A_110 : i32
        %get3A_112 = arith.index_cast %add3A_111 : i32 to index
        %get3A_113 = arith.constant 80 : index
        %get3A_114 = tpu.vector_load %arg8[%get3A_112, %get3A_113] {strides = array<i32>} : memref<128x128xf32, #tpu.memory_space<vmem>>, vector<16xf32>,
        %mul3A_115 = arith.mulf %gather3A, %get3A_114 : vector<16xf32>
        %add3A_116 = arith.addf %broadcast_in_dim3A_71, %mul3A_115 : vector<16xf32>
        %add3A_117 = arith.constant 1 : i32
        %add3A_118 = arith.addi %mul3A_59, %add3A_117 : i32
        %add3A_119 = vector.broadcast %add3A_118 : i32 to vector<16xi32>
        %add3A_120 = arith.addi %broadcast_in_dim3A_33, %add3A_119 : vector<16xi32>
        %gather3A_121 = tpu.vector_load_idx %arg7[%add3A_120] : memref<128xf32, #tpu.memory_space<vmem>>[vector<16xi32>], vector<16xf32>,
        %add3A_122 = arith.constant 1 : i32
        %add3A_123 = arith.addi %mul3A_59, %add3A_122 : i32
        %get3A_124 = arith.index_cast %add3A_123 : i32 to index
        %get3A_125 = arith.constant 0 : index
        %get3A_126 = tpu.vector_load %arg8[%get3A_124, %get3A_125] {strides = array<i32>} : memref<128x128xf32, #tpu.memory_space<vmem>>, vector<16xf32>,
        %mul3A_127 = arith.mulf %gather3A_121, %get3A_126 : vector<16xf32>
        %add3A_128 = arith.addf %add3A_81, %mul3A_127 : vector<16xf32>
        %add3A_129 = arith.constant 1 : i32
        %add3A_130 = arith.addi %mul3A_59, %add3A_129 : i32
        %get3A_131 = arith.index_cast %add3A_130 : i32 to index
        %get3A_132 = arith.constant 16 : index
        %get3A_133 = tpu.vector_load %arg8[%get3A_131, %get3A_132] {strides = array<i32>} : memref<128x128xf32, #tpu.memory_space<vmem>>, vector<16xf32>,
        %mul3A_134 = arith.mulf %gather3A_121, %get3A_133 : vector<16xf32>
        %add3A_135 = arith.addf %add3A_88, %mul3A_134 : vector<16xf32>
        %add3A_136 = arith.constant 1 : i32
        %add3A_137 = arith.addi %mul3A_59, %add3A_136 : i32
        %get3A_138 = arith.index_cast %add3A_137 : i32 to index
        %get3A_139 = arith.constant 32 : index
        %get3A_140 = tpu.vector_load %arg8[%get3A_138, %get3A_139] {strides = array<i32>} : memref<128x128xf32, #tpu.memory_space<vmem>>, vector<16xf32>,
        %mul3A_141 = arith.mulf %gather3A_121, %get3A_140 : vector<16xf32>
        %add3A_142 = arith.addf %add3A_95, %mul3A_141 : vector<16xf32>
        %add3A_143 = arith.constant 1 : i32
        %add3A_144 = arith.addi %mul3A_59, %add3A_143 : i32
        %get3A_145 = arith.index_cast %add3A_144 : i32 to index
        %get3A_146 = arith.constant 48 : index
        %get3A_147 = tpu.vector_load %arg8[%get3A_145, %get3A_146] {strides = array<i32>} : memref<128x128xf32, #tpu.memory_space<vmem>>, vector<16xf32>,
        %mul3A_148 = arith.mulf %gather3A_121, %get3A_147 : vector<16xf32>
        %add3A_149 = arith.addf %add3A_102, %mul3A_148 : vector<16xf32>
        %add3A_150 = arith.constant 1 : i32
        %add3A_151 = arith.addi %mul3A_59, %add3A_150 : i32
        %get3A_152 = arith.index_cast %add3A_151 : i32 to index
        %get3A_153 = arith.constant 64 : index
        %get3A_154 = tpu.vector_load %arg8[%get3A_152, %get3A_153] {strides = array<i32>} : memref<128x128xf32, #tpu.memory_space<vmem>>, vector<16xf32>,
        %mul3A_155 = arith.mulf %gather3A_121, %get3A_154 : vector<16xf32>
        %add3A_156 = arith.addf %add3A_109, %mul3A_155 : vector<16xf32>
        %add3A_157 = arith.constant 1 : i32
        %add3A_158 = arith.addi %mul3A_59, %add3A_157 : i32
        %get3A_159 = arith.index_cast %add3A_158 : i32 to index
        %get3A_160 = arith.constant 80 : index
        %get3A_161 = tpu.vector_load %arg8[%get3A_159, %get3A_160] {strides = array<i32>} : memref<128x128xf32, #tpu.memory_space<vmem>>, vector<16xf32>,
        %mul3A_162 = arith.mulf %gather3A_121, %get3A_161 : vector<16xf32>
        %add3A_163 = arith.addf %add3A_116, %mul3A_162 : vector<16xf32>
        %add3A_164 = arith.constant 2 : i32
        %add3A_165 = arith.addi %mul3A_59, %add3A_164 : i32
        %add3A_166 = vector.broadcast %add3A_165 : i32 to vector<16xi32>
        %add3A_167 = arith.addi %broadcast_in_dim3A_33, %add3A_166 : vector<16xi32>
        %gather3A_168 = tpu.vector_load_idx %arg7[%add3A_167] : memref<128xf32, #tpu.memory_space<vmem>>[vector<16xi32>], vector<16xf32>,
        %add3A_169 = arith.constant 2 : i32
        %add3A_170 = arith.addi %mul3A_59, %add3A_169 : i32
        %get3A_171 = arith.index_cast %add3A_170 : i32 to index
        %get3A_172 = arith.constant 0 : index
        %get3A_173 = tpu.vector_load %arg8[%get3A_171, %get3A_172] {strides = array<i32>} : memref<128x128xf32, #tpu.memory_space<vmem>>, vector<16xf32>,
        %mul3A_174 = arith.mulf %gather3A_168, %get3A_173 : vector<16xf32>
        %add3A_175 = arith.addf %add3A_128, %mul3A_174 : vector<16xf32>
        %add3A_176 = arith.constant 2 : i32
        %add3A_177 = arith.addi %mul3A_59, %add3A_176 : i32
        %get3A_178 = arith.index_cast %add3A_177 : i32 to index
        %get3A_179 = arith.constant 16 : index
        %get3A_180 = tpu.vector_load %arg8[%get3A_178, %get3A_179] {strides = array<i32>} : memref<128x128xf32, #tpu.memory_space<vmem>>, vector<16xf32>,
        %mul3A_181 = arith.mulf %gather3A_168, %get3A_180 : vector<16xf32>
        %add3A_182 = arith.addf %add3A_135, %mul3A_181 : vector<16xf32>
        %add3A_183 = arith.constant 2 : i32
        %add3A_184 = arith.addi %mul3A_59, %add3A_183 : i32
        %get3A_185 = arith.index_cast %add3A_184 : i32 to index
        %get3A_186 = arith.constant 32 : index
        %get3A_187 = tpu.vector_load %arg8[%get3A_185, %get3A_186] {strides = array<i32>} : memref<128x128xf32, #tpu.memory_space<vmem>>, vector<16xf32>,
        %mul3A_188 = arith.mulf %gather3A_168, %get3A_187 : vector<16xf32>
        %add3A_189 = arith.addf %add3A_142, %mul3A_188 : vector<16xf32>
        %add3A_190 = arith.constant 2 : i32
        %add3A_191 = arith.addi %mul3A_59, %add3A_190 : i32
        %get3A_192 = arith.index_cast %add3A_191 : i32 to index
        %get3A_193 = arith.constant 48 : index
        %get3A_194 = tpu.vector_load %arg8[%get3A_192, %get3A_193] {strides = array<i32>} : memref<128x128xf32, #tpu.memory_space<vmem>>, vector<16xf32>,
        %mul3A_195 = arith.mulf %gather3A_168, %get3A_194 : vector<16xf32>
        %add3A_196 = arith.addf %add3A_149, %mul3A_195 : vector<16xf32>
        %add3A_197 = arith.constant 2 : i32
        %add3A_198 = arith.addi %mul3A_59, %add3A_197 : i32
        %get3A_199 = arith.index_cast %add3A_198 : i32 to index
        %get3A_200 = arith.constant 64 : index
        %get3A_201 = tpu.vector_load %arg8[%get3A_199, %get3A_200] {strides = array<i32>} : memref<128x128xf32, #tpu.memory_space<vmem>>, vector<16xf32>,
        %mul3A_202 = arith.mulf %gather3A_168, %get3A_201 : vector<16xf32>
        %add3A_203 = arith.addf %add3A_156, %mul3A_202 : vector<16xf32>
        %add3A_204 = arith.constant 2 : i32
        %add3A_205 = arith.addi %mul3A_59, %add3A_204 : i32
        %get3A_206 = arith.index_cast %add3A_205 : i32 to index
        %get3A_207 = arith.constant 80 : index
        %get3A_208 = tpu.vector_load %arg8[%get3A_206, %get3A_207] {strides = array<i32>} : memref<128x128xf32, #tpu.memory_space<vmem>>, vector<16xf32>,
        %mul3A_209 = arith.mulf %gather3A_168, %get3A_208 : vector<16xf32>
        %add3A_210 = arith.addf %add3A_163, %mul3A_209 : vector<16xf32>
        %add3A_211 = arith.constant 3 : i32
        %add3A_212 = arith.addi %mul3A_59, %add3A_211 : i32
        %add3A_213 = vector.broadcast %add3A_212 : i32 to vector<16xi32>
        %add3A_214 = arith.addi %broadcast_in_dim3A_33, %add3A_213 : vector<16xi32>
        %gather3A_215 = tpu.vector_load_idx %arg7[%add3A_214] : memref<128xf32, #tpu.memory_space<vmem>>[vector<16xi32>], vector<16xf32>,
        %add3A_216 = arith.constant 3 : i32
        %add3A_217 = arith.addi %mul3A_59, %add3A_216 : i32
        %get3A_218 = arith.index_cast %add3A_217 : i32 to index
        %get3A_219 = arith.constant 0 : index
        %get3A_220 = tpu.vector_load %arg8[%get3A_218, %get3A_219] {strides = array<i32>} : memref<128x128xf32, #tpu.memory_space<vmem>>, vector<16xf32>,
        %mul3A_221 = arith.mulf %gather3A_215, %get3A_220 : vector<16xf32>
        %add3A_222 = arith.addf %add3A_175, %mul3A_221 : vector<16xf32>
        %add3A_223 = arith.constant 3 : i32
        %add3A_224 = arith.addi %mul3A_59, %add3A_223 : i32
        %get3A_225 = arith.index_cast %add3A_224 : i32 to index
        %get3A_226 = arith.constant 16 : index
        %get3A_227 = tpu.vector_load %arg8[%get3A_225, %get3A_226] {strides = array<i32>} : memref<128x128xf32, #tpu.memory_space<vmem>>, vector<16xf32>,
        %mul3A_228 = arith.mulf %gather3A_215, %get3A_227 : vector<16xf32>
        %add3A_229 = arith.addf %add3A_182, %mul3A_228 : vector<16xf32>
        %add3A_230 = arith.constant 3 : i32
        %add3A_231 = arith.addi %mul3A_59, %add3A_230 : i32
        %get3A_232 = arith.index_cast %add3A_231 : i32 to index
        %get3A_233 = arith.constant 32 : index
        %get3A_234 = tpu.vector_load %arg8[%get3A_232, %get3A_233] {strides = array<i32>} : memref<128x128xf32, #tpu.memory_space<vmem>>, vector<16xf32>,
        %mul3A_235 = arith.mulf %gather3A_215, %get3A_234 : vector<16xf32>
        %add3A_236 = arith.addf %add3A_189, %mul3A_235 : vector<16xf32>
        %add3A_237 = arith.constant 3 : i32
        %add3A_238 = arith.addi %mul3A_59, %add3A_237 : i32
        %get3A_239 = arith.index_cast %add3A_238 : i32 to index
        %get3A_240 = arith.constant 48 : index
        %get3A_241 = tpu.vector_load %arg8[%get3A_239, %get3A_240] {strides = array<i32>} : memref<128x128xf32, #tpu.memory_space<vmem>>, vector<16xf32>,
        %mul3A_242 = arith.mulf %gather3A_215, %get3A_241 : vector<16xf32>
        %add3A_243 = arith.addf %add3A_196, %mul3A_242 : vector<16xf32>
        %add3A_244 = arith.constant 3 : i32
        %add3A_245 = arith.addi %mul3A_59, %add3A_244 : i32
        %get3A_246 = arith.index_cast %add3A_245 : i32 to index
        %get3A_247 = arith.constant 64 : index
        %get3A_248 = tpu.vector_load %arg8[%get3A_246, %get3A_247] {strides = array<i32>} : memref<128x128xf32, #tpu.memory_space<vmem>>, vector<16xf32>,
        %mul3A_249 = arith.mulf %gather3A_215, %get3A_248 : vector<16xf32>
        %add3A_250 = arith.addf %add3A_203, %mul3A_249 : vector<16xf32>
        %add3A_251 = arith.constant 3 : i32
        %add3A_252 = arith.addi %mul3A_59, %add3A_251 : i32
        %get3A_253 = arith.index_cast %add3A_252 : i32 to index
        %get3A_254 = arith.constant 80 : index
        %get3A_255 = tpu.vector_load %arg8[%get3A_253, %get3A_254] {strides = array<i32>} : memref<128x128xf32, #tpu.memory_space<vmem>>, vector<16xf32>,
        %mul3A_256 = arith.mulf %gather3A_215, %get3A_255 : vector<16xf32>
        %add3A_257 = arith.addf %add3A_210, %mul3A_256 : vector<16xf32>
        %add3A_258 = arith.constant 4 : i32
        %add3A_259 = arith.addi %mul3A_59, %add3A_258 : i32
        %add3A_260 = vector.broadcast %add3A_259 : i32 to vector<16xi32>
        %add3A_261 = arith.addi %broadcast_in_dim3A_33, %add3A_260 : vector<16xi32>
        %gather3A_262 = tpu.vector_load_idx %arg7[%add3A_261] : memref<128xf32, #tpu.memory_space<vmem>>[vector<16xi32>], vector<16xf32>,
        %add3A_263 = arith.constant 4 : i32
        %add3A_264 = arith.addi %mul3A_59, %add3A_263 : i32
        %get3A_265 = arith.index_cast %add3A_264 : i32 to index
        %get3A_266 = arith.constant 0 : index
        %get3A_267 = tpu.vector_load %arg8[%get3A_265, %get3A_266] {strides = array<i32>} : memref<128x128xf32, #tpu.memory_space<vmem>>, vector<16xf32>,
        %mul3A_268 = arith.mulf %gather3A_262, %get3A_267 : vector<16xf32>
        %add3A_269 = arith.addf %add3A_222, %mul3A_268 : vector<16xf32>
        %add3A_270 = arith.constant 4 : i32
        %add3A_271 = arith.addi %mul3A_59, %add3A_270 : i32
        %get3A_272 = arith.index_cast %add3A_271 : i32 to index
        %get3A_273 = arith.constant 16 : index
        %get3A_274 = tpu.vector_load %arg8[%get3A_272, %get3A_273] {strides = array<i32>} : memref<128x128xf32, #tpu.memory_space<vmem>>, vector<16xf32>,
        %mul3A_275 = arith.mulf %gather3A_262, %get3A_274 : vector<16xf32>
        %add3A_276 = arith.addf %add3A_229, %mul3A_275 : vector<16xf32>
        %add3A_277 = arith.constant 4 : i32
        %add3A_278 = arith.addi %mul3A_59, %add3A_277 : i32
        %get3A_279 = arith.index_cast %add3A_278 : i32 to index
        %get3A_280 = arith.constant 32 : index
        %get3A_281 = tpu.vector_load %arg8[%get3A_279, %get3A_280] {strides = array<i32>} : memref<128x128xf32, #tpu.memory_space<vmem>>, vector<16xf32>,
        %mul3A_282 = arith.mulf %gather3A_262, %get3A_281 : vector<16xf32>
        %add3A_283 = arith.addf %add3A_236, %mul3A_282 : vector<16xf32>
        %add3A_284 = arith.constant 4 : i32
        %add3A_285 = arith.addi %mul3A_59, %add3A_284 : i32
        %get3A_286 = arith.index_cast %add3A_285 : i32 to index
        %get3A_287 = arith.constant 48 : index
        %get3A_288 = tpu.vector_load %arg8[%get3A_286, %get3A_287] {strides = array<i32>} : memref<128x128xf32, #tpu.memory_space<vmem>>, vector<16xf32>,
        %mul3A_289 = arith.mulf %gather3A_262, %get3A_288 : vector<16xf32>
        %add3A_290 = arith.addf %add3A_243, %mul3A_289 : vector<16xf32>
        %add3A_291 = arith.constant 4 : i32
        %add3A_292 = arith.addi %mul3A_59, %add3A_291 : i32
        %get3A_293 = arith.index_cast %add3A_292 : i32 to index
        %get3A_294 = arith.constant 64 : index
        %get3A_295 = tpu.vector_load %arg8[%get3A_293, %get3A_294] {strides = array<i32>} : memref<128x128xf32, #tpu.memory_space<vmem>>, vector<16xf32>,
        %mul3A_296 = arith.mulf %gather3A_262, %get3A_295 : vector<16xf32>
        %add3A_297 = arith.addf %add3A_250, %mul3A_296 : vector<16xf32>
        %add3A_298 = arith.constant 4 : i32
        %add3A_299 = arith.addi %mul3A_59, %add3A_298 : i32
        %get3A_300 = arith.index_cast %add3A_299 : i32 to index
        %get3A_301 = arith.constant 80 : index
        %get3A_302 = tpu.vector_load %arg8[%get3A_300, %get3A_301] {strides = array<i32>} : memref<128x128xf32, #tpu.memory_space<vmem>>, vector<16xf32>,
        %mul3A_303 = arith.mulf %gather3A_262, %get3A_302 : vector<16xf32>
        %add3A_304 = arith.addf %add3A_257, %mul3A_303 : vector<16xf32>
        %add3A_305 = arith.constant 5 : i32
        %add3A_306 = arith.addi %mul3A_59, %add3A_305 : i32
        %add3A_307 = vector.broadcast %add3A_306 : i32 to vector<16xi32>
        %add3A_308 = arith.addi %broadcast_in_dim3A_33, %add3A_307 : vector<16xi32>
        %gather3A_309 = tpu.vector_load_idx %arg7[%add3A_308] : memref<128xf32, #tpu.memory_space<vmem>>[vector<16xi32>], vector<16xf32>,
        %add3A_310 = arith.constant 5 : i32
        %add3A_311 = arith.addi %mul3A_59, %add3A_310 : i32
        %get3A_312 = arith.index_cast %add3A_311 : i32 to index
        %get3A_313 = arith.constant 0 : index
        %get3A_314 = tpu.vector_load %arg8[%get3A_312, %get3A_313] {strides = array<i32>} : memref<128x128xf32, #tpu.memory_space<vmem>>, vector<16xf32>,
        %mul3A_315 = arith.mulf %gather3A_309, %get3A_314 : vector<16xf32>
        %add3A_316 = arith.addf %add3A_269, %mul3A_315 : vector<16xf32>
        %add3A_317 = arith.constant 5 : i32
        %add3A_318 = arith.addi %mul3A_59, %add3A_317 : i32
        %get3A_319 = arith.index_cast %add3A_318 : i32 to index
        %get3A_320 = arith.constant 16 : index
        %get3A_321 = tpu.vector_load %arg8[%get3A_319, %get3A_320] {strides = array<i32>} : memref<128x128xf32, #tpu.memory_space<vmem>>, vector<16xf32>,
        %mul3A_322 = arith.mulf %gather3A_309, %get3A_321 : vector<16xf32>
        %add3A_323 = arith.addf %add3A_276, %mul3A_322 : vector<16xf32>
        %add3A_324 = arith.constant 5 : i32
        %add3A_325 = arith.addi %mul3A_59, %add3A_324 : i32
        %get3A_326 = arith.index_cast %add3A_325 : i32 to index
        %get3A_327 = arith.constant 32 : index
        %get3A_328 = tpu.vector_load %arg8[%get3A_326, %get3A_327] {strides = array<i32>} : memref<128x128xf32, #tpu.memory_space<vmem>>, vector<16xf32>,
        %mul3A_329 = arith.mulf %gather3A_309, %get3A_328 : vector<16xf32>
        %add3A_330 = arith.addf %add3A_283, %mul3A_329 : vector<16xf32>
        %add3A_331 = arith.constant 5 : i32
        %add3A_332 = arith.addi %mul3A_59, %add3A_331 : i32
        %get3A_333 = arith.index_cast %add3A_332 : i32 to index
        %get3A_334 = arith.constant 48 : index
        %get3A_335 = tpu.vector_load %arg8[%get3A_333, %get3A_334] {strides = array<i32>} : memref<128x128xf32, #tpu.memory_space<vmem>>, vector<16xf32>,
        %mul3A_336 = arith.mulf %gather3A_309, %get3A_335 : vector<16xf32>
        %add3A_337 = arith.addf %add3A_290, %mul3A_336 : vector<16xf32>
        %add3A_338 = arith.constant 5 : i32
        %add3A_339 = arith.addi %mul3A_59, %add3A_338 : i32
        %get3A_340 = arith.index_cast %add3A_339 : i32 to index
        %get3A_341 = arith.constant 64 : index
        %get3A_342 = tpu.vector_load %arg8[%get3A_340, %get3A_341] {strides = array<i32>} : memref<128x128xf32, #tpu.memory_space<vmem>>, vector<16xf32>,
        %mul3A_343 = arith.mulf %gather3A_309, %get3A_342 : vector<16xf32>
        %add3A_344 = arith.addf %add3A_297, %mul3A_343 : vector<16xf32>
        %add3A_345 = arith.constant 5 : i32
        %add3A_346 = arith.addi %mul3A_59, %add3A_345 : i32
        %get3A_347 = arith.index_cast %add3A_346 : i32 to index
        %get3A_348 = arith.constant 80 : index
        %get3A_349 = tpu.vector_load %arg8[%get3A_347, %get3A_348] {strides = array<i32>} : memref<128x128xf32, #tpu.memory_space<vmem>>, vector<16xf32>,
        %mul3A_350 = arith.mulf %gather3A_309, %get3A_349 : vector<16xf32>
        %add3A_351 = arith.addf %add3A_304, %mul3A_350 : vector<16xf32>
        %add3A_352 = arith.constant 6 : i32
        %add3A_353 = arith.addi %mul3A_59, %add3A_352 : i32
        %add3A_354 = vector.broadcast %add3A_353 : i32 to vector<16xi32>
        %add3A_355 = arith.addi %broadcast_in_dim3A_33, %add3A_354 : vector<16xi32>
        %gather3A_356 = tpu.vector_load_idx %arg7[%add3A_355] : memref<128xf32, #tpu.memory_space<vmem>>[vector<16xi32>], vector<16xf32>,
        %add3A_357 = arith.constant 6 : i32
        %add3A_358 = arith.addi %mul3A_59, %add3A_357 : i32
        %get3A_359 = arith.index_cast %add3A_358 : i32 to index
        %get3A_360 = arith.constant 0 : index
        %get3A_361 = tpu.vector_load %arg8[%get3A_359, %get3A_360] {strides = array<i32>} : memref<128x128xf32, #tpu.memory_space<vmem>>, vector<16xf32>,
        %mul3A_362 = arith.mulf %gather3A_356, %get3A_361 : vector<16xf32>
        %add3A_363 = arith.addf %add3A_316, %mul3A_362 : vector<16xf32>
        %add3A_364 = arith.constant 6 : i32
        %add3A_365 = arith.addi %mul3A_59, %add3A_364 : i32
        %get3A_366 = arith.index_cast %add3A_365 : i32 to index
        %get3A_367 = arith.constant 16 : index
        %get3A_368 = tpu.vector_load %arg8[%get3A_366, %get3A_367] {strides = array<i32>} : memref<128x128xf32, #tpu.memory_space<vmem>>, vector<16xf32>,
        %mul3A_369 = arith.mulf %gather3A_356, %get3A_368 : vector<16xf32>
        %add3A_370 = arith.addf %add3A_323, %mul3A_369 : vector<16xf32>
        %add3A_371 = arith.constant 6 : i32
        %add3A_372 = arith.addi %mul3A_59, %add3A_371 : i32
        %get3A_373 = arith.index_cast %add3A_372 : i32 to index
        %get3A_374 = arith.constant 32 : index
        %get3A_375 = tpu.vector_load %arg8[%get3A_373, %get3A_374] {strides = array<i32>} : memref<128x128xf32, #tpu.memory_space<vmem>>, vector<16xf32>,
        %mul3A_376 = arith.mulf %gather3A_356, %get3A_375 : vector<16xf32>
        %add3A_377 = arith.addf %add3A_330, %mul3A_376 : vector<16xf32>
        %add3A_378 = arith.constant 6 : i32
        %add3A_379 = arith.addi %mul3A_59, %add3A_378 : i32
        %get3A_380 = arith.index_cast %add3A_379 : i32 to index
        %get3A_381 = arith.constant 48 : index
        %get3A_382 = tpu.vector_load %arg8[%get3A_380, %get3A_381] {strides = array<i32>} : memref<128x128xf32, #tpu.memory_space<vmem>>, vector<16xf32>,
        %mul3A_383 = arith.mulf %gather3A_356, %get3A_382 : vector<16xf32>
        %add3A_384 = arith.addf %add3A_337, %mul3A_383 : vector<16xf32>
        %add3A_385 = arith.constant 6 : i32
        %add3A_386 = arith.addi %mul3A_59, %add3A_385 : i32
        %get3A_387 = arith.index_cast %add3A_386 : i32 to index
        %get3A_388 = arith.constant 64 : index
        %get3A_389 = tpu.vector_load %arg8[%get3A_387, %get3A_388] {strides = array<i32>} : memref<128x128xf32, #tpu.memory_space<vmem>>, vector<16xf32>,
        %mul3A_390 = arith.mulf %gather3A_356, %get3A_389 : vector<16xf32>
        %add3A_391 = arith.addf %add3A_344, %mul3A_390 : vector<16xf32>
        %add3A_392 = arith.constant 6 : i32
        %add3A_393 = arith.addi %mul3A_59, %add3A_392 : i32
        %get3A_394 = arith.index_cast %add3A_393 : i32 to index
        %get3A_395 = arith.constant 80 : index
        %get3A_396 = tpu.vector_load %arg8[%get3A_394, %get3A_395] {strides = array<i32>} : memref<128x128xf32, #tpu.memory_space<vmem>>, vector<16xf32>,
        %mul3A_397 = arith.mulf %gather3A_356, %get3A_396 : vector<16xf32>
        %add3A_398 = arith.addf %add3A_351, %mul3A_397 : vector<16xf32>
        %add3A_399 = arith.constant 7 : i32
        %add3A_400 = arith.addi %mul3A_59, %add3A_399 : i32
        %add3A_401 = vector.broadcast %add3A_400 : i32 to vector<16xi32>
        %add3A_402 = arith.addi %broadcast_in_dim3A_33, %add3A_401 : vector<16xi32>
        %gather3A_403 = tpu.vector_load_idx %arg7[%add3A_402] : memref<128xf32, #tpu.memory_space<vmem>>[vector<16xi32>], vector<16xf32>,
        %add3A_404 = arith.constant 7 : i32
        %add3A_405 = arith.addi %mul3A_59, %add3A_404 : i32
        %get3A_406 = arith.index_cast %add3A_405 : i32 to index
        %get3A_407 = arith.constant 0 : index
        %get3A_408 = tpu.vector_load %arg8[%get3A_406, %get3A_407] {strides = array<i32>} : memref<128x128xf32, #tpu.memory_space<vmem>>, vector<16xf32>,
        %mul3A_409 = arith.mulf %gather3A_403, %get3A_408 : vector<16xf32>
        %add3A_410 = arith.addf %add3A_363, %mul3A_409 : vector<16xf32>
        %add3A_411 = arith.constant 7 : i32
        %add3A_412 = arith.addi %mul3A_59, %add3A_411 : i32
        %get3A_413 = arith.index_cast %add3A_412 : i32 to index
        %get3A_414 = arith.constant 16 : index
        %get3A_415 = tpu.vector_load %arg8[%get3A_413, %get3A_414] {strides = array<i32>} : memref<128x128xf32, #tpu.memory_space<vmem>>, vector<16xf32>,
        %mul3A_416 = arith.mulf %gather3A_403, %get3A_415 : vector<16xf32>
        %add3A_417 = arith.addf %add3A_370, %mul3A_416 : vector<16xf32>
        %add3A_418 = arith.constant 7 : i32
        %add3A_419 = arith.addi %mul3A_59, %add3A_418 : i32
        %get3A_420 = arith.index_cast %add3A_419 : i32 to index
        %get3A_421 = arith.constant 32 : index
        %get3A_422 = tpu.vector_load %arg8[%get3A_420, %get3A_421] {strides = array<i32>} : memref<128x128xf32, #tpu.memory_space<vmem>>, vector<16xf32>,
        %mul3A_423 = arith.mulf %gather3A_403, %get3A_422 : vector<16xf32>
        %add3A_424 = arith.addf %add3A_377, %mul3A_423 : vector<16xf32>
        %add3A_425 = arith.constant 7 : i32
        %add3A_426 = arith.addi %mul3A_59, %add3A_425 : i32
        %get3A_427 = arith.index_cast %add3A_426 : i32 to index
        %get3A_428 = arith.constant 48 : index
        %get3A_429 = tpu.vector_load %arg8[%get3A_427, %get3A_428] {strides = array<i32>} : memref<128x128xf32, #tpu.memory_space<vmem>>, vector<16xf32>,
        %mul3A_430 = arith.mulf %gather3A_403, %get3A_429 : vector<16xf32>
        %add3A_431 = arith.addf %add3A_384, %mul3A_430 : vector<16xf32>
        %add3A_432 = arith.constant 7 : i32
        %add3A_433 = arith.addi %mul3A_59, %add3A_432 : i32
        %get3A_434 = arith.index_cast %add3A_433 : i32 to index
        %get3A_435 = arith.constant 64 : index
        %get3A_436 = tpu.vector_load %arg8[%get3A_434, %get3A_435] {strides = array<i32>} : memref<128x128xf32, #tpu.memory_space<vmem>>, vector<16xf32>,
        %mul3A_437 = arith.mulf %gather3A_403, %get3A_436 : vector<16xf32>
        %add3A_438 = arith.addf %add3A_391, %mul3A_437 : vector<16xf32>
        %add3A_439 = arith.constant 7 : i32
        %add3A_440 = arith.addi %mul3A_59, %add3A_439 : i32
        %get3A_441 = arith.index_cast %add3A_440 : i32 to index
        %get3A_442 = arith.constant 80 : index
        %get3A_443 = tpu.vector_load %arg8[%get3A_441, %get3A_442] {strides = array<i32>} : memref<128x128xf32, #tpu.memory_space<vmem>>, vector<16xf32>,
        %mul3A_444 = arith.mulf %gather3A_403, %get3A_443 : vector<16xf32>
        %add3A_445 = arith.addf %add3A_398, %mul3A_444 : vector<16xf32>
        %add3A_446 = arith.constant 8 : i32
        %add3A_447 = arith.addi %mul3A_59, %add3A_446 : i32
        %add3A_448 = vector.broadcast %add3A_447 : i32 to vector<16xi32>
        %add3A_449 = arith.addi %broadcast_in_dim3A_33, %add3A_448 : vector<16xi32>
        %gather3A_450 = tpu.vector_load_idx %arg7[%add3A_449] : memref<128xf32, #tpu.memory_space<vmem>>[vector<16xi32>], vector<16xf32>,
        %add3A_451 = arith.constant 8 : i32
        %add3A_452 = arith.addi %mul3A_59, %add3A_451 : i32
        %get3A_453 = arith.index_cast %add3A_452 : i32 to index
        %get3A_454 = arith.constant 0 : index
        %get3A_455 = tpu.vector_load %arg8[%get3A_453, %get3A_454] {strides = array<i32>} : memref<128x128xf32, #tpu.memory_space<vmem>>, vector<16xf32>,
        %mul3A_456 = arith.mulf %gather3A_450, %get3A_455 : vector<16xf32>
        %add3A_457 = arith.addf %add3A_410, %mul3A_456 : vector<16xf32>
        %add3A_458 = arith.constant 8 : i32
        %add3A_459 = arith.addi %mul3A_59, %add3A_458 : i32
        %get3A_460 = arith.index_cast %add3A_459 : i32 to index
        %get3A_461 = arith.constant 16 : index
        %get3A_462 = tpu.vector_load %arg8[%get3A_460, %get3A_461] {strides = array<i32>} : memref<128x128xf32, #tpu.memory_space<vmem>>, vector<16xf32>,
        %mul3A_463 = arith.mulf %gather3A_450, %get3A_462 : vector<16xf32>
        %add3A_464 = arith.addf %add3A_417, %mul3A_463 : vector<16xf32>
        %add3A_465 = arith.constant 8 : i32
        %add3A_466 = arith.addi %mul3A_59, %add3A_465 : i32
        %get3A_467 = arith.index_cast %add3A_466 : i32 to index
        %get3A_468 = arith.constant 32 : index
        %get3A_469 = tpu.vector_load %arg8[%get3A_467, %get3A_468] {strides = array<i32>} : memref<128x128xf32, #tpu.memory_space<vmem>>, vector<16xf32>,
        %mul3A_470 = arith.mulf %gather3A_450, %get3A_469 : vector<16xf32>
        %add3A_471 = arith.addf %add3A_424, %mul3A_470 : vector<16xf32>
        %add3A_472 = arith.constant 8 : i32
        %add3A_473 = arith.addi %mul3A_59, %add3A_472 : i32
        %get3A_474 = arith.index_cast %add3A_473 : i32 to index
        %get3A_475 = arith.constant 48 : index
        %get3A_476 = tpu.vector_load %arg8[%get3A_474, %get3A_475] {strides = array<i32>} : memref<128x128xf32, #tpu.memory_space<vmem>>, vector<16xf32>,
        %mul3A_477 = arith.mulf %gather3A_450, %get3A_476 : vector<16xf32>
        %add3A_478 = arith.addf %add3A_431, %mul3A_477 : vector<16xf32>
        %add3A_479 = arith.constant 8 : i32
        %add3A_480 = arith.addi %mul3A_59, %add3A_479 : i32
        %get3A_481 = arith.index_cast %add3A_480 : i32 to index
        %get3A_482 = arith.constant 64 : index
        %get3A_483 = tpu.vector_load %arg8[%get3A_481, %get3A_482] {strides = array<i32>} : memref<128x128xf32, #tpu.memory_space<vmem>>, vector<16xf32>,
        %mul3A_484 = arith.mulf %gather3A_450, %get3A_483 : vector<16xf32>
        %add3A_485 = arith.addf %add3A_438, %mul3A_484 : vector<16xf32>
        %add3A_486 = arith.constant 8 : i32
        %add3A_487 = arith.addi %mul3A_59, %add3A_486 : i32
        %get3A_488 = arith.index_cast %add3A_487 : i32 to index
        %get3A_489 = arith.constant 80 : index
        %get3A_490 = tpu.vector_load %arg8[%get3A_488, %get3A_489] {strides = array<i32>} : memref<128x128xf32, #tpu.memory_space<vmem>>, vector<16xf32>,
        %mul3A_491 = arith.mulf %gather3A_450, %get3A_490 : vector<16xf32>
        %add3A_492 = arith.addf %add3A_445, %mul3A_491 : vector<16xf32>
        %add3A_493 = arith.constant 9 : i32
        %add3A_494 = arith.addi %mul3A_59, %add3A_493 : i32
        %add3A_495 = vector.broadcast %add3A_494 : i32 to vector<16xi32>
        %add3A_496 = arith.addi %broadcast_in_dim3A_33, %add3A_495 : vector<16xi32>
        %gather3A_497 = tpu.vector_load_idx %arg7[%add3A_496] : memref<128xf32, #tpu.memory_space<vmem>>[vector<16xi32>], vector<16xf32>,
        %add3A_498 = arith.constant 9 : i32
        %add3A_499 = arith.addi %mul3A_59, %add3A_498 : i32
        %get3A_500 = arith.index_cast %add3A_499 : i32 to index
        %get3A_501 = arith.constant 0 : index
        %get3A_502 = tpu.vector_load %arg8[%get3A_500, %get3A_501] {strides = array<i32>} : memref<128x128xf32, #tpu.memory_space<vmem>>, vector<16xf32>,
        %mul3A_503 = arith.mulf %gather3A_497, %get3A_502 : vector<16xf32>
        %add3A_504 = arith.addf %add3A_457, %mul3A_503 : vector<16xf32>
        %add3A_505 = arith.constant 9 : i32
        %add3A_506 = arith.addi %mul3A_59, %add3A_505 : i32
        %get3A_507 = arith.index_cast %add3A_506 : i32 to index
        %get3A_508 = arith.constant 16 : index
        %get3A_509 = tpu.vector_load %arg8[%get3A_507, %get3A_508] {strides = array<i32>} : memref<128x128xf32, #tpu.memory_space<vmem>>, vector<16xf32>,
        %mul3A_510 = arith.mulf %gather3A_497, %get3A_509 : vector<16xf32>
        %add3A_511 = arith.addf %add3A_464, %mul3A_510 : vector<16xf32>
        %add3A_512 = arith.constant 9 : i32
        %add3A_513 = arith.addi %mul3A_59, %add3A_512 : i32
        %get3A_514 = arith.index_cast %add3A_513 : i32 to index
        %get3A_515 = arith.constant 32 : index
        %get3A_516 = tpu.vector_load %arg8[%get3A_514, %get3A_515] {strides = array<i32>} : memref<128x128xf32, #tpu.memory_space<vmem>>, vector<16xf32>,
        %mul3A_517 = arith.mulf %gather3A_497, %get3A_516 : vector<16xf32>
        %add3A_518 = arith.addf %add3A_471, %mul3A_517 : vector<16xf32>
        %add3A_519 = arith.constant 9 : i32
        %add3A_520 = arith.addi %mul3A_59, %add3A_519 : i32
        %get3A_521 = arith.index_cast %add3A_520 : i32 to index
        %get3A_522 = arith.constant 48 : index
        %get3A_523 = tpu.vector_load %arg8[%get3A_521, %get3A_522] {strides = array<i32>} : memref<128x128xf32, #tpu.memory_space<vmem>>, vector<16xf32>,
        %mul3A_524 = arith.mulf %gather3A_497, %get3A_523 : vector<16xf32>
        %add3A_525 = arith.addf %add3A_478, %mul3A_524 : vector<16xf32>
        %add3A_526 = arith.constant 9 : i32
        %add3A_527 = arith.addi %mul3A_59, %add3A_526 : i32
        %get3A_528 = arith.index_cast %add3A_527 : i32 to index
        %get3A_529 = arith.constant 64 : index
        %get3A_530 = tpu.vector_load %arg8[%get3A_528, %get3A_529] {strides = array<i32>} : memref<128x128xf32, #tpu.memory_space<vmem>>, vector<16xf32>,
        %mul3A_531 = arith.mulf %gather3A_497, %get3A_530 : vector<16xf32>
        %add3A_532 = arith.addf %add3A_485, %mul3A_531 : vector<16xf32>
        %add3A_533 = arith.constant 9 : i32
        %add3A_534 = arith.addi %mul3A_59, %add3A_533 : i32
        %get3A_535 = arith.index_cast %add3A_534 : i32 to index
        %get3A_536 = arith.constant 80 : index
        %get3A_537 = tpu.vector_load %arg8[%get3A_535, %get3A_536] {strides = array<i32>} : memref<128x128xf32, #tpu.memory_space<vmem>>, vector<16xf32>,
        %mul3A_538 = arith.mulf %gather3A_497, %get3A_537 : vector<16xf32>
        %add3A_539 = arith.addf %add3A_492, %mul3A_538 : vector<16xf32>
        %add3A_540 = arith.constant 10 : i32
        %add3A_541 = arith.addi %mul3A_59, %add3A_540 : i32
        %add3A_542 = vector.broadcast %add3A_541 : i32 to vector<16xi32>
        %add3A_543 = arith.addi %broadcast_in_dim3A_33, %add3A_542 : vector<16xi32>
        %gather3A_544 = tpu.vector_load_idx %arg7[%add3A_543] : memref<128xf32, #tpu.memory_space<vmem>>[vector<16xi32>], vector<16xf32>,
        %add3A_545 = arith.constant 10 : i32
        %add3A_546 = arith.addi %mul3A_59, %add3A_545 : i32
        %get3A_547 = arith.index_cast %add3A_546 : i32 to index
        %get3A_548 = arith.constant 0 : index
        %get3A_549 = tpu.vector_load %arg8[%get3A_547, %get3A_548] {strides = array<i32>} : memref<128x128xf32, #tpu.memory_space<vmem>>, vector<16xf32>,
        %mul3A_550 = arith.mulf %gather3A_544, %get3A_549 : vector<16xf32>
        %add3A_551 = arith.addf %add3A_504, %mul3A_550 : vector<16xf32>
        %add3A_552 = arith.constant 10 : i32
        %add3A_553 = arith.addi %mul3A_59, %add3A_552 : i32
        %get3A_554 = arith.index_cast %add3A_553 : i32 to index
        %get3A_555 = arith.constant 16 : index
        %get3A_556 = tpu.vector_load %arg8[%get3A_554, %get3A_555] {strides = array<i32>} : memref<128x128xf32, #tpu.memory_space<vmem>>, vector<16xf32>,
        %mul3A_557 = arith.mulf %gather3A_544, %get3A_556 : vector<16xf32>
        %add3A_558 = arith.addf %add3A_511, %mul3A_557 : vector<16xf32>
        %add3A_559 = arith.constant 10 : i32
        %add3A_560 = arith.addi %mul3A_59, %add3A_559 : i32
        %get3A_561 = arith.index_cast %add3A_560 : i32 to index
        %get3A_562 = arith.constant 32 : index
        %get3A_563 = tpu.vector_load %arg8[%get3A_561, %get3A_562] {strides = array<i32>} : memref<128x128xf32, #tpu.memory_space<vmem>>, vector<16xf32>,
        %mul3A_564 = arith.mulf %gather3A_544, %get3A_563 : vector<16xf32>
        %add3A_565 = arith.addf %add3A_518, %mul3A_564 : vector<16xf32>
        %add3A_566 = arith.constant 10 : i32
        %add3A_567 = arith.addi %mul3A_59, %add3A_566 : i32
        %get3A_568 = arith.index_cast %add3A_567 : i32 to index
        %get3A_569 = arith.constant 48 : index
        %get3A_570 = tpu.vector_load %arg8[%get3A_568, %get3A_569] {strides = array<i32>} : memref<128x128xf32, #tpu.memory_space<vmem>>, vector<16xf32>,
        %mul3A_571 = arith.mulf %gather3A_544, %get3A_570 : vector<16xf32>
        %add3A_572 = arith.addf %add3A_525, %mul3A_571 : vector<16xf32>
        %add3A_573 = arith.constant 10 : i32
        %add3A_574 = arith.addi %mul3A_59, %add3A_573 : i32
        %get3A_575 = arith.index_cast %add3A_574 : i32 to index
        %get3A_576 = arith.constant 64 : index
        %get3A_577 = tpu.vector_load %arg8[%get3A_575, %get3A_576] {strides = array<i32>} : memref<128x128xf32, #tpu.memory_space<vmem>>, vector<16xf32>,
        %mul3A_578 = arith.mulf %gather3A_544, %get3A_577 : vector<16xf32>
        %add3A_579 = arith.addf %add3A_532, %mul3A_578 : vector<16xf32>
        %add3A_580 = arith.constant 10 : i32
        %add3A_581 = arith.addi %mul3A_59, %add3A_580 : i32
        %get3A_582 = arith.index_cast %add3A_581 : i32 to index
        %get3A_583 = arith.constant 80 : index
        %get3A_584 = tpu.vector_load %arg8[%get3A_582, %get3A_583] {strides = array<i32>} : memref<128x128xf32, #tpu.memory_space<vmem>>, vector<16xf32>,
        %mul3A_585 = arith.mulf %gather3A_544, %get3A_584 : vector<16xf32>
        %add3A_586 = arith.addf %add3A_539, %mul3A_585 : vector<16xf32>
        %add3A_587 = arith.constant 11 : i32
        %add3A_588 = arith.addi %mul3A_59, %add3A_587 : i32
        %add3A_589 = vector.broadcast %add3A_588 : i32 to vector<16xi32>
        %add3A_590 = arith.addi %broadcast_in_dim3A_33, %add3A_589 : vector<16xi32>
        %gather3A_591 = tpu.vector_load_idx %arg7[%add3A_590] : memref<128xf32, #tpu.memory_space<vmem>>[vector<16xi32>], vector<16xf32>,
        %add3A_592 = arith.constant 11 : i32
        %add3A_593 = arith.addi %mul3A_59, %add3A_592 : i32
        %get3A_594 = arith.index_cast %add3A_593 : i32 to index
        %get3A_595 = arith.constant 0 : index
        %get3A_596 = tpu.vector_load %arg8[%get3A_594, %get3A_595] {strides = array<i32>} : memref<128x128xf32, #tpu.memory_space<vmem>>, vector<16xf32>,
        %mul3A_597 = arith.mulf %gather3A_591, %get3A_596 : vector<16xf32>
        %add3A_598 = arith.addf %add3A_551, %mul3A_597 : vector<16xf32>
        %add3A_599 = arith.constant 11 : i32
        %add3A_600 = arith.addi %mul3A_59, %add3A_599 : i32
        %get3A_601 = arith.index_cast %add3A_600 : i32 to index
        %get3A_602 = arith.constant 16 : index
        %get3A_603 = tpu.vector_load %arg8[%get3A_601, %get3A_602] {strides = array<i32>} : memref<128x128xf32, #tpu.memory_space<vmem>>, vector<16xf32>,
        %mul3A_604 = arith.mulf %gather3A_591, %get3A_603 : vector<16xf32>
        %add3A_605 = arith.addf %add3A_558, %mul3A_604 : vector<16xf32>
        %add3A_606 = arith.constant 11 : i32
        %add3A_607 = arith.addi %mul3A_59, %add3A_606 : i32
        %get3A_608 = arith.index_cast %add3A_607 : i32 to index
        %get3A_609 = arith.constant 32 : index
        %get3A_610 = tpu.vector_load %arg8[%get3A_608, %get3A_609] {strides = array<i32>} : memref<128x128xf32, #tpu.memory_space<vmem>>, vector<16xf32>,
        %mul3A_611 = arith.mulf %gather3A_591, %get3A_610 : vector<16xf32>
        %add3A_612 = arith.addf %add3A_565, %mul3A_611 : vector<16xf32>
        %add3A_613 = arith.constant 11 : i32
        %add3A_614 = arith.addi %mul3A_59, %add3A_613 : i32
        %get3A_615 = arith.index_cast %add3A_614 : i32 to index
        %get3A_616 = arith.constant 48 : index
        %get3A_617 = tpu.vector_load %arg8[%get3A_615, %get3A_616] {strides = array<i32>} : memref<128x128xf32, #tpu.memory_space<vmem>>, vector<16xf32>,
        %mul3A_618 = arith.mulf %gather3A_591, %get3A_617 : vector<16xf32>
        %add3A_619 = arith.addf %add3A_572, %mul3A_618 : vector<16xf32>
        %add3A_620 = arith.constant 11 : i32
        %add3A_621 = arith.addi %mul3A_59, %add3A_620 : i32
        %get3A_622 = arith.index_cast %add3A_621 : i32 to index
        %get3A_623 = arith.constant 64 : index
        %get3A_624 = tpu.vector_load %arg8[%get3A_622, %get3A_623] {strides = array<i32>} : memref<128x128xf32, #tpu.memory_space<vmem>>, vector<16xf32>,
        %mul3A_625 = arith.mulf %gather3A_591, %get3A_624 : vector<16xf32>
        %add3A_626 = arith.addf %add3A_579, %mul3A_625 : vector<16xf32>
        %add3A_627 = arith.constant 11 : i32
        %add3A_628 = arith.addi %mul3A_59, %add3A_627 : i32
        %get3A_629 = arith.index_cast %add3A_628 : i32 to index
        %get3A_630 = arith.constant 80 : index
        %get3A_631 = tpu.vector_load %arg8[%get3A_629, %get3A_630] {strides = array<i32>} : memref<128x128xf32, #tpu.memory_space<vmem>>, vector<16xf32>,
        %mul3A_632 = arith.mulf %gather3A_591, %get3A_631 : vector<16xf32>
        %add3A_633 = arith.addf %add3A_586, %mul3A_632 : vector<16xf32>
        %add3A_634 = arith.constant 12 : i32
        %add3A_635 = arith.addi %mul3A_59, %add3A_634 : i32
        %add3A_636 = vector.broadcast %add3A_635 : i32 to vector<16xi32>
        %add3A_637 = arith.addi %broadcast_in_dim3A_33, %add3A_636 : vector<16xi32>
        %gather3A_638 = tpu.vector_load_idx %arg7[%add3A_637] : memref<128xf32, #tpu.memory_space<vmem>>[vector<16xi32>], vector<16xf32>,
        %add3A_639 = arith.constant 12 : i32
        %add3A_640 = arith.addi %mul3A_59, %add3A_639 : i32
        %get3A_641 = arith.index_cast %add3A_640 : i32 to index
        %get3A_642 = arith.constant 0 : index
        %get3A_643 = tpu.vector_load %arg8[%get3A_641, %get3A_642] {strides = array<i32>} : memref<128x128xf32, #tpu.memory_space<vmem>>, vector<16xf32>,
        %mul3A_644 = arith.mulf %gather3A_638, %get3A_643 : vector<16xf32>
        %add3A_645 = arith.addf %add3A_598, %mul3A_644 : vector<16xf32>
        %add3A_646 = arith.constant 12 : i32
        %add3A_647 = arith.addi %mul3A_59, %add3A_646 : i32
        %get3A_648 = arith.index_cast %add3A_647 : i32 to index
        %get3A_649 = arith.constant 16 : index
        %get3A_650 = tpu.vector_load %arg8[%get3A_648, %get3A_649] {strides = array<i32>} : memref<128x128xf32, #tpu.memory_space<vmem>>, vector<16xf32>,
        %mul3A_651 = arith.mulf %gather3A_638, %get3A_650 : vector<16xf32>
        %add3A_652 = arith.addf %add3A_605, %mul3A_651 : vector<16xf32>
        %add3A_653 = arith.constant 12 : i32
        %add3A_654 = arith.addi %mul3A_59, %add3A_653 : i32
        %get3A_655 = arith.index_cast %add3A_654 : i32 to index
        %get3A_656 = arith.constant 32 : index
        %get3A_657 = tpu.vector_load %arg8[%get3A_655, %get3A_656] {strides = array<i32>} : memref<128x128xf32, #tpu.memory_space<vmem>>, vector<16xf32>,
        %mul3A_658 = arith.mulf %gather3A_638, %get3A_657 : vector<16xf32>
        %add3A_659 = arith.addf %add3A_612, %mul3A_658 : vector<16xf32>
        %add3A_660 = arith.constant 12 : i32
        %add3A_661 = arith.addi %mul3A_59, %add3A_660 : i32
        %get3A_662 = arith.index_cast %add3A_661 : i32 to index
        %get3A_663 = arith.constant 48 : index
        %get3A_664 = tpu.vector_load %arg8[%get3A_662, %get3A_663] {strides = array<i32>} : memref<128x128xf32, #tpu.memory_space<vmem>>, vector<16xf32>,
        %mul3A_665 = arith.mulf %gather3A_638, %get3A_664 : vector<16xf32>
        %add3A_666 = arith.addf %add3A_619, %mul3A_665 : vector<16xf32>
        %add3A_667 = arith.constant 12 : i32
        %add3A_668 = arith.addi %mul3A_59, %add3A_667 : i32
        %get3A_669 = arith.index_cast %add3A_668 : i32 to index
        %get3A_670 = arith.constant 64 : index
        %get3A_671 = tpu.vector_load %arg8[%get3A_669, %get3A_670] {strides = array<i32>} : memref<128x128xf32, #tpu.memory_space<vmem>>, vector<16xf32>,
        %mul3A_672 = arith.mulf %gather3A_638, %get3A_671 : vector<16xf32>
        %add3A_673 = arith.addf %add3A_626, %mul3A_672 : vector<16xf32>
        %add3A_674 = arith.constant 12 : i32
        %add3A_675 = arith.addi %mul3A_59, %add3A_674 : i32
        %get3A_676 = arith.index_cast %add3A_675 : i32 to index
        %get3A_677 = arith.constant 80 : index
        %get3A_678 = tpu.vector_load %arg8[%get3A_676, %get3A_677] {strides = array<i32>} : memref<128x128xf32, #tpu.memory_space<vmem>>, vector<16xf32>,
        %mul3A_679 = arith.mulf %gather3A_638, %get3A_678 : vector<16xf32>
        %add3A_680 = arith.addf %add3A_633, %mul3A_679 : vector<16xf32>
        %add3A_681 = arith.constant 13 : i32
        %add3A_682 = arith.addi %mul3A_59, %add3A_681 : i32
        %add3A_683 = vector.broadcast %add3A_682 : i32 to vector<16xi32>
        %add3A_684 = arith.addi %broadcast_in_dim3A_33, %add3A_683 : vector<16xi32>
        %gather3A_685 = tpu.vector_load_idx %arg7[%add3A_684] : memref<128xf32, #tpu.memory_space<vmem>>[vector<16xi32>], vector<16xf32>,
        %add3A_686 = arith.constant 13 : i32
        %add3A_687 = arith.addi %mul3A_59, %add3A_686 : i32
        %get3A_688 = arith.index_cast %add3A_687 : i32 to index
        %get3A_689 = arith.constant 0 : index
        %get3A_690 = tpu.vector_load %arg8[%get3A_688, %get3A_689] {strides = array<i32>} : memref<128x128xf32, #tpu.memory_space<vmem>>, vector<16xf32>,
        %mul3A_691 = arith.mulf %gather3A_685, %get3A_690 : vector<16xf32>
        %add3A_692 = arith.addf %add3A_645, %mul3A_691 : vector<16xf32>
        %add3A_693 = arith.constant 13 : i32
        %add3A_694 = arith.addi %mul3A_59, %add3A_693 : i32
        %get3A_695 = arith.index_cast %add3A_694 : i32 to index
        %get3A_696 = arith.constant 16 : index
        %get3A_697 = tpu.vector_load %arg8[%get3A_695, %get3A_696] {strides = array<i32>} : memref<128x128xf32, #tpu.memory_space<vmem>>, vector<16xf32>,
        %mul3A_698 = arith.mulf %gather3A_685, %get3A_697 : vector<16xf32>
        %add3A_699 = arith.addf %add3A_652, %mul3A_698 : vector<16xf32>
        %add3A_700 = arith.constant 13 : i32
        %add3A_701 = arith.addi %mul3A_59, %add3A_700 : i32
        %get3A_702 = arith.index_cast %add3A_701 : i32 to index
        %get3A_703 = arith.constant 32 : index
        %get3A_704 = tpu.vector_load %arg8[%get3A_702, %get3A_703] {strides = array<i32>} : memref<128x128xf32, #tpu.memory_space<vmem>>, vector<16xf32>,
        %mul3A_705 = arith.mulf %gather3A_685, %get3A_704 : vector<16xf32>
        %add3A_706 = arith.addf %add3A_659, %mul3A_705 : vector<16xf32>
        %add3A_707 = arith.constant 13 : i32
        %add3A_708 = arith.addi %mul3A_59, %add3A_707 : i32
        %get3A_709 = arith.index_cast %add3A_708 : i32 to index
        %get3A_710 = arith.constant 48 : index
        %get3A_711 = tpu.vector_load %arg8[%get3A_709, %get3A_710] {strides = array<i32>} : memref<128x128xf32, #tpu.memory_space<vmem>>, vector<16xf32>,
        %mul3A_712 = arith.mulf %gather3A_685, %get3A_711 : vector<16xf32>
        %add3A_713 = arith.addf %add3A_666, %mul3A_712 : vector<16xf32>
        %add3A_714 = arith.constant 13 : i32
        %add3A_715 = arith.addi %mul3A_59, %add3A_714 : i32
        %get3A_716 = arith.index_cast %add3A_715 : i32 to index
        %get3A_717 = arith.constant 64 : index
        %get3A_718 = tpu.vector_load %arg8[%get3A_716, %get3A_717] {strides = array<i32>} : memref<128x128xf32, #tpu.memory_space<vmem>>, vector<16xf32>,
        %mul3A_719 = arith.mulf %gather3A_685, %get3A_718 : vector<16xf32>
        %add3A_720 = arith.addf %add3A_673, %mul3A_719 : vector<16xf32>
        %add3A_721 = arith.constant 13 : i32
        %add3A_722 = arith.addi %mul3A_59, %add3A_721 : i32
        %get3A_723 = arith.index_cast %add3A_722 : i32 to index
        %get3A_724 = arith.constant 80 : index
        %get3A_725 = tpu.vector_load %arg8[%get3A_723, %get3A_724] {strides = array<i32>} : memref<128x128xf32, #tpu.memory_space<vmem>>, vector<16xf32>,
        %mul3A_726 = arith.mulf %gather3A_685, %get3A_725 : vector<16xf32>
        %add3A_727 = arith.addf %add3A_680, %mul3A_726 : vector<16xf32>
        %add3A_728 = arith.constant 14 : i32
        %add3A_729 = arith.addi %mul3A_59, %add3A_728 : i32
        %add3A_730 = vector.broadcast %add3A_729 : i32 to vector<16xi32>
        %add3A_731 = arith.addi %broadcast_in_dim3A_33, %add3A_730 : vector<16xi32>
        %gather3A_732 = tpu.vector_load_idx %arg7[%add3A_731] : memref<128xf32, #tpu.memory_space<vmem>>[vector<16xi32>], vector<16xf32>,
        %add3A_733 = arith.constant 14 : i32
        %add3A_734 = arith.addi %mul3A_59, %add3A_733 : i32
        %get3A_735 = arith.index_cast %add3A_734 : i32 to index
        %get3A_736 = arith.constant 0 : index
        %get3A_737 = tpu.vector_load %arg8[%get3A_735, %get3A_736] {strides = array<i32>} : memref<128x128xf32, #tpu.memory_space<vmem>>, vector<16xf32>,
        %mul3A_738 = arith.mulf %gather3A_732, %get3A_737 : vector<16xf32>
        %add3A_739 = arith.addf %add3A_692, %mul3A_738 : vector<16xf32>
        %add3A_740 = arith.constant 14 : i32
        %add3A_741 = arith.addi %mul3A_59, %add3A_740 : i32
        %get3A_742 = arith.index_cast %add3A_741 : i32 to index
        %get3A_743 = arith.constant 16 : index
        %get3A_744 = tpu.vector_load %arg8[%get3A_742, %get3A_743] {strides = array<i32>} : memref<128x128xf32, #tpu.memory_space<vmem>>, vector<16xf32>,
        %mul3A_745 = arith.mulf %gather3A_732, %get3A_744 : vector<16xf32>
        %add3A_746 = arith.addf %add3A_699, %mul3A_745 : vector<16xf32>
        %add3A_747 = arith.constant 14 : i32
        %add3A_748 = arith.addi %mul3A_59, %add3A_747 : i32
        %get3A_749 = arith.index_cast %add3A_748 : i32 to index
        %get3A_750 = arith.constant 32 : index
        %get3A_751 = tpu.vector_load %arg8[%get3A_749, %get3A_750] {strides = array<i32>} : memref<128x128xf32, #tpu.memory_space<vmem>>, vector<16xf32>,
        %mul3A_752 = arith.mulf %gather3A_732, %get3A_751 : vector<16xf32>
        %add3A_753 = arith.addf %add3A_706, %mul3A_752 : vector<16xf32>
        %add3A_754 = arith.constant 14 : i32
        %add3A_755 = arith.addi %mul3A_59, %add3A_754 : i32
        %get3A_756 = arith.index_cast %add3A_755 : i32 to index
        %get3A_757 = arith.constant 48 : index
        %get3A_758 = tpu.vector_load %arg8[%get3A_756, %get3A_757] {strides = array<i32>} : memref<128x128xf32, #tpu.memory_space<vmem>>, vector<16xf32>,
        %mul3A_759 = arith.mulf %gather3A_732, %get3A_758 : vector<16xf32>
        %add3A_760 = arith.addf %add3A_713, %mul3A_759 : vector<16xf32>
        %add3A_761 = arith.constant 14 : i32
        %add3A_762 = arith.addi %mul3A_59, %add3A_761 : i32
        %get3A_763 = arith.index_cast %add3A_762 : i32 to index
        %get3A_764 = arith.constant 64 : index
        %get3A_765 = tpu.vector_load %arg8[%get3A_763, %get3A_764] {strides = array<i32>} : memref<128x128xf32, #tpu.memory_space<vmem>>, vector<16xf32>,
        %mul3A_766 = arith.mulf %gather3A_732, %get3A_765 : vector<16xf32>
        %add3A_767 = arith.addf %add3A_720, %mul3A_766 : vector<16xf32>
        %add3A_768 = arith.constant 14 : i32
        %add3A_769 = arith.addi %mul3A_59, %add3A_768 : i32
        %get3A_770 = arith.index_cast %add3A_769 : i32 to index
        %get3A_771 = arith.constant 80 : index
        %get3A_772 = tpu.vector_load %arg8[%get3A_770, %get3A_771] {strides = array<i32>} : memref<128x128xf32, #tpu.memory_space<vmem>>, vector<16xf32>,
        %mul3A_773 = arith.mulf %gather3A_732, %get3A_772 : vector<16xf32>
        %add3A_774 = arith.addf %add3A_727, %mul3A_773 : vector<16xf32>
        %add3A_775 = arith.constant 15 : i32
        %add3A_776 = arith.addi %mul3A_59, %add3A_775 : i32
        %add3A_777 = vector.broadcast %add3A_776 : i32 to vector<16xi32>
        %add3A_778 = arith.addi %broadcast_in_dim3A_33, %add3A_777 : vector<16xi32>
        %gather3A_779 = tpu.vector_load_idx %arg7[%add3A_778] : memref<128xf32, #tpu.memory_space<vmem>>[vector<16xi32>], vector<16xf32>,
        %add3A_780 = arith.constant 15 : i32
        %add3A_781 = arith.addi %mul3A_59, %add3A_780 : i32
        %get3A_782 = arith.index_cast %add3A_781 : i32 to index
        %get3A_783 = arith.constant 0 : index
        %get3A_784 = tpu.vector_load %arg8[%get3A_782, %get3A_783] {strides = array<i32>} : memref<128x128xf32, #tpu.memory_space<vmem>>, vector<16xf32>,
        %mul3A_785 = arith.mulf %gather3A_779, %get3A_784 : vector<16xf32>
        %add3A_786 = arith.addf %add3A_739, %mul3A_785 : vector<16xf32>
        %add3A_787 = arith.constant 15 : i32
        %add3A_788 = arith.addi %mul3A_59, %add3A_787 : i32
        %get3A_789 = arith.index_cast %add3A_788 : i32 to index
        %get3A_790 = arith.constant 16 : index
        %get3A_791 = tpu.vector_load %arg8[%get3A_789, %get3A_790] {strides = array<i32>} : memref<128x128xf32, #tpu.memory_space<vmem>>, vector<16xf32>,
        %mul3A_792 = arith.mulf %gather3A_779, %get3A_791 : vector<16xf32>
        %add3A_793 = arith.addf %add3A_746, %mul3A_792 : vector<16xf32>
        %add3A_794 = arith.constant 15 : i32
        %add3A_795 = arith.addi %mul3A_59, %add3A_794 : i32
        %get3A_796 = arith.index_cast %add3A_795 : i32 to index
        %get3A_797 = arith.constant 32 : index
        %get3A_798 = tpu.vector_load %arg8[%get3A_796, %get3A_797] {strides = array<i32>} : memref<128x128xf32, #tpu.memory_space<vmem>>, vector<16xf32>,
        %mul3A_799 = arith.mulf %gather3A_779, %get3A_798 : vector<16xf32>
        %add3A_800 = arith.addf %add3A_753, %mul3A_799 : vector<16xf32>
        %add3A_801 = arith.constant 15 : i32
        %add3A_802 = arith.addi %mul3A_59, %add3A_801 : i32
        %get3A_803 = arith.index_cast %add3A_802 : i32 to index
        %get3A_804 = arith.constant 48 : index
        %get3A_805 = tpu.vector_load %arg8[%get3A_803, %get3A_804] {strides = array<i32>} : memref<128x128xf32, #tpu.memory_space<vmem>>, vector<16xf32>,
        %mul3A_806 = arith.mulf %gather3A_779, %get3A_805 : vector<16xf32>
        %add3A_807 = arith.addf %add3A_760, %mul3A_806 : vector<16xf32>
        %add3A_808 = arith.constant 15 : i32
        %add3A_809 = arith.addi %mul3A_59, %add3A_808 : i32
        %get3A_810 = arith.index_cast %add3A_809 : i32 to index
        %get3A_811 = arith.constant 64 : index
        %get3A_812 = tpu.vector_load %arg8[%get3A_810, %get3A_811] {strides = array<i32>} : memref<128x128xf32, #tpu.memory_space<vmem>>, vector<16xf32>,
        %mul3A_813 = arith.mulf %gather3A_779, %get3A_812 : vector<16xf32>
        %add3A_814 = arith.addf %add3A_767, %mul3A_813 : vector<16xf32>
        %add3A_815 = arith.constant 15 : i32
        %add3A_816 = arith.addi %mul3A_59, %add3A_815 : i32
        %get3A_817 = arith.index_cast %add3A_816 : i32 to index
        %get3A_818 = arith.constant 80 : index
        %get3A_819 = tpu.vector_load %arg8[%get3A_817, %get3A_818] {strides = array<i32>} : memref<128x128xf32, #tpu.memory_space<vmem>>, vector<16xf32>,
        %mul3A_820 = arith.mulf %gather3A_779, %get3A_819 : vector<16xf32>
        %add3A_821 = arith.addf %add3A_774, %mul3A_820 : vector<16xf32>
        %swap3A = arith.index_cast %scan3A_57 : i32 to index
        %swap3A_822 = arith.constant 0 : index
        %swap3A_823 = tpu.vector_load %arg9[%swap3A, %swap3A_822] {strides = array<i32>} : memref<8x96xf32, #tpu.memory_space<vmem>>, vector<16xf32>,
        tpu.vector_store %arg9[%swap3A, %swap3A_822], %add3A_786 {strides = array<i32>} : memref<8x96xf32, #tpu.memory_space<vmem>>, vector<16xf32>,
        %swap3A_824 = arith.index_cast %scan3A_57 : i32 to index
        %swap3A_825 = arith.constant 16 : index
        %swap3A_826 = tpu.vector_load %arg9[%swap3A_824, %swap3A_825] {strides = array<i32>} : memref<8x96xf32, #tpu.memory_space<vmem>>, vector<16xf32>,
        tpu.vector_store %arg9[%swap3A_824, %swap3A_825], %add3A_793 {strides = array<i32>} : memref<8x96xf32, #tpu.memory_space<vmem>>, vector<16xf32>,
        %swap3A_827 = arith.index_cast %scan3A_57 : i32 to index
        %swap3A_828 = arith.constant 32 : index
        %swap3A_829 = tpu.vector_load %arg9[%swap3A_827, %swap3A_828] {strides = array<i32>} : memref<8x96xf32, #tpu.memory_space<vmem>>, vector<16xf32>,
        tpu.vector_store %arg9[%swap3A_827, %swap3A_828], %add3A_800 {strides = array<i32>} : memref<8x96xf32, #tpu.memory_space<vmem>>, vector<16xf32>,
        %swap3A_830 = arith.index_cast %scan3A_57 : i32 to index
        %swap3A_831 = arith.constant 48 : index
        %swap3A_832 = tpu.vector_load %arg9[%swap3A_830, %swap3A_831] {strides = array<i32>} : memref<8x96xf32, #tpu.memory_space<vmem>>, vector<16xf32>,
        tpu.vector_store %arg9[%swap3A_830, %swap3A_831], %add3A_807 {strides = array<i32>} : memref<8x96xf32, #tpu.memory_space<vmem>>, vector<16xf32>,
        %swap3A_833 = arith.index_cast %scan3A_57 : i32 to index
        %swap3A_834 = arith.constant 64 : index
        %swap3A_835 = tpu.vector_load %arg9[%swap3A_833, %swap3A_834] {strides = array<i32>} : memref<8x96xf32, #tpu.memory_space<vmem>>, vector<16xf32>,
        tpu.vector_store %arg9[%swap3A_833, %swap3A_834], %add3A_814 {strides = array<i32>} : memref<8x96xf32, #tpu.memory_space<vmem>>, vector<16xf32>,
        %swap3A_836 = arith.index_cast %scan3A_57 : i32 to index
        %swap3A_837 = arith.constant 80 : index
        %swap3A_838 = tpu.vector_load %arg9[%swap3A_836, %swap3A_837] {strides = array<i32>} : memref<8x96xf32, #tpu.memory_space<vmem>>, vector<16xf32>,
        tpu.vector_store %arg9[%swap3A_836, %swap3A_837], %add3A_821 {strides = array<i32>} : memref<8x96xf32, #tpu.memory_space<vmem>>, vector<16xf32>,
      }
      %scan3A_56 = arith.constant 8 : i32
      "tpu.region"() ({
        %run_scoped3A = tpu.sem_alloc : memref<!tpu.dma_semaphore, #tpu.memory_space<semaphore_mem>>
        %dma_start3A_57 = arith.constant 0 : i32
        %dma_start3A_58 = tpu.memref_slice %arg5[%select_n3A, %add3A_42, %dma_start3A_57] : memref<8x1024x96xf32, #tpu.memory_space<hbm>> -> memref<1x8x96xf32, #tpu.memory_space<hbm>>
        %dma_start3A_59 = tpu.memref_squeeze %dma_start3A_58 : memref<1x8x96xf32, #tpu.memory_space<hbm>> -> memref<8x96xf32, #tpu.memory_space<hbm>>
        %dma_start3A_60 = arith.constant 0 : i32
        %dma_start3A_61 = tpu.memref_slice %arg5[%select_n3A, %add3A_42, %dma_start3A_60] : memref<8x1024x96xf32, #tpu.memory_space<hbm>> -> memref<1x8x96xf32, #tpu.memory_space<hbm>>
        %dma_start3A_62 = tpu.memref_squeeze %dma_start3A_61 : memref<1x8x96xf32, #tpu.memory_space<hbm>> -> memref<8x96xf32, #tpu.memory_space<hbm>>
        tpu.enqueue_dma source(%arg9 : memref<8x96xf32, #tpu.memory_space<vmem>>) target(%dma_start3A_62 : memref<8x96xf32, #tpu.memory_space<hbm>>) target_semaphore(%run_scoped3A : memref<!tpu.dma_semaphore, #tpu.memory_space<semaphore_mem>>)
        %dma_wait3A_63 = arith.constant 0 : i32
        %dma_wait3A_64 = tpu.memref_slice %arg5[%select_n3A, %add3A_42, %dma_wait3A_63] : memref<8x1024x96xf32, #tpu.memory_space<hbm>> -> memref<1x8x96xf32, #tpu.memory_space<hbm>>
        %dma_wait3A_65 = tpu.memref_squeeze %dma_wait3A_64 : memref<1x8x96xf32, #tpu.memory_space<hbm>> -> memref<8x96xf32, #tpu.memory_space<hbm>>
        %dma_wait3A_66 = arith.constant 0 : i32
        %dma_wait3A_67 = tpu.memref_slice %arg5[%select_n3A, %add3A_42, %dma_wait3A_66] : memref<8x1024x96xf32, #tpu.memory_space<hbm>> -> memref<1x8x96xf32, #tpu.memory_space<hbm>>
        %dma_wait3A_68 = tpu.memref_squeeze %dma_wait3A_67 : memref<1x8x96xf32, #tpu.memory_space<hbm>> -> memref<8x96xf32, #tpu.memory_space<hbm>>
        tpu.wait_dma2 semaphore(%run_scoped3A : memref<!tpu.dma_semaphore, #tpu.memory_space<semaphore_mem>>) src(%arg9 : memref<8x96xf32, #tpu.memory_space<vmem>>) dst(%dma_wait3A_68 : memref<8x96xf32, #tpu.memory_space<hbm>>)
        tpu.yield
      }) : () -> ()
    }
    %scan3A_38 = arith.constant 32 : i32
    return
  }
}

module attributes {stable_mosaic.version = 14 : i64} {
  func.func @_proj_body(%arg0: i32, %arg1: memref<1x1024x384xf32, #tpu.memory_space<vmem>>, %arg2: memref<1x1024x384xf32, #tpu.memory_space<vmem>>, %arg3: memref<1024x384xf32, #tpu.memory_space<vmem>>, %arg4: memref<1x384xf32, #tpu.memory_space<vmem>>, %arg5: memref<1x384xf32, #tpu.memory_space<vmem>>, %arg6: memref<1x384xf32, #tpu.memory_space<vmem>>, %arg7: memref<1x384xf32, #tpu.memory_space<vmem>>, %arg8: memref<384x32xf32, #tpu.memory_space<vmem>>, %arg9: memref<32xf32, #tpu.memory_space<vmem>>, %arg10: memref<384x16xf32, #tpu.memory_space<vmem>>, %arg11: memref<16xf32, #tpu.memory_space<vmem>>, %arg12: memref<384x384xf32, #tpu.memory_space<vmem>>, %arg13: memref<1x384xf32, #tpu.memory_space<vmem>>, %arg14: memref<1x4x1024x128xf32, #tpu.memory_space<vmem>>, %arg15: memref<1x4x1024x16xi32, #tpu.memory_space<vmem>>, %arg16: memref<1x4x1024x16xf32, #tpu.memory_space<vmem>>) attributes {dimension_semantics = [#tpu.dimension_semantics<arbitrary>], iteration_bounds = array<i64: 2>, scalar_prefetch = 0 : i64, scratch_operands = 0 : i64, tpu.core_type = #tpu.core_type<tc>, window_params = [{transform_indices = @transform_0, window_bounds = array<i64: 1, 1024, 384>}, {transform_indices = @transform_1, window_bounds = array<i64: 1, 1024, 384>}, {pipeline_mode = #tpu.pipeline_mode<synchronous>, transform_indices = @transform_2, window_bounds = array<i64: 1024, 384>}, {pipeline_mode = #tpu.pipeline_mode<synchronous>, transform_indices = @transform_3, window_bounds = array<i64: 1, 384>}, {pipeline_mode = #tpu.pipeline_mode<synchronous>, transform_indices = @transform_4, window_bounds = array<i64: 1, 384>}, {pipeline_mode = #tpu.pipeline_mode<synchronous>, transform_indices = @transform_5, window_bounds = array<i64: 1, 384>}, {pipeline_mode = #tpu.pipeline_mode<synchronous>, transform_indices = @transform_6, window_bounds = array<i64: 1, 384>}, {pipeline_mode = #tpu.pipeline_mode<synchronous>, transform_indices = @transform_7, window_bounds = array<i64: 384, 32>}, {pipeline_mode = #tpu.pipeline_mode<synchronous>, transform_indices = @transform_8, window_bounds = array<i64: 32>}, {pipeline_mode = #tpu.pipeline_mode<synchronous>, transform_indices = @transform_9, window_bounds = array<i64: 384, 16>}, {pipeline_mode = #tpu.pipeline_mode<synchronous>, transform_indices = @transform_10, window_bounds = array<i64: 16>}, {pipeline_mode = #tpu.pipeline_mode<synchronous>, transform_indices = @transform_11, window_bounds = array<i64: 384, 384>}, {pipeline_mode = #tpu.pipeline_mode<synchronous>, transform_indices = @transform_12, window_bounds = array<i64: 1, 384>}, {transform_indices = @transform_13, window_bounds = array<i64: 1, 4, 1024, 128>}, {transform_indices = @transform_14, window_bounds = array<i64: 1, 4, 1024, 16>}, {transform_indices = @transform_15, window_bounds = array<i64: 1, 4, 1024, 16>}]} {
    %get3A = arith.constant 0 : index
    %get3A_0 = arith.constant 0 : index
    %get3A_1 = arith.constant 0 : index
    %get3A_2 = vector.load %arg1[%get3A, %get3A_0, %get3A_1] : memref<1x1024x384xf32, #tpu.memory_space<vmem>>, vector<1x1024x384xf32>
    %get3A_3 = vector.shape_cast %get3A_2 : vector<1x1024x384xf32> to vector<1024x384xf32>
    %get3A_4 = arith.constant 0 : index
    %get3A_5 = arith.constant 0 : index
    %get3A_6 = arith.constant 0 : index
    %get3A_7 = vector.load %arg2[%get3A_4, %get3A_5, %get3A_6] : memref<1x1024x384xf32, #tpu.memory_space<vmem>>, vector<1x1024x384xf32>
    %get3A_8 = vector.shape_cast %get3A_7 : vector<1x1024x384xf32> to vector<1024x384xf32>
    %get3A_9 = arith.constant 0 : index
    %get3A_10 = arith.constant 0 : index
    %get3A_11 = vector.load %arg4[%get3A_9, %get3A_10] : memref<1x384xf32, #tpu.memory_space<vmem>>, vector<1x384xf32>
    %get3A_12 = vector.shape_cast %get3A_11 : vector<1x384xf32> to vector<384xf32>
    %get3A_13 = arith.constant 0 : index
    %get3A_14 = arith.constant 0 : index
    %get3A_15 = vector.load %arg5[%get3A_13, %get3A_14] : memref<1x384xf32, #tpu.memory_space<vmem>>, vector<1x384xf32>
    %get3A_16 = vector.shape_cast %get3A_15 : vector<1x384xf32> to vector<384xf32>
    %reduce_sum3A = arith.constant dense<0.000000e+00> : vector<1024xf32>
    %reduce_sum3A_17 = vector.multi_reduction <add>, %get3A_3, %reduce_sum3A [1] : vector<1024x384xf32> to vector<1024xf32>
    %broadcast_in_dim3A = vector.shape_cast %reduce_sum3A_17 : vector<1024xf32> to vector<1024x1xf32>
    %div3A = arith.constant 3.840000e+02 : f32
    %div3A_18 = vector.broadcast %div3A : f32 to vector<1024x1xf32>
    %div3A_19 = arith.divf %broadcast_in_dim3A, %div3A_18 : vector<1024x1xf32>
    %sub3A = vector.broadcast %div3A_19 : vector<1024x1xf32> to vector<1024x384xf32>
    %sub3A_20 = arith.subf %get3A_3, %sub3A : vector<1024x384xf32>
    %mul3A = arith.mulf %sub3A_20, %sub3A_20 : vector<1024x384xf32>
    %reduce_sum3A_21 = arith.constant dense<0.000000e+00> : vector<1024xf32>
    %reduce_sum3A_22 = vector.multi_reduction <add>, %mul3A, %reduce_sum3A_21 [1] : vector<1024x384xf32> to vector<1024xf32>
    %broadcast_in_dim3A_23 = vector.shape_cast %reduce_sum3A_22 : vector<1024xf32> to vector<1024x1xf32>
    %div3A_24 = arith.constant 3.840000e+02 : f32
    %div3A_25 = vector.broadcast %div3A_24 : f32 to vector<1024x1xf32>
    %div3A_26 = arith.divf %broadcast_in_dim3A_23, %div3A_25 : vector<1024x1xf32>
    %add3A = arith.constant 9.99999974E-6 : f32
    %add3A_27 = vector.broadcast %add3A : f32 to vector<1024x1xf32>
    %add3A_28 = arith.addf %div3A_26, %add3A_27 : vector<1024x1xf32>
    %rsqrt3A = math.rsqrt %add3A_28 : vector<1024x1xf32>
    %mul3A_29 = vector.broadcast %rsqrt3A : vector<1024x1xf32> to vector<1024x384xf32>
    %mul3A_30 = arith.mulf %sub3A_20, %mul3A_29 : vector<1024x384xf32>
    %broadcast_in_dim3A_31 = vector.shape_cast %get3A_12 : vector<384xf32> to vector<1x384xf32>
    %mul3A_32 = vector.broadcast %broadcast_in_dim3A_31 : vector<1x384xf32> to vector<1024x384xf32>
    %mul3A_33 = arith.mulf %mul3A_30, %mul3A_32 : vector<1024x384xf32>
    %broadcast_in_dim3A_34 = vector.shape_cast %get3A_16 : vector<384xf32> to vector<1x384xf32>
    %add3A_35 = vector.broadcast %broadcast_in_dim3A_34 : vector<1x384xf32> to vector<1024x384xf32>
    %add3A_36 = arith.addf %mul3A_33, %add3A_35 : vector<1024x384xf32>
    %get3A_37 = arith.constant 0 : index
    %get3A_38 = arith.constant 0 : index
    %get3A_39 = vector.load %arg3[%get3A_37, %get3A_38] : memref<1024x384xf32, #tpu.memory_space<vmem>>, vector<1024x384xf32>
    %add3A_40 = arith.addf %add3A_36, %get3A_39 : vector<1024x384xf32>
    %get3A_41 = arith.constant 0 : index
    %get3A_42 = arith.constant 0 : index
    %get3A_43 = vector.load %arg6[%get3A_41, %get3A_42] : memref<1x384xf32, #tpu.memory_space<vmem>>, vector<1x384xf32>
    %get3A_44 = vector.shape_cast %get3A_43 : vector<1x384xf32> to vector<384xf32>
    %get3A_45 = arith.constant 0 : index
    %get3A_46 = arith.constant 0 : index
    %get3A_47 = vector.load %arg7[%get3A_45, %get3A_46] : memref<1x384xf32, #tpu.memory_space<vmem>>, vector<1x384xf32>
    %get3A_48 = vector.shape_cast %get3A_47 : vector<1x384xf32> to vector<384xf32>
    %reduce_sum3A_49 = arith.constant dense<0.000000e+00> : vector<1024xf32>
    %reduce_sum3A_50 = vector.multi_reduction <add>, %get3A_8, %reduce_sum3A_49 [1] : vector<1024x384xf32> to vector<1024xf32>
    %broadcast_in_dim3A_51 = vector.shape_cast %reduce_sum3A_50 : vector<1024xf32> to vector<1024x1xf32>
    %div3A_52 = arith.constant 3.840000e+02 : f32
    %div3A_53 = vector.broadcast %div3A_52 : f32 to vector<1024x1xf32>
    %div3A_54 = arith.divf %broadcast_in_dim3A_51, %div3A_53 : vector<1024x1xf32>
    %sub3A_55 = vector.broadcast %div3A_54 : vector<1024x1xf32> to vector<1024x384xf32>
    %sub3A_56 = arith.subf %get3A_8, %sub3A_55 : vector<1024x384xf32>
    %mul3A_57 = arith.mulf %sub3A_56, %sub3A_56 : vector<1024x384xf32>
    %reduce_sum3A_58 = arith.constant dense<0.000000e+00> : vector<1024xf32>
    %reduce_sum3A_59 = vector.multi_reduction <add>, %mul3A_57, %reduce_sum3A_58 [1] : vector<1024x384xf32> to vector<1024xf32>
    %broadcast_in_dim3A_60 = vector.shape_cast %reduce_sum3A_59 : vector<1024xf32> to vector<1024x1xf32>
    %div3A_61 = arith.constant 3.840000e+02 : f32
    %div3A_62 = vector.broadcast %div3A_61 : f32 to vector<1024x1xf32>
    %div3A_63 = arith.divf %broadcast_in_dim3A_60, %div3A_62 : vector<1024x1xf32>
    %add3A_64 = arith.constant 9.99999974E-6 : f32
    %add3A_65 = vector.broadcast %add3A_64 : f32 to vector<1024x1xf32>
    %add3A_66 = arith.addf %div3A_63, %add3A_65 : vector<1024x1xf32>
    %rsqrt3A_67 = math.rsqrt %add3A_66 : vector<1024x1xf32>
    %mul3A_68 = vector.broadcast %rsqrt3A_67 : vector<1024x1xf32> to vector<1024x384xf32>
    %mul3A_69 = arith.mulf %sub3A_56, %mul3A_68 : vector<1024x384xf32>
    %broadcast_in_dim3A_70 = vector.shape_cast %get3A_44 : vector<384xf32> to vector<1x384xf32>
    %mul3A_71 = vector.broadcast %broadcast_in_dim3A_70 : vector<1x384xf32> to vector<1024x384xf32>
    %mul3A_72 = arith.mulf %mul3A_69, %mul3A_71 : vector<1024x384xf32>
    %broadcast_in_dim3A_73 = vector.shape_cast %get3A_48 : vector<384xf32> to vector<1x384xf32>
    %add3A_74 = vector.broadcast %broadcast_in_dim3A_73 : vector<1x384xf32> to vector<1024x384xf32>
    %add3A_75 = arith.addf %mul3A_72, %add3A_74 : vector<1024x384xf32>
    %get3A_76 = arith.constant 0 : index
    %get3A_77 = arith.constant 0 : index
    %get3A_78 = vector.load %arg12[%get3A_76, %get3A_77] : memref<384x384xf32, #tpu.memory_space<vmem>>, vector<384x384xf32>
    %dot_general3A = arith.constant dense<0.000000e+00> : vector<1024x384xf32>
    %dot_general3A_79 = tpu.matmul %add3A_75, %get3A_78, %dot_general3A {dimension_numbers = #tpu.dot_dimension_numbers<[1], [0], [0], [1], [0, 0, 1, 1], [], []>, transpose_lhs_hint = false} : vector<1024x384xf32>, vector<384x384xf32>, vector<1024x384xf32> -> vector<1024x384xf32>
    %get3A_80 = arith.constant 0 : index
    %get3A_81 = arith.constant 0 : index
    %get3A_82 = vector.load %arg13[%get3A_80, %get3A_81] : memref<1x384xf32, #tpu.memory_space<vmem>>, vector<1x384xf32>
    %get3A_83 = vector.shape_cast %get3A_82 : vector<1x384xf32> to vector<384xf32>
    %broadcast_in_dim3A_84 = vector.shape_cast %get3A_83 : vector<384xf32> to vector<1x384xf32>
    %add3A_85 = vector.broadcast %broadcast_in_dim3A_84 : vector<1x384xf32> to vector<1024x384xf32>
    %add3A_86 = arith.addf %dot_general3A_79, %add3A_85 : vector<1024x384xf32>
    %get3A_87 = arith.constant 0 : index
    %get3A_88 = arith.constant 0 : index
    %get3A_89 = vector.load %arg8[%get3A_87, %get3A_88] : memref<384x32xf32, #tpu.memory_space<vmem>>, vector<384x32xf32>
    %dot_general3A_90 = arith.constant dense<0.000000e+00> : vector<32x1024xf32>
    %dot_general3A_91 = tpu.matmul %get3A_89, %add3A_40, %dot_general3A_90 {dimension_numbers = #tpu.dot_dimension_numbers<[0], [1], [1], [0], [0, 1, 1, 0], [], []>, transpose_lhs_hint = false} : vector<384x32xf32>, vector<1024x384xf32>, vector<32x1024xf32> -> vector<32x1024xf32>
    %get3A_92 = arith.constant 0 : index
    %get3A_93 = vector.load %arg9[%get3A_92] : memref<32xf32, #tpu.memory_space<vmem>>, vector<32xf32>
    %reshape3A = vector.shape_cast %get3A_93 : vector<32xf32> to vector<32x1xf32>
    %add3A_94 = vector.broadcast %reshape3A : vector<32x1xf32> to vector<32x1024xf32>
    %add3A_95 = arith.addf %dot_general3A_91, %add3A_94 : vector<32x1024xf32>
    %get3A_96 = arith.constant 0 : index
    %get3A_97 = arith.constant 0 : index
    %get3A_98 = vector.load %arg10[%get3A_96, %get3A_97] : memref<384x16xf32, #tpu.memory_space<vmem>>, vector<384x16xf32>
    %dot_general3A_99 = arith.constant dense<0.000000e+00> : vector<16x1024xf32>
    %dot_general3A_100 = tpu.matmul %get3A_98, %add3A_40, %dot_general3A_99 {dimension_numbers = #tpu.dot_dimension_numbers<[0], [1], [1], [0], [0, 1, 1, 0], [], []>, transpose_lhs_hint = false} : vector<384x16xf32>, vector<1024x384xf32>, vector<16x1024xf32> -> vector<16x1024xf32>
    %get3A_101 = arith.constant 0 : index
    %get3A_102 = vector.load %arg11[%get3A_101] : memref<16xf32, #tpu.memory_space<vmem>>, vector<16xf32>
    %reshape3A_103 = vector.shape_cast %get3A_102 : vector<16xf32> to vector<16x1xf32>
    %add3A_104 = vector.broadcast %reshape3A_103 : vector<16x1xf32> to vector<16x1024xf32>
    %add3A_105 = arith.addf %dot_general3A_100, %add3A_104 : vector<16x1024xf32>
    %iota3A = tpu.iota {dimensions = array<i32: 1>} : vector<1x1024xi32>
    %jit3A = arith.constant 32 : i32
    %eq3A = arith.constant 0 : i32
    %eq3A_106 = arith.cmpi eq, %jit3A, %eq3A : i32
    %jit3A_107 = arith.constant 1 : i32
    %select_n3A = arith.select %eq3A_106, %jit3A_107, %jit3A : i32
    %rem3A = vector.broadcast %select_n3A : i32 to vector<1x1024xi32>
    %rem3A_108 = arith.remsi %iota3A, %rem3A : vector<1x1024xi32>
    %ne3A = arith.constant 0 : i32
    %ne3A_109 = vector.broadcast %ne3A : i32 to vector<1x1024xi32>
    %ne3A_110 = arith.cmpi ne, %rem3A_108, %ne3A_109 : vector<1x1024xi32>
    %lt3A = arith.constant 0 : i32
    %lt3A_111 = vector.broadcast %lt3A : i32 to vector<1x1024xi32>
    %lt3A_112 = arith.cmpi slt, %rem3A_108, %lt3A_111 : vector<1x1024xi32>
    %lt3A_113 = arith.constant 0 : i32
    %lt3A_114 = arith.cmpi slt, %select_n3A, %lt3A_113 : i32
    %ne3A_115 = vector.broadcast %lt3A_114 : i1 to vector<1x1024xi1>
    %ne3A_116 = vector.broadcast %ne3A_115 : vector<1x1024xi1> to vector<1x1024xi1>
    %ne3A_117 = arith.xori %lt3A_112, %ne3A_116 : vector<1x1024xi1>
    %and3A = arith.andi %ne3A_117, %ne3A_110 : vector<1x1024xi1>
    %add3A_118 = vector.broadcast %select_n3A : i32 to vector<1x1024xi32>
    %add3A_119 = arith.addi %rem3A_108, %add3A_118 : vector<1x1024xi32>
    %select_n3A_120 = arith.select %and3A, %add3A_119, %rem3A_108 : vector<1x1024xi1>, vector<1x1024xi32>
    %convert_element_type3A = arith.sitofp %select_n3A_120 : vector<1x1024xi32> to vector<1x1024xf32>
    %jit3A_121 = arith.constant 32 : i32
    %div3A_122 = vector.broadcast %jit3A_121 : i32 to vector<1x1024xi32>
    %div3A_123 = arith.divsi %iota3A, %div3A_122 : vector<1x1024xi32>
    %sign3A = arith.constant 0 : i32
    %sign3A_124 = vector.broadcast %sign3A : i32 to vector<1x1024xi32>
    %sign3A_125 = arith.cmpi sgt, %iota3A, %sign3A_124 : vector<1x1024xi32>
    %sign3A_126 = arith.extui %sign3A_125 : vector<1x1024xi1> to vector<1x1024xi32>
    %sign3A_127 = arith.constant 0 : i32
    %sign3A_128 = vector.broadcast %sign3A_127 : i32 to vector<1x1024xi32>
    %sign3A_129 = arith.cmpi slt, %iota3A, %sign3A_128 : vector<1x1024xi32>
    %sign3A_130 = arith.extui %sign3A_129 : vector<1x1024xi1> to vector<1x1024xi32>
    %sign3A_131 = arith.subi %sign3A_126, %sign3A_130 : vector<1x1024xi32>
    %sign3A_132 = arith.constant 0 : i32
    %sign3A_133 = arith.cmpi sgt, %jit3A_121, %sign3A_132 : i32
    %sign3A_134 = arith.extui %sign3A_133 : i1 to i32
    %sign3A_135 = arith.constant 0 : i32
    %sign3A_136 = arith.cmpi slt, %jit3A_121, %sign3A_135 : i32
    %sign3A_137 = arith.extui %sign3A_136 : i1 to i32
    %sign3A_138 = arith.subi %sign3A_134, %sign3A_137 : i32
    %ne3A_139 = vector.broadcast %sign3A_138 : i32 to vector<1x1024xi32>
    %ne3A_140 = arith.cmpi ne, %sign3A_131, %ne3A_139 : vector<1x1024xi32>
    %rem3A_141 = vector.broadcast %jit3A_121 : i32 to vector<1x1024xi32>
    %rem3A_142 = arith.remsi %iota3A, %rem3A_141 : vector<1x1024xi32>
    %ne3A_143 = arith.constant 0 : i32
    %ne3A_144 = vector.broadcast %ne3A_143 : i32 to vector<1x1024xi32>
    %ne3A_145 = arith.cmpi ne, %rem3A_142, %ne3A_144 : vector<1x1024xi32>
    %and3A_146 = arith.andi %ne3A_140, %ne3A_145 : vector<1x1024xi1>
    %sub3A_147 = arith.constant 1 : i32
    %sub3A_148 = vector.broadcast %sub3A_147 : i32 to vector<1x1024xi32>
    %sub3A_149 = arith.subi %div3A_123, %sub3A_148 : vector<1x1024xi32>
    %select_n3A_150 = arith.select %and3A_146, %sub3A_149, %div3A_123 : vector<1x1024xi1>, vector<1x1024xi32>
    %convert_element_type3A_151 = arith.sitofp %select_n3A_150 : vector<1x1024xi32> to vector<1x1024xf32>
    %broadcast_in_dim3A_152 = arith.constant 0.000000e+00 : f32
    %broadcast_in_dim3A_153 = vector.broadcast %broadcast_in_dim3A_152 : f32 to vector<1024x32xf32>
    %slice3A = vector.extract_strided_slice %add3A_86 {offsets = [0, 0], sizes = [1024, 96], strides = [1, 1]} : vector<1024x384xf32> to vector<1024x96xf32>
    %concatenate3A = tpu.concatenate %slice3A, %broadcast_in_dim3A_153 in 1 : vector<1024x96xf32>, vector<1024x32xf32> -> vector<1024x128xf32>
    %swap3A = arith.constant 0 : index
    %swap3A_154 = arith.constant 0 : index
    %swap3A_155 = arith.constant 0 : index
    %swap3A_156 = arith.constant 0 : index
    %swap3A_157 = vector.load %arg14[%swap3A, %swap3A_154, %swap3A_155, %swap3A_156] : memref<1x4x1024x128xf32, #tpu.memory_space<vmem>>, vector<1x1x1024x128xf32>
    %swap3A_158 = vector.shape_cast %swap3A_157 : vector<1x1x1024x128xf32> to vector<1024x128xf32>
    %swap3A_159 = vector.shape_cast %concatenate3A : vector<1024x128xf32> to vector<1x1x1024x128xf32>
    tpu.vector_store %arg14[%swap3A, %swap3A_154, %swap3A_155, %swap3A_156], %swap3A_159 {strides = array<i32>} : memref<1x4x1024x128xf32, #tpu.memory_space<vmem>>, vector<1x1x1024x128xf32>,
    %mul3A_160 = arith.constant 4 : i32
    %mul3A_161 = arith.muli %arg0, %mul3A_160 : i32
    %add3A_162 = arith.constant 0 : i32
    %add3A_163 = arith.addi %mul3A_161, %add3A_162 : i32
    %mul3A_164 = arith.constant 1024 : i32
    %mul3A_165 = arith.muli %add3A_163, %mul3A_164 : i32
    %slice3A_166 = vector.extract_strided_slice %add3A_105 {offsets = [0, 0], sizes = [1, 1024], strides = [1, 1]} : vector<16x1024xf32> to vector<1x1024xf32>
    %slice3A_167 = vector.extract_strided_slice %add3A_105 {offsets = [1, 0], sizes = [1, 1024], strides = [1, 1]} : vector<16x1024xf32> to vector<1x1024xf32>
    %slice3A_168 = vector.extract_strided_slice %add3A_105 {offsets = [2, 0], sizes = [1, 1024], strides = [1, 1]} : vector<16x1024xf32> to vector<1x1024xf32>
    %slice3A_169 = vector.extract_strided_slice %add3A_105 {offsets = [3, 0], sizes = [1, 1024], strides = [1, 1]} : vector<16x1024xf32> to vector<1x1024xf32>
    %max3A = arith.maximumf %slice3A_166, %slice3A_167 : vector<1x1024xf32>
    %max3A_170 = arith.maximumf %slice3A_168, %slice3A_169 : vector<1x1024xf32>
    %max3A_171 = arith.maximumf %max3A, %max3A_170 : vector<1x1024xf32>
    %sub3A_172 = arith.subf %slice3A_166, %max3A_171 : vector<1x1024xf32>
    %exp3A = math.exp %sub3A_172 : vector<1x1024xf32>
    %sub3A_173 = arith.subf %slice3A_167, %max3A_171 : vector<1x1024xf32>
    %exp3A_174 = math.exp %sub3A_173 : vector<1x1024xf32>
    %sub3A_175 = arith.subf %slice3A_168, %max3A_171 : vector<1x1024xf32>
    %exp3A_176 = math.exp %sub3A_175 : vector<1x1024xf32>
    %sub3A_177 = arith.subf %slice3A_169, %max3A_171 : vector<1x1024xf32>
    %exp3A_178 = math.exp %sub3A_177 : vector<1x1024xf32>
    %add3A_179 = arith.addf %exp3A, %exp3A_174 : vector<1x1024xf32>
    %add3A_180 = arith.addf %add3A_179, %exp3A_176 : vector<1x1024xf32>
    %add3A_181 = arith.addf %add3A_180, %exp3A_178 : vector<1x1024xf32>
    %div3A_182 = arith.constant 1.000000e+00 : f32
    %div3A_183 = vector.broadcast %div3A_182 : f32 to vector<1x1024xf32>
    %div3A_184 = arith.divf %div3A_183, %add3A_181 : vector<1x1024xf32>
    %slice3A_185 = vector.extract_strided_slice %add3A_95 {offsets = [0, 0], sizes = [1, 1024], strides = [1, 1]} : vector<32x1024xf32> to vector<1x1024xf32>
    %add3A_186 = arith.addf %convert_element_type3A, %slice3A_185 : vector<1x1024xf32>
    %slice3A_187 = vector.extract_strided_slice %add3A_95 {offsets = [1, 0], sizes = [1, 1024], strides = [1, 1]} : vector<32x1024xf32> to vector<1x1024xf32>
    %add3A_188 = arith.addf %convert_element_type3A_151, %slice3A_187 : vector<1x1024xf32>
    %floor3A = math.floor %add3A_186 : vector<1x1024xf32>
    %floor3A_189 = math.floor %add3A_188 : vector<1x1024xf32>
    %sub3A_190 = arith.subf %add3A_186, %floor3A : vector<1x1024xf32>
    %sub3A_191 = arith.constant 1.000000e+00 : f32
    %sub3A_192 = vector.broadcast %sub3A_191 : f32 to vector<1x1024xf32>
    %sub3A_193 = arith.subf %sub3A_192, %sub3A_190 : vector<1x1024xf32>
    %sub3A_194 = arith.subf %add3A_188, %floor3A_189 : vector<1x1024xf32>
    %sub3A_195 = arith.constant 1.000000e+00 : f32
    %sub3A_196 = vector.broadcast %sub3A_195 : f32 to vector<1x1024xf32>
    %sub3A_197 = arith.subf %sub3A_196, %sub3A_194 : vector<1x1024xf32>
    %convert_element_type3A_198 = arith.fptosi %floor3A : vector<1x1024xf32> to vector<1x1024xi32>
    %convert_element_type3A_199 = arith.fptosi %floor3A_189 : vector<1x1024xf32> to vector<1x1024xi32>
    %mul3A_200 = arith.mulf %exp3A, %div3A_184 : vector<1x1024xf32>
    %add3A_201 = arith.constant 0 : i32
    %add3A_202 = vector.broadcast %add3A_201 : i32 to vector<1x1024xi32>
    %add3A_203 = arith.addi %convert_element_type3A_199, %add3A_202 : vector<1x1024xi32>
    %add3A_204 = arith.constant 0 : i32
    %add3A_205 = vector.broadcast %add3A_204 : i32 to vector<1x1024xi32>
    %add3A_206 = arith.addi %convert_element_type3A_198, %add3A_205 : vector<1x1024xi32>
    %ge3A = arith.constant 0 : i32
    %ge3A_207 = vector.broadcast %ge3A : i32 to vector<1x1024xi32>
    %ge3A_208 = arith.cmpi sge, %add3A_206, %ge3A_207 : vector<1x1024xi32>
    %le3A = arith.constant 31 : i32
    %le3A_209 = vector.broadcast %le3A : i32 to vector<1x1024xi32>
    %le3A_210 = arith.cmpi sle, %add3A_206, %le3A_209 : vector<1x1024xi32>
    %and3A_211 = arith.andi %ge3A_208, %le3A_210 : vector<1x1024xi1>
    %ge3A_212 = arith.constant 0 : i32
    %ge3A_213 = vector.broadcast %ge3A_212 : i32 to vector<1x1024xi32>
    %ge3A_214 = arith.cmpi sge, %add3A_203, %ge3A_213 : vector<1x1024xi32>
    %and3A_215 = arith.andi %and3A_211, %ge3A_214 : vector<1x1024xi1>
    %le3A_216 = arith.constant 31 : i32
    %le3A_217 = vector.broadcast %le3A_216 : i32 to vector<1x1024xi32>
    %le3A_218 = arith.cmpi sle, %add3A_203, %le3A_217 : vector<1x1024xi32>
    %and3A_219 = arith.andi %and3A_215, %le3A_218 : vector<1x1024xi1>
    %mul3A_220 = arith.mulf %sub3A_193, %sub3A_197 : vector<1x1024xf32>
    %mul3A_221 = arith.mulf %mul3A_220, %mul3A_200 : vector<1x1024xf32>
    %jit3A_222 = arith.constant 0.000000e+00 : f32
    %broadcast_in_dim3A_223 = vector.broadcast %jit3A_222 : f32 to vector<1x1024xf32>
    %select_n3A_224 = arith.select %and3A_219, %mul3A_221, %broadcast_in_dim3A_223 : vector<1x1024xi1>, vector<1x1024xf32>
    %jit3A_225 = arith.constant 0 : i32
    %jit3A_226 = arith.constant 31 : i32
    %max3A_227 = vector.broadcast %jit3A_225 : i32 to vector<1x1024xi32>
    %max3A_228 = arith.maxsi %max3A_227, %add3A_203 : vector<1x1024xi32>
    %min3A = vector.broadcast %jit3A_226 : i32 to vector<1x1024xi32>
    %min3A_229 = arith.minsi %min3A, %max3A_228 : vector<1x1024xi32>
    %mul3A_230 = arith.constant 32 : i32
    %mul3A_231 = vector.broadcast %mul3A_230 : i32 to vector<1x1024xi32>
    %mul3A_232 = arith.muli %min3A_229, %mul3A_231 : vector<1x1024xi32>
    %jit3A_233 = arith.constant 0 : i32
    %jit3A_234 = arith.constant 31 : i32
    %max3A_235 = vector.broadcast %jit3A_233 : i32 to vector<1x1024xi32>
    %max3A_236 = arith.maxsi %max3A_235, %add3A_206 : vector<1x1024xi32>
    %min3A_237 = vector.broadcast %jit3A_234 : i32 to vector<1x1024xi32>
    %min3A_238 = arith.minsi %min3A_237, %max3A_236 : vector<1x1024xi32>
    %add3A_239 = arith.addi %mul3A_232, %min3A_238 : vector<1x1024xi32>
    %add3A_240 = vector.broadcast %mul3A_165 : i32 to vector<1x1024xi32>
    %add3A_241 = arith.addi %add3A_239, %add3A_240 : vector<1x1024xi32>
    %add3A_242 = arith.constant 1 : i32
    %add3A_243 = vector.broadcast %add3A_242 : i32 to vector<1x1024xi32>
    %add3A_244 = arith.addi %convert_element_type3A_198, %add3A_243 : vector<1x1024xi32>
    %ge3A_245 = arith.constant 0 : i32
    %ge3A_246 = vector.broadcast %ge3A_245 : i32 to vector<1x1024xi32>
    %ge3A_247 = arith.cmpi sge, %add3A_244, %ge3A_246 : vector<1x1024xi32>
    %le3A_248 = arith.constant 31 : i32
    %le3A_249 = vector.broadcast %le3A_248 : i32 to vector<1x1024xi32>
    %le3A_250 = arith.cmpi sle, %add3A_244, %le3A_249 : vector<1x1024xi32>
    %and3A_251 = arith.andi %ge3A_247, %le3A_250 : vector<1x1024xi1>
    %ge3A_252 = arith.constant 0 : i32
    %ge3A_253 = vector.broadcast %ge3A_252 : i32 to vector<1x1024xi32>
    %ge3A_254 = arith.cmpi sge, %add3A_203, %ge3A_253 : vector<1x1024xi32>
    %and3A_255 = arith.andi %and3A_251, %ge3A_254 : vector<1x1024xi1>
    %le3A_256 = arith.constant 31 : i32
    %le3A_257 = vector.broadcast %le3A_256 : i32 to vector<1x1024xi32>
    %le3A_258 = arith.cmpi sle, %add3A_203, %le3A_257 : vector<1x1024xi32>
    %and3A_259 = arith.andi %and3A_255, %le3A_258 : vector<1x1024xi1>
    %mul3A_260 = arith.mulf %sub3A_190, %sub3A_197 : vector<1x1024xf32>
    %mul3A_261 = arith.mulf %mul3A_260, %mul3A_200 : vector<1x1024xf32>
    %jit3A_262 = arith.constant 0.000000e+00 : f32
    %broadcast_in_dim3A_263 = vector.broadcast %jit3A_262 : f32 to vector<1x1024xf32>
    %select_n3A_264 = arith.select %and3A_259, %mul3A_261, %broadcast_in_dim3A_263 : vector<1x1024xi1>, vector<1x1024xf32>
    %jit3A_265 = arith.constant 0 : i32
    %jit3A_266 = arith.constant 31 : i32
    %max3A_267 = vector.broadcast %jit3A_265 : i32 to vector<1x1024xi32>
    %max3A_268 = arith.maxsi %max3A_267, %add3A_203 : vector<1x1024xi32>
    %min3A_269 = vector.broadcast %jit3A_266 : i32 to vector<1x1024xi32>
    %min3A_270 = arith.minsi %min3A_269, %max3A_268 : vector<1x1024xi32>
    %mul3A_271 = arith.constant 32 : i32
    %mul3A_272 = vector.broadcast %mul3A_271 : i32 to vector<1x1024xi32>
    %mul3A_273 = arith.muli %min3A_270, %mul3A_272 : vector<1x1024xi32>
    %jit3A_274 = arith.constant 0 : i32
    %jit3A_275 = arith.constant 31 : i32
    %max3A_276 = vector.broadcast %jit3A_274 : i32 to vector<1x1024xi32>
    %max3A_277 = arith.maxsi %max3A_276, %add3A_244 : vector<1x1024xi32>
    %min3A_278 = vector.broadcast %jit3A_275 : i32 to vector<1x1024xi32>
    %min3A_279 = arith.minsi %min3A_278, %max3A_277 : vector<1x1024xi32>
    %add3A_280 = arith.addi %mul3A_273, %min3A_279 : vector<1x1024xi32>
    %add3A_281 = vector.broadcast %mul3A_165 : i32 to vector<1x1024xi32>
    %add3A_282 = arith.addi %add3A_280, %add3A_281 : vector<1x1024xi32>
    %add3A_283 = arith.constant 1 : i32
    %add3A_284 = vector.broadcast %add3A_283 : i32 to vector<1x1024xi32>
    %add3A_285 = arith.addi %convert_element_type3A_199, %add3A_284 : vector<1x1024xi32>
    %add3A_286 = arith.constant 0 : i32
    %add3A_287 = vector.broadcast %add3A_286 : i32 to vector<1x1024xi32>
    %add3A_288 = arith.addi %convert_element_type3A_198, %add3A_287 : vector<1x1024xi32>
    %ge3A_289 = arith.constant 0 : i32
    %ge3A_290 = vector.broadcast %ge3A_289 : i32 to vector<1x1024xi32>
    %ge3A_291 = arith.cmpi sge, %add3A_288, %ge3A_290 : vector<1x1024xi32>
    %le3A_292 = arith.constant 31 : i32
    %le3A_293 = vector.broadcast %le3A_292 : i32 to vector<1x1024xi32>
    %le3A_294 = arith.cmpi sle, %add3A_288, %le3A_293 : vector<1x1024xi32>
    %and3A_295 = arith.andi %ge3A_291, %le3A_294 : vector<1x1024xi1>
    %ge3A_296 = arith.constant 0 : i32
    %ge3A_297 = vector.broadcast %ge3A_296 : i32 to vector<1x1024xi32>
    %ge3A_298 = arith.cmpi sge, %add3A_285, %ge3A_297 : vector<1x1024xi32>
    %and3A_299 = arith.andi %and3A_295, %ge3A_298 : vector<1x1024xi1>
    %le3A_300 = arith.constant 31 : i32
    %le3A_301 = vector.broadcast %le3A_300 : i32 to vector<1x1024xi32>
    %le3A_302 = arith.cmpi sle, %add3A_285, %le3A_301 : vector<1x1024xi32>
    %and3A_303 = arith.andi %and3A_299, %le3A_302 : vector<1x1024xi1>
    %mul3A_304 = arith.mulf %sub3A_193, %sub3A_194 : vector<1x1024xf32>
    %mul3A_305 = arith.mulf %mul3A_304, %mul3A_200 : vector<1x1024xf32>
    %jit3A_306 = arith.constant 0.000000e+00 : f32
    %broadcast_in_dim3A_307 = vector.broadcast %jit3A_306 : f32 to vector<1x1024xf32>
    %select_n3A_308 = arith.select %and3A_303, %mul3A_305, %broadcast_in_dim3A_307 : vector<1x1024xi1>, vector<1x1024xf32>
    %jit3A_309 = arith.constant 0 : i32
    %jit3A_310 = arith.constant 31 : i32
    %max3A_311 = vector.broadcast %jit3A_309 : i32 to vector<1x1024xi32>
    %max3A_312 = arith.maxsi %max3A_311, %add3A_285 : vector<1x1024xi32>
    %min3A_313 = vector.broadcast %jit3A_310 : i32 to vector<1x1024xi32>
    %min3A_314 = arith.minsi %min3A_313, %max3A_312 : vector<1x1024xi32>
    %mul3A_315 = arith.constant 32 : i32
    %mul3A_316 = vector.broadcast %mul3A_315 : i32 to vector<1x1024xi32>
    %mul3A_317 = arith.muli %min3A_314, %mul3A_316 : vector<1x1024xi32>
    %jit3A_318 = arith.constant 0 : i32
    %jit3A_319 = arith.constant 31 : i32
    %max3A_320 = vector.broadcast %jit3A_318 : i32 to vector<1x1024xi32>
    %max3A_321 = arith.maxsi %max3A_320, %add3A_288 : vector<1x1024xi32>
    %min3A_322 = vector.broadcast %jit3A_319 : i32 to vector<1x1024xi32>
    %min3A_323 = arith.minsi %min3A_322, %max3A_321 : vector<1x1024xi32>
    %add3A_324 = arith.addi %mul3A_317, %min3A_323 : vector<1x1024xi32>
    %add3A_325 = vector.broadcast %mul3A_165 : i32 to vector<1x1024xi32>
    %add3A_326 = arith.addi %add3A_324, %add3A_325 : vector<1x1024xi32>
    %add3A_327 = arith.constant 1 : i32
    %add3A_328 = vector.broadcast %add3A_327 : i32 to vector<1x1024xi32>
    %add3A_329 = arith.addi %convert_element_type3A_198, %add3A_328 : vector<1x1024xi32>
    %ge3A_330 = arith.constant 0 : i32
    %ge3A_331 = vector.broadcast %ge3A_330 : i32 to vector<1x1024xi32>
    %ge3A_332 = arith.cmpi sge, %add3A_329, %ge3A_331 : vector<1x1024xi32>
    %le3A_333 = arith.constant 31 : i32
    %le3A_334 = vector.broadcast %le3A_333 : i32 to vector<1x1024xi32>
    %le3A_335 = arith.cmpi sle, %add3A_329, %le3A_334 : vector<1x1024xi32>
    %and3A_336 = arith.andi %ge3A_332, %le3A_335 : vector<1x1024xi1>
    %ge3A_337 = arith.constant 0 : i32
    %ge3A_338 = vector.broadcast %ge3A_337 : i32 to vector<1x1024xi32>
    %ge3A_339 = arith.cmpi sge, %add3A_285, %ge3A_338 : vector<1x1024xi32>
    %and3A_340 = arith.andi %and3A_336, %ge3A_339 : vector<1x1024xi1>
    %le3A_341 = arith.constant 31 : i32
    %le3A_342 = vector.broadcast %le3A_341 : i32 to vector<1x1024xi32>
    %le3A_343 = arith.cmpi sle, %add3A_285, %le3A_342 : vector<1x1024xi32>
    %and3A_344 = arith.andi %and3A_340, %le3A_343 : vector<1x1024xi1>
    %mul3A_345 = arith.mulf %sub3A_190, %sub3A_194 : vector<1x1024xf32>
    %mul3A_346 = arith.mulf %mul3A_345, %mul3A_200 : vector<1x1024xf32>
    %jit3A_347 = arith.constant 0.000000e+00 : f32
    %broadcast_in_dim3A_348 = vector.broadcast %jit3A_347 : f32 to vector<1x1024xf32>
    %select_n3A_349 = arith.select %and3A_344, %mul3A_346, %broadcast_in_dim3A_348 : vector<1x1024xi1>, vector<1x1024xf32>
    %jit3A_350 = arith.constant 0 : i32
    %jit3A_351 = arith.constant 31 : i32
    %max3A_352 = vector.broadcast %jit3A_350 : i32 to vector<1x1024xi32>
    %max3A_353 = arith.maxsi %max3A_352, %add3A_285 : vector<1x1024xi32>
    %min3A_354 = vector.broadcast %jit3A_351 : i32 to vector<1x1024xi32>
    %min3A_355 = arith.minsi %min3A_354, %max3A_353 : vector<1x1024xi32>
    %mul3A_356 = arith.constant 32 : i32
    %mul3A_357 = vector.broadcast %mul3A_356 : i32 to vector<1x1024xi32>
    %mul3A_358 = arith.muli %min3A_355, %mul3A_357 : vector<1x1024xi32>
    %jit3A_359 = arith.constant 0 : i32
    %jit3A_360 = arith.constant 31 : i32
    %max3A_361 = vector.broadcast %jit3A_359 : i32 to vector<1x1024xi32>
    %max3A_362 = arith.maxsi %max3A_361, %add3A_329 : vector<1x1024xi32>
    %min3A_363 = vector.broadcast %jit3A_360 : i32 to vector<1x1024xi32>
    %min3A_364 = arith.minsi %min3A_363, %max3A_362 : vector<1x1024xi32>
    %add3A_365 = arith.addi %mul3A_358, %min3A_364 : vector<1x1024xi32>
    %add3A_366 = vector.broadcast %mul3A_165 : i32 to vector<1x1024xi32>
    %add3A_367 = arith.addi %add3A_365, %add3A_366 : vector<1x1024xi32>
    %slice3A_368 = vector.extract_strided_slice %add3A_95 {offsets = [2, 0], sizes = [1, 1024], strides = [1, 1]} : vector<32x1024xf32> to vector<1x1024xf32>
    %add3A_369 = arith.addf %convert_element_type3A, %slice3A_368 : vector<1x1024xf32>
    %slice3A_370 = vector.extract_strided_slice %add3A_95 {offsets = [3, 0], sizes = [1, 1024], strides = [1, 1]} : vector<32x1024xf32> to vector<1x1024xf32>
    %add3A_371 = arith.addf %convert_element_type3A_151, %slice3A_370 : vector<1x1024xf32>
    %floor3A_372 = math.floor %add3A_369 : vector<1x1024xf32>
    %floor3A_373 = math.floor %add3A_371 : vector<1x1024xf32>
    %sub3A_374 = arith.subf %add3A_369, %floor3A_372 : vector<1x1024xf32>
    %sub3A_375 = arith.constant 1.000000e+00 : f32
    %sub3A_376 = vector.broadcast %sub3A_375 : f32 to vector<1x1024xf32>
    %sub3A_377 = arith.subf %sub3A_376, %sub3A_374 : vector<1x1024xf32>
    %sub3A_378 = arith.subf %add3A_371, %floor3A_373 : vector<1x1024xf32>
    %sub3A_379 = arith.constant 1.000000e+00 : f32
    %sub3A_380 = vector.broadcast %sub3A_379 : f32 to vector<1x1024xf32>
    %sub3A_381 = arith.subf %sub3A_380, %sub3A_378 : vector<1x1024xf32>
    %convert_element_type3A_382 = arith.fptosi %floor3A_372 : vector<1x1024xf32> to vector<1x1024xi32>
    %convert_element_type3A_383 = arith.fptosi %floor3A_373 : vector<1x1024xf32> to vector<1x1024xi32>
    %mul3A_384 = arith.mulf %exp3A_174, %div3A_184 : vector<1x1024xf32>
    %add3A_385 = arith.constant 0 : i32
    %add3A_386 = vector.broadcast %add3A_385 : i32 to vector<1x1024xi32>
    %add3A_387 = arith.addi %convert_element_type3A_383, %add3A_386 : vector<1x1024xi32>
    %add3A_388 = arith.constant 0 : i32
    %add3A_389 = vector.broadcast %add3A_388 : i32 to vector<1x1024xi32>
    %add3A_390 = arith.addi %convert_element_type3A_382, %add3A_389 : vector<1x1024xi32>
    %ge3A_391 = arith.constant 0 : i32
    %ge3A_392 = vector.broadcast %ge3A_391 : i32 to vector<1x1024xi32>
    %ge3A_393 = arith.cmpi sge, %add3A_390, %ge3A_392 : vector<1x1024xi32>
    %le3A_394 = arith.constant 31 : i32
    %le3A_395 = vector.broadcast %le3A_394 : i32 to vector<1x1024xi32>
    %le3A_396 = arith.cmpi sle, %add3A_390, %le3A_395 : vector<1x1024xi32>
    %and3A_397 = arith.andi %ge3A_393, %le3A_396 : vector<1x1024xi1>
    %ge3A_398 = arith.constant 0 : i32
    %ge3A_399 = vector.broadcast %ge3A_398 : i32 to vector<1x1024xi32>
    %ge3A_400 = arith.cmpi sge, %add3A_387, %ge3A_399 : vector<1x1024xi32>
    %and3A_401 = arith.andi %and3A_397, %ge3A_400 : vector<1x1024xi1>
    %le3A_402 = arith.constant 31 : i32
    %le3A_403 = vector.broadcast %le3A_402 : i32 to vector<1x1024xi32>
    %le3A_404 = arith.cmpi sle, %add3A_387, %le3A_403 : vector<1x1024xi32>
    %and3A_405 = arith.andi %and3A_401, %le3A_404 : vector<1x1024xi1>
    %mul3A_406 = arith.mulf %sub3A_377, %sub3A_381 : vector<1x1024xf32>
    %mul3A_407 = arith.mulf %mul3A_406, %mul3A_384 : vector<1x1024xf32>
    %jit3A_408 = arith.constant 0.000000e+00 : f32
    %broadcast_in_dim3A_409 = vector.broadcast %jit3A_408 : f32 to vector<1x1024xf32>
    %select_n3A_410 = arith.select %and3A_405, %mul3A_407, %broadcast_in_dim3A_409 : vector<1x1024xi1>, vector<1x1024xf32>
    %jit3A_411 = arith.constant 0 : i32
    %jit3A_412 = arith.constant 31 : i32
    %max3A_413 = vector.broadcast %jit3A_411 : i32 to vector<1x1024xi32>
    %max3A_414 = arith.maxsi %max3A_413, %add3A_387 : vector<1x1024xi32>
    %min3A_415 = vector.broadcast %jit3A_412 : i32 to vector<1x1024xi32>
    %min3A_416 = arith.minsi %min3A_415, %max3A_414 : vector<1x1024xi32>
    %mul3A_417 = arith.constant 32 : i32
    %mul3A_418 = vector.broadcast %mul3A_417 : i32 to vector<1x1024xi32>
    %mul3A_419 = arith.muli %min3A_416, %mul3A_418 : vector<1x1024xi32>
    %jit3A_420 = arith.constant 0 : i32
    %jit3A_421 = arith.constant 31 : i32
    %max3A_422 = vector.broadcast %jit3A_420 : i32 to vector<1x1024xi32>
    %max3A_423 = arith.maxsi %max3A_422, %add3A_390 : vector<1x1024xi32>
    %min3A_424 = vector.broadcast %jit3A_421 : i32 to vector<1x1024xi32>
    %min3A_425 = arith.minsi %min3A_424, %max3A_423 : vector<1x1024xi32>
    %add3A_426 = arith.addi %mul3A_419, %min3A_425 : vector<1x1024xi32>
    %add3A_427 = vector.broadcast %mul3A_165 : i32 to vector<1x1024xi32>
    %add3A_428 = arith.addi %add3A_426, %add3A_427 : vector<1x1024xi32>
    %add3A_429 = arith.constant 1 : i32
    %add3A_430 = vector.broadcast %add3A_429 : i32 to vector<1x1024xi32>
    %add3A_431 = arith.addi %convert_element_type3A_382, %add3A_430 : vector<1x1024xi32>
    %ge3A_432 = arith.constant 0 : i32
    %ge3A_433 = vector.broadcast %ge3A_432 : i32 to vector<1x1024xi32>
    %ge3A_434 = arith.cmpi sge, %add3A_431, %ge3A_433 : vector<1x1024xi32>
    %le3A_435 = arith.constant 31 : i32
    %le3A_436 = vector.broadcast %le3A_435 : i32 to vector<1x1024xi32>
    %le3A_437 = arith.cmpi sle, %add3A_431, %le3A_436 : vector<1x1024xi32>
    %and3A_438 = arith.andi %ge3A_434, %le3A_437 : vector<1x1024xi1>
    %ge3A_439 = arith.constant 0 : i32
    %ge3A_440 = vector.broadcast %ge3A_439 : i32 to vector<1x1024xi32>
    %ge3A_441 = arith.cmpi sge, %add3A_387, %ge3A_440 : vector<1x1024xi32>
    %and3A_442 = arith.andi %and3A_438, %ge3A_441 : vector<1x1024xi1>
    %le3A_443 = arith.constant 31 : i32
    %le3A_444 = vector.broadcast %le3A_443 : i32 to vector<1x1024xi32>
    %le3A_445 = arith.cmpi sle, %add3A_387, %le3A_444 : vector<1x1024xi32>
    %and3A_446 = arith.andi %and3A_442, %le3A_445 : vector<1x1024xi1>
    %mul3A_447 = arith.mulf %sub3A_374, %sub3A_381 : vector<1x1024xf32>
    %mul3A_448 = arith.mulf %mul3A_447, %mul3A_384 : vector<1x1024xf32>
    %jit3A_449 = arith.constant 0.000000e+00 : f32
    %broadcast_in_dim3A_450 = vector.broadcast %jit3A_449 : f32 to vector<1x1024xf32>
    %select_n3A_451 = arith.select %and3A_446, %mul3A_448, %broadcast_in_dim3A_450 : vector<1x1024xi1>, vector<1x1024xf32>
    %jit3A_452 = arith.constant 0 : i32
    %jit3A_453 = arith.constant 31 : i32
    %max3A_454 = vector.broadcast %jit3A_452 : i32 to vector<1x1024xi32>
    %max3A_455 = arith.maxsi %max3A_454, %add3A_387 : vector<1x1024xi32>
    %min3A_456 = vector.broadcast %jit3A_453 : i32 to vector<1x1024xi32>
    %min3A_457 = arith.minsi %min3A_456, %max3A_455 : vector<1x1024xi32>
    %mul3A_458 = arith.constant 32 : i32
    %mul3A_459 = vector.broadcast %mul3A_458 : i32 to vector<1x1024xi32>
    %mul3A_460 = arith.muli %min3A_457, %mul3A_459 : vector<1x1024xi32>
    %jit3A_461 = arith.constant 0 : i32
    %jit3A_462 = arith.constant 31 : i32
    %max3A_463 = vector.broadcast %jit3A_461 : i32 to vector<1x1024xi32>
    %max3A_464 = arith.maxsi %max3A_463, %add3A_431 : vector<1x1024xi32>
    %min3A_465 = vector.broadcast %jit3A_462 : i32 to vector<1x1024xi32>
    %min3A_466 = arith.minsi %min3A_465, %max3A_464 : vector<1x1024xi32>
    %add3A_467 = arith.addi %mul3A_460, %min3A_466 : vector<1x1024xi32>
    %add3A_468 = vector.broadcast %mul3A_165 : i32 to vector<1x1024xi32>
    %add3A_469 = arith.addi %add3A_467, %add3A_468 : vector<1x1024xi32>
    %add3A_470 = arith.constant 1 : i32
    %add3A_471 = vector.broadcast %add3A_470 : i32 to vector<1x1024xi32>
    %add3A_472 = arith.addi %convert_element_type3A_383, %add3A_471 : vector<1x1024xi32>
    %add3A_473 = arith.constant 0 : i32
    %add3A_474 = vector.broadcast %add3A_473 : i32 to vector<1x1024xi32>
    %add3A_475 = arith.addi %convert_element_type3A_382, %add3A_474 : vector<1x1024xi32>
    %ge3A_476 = arith.constant 0 : i32
    %ge3A_477 = vector.broadcast %ge3A_476 : i32 to vector<1x1024xi32>
    %ge3A_478 = arith.cmpi sge, %add3A_475, %ge3A_477 : vector<1x1024xi32>
    %le3A_479 = arith.constant 31 : i32
    %le3A_480 = vector.broadcast %le3A_479 : i32 to vector<1x1024xi32>
    %le3A_481 = arith.cmpi sle, %add3A_475, %le3A_480 : vector<1x1024xi32>
    %and3A_482 = arith.andi %ge3A_478, %le3A_481 : vector<1x1024xi1>
    %ge3A_483 = arith.constant 0 : i32
    %ge3A_484 = vector.broadcast %ge3A_483 : i32 to vector<1x1024xi32>
    %ge3A_485 = arith.cmpi sge, %add3A_472, %ge3A_484 : vector<1x1024xi32>
    %and3A_486 = arith.andi %and3A_482, %ge3A_485 : vector<1x1024xi1>
    %le3A_487 = arith.constant 31 : i32
    %le3A_488 = vector.broadcast %le3A_487 : i32 to vector<1x1024xi32>
    %le3A_489 = arith.cmpi sle, %add3A_472, %le3A_488 : vector<1x1024xi32>
    %and3A_490 = arith.andi %and3A_486, %le3A_489 : vector<1x1024xi1>
    %mul3A_491 = arith.mulf %sub3A_377, %sub3A_378 : vector<1x1024xf32>
    %mul3A_492 = arith.mulf %mul3A_491, %mul3A_384 : vector<1x1024xf32>
    %jit3A_493 = arith.constant 0.000000e+00 : f32
    %broadcast_in_dim3A_494 = vector.broadcast %jit3A_493 : f32 to vector<1x1024xf32>
    %select_n3A_495 = arith.select %and3A_490, %mul3A_492, %broadcast_in_dim3A_494 : vector<1x1024xi1>, vector<1x1024xf32>
    %jit3A_496 = arith.constant 0 : i32
    %jit3A_497 = arith.constant 31 : i32
    %max3A_498 = vector.broadcast %jit3A_496 : i32 to vector<1x1024xi32>
    %max3A_499 = arith.maxsi %max3A_498, %add3A_472 : vector<1x1024xi32>
    %min3A_500 = vector.broadcast %jit3A_497 : i32 to vector<1x1024xi32>
    %min3A_501 = arith.minsi %min3A_500, %max3A_499 : vector<1x1024xi32>
    %mul3A_502 = arith.constant 32 : i32
    %mul3A_503 = vector.broadcast %mul3A_502 : i32 to vector<1x1024xi32>
    %mul3A_504 = arith.muli %min3A_501, %mul3A_503 : vector<1x1024xi32>
    %jit3A_505 = arith.constant 0 : i32
    %jit3A_506 = arith.constant 31 : i32
    %max3A_507 = vector.broadcast %jit3A_505 : i32 to vector<1x1024xi32>
    %max3A_508 = arith.maxsi %max3A_507, %add3A_475 : vector<1x1024xi32>
    %min3A_509 = vector.broadcast %jit3A_506 : i32 to vector<1x1024xi32>
    %min3A_510 = arith.minsi %min3A_509, %max3A_508 : vector<1x1024xi32>
    %add3A_511 = arith.addi %mul3A_504, %min3A_510 : vector<1x1024xi32>
    %add3A_512 = vector.broadcast %mul3A_165 : i32 to vector<1x1024xi32>
    %add3A_513 = arith.addi %add3A_511, %add3A_512 : vector<1x1024xi32>
    %add3A_514 = arith.constant 1 : i32
    %add3A_515 = vector.broadcast %add3A_514 : i32 to vector<1x1024xi32>
    %add3A_516 = arith.addi %convert_element_type3A_382, %add3A_515 : vector<1x1024xi32>
    %ge3A_517 = arith.constant 0 : i32
    %ge3A_518 = vector.broadcast %ge3A_517 : i32 to vector<1x1024xi32>
    %ge3A_519 = arith.cmpi sge, %add3A_516, %ge3A_518 : vector<1x1024xi32>
    %le3A_520 = arith.constant 31 : i32
    %le3A_521 = vector.broadcast %le3A_520 : i32 to vector<1x1024xi32>
    %le3A_522 = arith.cmpi sle, %add3A_516, %le3A_521 : vector<1x1024xi32>
    %and3A_523 = arith.andi %ge3A_519, %le3A_522 : vector<1x1024xi1>
    %ge3A_524 = arith.constant 0 : i32
    %ge3A_525 = vector.broadcast %ge3A_524 : i32 to vector<1x1024xi32>
    %ge3A_526 = arith.cmpi sge, %add3A_472, %ge3A_525 : vector<1x1024xi32>
    %and3A_527 = arith.andi %and3A_523, %ge3A_526 : vector<1x1024xi1>
    %le3A_528 = arith.constant 31 : i32
    %le3A_529 = vector.broadcast %le3A_528 : i32 to vector<1x1024xi32>
    %le3A_530 = arith.cmpi sle, %add3A_472, %le3A_529 : vector<1x1024xi32>
    %and3A_531 = arith.andi %and3A_527, %le3A_530 : vector<1x1024xi1>
    %mul3A_532 = arith.mulf %sub3A_374, %sub3A_378 : vector<1x1024xf32>
    %mul3A_533 = arith.mulf %mul3A_532, %mul3A_384 : vector<1x1024xf32>
    %jit3A_534 = arith.constant 0.000000e+00 : f32
    %broadcast_in_dim3A_535 = vector.broadcast %jit3A_534 : f32 to vector<1x1024xf32>
    %select_n3A_536 = arith.select %and3A_531, %mul3A_533, %broadcast_in_dim3A_535 : vector<1x1024xi1>, vector<1x1024xf32>
    %jit3A_537 = arith.constant 0 : i32
    %jit3A_538 = arith.constant 31 : i32
    %max3A_539 = vector.broadcast %jit3A_537 : i32 to vector<1x1024xi32>
    %max3A_540 = arith.maxsi %max3A_539, %add3A_472 : vector<1x1024xi32>
    %min3A_541 = vector.broadcast %jit3A_538 : i32 to vector<1x1024xi32>
    %min3A_542 = arith.minsi %min3A_541, %max3A_540 : vector<1x1024xi32>
    %mul3A_543 = arith.constant 32 : i32
    %mul3A_544 = vector.broadcast %mul3A_543 : i32 to vector<1x1024xi32>
    %mul3A_545 = arith.muli %min3A_542, %mul3A_544 : vector<1x1024xi32>
    %jit3A_546 = arith.constant 0 : i32
    %jit3A_547 = arith.constant 31 : i32
    %max3A_548 = vector.broadcast %jit3A_546 : i32 to vector<1x1024xi32>
    %max3A_549 = arith.maxsi %max3A_548, %add3A_516 : vector<1x1024xi32>
    %min3A_550 = vector.broadcast %jit3A_547 : i32 to vector<1x1024xi32>
    %min3A_551 = arith.minsi %min3A_550, %max3A_549 : vector<1x1024xi32>
    %add3A_552 = arith.addi %mul3A_545, %min3A_551 : vector<1x1024xi32>
    %add3A_553 = vector.broadcast %mul3A_165 : i32 to vector<1x1024xi32>
    %add3A_554 = arith.addi %add3A_552, %add3A_553 : vector<1x1024xi32>
    %slice3A_555 = vector.extract_strided_slice %add3A_95 {offsets = [4, 0], sizes = [1, 1024], strides = [1, 1]} : vector<32x1024xf32> to vector<1x1024xf32>
    %add3A_556 = arith.addf %convert_element_type3A, %slice3A_555 : vector<1x1024xf32>
    %slice3A_557 = vector.extract_strided_slice %add3A_95 {offsets = [5, 0], sizes = [1, 1024], strides = [1, 1]} : vector<32x1024xf32> to vector<1x1024xf32>
    %add3A_558 = arith.addf %convert_element_type3A_151, %slice3A_557 : vector<1x1024xf32>
    %floor3A_559 = math.floor %add3A_556 : vector<1x1024xf32>
    %floor3A_560 = math.floor %add3A_558 : vector<1x1024xf32>
    %sub3A_561 = arith.subf %add3A_556, %floor3A_559 : vector<1x1024xf32>
    %sub3A_562 = arith.constant 1.000000e+00 : f32
    %sub3A_563 = vector.broadcast %sub3A_562 : f32 to vector<1x1024xf32>
    %sub3A_564 = arith.subf %sub3A_563, %sub3A_561 : vector<1x1024xf32>
    %sub3A_565 = arith.subf %add3A_558, %floor3A_560 : vector<1x1024xf32>
    %sub3A_566 = arith.constant 1.000000e+00 : f32
    %sub3A_567 = vector.broadcast %sub3A_566 : f32 to vector<1x1024xf32>
    %sub3A_568 = arith.subf %sub3A_567, %sub3A_565 : vector<1x1024xf32>
    %convert_element_type3A_569 = arith.fptosi %floor3A_559 : vector<1x1024xf32> to vector<1x1024xi32>
    %convert_element_type3A_570 = arith.fptosi %floor3A_560 : vector<1x1024xf32> to vector<1x1024xi32>
    %mul3A_571 = arith.mulf %exp3A_176, %div3A_184 : vector<1x1024xf32>
    %add3A_572 = arith.constant 0 : i32
    %add3A_573 = vector.broadcast %add3A_572 : i32 to vector<1x1024xi32>
    %add3A_574 = arith.addi %convert_element_type3A_570, %add3A_573 : vector<1x1024xi32>
    %add3A_575 = arith.constant 0 : i32
    %add3A_576 = vector.broadcast %add3A_575 : i32 to vector<1x1024xi32>
    %add3A_577 = arith.addi %convert_element_type3A_569, %add3A_576 : vector<1x1024xi32>
    %ge3A_578 = arith.constant 0 : i32
    %ge3A_579 = vector.broadcast %ge3A_578 : i32 to vector<1x1024xi32>
    %ge3A_580 = arith.cmpi sge, %add3A_577, %ge3A_579 : vector<1x1024xi32>
    %le3A_581 = arith.constant 31 : i32
    %le3A_582 = vector.broadcast %le3A_581 : i32 to vector<1x1024xi32>
    %le3A_583 = arith.cmpi sle, %add3A_577, %le3A_582 : vector<1x1024xi32>
    %and3A_584 = arith.andi %ge3A_580, %le3A_583 : vector<1x1024xi1>
    %ge3A_585 = arith.constant 0 : i32
    %ge3A_586 = vector.broadcast %ge3A_585 : i32 to vector<1x1024xi32>
    %ge3A_587 = arith.cmpi sge, %add3A_574, %ge3A_586 : vector<1x1024xi32>
    %and3A_588 = arith.andi %and3A_584, %ge3A_587 : vector<1x1024xi1>
    %le3A_589 = arith.constant 31 : i32
    %le3A_590 = vector.broadcast %le3A_589 : i32 to vector<1x1024xi32>
    %le3A_591 = arith.cmpi sle, %add3A_574, %le3A_590 : vector<1x1024xi32>
    %and3A_592 = arith.andi %and3A_588, %le3A_591 : vector<1x1024xi1>
    %mul3A_593 = arith.mulf %sub3A_564, %sub3A_568 : vector<1x1024xf32>
    %mul3A_594 = arith.mulf %mul3A_593, %mul3A_571 : vector<1x1024xf32>
    %jit3A_595 = arith.constant 0.000000e+00 : f32
    %broadcast_in_dim3A_596 = vector.broadcast %jit3A_595 : f32 to vector<1x1024xf32>
    %select_n3A_597 = arith.select %and3A_592, %mul3A_594, %broadcast_in_dim3A_596 : vector<1x1024xi1>, vector<1x1024xf32>
    %jit3A_598 = arith.constant 0 : i32
    %jit3A_599 = arith.constant 31 : i32
    %max3A_600 = vector.broadcast %jit3A_598 : i32 to vector<1x1024xi32>
    %max3A_601 = arith.maxsi %max3A_600, %add3A_574 : vector<1x1024xi32>
    %min3A_602 = vector.broadcast %jit3A_599 : i32 to vector<1x1024xi32>
    %min3A_603 = arith.minsi %min3A_602, %max3A_601 : vector<1x1024xi32>
    %mul3A_604 = arith.constant 32 : i32
    %mul3A_605 = vector.broadcast %mul3A_604 : i32 to vector<1x1024xi32>
    %mul3A_606 = arith.muli %min3A_603, %mul3A_605 : vector<1x1024xi32>
    %jit3A_607 = arith.constant 0 : i32
    %jit3A_608 = arith.constant 31 : i32
    %max3A_609 = vector.broadcast %jit3A_607 : i32 to vector<1x1024xi32>
    %max3A_610 = arith.maxsi %max3A_609, %add3A_577 : vector<1x1024xi32>
    %min3A_611 = vector.broadcast %jit3A_608 : i32 to vector<1x1024xi32>
    %min3A_612 = arith.minsi %min3A_611, %max3A_610 : vector<1x1024xi32>
    %add3A_613 = arith.addi %mul3A_606, %min3A_612 : vector<1x1024xi32>
    %add3A_614 = vector.broadcast %mul3A_165 : i32 to vector<1x1024xi32>
    %add3A_615 = arith.addi %add3A_613, %add3A_614 : vector<1x1024xi32>
    %add3A_616 = arith.constant 1 : i32
    %add3A_617 = vector.broadcast %add3A_616 : i32 to vector<1x1024xi32>
    %add3A_618 = arith.addi %convert_element_type3A_569, %add3A_617 : vector<1x1024xi32>
    %ge3A_619 = arith.constant 0 : i32
    %ge3A_620 = vector.broadcast %ge3A_619 : i32 to vector<1x1024xi32>
    %ge3A_621 = arith.cmpi sge, %add3A_618, %ge3A_620 : vector<1x1024xi32>
    %le3A_622 = arith.constant 31 : i32
    %le3A_623 = vector.broadcast %le3A_622 : i32 to vector<1x1024xi32>
    %le3A_624 = arith.cmpi sle, %add3A_618, %le3A_623 : vector<1x1024xi32>
    %and3A_625 = arith.andi %ge3A_621, %le3A_624 : vector<1x1024xi1>
    %ge3A_626 = arith.constant 0 : i32
    %ge3A_627 = vector.broadcast %ge3A_626 : i32 to vector<1x1024xi32>
    %ge3A_628 = arith.cmpi sge, %add3A_574, %ge3A_627 : vector<1x1024xi32>
    %and3A_629 = arith.andi %and3A_625, %ge3A_628 : vector<1x1024xi1>
    %le3A_630 = arith.constant 31 : i32
    %le3A_631 = vector.broadcast %le3A_630 : i32 to vector<1x1024xi32>
    %le3A_632 = arith.cmpi sle, %add3A_574, %le3A_631 : vector<1x1024xi32>
    %and3A_633 = arith.andi %and3A_629, %le3A_632 : vector<1x1024xi1>
    %mul3A_634 = arith.mulf %sub3A_561, %sub3A_568 : vector<1x1024xf32>
    %mul3A_635 = arith.mulf %mul3A_634, %mul3A_571 : vector<1x1024xf32>
    %jit3A_636 = arith.constant 0.000000e+00 : f32
    %broadcast_in_dim3A_637 = vector.broadcast %jit3A_636 : f32 to vector<1x1024xf32>
    %select_n3A_638 = arith.select %and3A_633, %mul3A_635, %broadcast_in_dim3A_637 : vector<1x1024xi1>, vector<1x1024xf32>
    %jit3A_639 = arith.constant 0 : i32
    %jit3A_640 = arith.constant 31 : i32
    %max3A_641 = vector.broadcast %jit3A_639 : i32 to vector<1x1024xi32>
    %max3A_642 = arith.maxsi %max3A_641, %add3A_574 : vector<1x1024xi32>
    %min3A_643 = vector.broadcast %jit3A_640 : i32 to vector<1x1024xi32>
    %min3A_644 = arith.minsi %min3A_643, %max3A_642 : vector<1x1024xi32>
    %mul3A_645 = arith.constant 32 : i32
    %mul3A_646 = vector.broadcast %mul3A_645 : i32 to vector<1x1024xi32>
    %mul3A_647 = arith.muli %min3A_644, %mul3A_646 : vector<1x1024xi32>
    %jit3A_648 = arith.constant 0 : i32
    %jit3A_649 = arith.constant 31 : i32
    %max3A_650 = vector.broadcast %jit3A_648 : i32 to vector<1x1024xi32>
    %max3A_651 = arith.maxsi %max3A_650, %add3A_618 : vector<1x1024xi32>
    %min3A_652 = vector.broadcast %jit3A_649 : i32 to vector<1x1024xi32>
    %min3A_653 = arith.minsi %min3A_652, %max3A_651 : vector<1x1024xi32>
    %add3A_654 = arith.addi %mul3A_647, %min3A_653 : vector<1x1024xi32>
    %add3A_655 = vector.broadcast %mul3A_165 : i32 to vector<1x1024xi32>
    %add3A_656 = arith.addi %add3A_654, %add3A_655 : vector<1x1024xi32>
    %add3A_657 = arith.constant 1 : i32
    %add3A_658 = vector.broadcast %add3A_657 : i32 to vector<1x1024xi32>
    %add3A_659 = arith.addi %convert_element_type3A_570, %add3A_658 : vector<1x1024xi32>
    %add3A_660 = arith.constant 0 : i32
    %add3A_661 = vector.broadcast %add3A_660 : i32 to vector<1x1024xi32>
    %add3A_662 = arith.addi %convert_element_type3A_569, %add3A_661 : vector<1x1024xi32>
    %ge3A_663 = arith.constant 0 : i32
    %ge3A_664 = vector.broadcast %ge3A_663 : i32 to vector<1x1024xi32>
    %ge3A_665 = arith.cmpi sge, %add3A_662, %ge3A_664 : vector<1x1024xi32>
    %le3A_666 = arith.constant 31 : i32
    %le3A_667 = vector.broadcast %le3A_666 : i32 to vector<1x1024xi32>
    %le3A_668 = arith.cmpi sle, %add3A_662, %le3A_667 : vector<1x1024xi32>
    %and3A_669 = arith.andi %ge3A_665, %le3A_668 : vector<1x1024xi1>
    %ge3A_670 = arith.constant 0 : i32
    %ge3A_671 = vector.broadcast %ge3A_670 : i32 to vector<1x1024xi32>
    %ge3A_672 = arith.cmpi sge, %add3A_659, %ge3A_671 : vector<1x1024xi32>
    %and3A_673 = arith.andi %and3A_669, %ge3A_672 : vector<1x1024xi1>
    %le3A_674 = arith.constant 31 : i32
    %le3A_675 = vector.broadcast %le3A_674 : i32 to vector<1x1024xi32>
    %le3A_676 = arith.cmpi sle, %add3A_659, %le3A_675 : vector<1x1024xi32>
    %and3A_677 = arith.andi %and3A_673, %le3A_676 : vector<1x1024xi1>
    %mul3A_678 = arith.mulf %sub3A_564, %sub3A_565 : vector<1x1024xf32>
    %mul3A_679 = arith.mulf %mul3A_678, %mul3A_571 : vector<1x1024xf32>
    %jit3A_680 = arith.constant 0.000000e+00 : f32
    %broadcast_in_dim3A_681 = vector.broadcast %jit3A_680 : f32 to vector<1x1024xf32>
    %select_n3A_682 = arith.select %and3A_677, %mul3A_679, %broadcast_in_dim3A_681 : vector<1x1024xi1>, vector<1x1024xf32>
    %jit3A_683 = arith.constant 0 : i32
    %jit3A_684 = arith.constant 31 : i32
    %max3A_685 = vector.broadcast %jit3A_683 : i32 to vector<1x1024xi32>
    %max3A_686 = arith.maxsi %max3A_685, %add3A_659 : vector<1x1024xi32>
    %min3A_687 = vector.broadcast %jit3A_684 : i32 to vector<1x1024xi32>
    %min3A_688 = arith.minsi %min3A_687, %max3A_686 : vector<1x1024xi32>
    %mul3A_689 = arith.constant 32 : i32
    %mul3A_690 = vector.broadcast %mul3A_689 : i32 to vector<1x1024xi32>
    %mul3A_691 = arith.muli %min3A_688, %mul3A_690 : vector<1x1024xi32>
    %jit3A_692 = arith.constant 0 : i32
    %jit3A_693 = arith.constant 31 : i32
    %max3A_694 = vector.broadcast %jit3A_692 : i32 to vector<1x1024xi32>
    %max3A_695 = arith.maxsi %max3A_694, %add3A_662 : vector<1x1024xi32>
    %min3A_696 = vector.broadcast %jit3A_693 : i32 to vector<1x1024xi32>
    %min3A_697 = arith.minsi %min3A_696, %max3A_695 : vector<1x1024xi32>
    %add3A_698 = arith.addi %mul3A_691, %min3A_697 : vector<1x1024xi32>
    %add3A_699 = vector.broadcast %mul3A_165 : i32 to vector<1x1024xi32>
    %add3A_700 = arith.addi %add3A_698, %add3A_699 : vector<1x1024xi32>
    %add3A_701 = arith.constant 1 : i32
    %add3A_702 = vector.broadcast %add3A_701 : i32 to vector<1x1024xi32>
    %add3A_703 = arith.addi %convert_element_type3A_569, %add3A_702 : vector<1x1024xi32>
    %ge3A_704 = arith.constant 0 : i32
    %ge3A_705 = vector.broadcast %ge3A_704 : i32 to vector<1x1024xi32>
    %ge3A_706 = arith.cmpi sge, %add3A_703, %ge3A_705 : vector<1x1024xi32>
    %le3A_707 = arith.constant 31 : i32
    %le3A_708 = vector.broadcast %le3A_707 : i32 to vector<1x1024xi32>
    %le3A_709 = arith.cmpi sle, %add3A_703, %le3A_708 : vector<1x1024xi32>
    %and3A_710 = arith.andi %ge3A_706, %le3A_709 : vector<1x1024xi1>
    %ge3A_711 = arith.constant 0 : i32
    %ge3A_712 = vector.broadcast %ge3A_711 : i32 to vector<1x1024xi32>
    %ge3A_713 = arith.cmpi sge, %add3A_659, %ge3A_712 : vector<1x1024xi32>
    %and3A_714 = arith.andi %and3A_710, %ge3A_713 : vector<1x1024xi1>
    %le3A_715 = arith.constant 31 : i32
    %le3A_716 = vector.broadcast %le3A_715 : i32 to vector<1x1024xi32>
    %le3A_717 = arith.cmpi sle, %add3A_659, %le3A_716 : vector<1x1024xi32>
    %and3A_718 = arith.andi %and3A_714, %le3A_717 : vector<1x1024xi1>
    %mul3A_719 = arith.mulf %sub3A_561, %sub3A_565 : vector<1x1024xf32>
    %mul3A_720 = arith.mulf %mul3A_719, %mul3A_571 : vector<1x1024xf32>
    %jit3A_721 = arith.constant 0.000000e+00 : f32
    %broadcast_in_dim3A_722 = vector.broadcast %jit3A_721 : f32 to vector<1x1024xf32>
    %select_n3A_723 = arith.select %and3A_718, %mul3A_720, %broadcast_in_dim3A_722 : vector<1x1024xi1>, vector<1x1024xf32>
    %jit3A_724 = arith.constant 0 : i32
    %jit3A_725 = arith.constant 31 : i32
    %max3A_726 = vector.broadcast %jit3A_724 : i32 to vector<1x1024xi32>
    %max3A_727 = arith.maxsi %max3A_726, %add3A_659 : vector<1x1024xi32>
    %min3A_728 = vector.broadcast %jit3A_725 : i32 to vector<1x1024xi32>
    %min3A_729 = arith.minsi %min3A_728, %max3A_727 : vector<1x1024xi32>
    %mul3A_730 = arith.constant 32 : i32
    %mul3A_731 = vector.broadcast %mul3A_730 : i32 to vector<1x1024xi32>
    %mul3A_732 = arith.muli %min3A_729, %mul3A_731 : vector<1x1024xi32>
    %jit3A_733 = arith.constant 0 : i32
    %jit3A_734 = arith.constant 31 : i32
    %max3A_735 = vector.broadcast %jit3A_733 : i32 to vector<1x1024xi32>
    %max3A_736 = arith.maxsi %max3A_735, %add3A_703 : vector<1x1024xi32>
    %min3A_737 = vector.broadcast %jit3A_734 : i32 to vector<1x1024xi32>
    %min3A_738 = arith.minsi %min3A_737, %max3A_736 : vector<1x1024xi32>
    %add3A_739 = arith.addi %mul3A_732, %min3A_738 : vector<1x1024xi32>
    %add3A_740 = vector.broadcast %mul3A_165 : i32 to vector<1x1024xi32>
    %add3A_741 = arith.addi %add3A_739, %add3A_740 : vector<1x1024xi32>
    %slice3A_742 = vector.extract_strided_slice %add3A_95 {offsets = [6, 0], sizes = [1, 1024], strides = [1, 1]} : vector<32x1024xf32> to vector<1x1024xf32>
    %add3A_743 = arith.addf %convert_element_type3A, %slice3A_742 : vector<1x1024xf32>
    %slice3A_744 = vector.extract_strided_slice %add3A_95 {offsets = [7, 0], sizes = [1, 1024], strides = [1, 1]} : vector<32x1024xf32> to vector<1x1024xf32>
    %add3A_745 = arith.addf %convert_element_type3A_151, %slice3A_744 : vector<1x1024xf32>
    %floor3A_746 = math.floor %add3A_743 : vector<1x1024xf32>
    %floor3A_747 = math.floor %add3A_745 : vector<1x1024xf32>
    %sub3A_748 = arith.subf %add3A_743, %floor3A_746 : vector<1x1024xf32>
    %sub3A_749 = arith.constant 1.000000e+00 : f32
    %sub3A_750 = vector.broadcast %sub3A_749 : f32 to vector<1x1024xf32>
    %sub3A_751 = arith.subf %sub3A_750, %sub3A_748 : vector<1x1024xf32>
    %sub3A_752 = arith.subf %add3A_745, %floor3A_747 : vector<1x1024xf32>
    %sub3A_753 = arith.constant 1.000000e+00 : f32
    %sub3A_754 = vector.broadcast %sub3A_753 : f32 to vector<1x1024xf32>
    %sub3A_755 = arith.subf %sub3A_754, %sub3A_752 : vector<1x1024xf32>
    %convert_element_type3A_756 = arith.fptosi %floor3A_746 : vector<1x1024xf32> to vector<1x1024xi32>
    %convert_element_type3A_757 = arith.fptosi %floor3A_747 : vector<1x1024xf32> to vector<1x1024xi32>
    %mul3A_758 = arith.mulf %exp3A_178, %div3A_184 : vector<1x1024xf32>
    %add3A_759 = arith.constant 0 : i32
    %add3A_760 = vector.broadcast %add3A_759 : i32 to vector<1x1024xi32>
    %add3A_761 = arith.addi %convert_element_type3A_757, %add3A_760 : vector<1x1024xi32>
    %add3A_762 = arith.constant 0 : i32
    %add3A_763 = vector.broadcast %add3A_762 : i32 to vector<1x1024xi32>
    %add3A_764 = arith.addi %convert_element_type3A_756, %add3A_763 : vector<1x1024xi32>
    %ge3A_765 = arith.constant 0 : i32
    %ge3A_766 = vector.broadcast %ge3A_765 : i32 to vector<1x1024xi32>
    %ge3A_767 = arith.cmpi sge, %add3A_764, %ge3A_766 : vector<1x1024xi32>
    %le3A_768 = arith.constant 31 : i32
    %le3A_769 = vector.broadcast %le3A_768 : i32 to vector<1x1024xi32>
    %le3A_770 = arith.cmpi sle, %add3A_764, %le3A_769 : vector<1x1024xi32>
    %and3A_771 = arith.andi %ge3A_767, %le3A_770 : vector<1x1024xi1>
    %ge3A_772 = arith.constant 0 : i32
    %ge3A_773 = vector.broadcast %ge3A_772 : i32 to vector<1x1024xi32>
    %ge3A_774 = arith.cmpi sge, %add3A_761, %ge3A_773 : vector<1x1024xi32>
    %and3A_775 = arith.andi %and3A_771, %ge3A_774 : vector<1x1024xi1>
    %le3A_776 = arith.constant 31 : i32
    %le3A_777 = vector.broadcast %le3A_776 : i32 to vector<1x1024xi32>
    %le3A_778 = arith.cmpi sle, %add3A_761, %le3A_777 : vector<1x1024xi32>
    %and3A_779 = arith.andi %and3A_775, %le3A_778 : vector<1x1024xi1>
    %mul3A_780 = arith.mulf %sub3A_751, %sub3A_755 : vector<1x1024xf32>
    %mul3A_781 = arith.mulf %mul3A_780, %mul3A_758 : vector<1x1024xf32>
    %jit3A_782 = arith.constant 0.000000e+00 : f32
    %broadcast_in_dim3A_783 = vector.broadcast %jit3A_782 : f32 to vector<1x1024xf32>
    %select_n3A_784 = arith.select %and3A_779, %mul3A_781, %broadcast_in_dim3A_783 : vector<1x1024xi1>, vector<1x1024xf32>
    %jit3A_785 = arith.constant 0 : i32
    %jit3A_786 = arith.constant 31 : i32
    %max3A_787 = vector.broadcast %jit3A_785 : i32 to vector<1x1024xi32>
    %max3A_788 = arith.maxsi %max3A_787, %add3A_761 : vector<1x1024xi32>
    %min3A_789 = vector.broadcast %jit3A_786 : i32 to vector<1x1024xi32>
    %min3A_790 = arith.minsi %min3A_789, %max3A_788 : vector<1x1024xi32>
    %mul3A_791 = arith.constant 32 : i32
    %mul3A_792 = vector.broadcast %mul3A_791 : i32 to vector<1x1024xi32>
    %mul3A_793 = arith.muli %min3A_790, %mul3A_792 : vector<1x1024xi32>
    %jit3A_794 = arith.constant 0 : i32
    %jit3A_795 = arith.constant 31 : i32
    %max3A_796 = vector.broadcast %jit3A_794 : i32 to vector<1x1024xi32>
    %max3A_797 = arith.maxsi %max3A_796, %add3A_764 : vector<1x1024xi32>
    %min3A_798 = vector.broadcast %jit3A_795 : i32 to vector<1x1024xi32>
    %min3A_799 = arith.minsi %min3A_798, %max3A_797 : vector<1x1024xi32>
    %add3A_800 = arith.addi %mul3A_793, %min3A_799 : vector<1x1024xi32>
    %add3A_801 = vector.broadcast %mul3A_165 : i32 to vector<1x1024xi32>
    %add3A_802 = arith.addi %add3A_800, %add3A_801 : vector<1x1024xi32>
    %add3A_803 = arith.constant 1 : i32
    %add3A_804 = vector.broadcast %add3A_803 : i32 to vector<1x1024xi32>
    %add3A_805 = arith.addi %convert_element_type3A_756, %add3A_804 : vector<1x1024xi32>
    %ge3A_806 = arith.constant 0 : i32
    %ge3A_807 = vector.broadcast %ge3A_806 : i32 to vector<1x1024xi32>
    %ge3A_808 = arith.cmpi sge, %add3A_805, %ge3A_807 : vector<1x1024xi32>
    %le3A_809 = arith.constant 31 : i32
    %le3A_810 = vector.broadcast %le3A_809 : i32 to vector<1x1024xi32>
    %le3A_811 = arith.cmpi sle, %add3A_805, %le3A_810 : vector<1x1024xi32>
    %and3A_812 = arith.andi %ge3A_808, %le3A_811 : vector<1x1024xi1>
    %ge3A_813 = arith.constant 0 : i32
    %ge3A_814 = vector.broadcast %ge3A_813 : i32 to vector<1x1024xi32>
    %ge3A_815 = arith.cmpi sge, %add3A_761, %ge3A_814 : vector<1x1024xi32>
    %and3A_816 = arith.andi %and3A_812, %ge3A_815 : vector<1x1024xi1>
    %le3A_817 = arith.constant 31 : i32
    %le3A_818 = vector.broadcast %le3A_817 : i32 to vector<1x1024xi32>
    %le3A_819 = arith.cmpi sle, %add3A_761, %le3A_818 : vector<1x1024xi32>
    %and3A_820 = arith.andi %and3A_816, %le3A_819 : vector<1x1024xi1>
    %mul3A_821 = arith.mulf %sub3A_748, %sub3A_755 : vector<1x1024xf32>
    %mul3A_822 = arith.mulf %mul3A_821, %mul3A_758 : vector<1x1024xf32>
    %jit3A_823 = arith.constant 0.000000e+00 : f32
    %broadcast_in_dim3A_824 = vector.broadcast %jit3A_823 : f32 to vector<1x1024xf32>
    %select_n3A_825 = arith.select %and3A_820, %mul3A_822, %broadcast_in_dim3A_824 : vector<1x1024xi1>, vector<1x1024xf32>
    %jit3A_826 = arith.constant 0 : i32
    %jit3A_827 = arith.constant 31 : i32
    %max3A_828 = vector.broadcast %jit3A_826 : i32 to vector<1x1024xi32>
    %max3A_829 = arith.maxsi %max3A_828, %add3A_761 : vector<1x1024xi32>
    %min3A_830 = vector.broadcast %jit3A_827 : i32 to vector<1x1024xi32>
    %min3A_831 = arith.minsi %min3A_830, %max3A_829 : vector<1x1024xi32>
    %mul3A_832 = arith.constant 32 : i32
    %mul3A_833 = vector.broadcast %mul3A_832 : i32 to vector<1x1024xi32>
    %mul3A_834 = arith.muli %min3A_831, %mul3A_833 : vector<1x1024xi32>
    %jit3A_835 = arith.constant 0 : i32
    %jit3A_836 = arith.constant 31 : i32
    %max3A_837 = vector.broadcast %jit3A_835 : i32 to vector<1x1024xi32>
    %max3A_838 = arith.maxsi %max3A_837, %add3A_805 : vector<1x1024xi32>
    %min3A_839 = vector.broadcast %jit3A_836 : i32 to vector<1x1024xi32>
    %min3A_840 = arith.minsi %min3A_839, %max3A_838 : vector<1x1024xi32>
    %add3A_841 = arith.addi %mul3A_834, %min3A_840 : vector<1x1024xi32>
    %add3A_842 = vector.broadcast %mul3A_165 : i32 to vector<1x1024xi32>
    %add3A_843 = arith.addi %add3A_841, %add3A_842 : vector<1x1024xi32>
    %add3A_844 = arith.constant 1 : i32
    %add3A_845 = vector.broadcast %add3A_844 : i32 to vector<1x1024xi32>
    %add3A_846 = arith.addi %convert_element_type3A_757, %add3A_845 : vector<1x1024xi32>
    %add3A_847 = arith.constant 0 : i32
    %add3A_848 = vector.broadcast %add3A_847 : i32 to vector<1x1024xi32>
    %add3A_849 = arith.addi %convert_element_type3A_756, %add3A_848 : vector<1x1024xi32>
    %ge3A_850 = arith.constant 0 : i32
    %ge3A_851 = vector.broadcast %ge3A_850 : i32 to vector<1x1024xi32>
    %ge3A_852 = arith.cmpi sge, %add3A_849, %ge3A_851 : vector<1x1024xi32>
    %le3A_853 = arith.constant 31 : i32
    %le3A_854 = vector.broadcast %le3A_853 : i32 to vector<1x1024xi32>
    %le3A_855 = arith.cmpi sle, %add3A_849, %le3A_854 : vector<1x1024xi32>
    %and3A_856 = arith.andi %ge3A_852, %le3A_855 : vector<1x1024xi1>
    %ge3A_857 = arith.constant 0 : i32
    %ge3A_858 = vector.broadcast %ge3A_857 : i32 to vector<1x1024xi32>
    %ge3A_859 = arith.cmpi sge, %add3A_846, %ge3A_858 : vector<1x1024xi32>
    %and3A_860 = arith.andi %and3A_856, %ge3A_859 : vector<1x1024xi1>
    %le3A_861 = arith.constant 31 : i32
    %le3A_862 = vector.broadcast %le3A_861 : i32 to vector<1x1024xi32>
    %le3A_863 = arith.cmpi sle, %add3A_846, %le3A_862 : vector<1x1024xi32>
    %and3A_864 = arith.andi %and3A_860, %le3A_863 : vector<1x1024xi1>
    %mul3A_865 = arith.mulf %sub3A_751, %sub3A_752 : vector<1x1024xf32>
    %mul3A_866 = arith.mulf %mul3A_865, %mul3A_758 : vector<1x1024xf32>
    %jit3A_867 = arith.constant 0.000000e+00 : f32
    %broadcast_in_dim3A_868 = vector.broadcast %jit3A_867 : f32 to vector<1x1024xf32>
    %select_n3A_869 = arith.select %and3A_864, %mul3A_866, %broadcast_in_dim3A_868 : vector<1x1024xi1>, vector<1x1024xf32>
    %jit3A_870 = arith.constant 0 : i32
    %jit3A_871 = arith.constant 31 : i32
    %max3A_872 = vector.broadcast %jit3A_870 : i32 to vector<1x1024xi32>
    %max3A_873 = arith.maxsi %max3A_872, %add3A_846 : vector<1x1024xi32>
    %min3A_874 = vector.broadcast %jit3A_871 : i32 to vector<1x1024xi32>
    %min3A_875 = arith.minsi %min3A_874, %max3A_873 : vector<1x1024xi32>
    %mul3A_876 = arith.constant 32 : i32
    %mul3A_877 = vector.broadcast %mul3A_876 : i32 to vector<1x1024xi32>
    %mul3A_878 = arith.muli %min3A_875, %mul3A_877 : vector<1x1024xi32>
    %jit3A_879 = arith.constant 0 : i32
    %jit3A_880 = arith.constant 31 : i32
    %max3A_881 = vector.broadcast %jit3A_879 : i32 to vector<1x1024xi32>
    %max3A_882 = arith.maxsi %max3A_881, %add3A_849 : vector<1x1024xi32>
    %min3A_883 = vector.broadcast %jit3A_880 : i32 to vector<1x1024xi32>
    %min3A_884 = arith.minsi %min3A_883, %max3A_882 : vector<1x1024xi32>
    %add3A_885 = arith.addi %mul3A_878, %min3A_884 : vector<1x1024xi32>
    %add3A_886 = vector.broadcast %mul3A_165 : i32 to vector<1x1024xi32>
    %add3A_887 = arith.addi %add3A_885, %add3A_886 : vector<1x1024xi32>
    %add3A_888 = arith.constant 1 : i32
    %add3A_889 = vector.broadcast %add3A_888 : i32 to vector<1x1024xi32>
    %add3A_890 = arith.addi %convert_element_type3A_756, %add3A_889 : vector<1x1024xi32>
    %ge3A_891 = arith.constant 0 : i32
    %ge3A_892 = vector.broadcast %ge3A_891 : i32 to vector<1x1024xi32>
    %ge3A_893 = arith.cmpi sge, %add3A_890, %ge3A_892 : vector<1x1024xi32>
    %le3A_894 = arith.constant 31 : i32
    %le3A_895 = vector.broadcast %le3A_894 : i32 to vector<1x1024xi32>
    %le3A_896 = arith.cmpi sle, %add3A_890, %le3A_895 : vector<1x1024xi32>
    %and3A_897 = arith.andi %ge3A_893, %le3A_896 : vector<1x1024xi1>
    %ge3A_898 = arith.constant 0 : i32
    %ge3A_899 = vector.broadcast %ge3A_898 : i32 to vector<1x1024xi32>
    %ge3A_900 = arith.cmpi sge, %add3A_846, %ge3A_899 : vector<1x1024xi32>
    %and3A_901 = arith.andi %and3A_897, %ge3A_900 : vector<1x1024xi1>
    %le3A_902 = arith.constant 31 : i32
    %le3A_903 = vector.broadcast %le3A_902 : i32 to vector<1x1024xi32>
    %le3A_904 = arith.cmpi sle, %add3A_846, %le3A_903 : vector<1x1024xi32>
    %and3A_905 = arith.andi %and3A_901, %le3A_904 : vector<1x1024xi1>
    %mul3A_906 = arith.mulf %sub3A_748, %sub3A_752 : vector<1x1024xf32>
    %mul3A_907 = arith.mulf %mul3A_906, %mul3A_758 : vector<1x1024xf32>
    %jit3A_908 = arith.constant 0.000000e+00 : f32
    %broadcast_in_dim3A_909 = vector.broadcast %jit3A_908 : f32 to vector<1x1024xf32>
    %select_n3A_910 = arith.select %and3A_905, %mul3A_907, %broadcast_in_dim3A_909 : vector<1x1024xi1>, vector<1x1024xf32>
    %jit3A_911 = arith.constant 0 : i32
    %jit3A_912 = arith.constant 31 : i32
    %max3A_913 = vector.broadcast %jit3A_911 : i32 to vector<1x1024xi32>
    %max3A_914 = arith.maxsi %max3A_913, %add3A_846 : vector<1x1024xi32>
    %min3A_915 = vector.broadcast %jit3A_912 : i32 to vector<1x1024xi32>
    %min3A_916 = arith.minsi %min3A_915, %max3A_914 : vector<1x1024xi32>
    %mul3A_917 = arith.constant 32 : i32
    %mul3A_918 = vector.broadcast %mul3A_917 : i32 to vector<1x1024xi32>
    %mul3A_919 = arith.muli %min3A_916, %mul3A_918 : vector<1x1024xi32>
    %jit3A_920 = arith.constant 0 : i32
    %jit3A_921 = arith.constant 31 : i32
    %max3A_922 = vector.broadcast %jit3A_920 : i32 to vector<1x1024xi32>
    %max3A_923 = arith.maxsi %max3A_922, %add3A_890 : vector<1x1024xi32>
    %min3A_924 = vector.broadcast %jit3A_921 : i32 to vector<1x1024xi32>
    %min3A_925 = arith.minsi %min3A_924, %max3A_923 : vector<1x1024xi32>
    %add3A_926 = arith.addi %mul3A_919, %min3A_925 : vector<1x1024xi32>
    %add3A_927 = vector.broadcast %mul3A_165 : i32 to vector<1x1024xi32>
    %add3A_928 = arith.addi %add3A_926, %add3A_927 : vector<1x1024xi32>
    %concatenate3A_929 = tpu.concatenate %select_n3A_224, %select_n3A_264, %select_n3A_308, %select_n3A_349, %select_n3A_410, %select_n3A_451, %select_n3A_495, %select_n3A_536, %select_n3A_597, %select_n3A_638, %select_n3A_682, %select_n3A_723, %select_n3A_784, %select_n3A_825, %select_n3A_869, %select_n3A_910 in 0 : vector<1x1024xf32>, vector<1x1024xf32>, vector<1x1024xf32>, vector<1x1024xf32>, vector<1x1024xf32>, vector<1x1024xf32>, vector<1x1024xf32>, vector<1x1024xf32>, vector<1x1024xf32>, vector<1x1024xf32>, vector<1x1024xf32>, vector<1x1024xf32>, vector<1x1024xf32>, vector<1x1024xf32>, vector<1x1024xf32>, vector<1x1024xf32> -> vector<16x1024xf32>
    %transpose3A = tpu.transpose %concatenate3A_929, [1, 0] : vector<16x1024xf32> -> vector<1024x16xf32>
    %swap3A_930 = arith.constant 0 : index
    %swap3A_931 = arith.constant 0 : index
    %swap3A_932 = arith.constant 0 : index
    %swap3A_933 = arith.constant 0 : index
    %swap3A_934 = vector.load %arg16[%swap3A_930, %swap3A_931, %swap3A_932, %swap3A_933] : memref<1x4x1024x16xf32, #tpu.memory_space<vmem>>, vector<1x1x1024x16xf32>
    %swap3A_935 = vector.shape_cast %swap3A_934 : vector<1x1x1024x16xf32> to vector<1024x16xf32>
    %swap3A_936 = vector.shape_cast %transpose3A : vector<1024x16xf32> to vector<1x1x1024x16xf32>
    tpu.vector_store %arg16[%swap3A_930, %swap3A_931, %swap3A_932, %swap3A_933], %swap3A_936 {strides = array<i32>} : memref<1x4x1024x16xf32, #tpu.memory_space<vmem>>, vector<1x1x1024x16xf32>,
    %concatenate3A_937 = tpu.concatenate %add3A_241, %add3A_282, %add3A_326, %add3A_367, %add3A_428, %add3A_469, %add3A_513, %add3A_554, %add3A_615, %add3A_656, %add3A_700, %add3A_741, %add3A_802, %add3A_843, %add3A_887, %add3A_928 in 0 : vector<1x1024xi32>, vector<1x1024xi32>, vector<1x1024xi32>, vector<1x1024xi32>, vector<1x1024xi32>, vector<1x1024xi32>, vector<1x1024xi32>, vector<1x1024xi32>, vector<1x1024xi32>, vector<1x1024xi32>, vector<1x1024xi32>, vector<1x1024xi32>, vector<1x1024xi32>, vector<1x1024xi32>, vector<1x1024xi32>, vector<1x1024xi32> -> vector<16x1024xi32>
    %transpose3A_938 = tpu.transpose %concatenate3A_937, [1, 0] : vector<16x1024xi32> -> vector<1024x16xi32>
    %swap3A_939 = arith.constant 0 : index
    %swap3A_940 = arith.constant 0 : index
    %swap3A_941 = arith.constant 0 : index
    %swap3A_942 = arith.constant 0 : index
    %swap3A_943 = vector.load %arg15[%swap3A_939, %swap3A_940, %swap3A_941, %swap3A_942] : memref<1x4x1024x16xi32, #tpu.memory_space<vmem>>, vector<1x1x1024x16xi32>
    %swap3A_944 = vector.shape_cast %swap3A_943 : vector<1x1x1024x16xi32> to vector<1024x16xi32>
    %swap3A_945 = vector.shape_cast %transpose3A_938 : vector<1024x16xi32> to vector<1x1x1024x16xi32>
    tpu.vector_store %arg15[%swap3A_939, %swap3A_940, %swap3A_941, %swap3A_942], %swap3A_945 {strides = array<i32>} : memref<1x4x1024x16xi32, #tpu.memory_space<vmem>>, vector<1x1x1024x16xi32>,
    %slice3A_946 = vector.extract_strided_slice %add3A_86 {offsets = [0, 96], sizes = [1024, 96], strides = [1, 1]} : vector<1024x384xf32> to vector<1024x96xf32>
    %concatenate3A_947 = tpu.concatenate %slice3A_946, %broadcast_in_dim3A_153 in 1 : vector<1024x96xf32>, vector<1024x32xf32> -> vector<1024x128xf32>
    %swap3A_948 = arith.constant 0 : index
    %swap3A_949 = arith.constant 1 : index
    %swap3A_950 = arith.constant 0 : index
    %swap3A_951 = arith.constant 0 : index
    %swap3A_952 = vector.load %arg14[%swap3A_948, %swap3A_949, %swap3A_950, %swap3A_951] : memref<1x4x1024x128xf32, #tpu.memory_space<vmem>>, vector<1x1x1024x128xf32>
    %swap3A_953 = vector.shape_cast %swap3A_952 : vector<1x1x1024x128xf32> to vector<1024x128xf32>
    %swap3A_954 = vector.shape_cast %concatenate3A_947 : vector<1024x128xf32> to vector<1x1x1024x128xf32>
    tpu.vector_store %arg14[%swap3A_948, %swap3A_949, %swap3A_950, %swap3A_951], %swap3A_954 {strides = array<i32>} : memref<1x4x1024x128xf32, #tpu.memory_space<vmem>>, vector<1x1x1024x128xf32>,
    %mul3A_955 = arith.constant 4 : i32
    %mul3A_956 = arith.muli %arg0, %mul3A_955 : i32
    %add3A_957 = arith.constant 1 : i32
    %add3A_958 = arith.addi %mul3A_956, %add3A_957 : i32
    %mul3A_959 = arith.constant 1024 : i32
    %mul3A_960 = arith.muli %add3A_958, %mul3A_959 : i32
    %slice3A_961 = vector.extract_strided_slice %add3A_105 {offsets = [4, 0], sizes = [1, 1024], strides = [1, 1]} : vector<16x1024xf32> to vector<1x1024xf32>
    %slice3A_962 = vector.extract_strided_slice %add3A_105 {offsets = [5, 0], sizes = [1, 1024], strides = [1, 1]} : vector<16x1024xf32> to vector<1x1024xf32>
    %slice3A_963 = vector.extract_strided_slice %add3A_105 {offsets = [6, 0], sizes = [1, 1024], strides = [1, 1]} : vector<16x1024xf32> to vector<1x1024xf32>
    %slice3A_964 = vector.extract_strided_slice %add3A_105 {offsets = [7, 0], sizes = [1, 1024], strides = [1, 1]} : vector<16x1024xf32> to vector<1x1024xf32>
    %max3A_965 = arith.maximumf %slice3A_961, %slice3A_962 : vector<1x1024xf32>
    %max3A_966 = arith.maximumf %slice3A_963, %slice3A_964 : vector<1x1024xf32>
    %max3A_967 = arith.maximumf %max3A_965, %max3A_966 : vector<1x1024xf32>
    %sub3A_968 = arith.subf %slice3A_961, %max3A_967 : vector<1x1024xf32>
    %exp3A_969 = math.exp %sub3A_968 : vector<1x1024xf32>
    %sub3A_970 = arith.subf %slice3A_962, %max3A_967 : vector<1x1024xf32>
    %exp3A_971 = math.exp %sub3A_970 : vector<1x1024xf32>
    %sub3A_972 = arith.subf %slice3A_963, %max3A_967 : vector<1x1024xf32>
    %exp3A_973 = math.exp %sub3A_972 : vector<1x1024xf32>
    %sub3A_974 = arith.subf %slice3A_964, %max3A_967 : vector<1x1024xf32>
    %exp3A_975 = math.exp %sub3A_974 : vector<1x1024xf32>
    %add3A_976 = arith.addf %exp3A_969, %exp3A_971 : vector<1x1024xf32>
    %add3A_977 = arith.addf %add3A_976, %exp3A_973 : vector<1x1024xf32>
    %add3A_978 = arith.addf %add3A_977, %exp3A_975 : vector<1x1024xf32>
    %div3A_979 = arith.constant 1.000000e+00 : f32
    %div3A_980 = vector.broadcast %div3A_979 : f32 to vector<1x1024xf32>
    %div3A_981 = arith.divf %div3A_980, %add3A_978 : vector<1x1024xf32>
    %slice3A_982 = vector.extract_strided_slice %add3A_95 {offsets = [8, 0], sizes = [1, 1024], strides = [1, 1]} : vector<32x1024xf32> to vector<1x1024xf32>
    %add3A_983 = arith.addf %convert_element_type3A, %slice3A_982 : vector<1x1024xf32>
    %slice3A_984 = vector.extract_strided_slice %add3A_95 {offsets = [9, 0], sizes = [1, 1024], strides = [1, 1]} : vector<32x1024xf32> to vector<1x1024xf32>
    %add3A_985 = arith.addf %convert_element_type3A_151, %slice3A_984 : vector<1x1024xf32>
    %floor3A_986 = math.floor %add3A_983 : vector<1x1024xf32>
    %floor3A_987 = math.floor %add3A_985 : vector<1x1024xf32>
    %sub3A_988 = arith.subf %add3A_983, %floor3A_986 : vector<1x1024xf32>
    %sub3A_989 = arith.constant 1.000000e+00 : f32
    %sub3A_990 = vector.broadcast %sub3A_989 : f32 to vector<1x1024xf32>
    %sub3A_991 = arith.subf %sub3A_990, %sub3A_988 : vector<1x1024xf32>
    %sub3A_992 = arith.subf %add3A_985, %floor3A_987 : vector<1x1024xf32>
    %sub3A_993 = arith.constant 1.000000e+00 : f32
    %sub3A_994 = vector.broadcast %sub3A_993 : f32 to vector<1x1024xf32>
    %sub3A_995 = arith.subf %sub3A_994, %sub3A_992 : vector<1x1024xf32>
    %convert_element_type3A_996 = arith.fptosi %floor3A_986 : vector<1x1024xf32> to vector<1x1024xi32>
    %convert_element_type3A_997 = arith.fptosi %floor3A_987 : vector<1x1024xf32> to vector<1x1024xi32>
    %mul3A_998 = arith.mulf %exp3A_969, %div3A_981 : vector<1x1024xf32>
    %add3A_999 = arith.constant 0 : i32
    %add3A_1000 = vector.broadcast %add3A_999 : i32 to vector<1x1024xi32>
    %add3A_1001 = arith.addi %convert_element_type3A_997, %add3A_1000 : vector<1x1024xi32>
    %add3A_1002 = arith.constant 0 : i32
    %add3A_1003 = vector.broadcast %add3A_1002 : i32 to vector<1x1024xi32>
    %add3A_1004 = arith.addi %convert_element_type3A_996, %add3A_1003 : vector<1x1024xi32>
    %ge3A_1005 = arith.constant 0 : i32
    %ge3A_1006 = vector.broadcast %ge3A_1005 : i32 to vector<1x1024xi32>
    %ge3A_1007 = arith.cmpi sge, %add3A_1004, %ge3A_1006 : vector<1x1024xi32>
    %le3A_1008 = arith.constant 31 : i32
    %le3A_1009 = vector.broadcast %le3A_1008 : i32 to vector<1x1024xi32>
    %le3A_1010 = arith.cmpi sle, %add3A_1004, %le3A_1009 : vector<1x1024xi32>
    %and3A_1011 = arith.andi %ge3A_1007, %le3A_1010 : vector<1x1024xi1>
    %ge3A_1012 = arith.constant 0 : i32
    %ge3A_1013 = vector.broadcast %ge3A_1012 : i32 to vector<1x1024xi32>
    %ge3A_1014 = arith.cmpi sge, %add3A_1001, %ge3A_1013 : vector<1x1024xi32>
    %and3A_1015 = arith.andi %and3A_1011, %ge3A_1014 : vector<1x1024xi1>
    %le3A_1016 = arith.constant 31 : i32
    %le3A_1017 = vector.broadcast %le3A_1016 : i32 to vector<1x1024xi32>
    %le3A_1018 = arith.cmpi sle, %add3A_1001, %le3A_1017 : vector<1x1024xi32>
    %and3A_1019 = arith.andi %and3A_1015, %le3A_1018 : vector<1x1024xi1>
    %mul3A_1020 = arith.mulf %sub3A_991, %sub3A_995 : vector<1x1024xf32>
    %mul3A_1021 = arith.mulf %mul3A_1020, %mul3A_998 : vector<1x1024xf32>
    %jit3A_1022 = arith.constant 0.000000e+00 : f32
    %broadcast_in_dim3A_1023 = vector.broadcast %jit3A_1022 : f32 to vector<1x1024xf32>
    %select_n3A_1024 = arith.select %and3A_1019, %mul3A_1021, %broadcast_in_dim3A_1023 : vector<1x1024xi1>, vector<1x1024xf32>
    %jit3A_1025 = arith.constant 0 : i32
    %jit3A_1026 = arith.constant 31 : i32
    %max3A_1027 = vector.broadcast %jit3A_1025 : i32 to vector<1x1024xi32>
    %max3A_1028 = arith.maxsi %max3A_1027, %add3A_1001 : vector<1x1024xi32>
    %min3A_1029 = vector.broadcast %jit3A_1026 : i32 to vector<1x1024xi32>
    %min3A_1030 = arith.minsi %min3A_1029, %max3A_1028 : vector<1x1024xi32>
    %mul3A_1031 = arith.constant 32 : i32
    %mul3A_1032 = vector.broadcast %mul3A_1031 : i32 to vector<1x1024xi32>
    %mul3A_1033 = arith.muli %min3A_1030, %mul3A_1032 : vector<1x1024xi32>
    %jit3A_1034 = arith.constant 0 : i32
    %jit3A_1035 = arith.constant 31 : i32
    %max3A_1036 = vector.broadcast %jit3A_1034 : i32 to vector<1x1024xi32>
    %max3A_1037 = arith.maxsi %max3A_1036, %add3A_1004 : vector<1x1024xi32>
    %min3A_1038 = vector.broadcast %jit3A_1035 : i32 to vector<1x1024xi32>
    %min3A_1039 = arith.minsi %min3A_1038, %max3A_1037 : vector<1x1024xi32>
    %add3A_1040 = arith.addi %mul3A_1033, %min3A_1039 : vector<1x1024xi32>
    %add3A_1041 = vector.broadcast %mul3A_960 : i32 to vector<1x1024xi32>
    %add3A_1042 = arith.addi %add3A_1040, %add3A_1041 : vector<1x1024xi32>
    %add3A_1043 = arith.constant 1 : i32
    %add3A_1044 = vector.broadcast %add3A_1043 : i32 to vector<1x1024xi32>
    %add3A_1045 = arith.addi %convert_element_type3A_996, %add3A_1044 : vector<1x1024xi32>
    %ge3A_1046 = arith.constant 0 : i32
    %ge3A_1047 = vector.broadcast %ge3A_1046 : i32 to vector<1x1024xi32>
    %ge3A_1048 = arith.cmpi sge, %add3A_1045, %ge3A_1047 : vector<1x1024xi32>
    %le3A_1049 = arith.constant 31 : i32
    %le3A_1050 = vector.broadcast %le3A_1049 : i32 to vector<1x1024xi32>
    %le3A_1051 = arith.cmpi sle, %add3A_1045, %le3A_1050 : vector<1x1024xi32>
    %and3A_1052 = arith.andi %ge3A_1048, %le3A_1051 : vector<1x1024xi1>
    %ge3A_1053 = arith.constant 0 : i32
    %ge3A_1054 = vector.broadcast %ge3A_1053 : i32 to vector<1x1024xi32>
    %ge3A_1055 = arith.cmpi sge, %add3A_1001, %ge3A_1054 : vector<1x1024xi32>
    %and3A_1056 = arith.andi %and3A_1052, %ge3A_1055 : vector<1x1024xi1>
    %le3A_1057 = arith.constant 31 : i32
    %le3A_1058 = vector.broadcast %le3A_1057 : i32 to vector<1x1024xi32>
    %le3A_1059 = arith.cmpi sle, %add3A_1001, %le3A_1058 : vector<1x1024xi32>
    %and3A_1060 = arith.andi %and3A_1056, %le3A_1059 : vector<1x1024xi1>
    %mul3A_1061 = arith.mulf %sub3A_988, %sub3A_995 : vector<1x1024xf32>
    %mul3A_1062 = arith.mulf %mul3A_1061, %mul3A_998 : vector<1x1024xf32>
    %jit3A_1063 = arith.constant 0.000000e+00 : f32
    %broadcast_in_dim3A_1064 = vector.broadcast %jit3A_1063 : f32 to vector<1x1024xf32>
    %select_n3A_1065 = arith.select %and3A_1060, %mul3A_1062, %broadcast_in_dim3A_1064 : vector<1x1024xi1>, vector<1x1024xf32>
    %jit3A_1066 = arith.constant 0 : i32
    %jit3A_1067 = arith.constant 31 : i32
    %max3A_1068 = vector.broadcast %jit3A_1066 : i32 to vector<1x1024xi32>
    %max3A_1069 = arith.maxsi %max3A_1068, %add3A_1001 : vector<1x1024xi32>
    %min3A_1070 = vector.broadcast %jit3A_1067 : i32 to vector<1x1024xi32>
    %min3A_1071 = arith.minsi %min3A_1070, %max3A_1069 : vector<1x1024xi32>
    %mul3A_1072 = arith.constant 32 : i32
    %mul3A_1073 = vector.broadcast %mul3A_1072 : i32 to vector<1x1024xi32>
    %mul3A_1074 = arith.muli %min3A_1071, %mul3A_1073 : vector<1x1024xi32>
    %jit3A_1075 = arith.constant 0 : i32
    %jit3A_1076 = arith.constant 31 : i32
    %max3A_1077 = vector.broadcast %jit3A_1075 : i32 to vector<1x1024xi32>
    %max3A_1078 = arith.maxsi %max3A_1077, %add3A_1045 : vector<1x1024xi32>
    %min3A_1079 = vector.broadcast %jit3A_1076 : i32 to vector<1x1024xi32>
    %min3A_1080 = arith.minsi %min3A_1079, %max3A_1078 : vector<1x1024xi32>
    %add3A_1081 = arith.addi %mul3A_1074, %min3A_1080 : vector<1x1024xi32>
    %add3A_1082 = vector.broadcast %mul3A_960 : i32 to vector<1x1024xi32>
    %add3A_1083 = arith.addi %add3A_1081, %add3A_1082 : vector<1x1024xi32>
    %add3A_1084 = arith.constant 1 : i32
    %add3A_1085 = vector.broadcast %add3A_1084 : i32 to vector<1x1024xi32>
    %add3A_1086 = arith.addi %convert_element_type3A_997, %add3A_1085 : vector<1x1024xi32>
    %add3A_1087 = arith.constant 0 : i32
    %add3A_1088 = vector.broadcast %add3A_1087 : i32 to vector<1x1024xi32>
    %add3A_1089 = arith.addi %convert_element_type3A_996, %add3A_1088 : vector<1x1024xi32>
    %ge3A_1090 = arith.constant 0 : i32
    %ge3A_1091 = vector.broadcast %ge3A_1090 : i32 to vector<1x1024xi32>
    %ge3A_1092 = arith.cmpi sge, %add3A_1089, %ge3A_1091 : vector<1x1024xi32>
    %le3A_1093 = arith.constant 31 : i32
    %le3A_1094 = vector.broadcast %le3A_1093 : i32 to vector<1x1024xi32>
    %le3A_1095 = arith.cmpi sle, %add3A_1089, %le3A_1094 : vector<1x1024xi32>
    %and3A_1096 = arith.andi %ge3A_1092, %le3A_1095 : vector<1x1024xi1>
    %ge3A_1097 = arith.constant 0 : i32
    %ge3A_1098 = vector.broadcast %ge3A_1097 : i32 to vector<1x1024xi32>
    %ge3A_1099 = arith.cmpi sge, %add3A_1086, %ge3A_1098 : vector<1x1024xi32>
    %and3A_1100 = arith.andi %and3A_1096, %ge3A_1099 : vector<1x1024xi1>
    %le3A_1101 = arith.constant 31 : i32
    %le3A_1102 = vector.broadcast %le3A_1101 : i32 to vector<1x1024xi32>
    %le3A_1103 = arith.cmpi sle, %add3A_1086, %le3A_1102 : vector<1x1024xi32>
    %and3A_1104 = arith.andi %and3A_1100, %le3A_1103 : vector<1x1024xi1>
    %mul3A_1105 = arith.mulf %sub3A_991, %sub3A_992 : vector<1x1024xf32>
    %mul3A_1106 = arith.mulf %mul3A_1105, %mul3A_998 : vector<1x1024xf32>
    %jit3A_1107 = arith.constant 0.000000e+00 : f32
    %broadcast_in_dim3A_1108 = vector.broadcast %jit3A_1107 : f32 to vector<1x1024xf32>
    %select_n3A_1109 = arith.select %and3A_1104, %mul3A_1106, %broadcast_in_dim3A_1108 : vector<1x1024xi1>, vector<1x1024xf32>
    %jit3A_1110 = arith.constant 0 : i32
    %jit3A_1111 = arith.constant 31 : i32
    %max3A_1112 = vector.broadcast %jit3A_1110 : i32 to vector<1x1024xi32>
    %max3A_1113 = arith.maxsi %max3A_1112, %add3A_1086 : vector<1x1024xi32>
    %min3A_1114 = vector.broadcast %jit3A_1111 : i32 to vector<1x1024xi32>
    %min3A_1115 = arith.minsi %min3A_1114, %max3A_1113 : vector<1x1024xi32>
    %mul3A_1116 = arith.constant 32 : i32
    %mul3A_1117 = vector.broadcast %mul3A_1116 : i32 to vector<1x1024xi32>
    %mul3A_1118 = arith.muli %min3A_1115, %mul3A_1117 : vector<1x1024xi32>
    %jit3A_1119 = arith.constant 0 : i32
    %jit3A_1120 = arith.constant 31 : i32
    %max3A_1121 = vector.broadcast %jit3A_1119 : i32 to vector<1x1024xi32>
    %max3A_1122 = arith.maxsi %max3A_1121, %add3A_1089 : vector<1x1024xi32>
    %min3A_1123 = vector.broadcast %jit3A_1120 : i32 to vector<1x1024xi32>
    %min3A_1124 = arith.minsi %min3A_1123, %max3A_1122 : vector<1x1024xi32>
    %add3A_1125 = arith.addi %mul3A_1118, %min3A_1124 : vector<1x1024xi32>
    %add3A_1126 = vector.broadcast %mul3A_960 : i32 to vector<1x1024xi32>
    %add3A_1127 = arith.addi %add3A_1125, %add3A_1126 : vector<1x1024xi32>
    %add3A_1128 = arith.constant 1 : i32
    %add3A_1129 = vector.broadcast %add3A_1128 : i32 to vector<1x1024xi32>
    %add3A_1130 = arith.addi %convert_element_type3A_996, %add3A_1129 : vector<1x1024xi32>
    %ge3A_1131 = arith.constant 0 : i32
    %ge3A_1132 = vector.broadcast %ge3A_1131 : i32 to vector<1x1024xi32>
    %ge3A_1133 = arith.cmpi sge, %add3A_1130, %ge3A_1132 : vector<1x1024xi32>
    %le3A_1134 = arith.constant 31 : i32
    %le3A_1135 = vector.broadcast %le3A_1134 : i32 to vector<1x1024xi32>
    %le3A_1136 = arith.cmpi sle, %add3A_1130, %le3A_1135 : vector<1x1024xi32>
    %and3A_1137 = arith.andi %ge3A_1133, %le3A_1136 : vector<1x1024xi1>
    %ge3A_1138 = arith.constant 0 : i32
    %ge3A_1139 = vector.broadcast %ge3A_1138 : i32 to vector<1x1024xi32>
    %ge3A_1140 = arith.cmpi sge, %add3A_1086, %ge3A_1139 : vector<1x1024xi32>
    %and3A_1141 = arith.andi %and3A_1137, %ge3A_1140 : vector<1x1024xi1>
    %le3A_1142 = arith.constant 31 : i32
    %le3A_1143 = vector.broadcast %le3A_1142 : i32 to vector<1x1024xi32>
    %le3A_1144 = arith.cmpi sle, %add3A_1086, %le3A_1143 : vector<1x1024xi32>
    %and3A_1145 = arith.andi %and3A_1141, %le3A_1144 : vector<1x1024xi1>
    %mul3A_1146 = arith.mulf %sub3A_988, %sub3A_992 : vector<1x1024xf32>
    %mul3A_1147 = arith.mulf %mul3A_1146, %mul3A_998 : vector<1x1024xf32>
    %jit3A_1148 = arith.constant 0.000000e+00 : f32
    %broadcast_in_dim3A_1149 = vector.broadcast %jit3A_1148 : f32 to vector<1x1024xf32>
    %select_n3A_1150 = arith.select %and3A_1145, %mul3A_1147, %broadcast_in_dim3A_1149 : vector<1x1024xi1>, vector<1x1024xf32>
    %jit3A_1151 = arith.constant 0 : i32
    %jit3A_1152 = arith.constant 31 : i32
    %max3A_1153 = vector.broadcast %jit3A_1151 : i32 to vector<1x1024xi32>
    %max3A_1154 = arith.maxsi %max3A_1153, %add3A_1086 : vector<1x1024xi32>
    %min3A_1155 = vector.broadcast %jit3A_1152 : i32 to vector<1x1024xi32>
    %min3A_1156 = arith.minsi %min3A_1155, %max3A_1154 : vector<1x1024xi32>
    %mul3A_1157 = arith.constant 32 : i32
    %mul3A_1158 = vector.broadcast %mul3A_1157 : i32 to vector<1x1024xi32>
    %mul3A_1159 = arith.muli %min3A_1156, %mul3A_1158 : vector<1x1024xi32>
    %jit3A_1160 = arith.constant 0 : i32
    %jit3A_1161 = arith.constant 31 : i32
    %max3A_1162 = vector.broadcast %jit3A_1160 : i32 to vector<1x1024xi32>
    %max3A_1163 = arith.maxsi %max3A_1162, %add3A_1130 : vector<1x1024xi32>
    %min3A_1164 = vector.broadcast %jit3A_1161 : i32 to vector<1x1024xi32>
    %min3A_1165 = arith.minsi %min3A_1164, %max3A_1163 : vector<1x1024xi32>
    %add3A_1166 = arith.addi %mul3A_1159, %min3A_1165 : vector<1x1024xi32>
    %add3A_1167 = vector.broadcast %mul3A_960 : i32 to vector<1x1024xi32>
    %add3A_1168 = arith.addi %add3A_1166, %add3A_1167 : vector<1x1024xi32>
    %slice3A_1169 = vector.extract_strided_slice %add3A_95 {offsets = [10, 0], sizes = [1, 1024], strides = [1, 1]} : vector<32x1024xf32> to vector<1x1024xf32>
    %add3A_1170 = arith.addf %convert_element_type3A, %slice3A_1169 : vector<1x1024xf32>
    %slice3A_1171 = vector.extract_strided_slice %add3A_95 {offsets = [11, 0], sizes = [1, 1024], strides = [1, 1]} : vector<32x1024xf32> to vector<1x1024xf32>
    %add3A_1172 = arith.addf %convert_element_type3A_151, %slice3A_1171 : vector<1x1024xf32>
    %floor3A_1173 = math.floor %add3A_1170 : vector<1x1024xf32>
    %floor3A_1174 = math.floor %add3A_1172 : vector<1x1024xf32>
    %sub3A_1175 = arith.subf %add3A_1170, %floor3A_1173 : vector<1x1024xf32>
    %sub3A_1176 = arith.constant 1.000000e+00 : f32
    %sub3A_1177 = vector.broadcast %sub3A_1176 : f32 to vector<1x1024xf32>
    %sub3A_1178 = arith.subf %sub3A_1177, %sub3A_1175 : vector<1x1024xf32>
    %sub3A_1179 = arith.subf %add3A_1172, %floor3A_1174 : vector<1x1024xf32>
    %sub3A_1180 = arith.constant 1.000000e+00 : f32
    %sub3A_1181 = vector.broadcast %sub3A_1180 : f32 to vector<1x1024xf32>
    %sub3A_1182 = arith.subf %sub3A_1181, %sub3A_1179 : vector<1x1024xf32>
    %convert_element_type3A_1183 = arith.fptosi %floor3A_1173 : vector<1x1024xf32> to vector<1x1024xi32>
    %convert_element_type3A_1184 = arith.fptosi %floor3A_1174 : vector<1x1024xf32> to vector<1x1024xi32>
    %mul3A_1185 = arith.mulf %exp3A_971, %div3A_981 : vector<1x1024xf32>
    %add3A_1186 = arith.constant 0 : i32
    %add3A_1187 = vector.broadcast %add3A_1186 : i32 to vector<1x1024xi32>
    %add3A_1188 = arith.addi %convert_element_type3A_1184, %add3A_1187 : vector<1x1024xi32>
    %add3A_1189 = arith.constant 0 : i32
    %add3A_1190 = vector.broadcast %add3A_1189 : i32 to vector<1x1024xi32>
    %add3A_1191 = arith.addi %convert_element_type3A_1183, %add3A_1190 : vector<1x1024xi32>
    %ge3A_1192 = arith.constant 0 : i32
    %ge3A_1193 = vector.broadcast %ge3A_1192 : i32 to vector<1x1024xi32>
    %ge3A_1194 = arith.cmpi sge, %add3A_1191, %ge3A_1193 : vector<1x1024xi32>
    %le3A_1195 = arith.constant 31 : i32
    %le3A_1196 = vector.broadcast %le3A_1195 : i32 to vector<1x1024xi32>
    %le3A_1197 = arith.cmpi sle, %add3A_1191, %le3A_1196 : vector<1x1024xi32>
    %and3A_1198 = arith.andi %ge3A_1194, %le3A_1197 : vector<1x1024xi1>
    %ge3A_1199 = arith.constant 0 : i32
    %ge3A_1200 = vector.broadcast %ge3A_1199 : i32 to vector<1x1024xi32>
    %ge3A_1201 = arith.cmpi sge, %add3A_1188, %ge3A_1200 : vector<1x1024xi32>
    %and3A_1202 = arith.andi %and3A_1198, %ge3A_1201 : vector<1x1024xi1>
    %le3A_1203 = arith.constant 31 : i32
    %le3A_1204 = vector.broadcast %le3A_1203 : i32 to vector<1x1024xi32>
    %le3A_1205 = arith.cmpi sle, %add3A_1188, %le3A_1204 : vector<1x1024xi32>
    %and3A_1206 = arith.andi %and3A_1202, %le3A_1205 : vector<1x1024xi1>
    %mul3A_1207 = arith.mulf %sub3A_1178, %sub3A_1182 : vector<1x1024xf32>
    %mul3A_1208 = arith.mulf %mul3A_1207, %mul3A_1185 : vector<1x1024xf32>
    %jit3A_1209 = arith.constant 0.000000e+00 : f32
    %broadcast_in_dim3A_1210 = vector.broadcast %jit3A_1209 : f32 to vector<1x1024xf32>
    %select_n3A_1211 = arith.select %and3A_1206, %mul3A_1208, %broadcast_in_dim3A_1210 : vector<1x1024xi1>, vector<1x1024xf32>
    %jit3A_1212 = arith.constant 0 : i32
    %jit3A_1213 = arith.constant 31 : i32
    %max3A_1214 = vector.broadcast %jit3A_1212 : i32 to vector<1x1024xi32>
    %max3A_1215 = arith.maxsi %max3A_1214, %add3A_1188 : vector<1x1024xi32>
    %min3A_1216 = vector.broadcast %jit3A_1213 : i32 to vector<1x1024xi32>
    %min3A_1217 = arith.minsi %min3A_1216, %max3A_1215 : vector<1x1024xi32>
    %mul3A_1218 = arith.constant 32 : i32
    %mul3A_1219 = vector.broadcast %mul3A_1218 : i32 to vector<1x1024xi32>
    %mul3A_1220 = arith.muli %min3A_1217, %mul3A_1219 : vector<1x1024xi32>
    %jit3A_1221 = arith.constant 0 : i32
    %jit3A_1222 = arith.constant 31 : i32
    %max3A_1223 = vector.broadcast %jit3A_1221 : i32 to vector<1x1024xi32>
    %max3A_1224 = arith.maxsi %max3A_1223, %add3A_1191 : vector<1x1024xi32>
    %min3A_1225 = vector.broadcast %jit3A_1222 : i32 to vector<1x1024xi32>
    %min3A_1226 = arith.minsi %min3A_1225, %max3A_1224 : vector<1x1024xi32>
    %add3A_1227 = arith.addi %mul3A_1220, %min3A_1226 : vector<1x1024xi32>
    %add3A_1228 = vector.broadcast %mul3A_960 : i32 to vector<1x1024xi32>
    %add3A_1229 = arith.addi %add3A_1227, %add3A_1228 : vector<1x1024xi32>
    %add3A_1230 = arith.constant 1 : i32
    %add3A_1231 = vector.broadcast %add3A_1230 : i32 to vector<1x1024xi32>
    %add3A_1232 = arith.addi %convert_element_type3A_1183, %add3A_1231 : vector<1x1024xi32>
    %ge3A_1233 = arith.constant 0 : i32
    %ge3A_1234 = vector.broadcast %ge3A_1233 : i32 to vector<1x1024xi32>
    %ge3A_1235 = arith.cmpi sge, %add3A_1232, %ge3A_1234 : vector<1x1024xi32>
    %le3A_1236 = arith.constant 31 : i32
    %le3A_1237 = vector.broadcast %le3A_1236 : i32 to vector<1x1024xi32>
    %le3A_1238 = arith.cmpi sle, %add3A_1232, %le3A_1237 : vector<1x1024xi32>
    %and3A_1239 = arith.andi %ge3A_1235, %le3A_1238 : vector<1x1024xi1>
    %ge3A_1240 = arith.constant 0 : i32
    %ge3A_1241 = vector.broadcast %ge3A_1240 : i32 to vector<1x1024xi32>
    %ge3A_1242 = arith.cmpi sge, %add3A_1188, %ge3A_1241 : vector<1x1024xi32>
    %and3A_1243 = arith.andi %and3A_1239, %ge3A_1242 : vector<1x1024xi1>
    %le3A_1244 = arith.constant 31 : i32
    %le3A_1245 = vector.broadcast %le3A_1244 : i32 to vector<1x1024xi32>
    %le3A_1246 = arith.cmpi sle, %add3A_1188, %le3A_1245 : vector<1x1024xi32>
    %and3A_1247 = arith.andi %and3A_1243, %le3A_1246 : vector<1x1024xi1>
    %mul3A_1248 = arith.mulf %sub3A_1175, %sub3A_1182 : vector<1x1024xf32>
    %mul3A_1249 = arith.mulf %mul3A_1248, %mul3A_1185 : vector<1x1024xf32>
    %jit3A_1250 = arith.constant 0.000000e+00 : f32
    %broadcast_in_dim3A_1251 = vector.broadcast %jit3A_1250 : f32 to vector<1x1024xf32>
    %select_n3A_1252 = arith.select %and3A_1247, %mul3A_1249, %broadcast_in_dim3A_1251 : vector<1x1024xi1>, vector<1x1024xf32>
    %jit3A_1253 = arith.constant 0 : i32
    %jit3A_1254 = arith.constant 31 : i32
    %max3A_1255 = vector.broadcast %jit3A_1253 : i32 to vector<1x1024xi32>
    %max3A_1256 = arith.maxsi %max3A_1255, %add3A_1188 : vector<1x1024xi32>
    %min3A_1257 = vector.broadcast %jit3A_1254 : i32 to vector<1x1024xi32>
    %min3A_1258 = arith.minsi %min3A_1257, %max3A_1256 : vector<1x1024xi32>
    %mul3A_1259 = arith.constant 32 : i32
    %mul3A_1260 = vector.broadcast %mul3A_1259 : i32 to vector<1x1024xi32>
    %mul3A_1261 = arith.muli %min3A_1258, %mul3A_1260 : vector<1x1024xi32>
    %jit3A_1262 = arith.constant 0 : i32
    %jit3A_1263 = arith.constant 31 : i32
    %max3A_1264 = vector.broadcast %jit3A_1262 : i32 to vector<1x1024xi32>
    %max3A_1265 = arith.maxsi %max3A_1264, %add3A_1232 : vector<1x1024xi32>
    %min3A_1266 = vector.broadcast %jit3A_1263 : i32 to vector<1x1024xi32>
    %min3A_1267 = arith.minsi %min3A_1266, %max3A_1265 : vector<1x1024xi32>
    %add3A_1268 = arith.addi %mul3A_1261, %min3A_1267 : vector<1x1024xi32>
    %add3A_1269 = vector.broadcast %mul3A_960 : i32 to vector<1x1024xi32>
    %add3A_1270 = arith.addi %add3A_1268, %add3A_1269 : vector<1x1024xi32>
    %add3A_1271 = arith.constant 1 : i32
    %add3A_1272 = vector.broadcast %add3A_1271 : i32 to vector<1x1024xi32>
    %add3A_1273 = arith.addi %convert_element_type3A_1184, %add3A_1272 : vector<1x1024xi32>
    %add3A_1274 = arith.constant 0 : i32
    %add3A_1275 = vector.broadcast %add3A_1274 : i32 to vector<1x1024xi32>
    %add3A_1276 = arith.addi %convert_element_type3A_1183, %add3A_1275 : vector<1x1024xi32>
    %ge3A_1277 = arith.constant 0 : i32
    %ge3A_1278 = vector.broadcast %ge3A_1277 : i32 to vector<1x1024xi32>
    %ge3A_1279 = arith.cmpi sge, %add3A_1276, %ge3A_1278 : vector<1x1024xi32>
    %le3A_1280 = arith.constant 31 : i32
    %le3A_1281 = vector.broadcast %le3A_1280 : i32 to vector<1x1024xi32>
    %le3A_1282 = arith.cmpi sle, %add3A_1276, %le3A_1281 : vector<1x1024xi32>
    %and3A_1283 = arith.andi %ge3A_1279, %le3A_1282 : vector<1x1024xi1>
    %ge3A_1284 = arith.constant 0 : i32
    %ge3A_1285 = vector.broadcast %ge3A_1284 : i32 to vector<1x1024xi32>
    %ge3A_1286 = arith.cmpi sge, %add3A_1273, %ge3A_1285 : vector<1x1024xi32>
    %and3A_1287 = arith.andi %and3A_1283, %ge3A_1286 : vector<1x1024xi1>
    %le3A_1288 = arith.constant 31 : i32
    %le3A_1289 = vector.broadcast %le3A_1288 : i32 to vector<1x1024xi32>
    %le3A_1290 = arith.cmpi sle, %add3A_1273, %le3A_1289 : vector<1x1024xi32>
    %and3A_1291 = arith.andi %and3A_1287, %le3A_1290 : vector<1x1024xi1>
    %mul3A_1292 = arith.mulf %sub3A_1178, %sub3A_1179 : vector<1x1024xf32>
    %mul3A_1293 = arith.mulf %mul3A_1292, %mul3A_1185 : vector<1x1024xf32>
    %jit3A_1294 = arith.constant 0.000000e+00 : f32
    %broadcast_in_dim3A_1295 = vector.broadcast %jit3A_1294 : f32 to vector<1x1024xf32>
    %select_n3A_1296 = arith.select %and3A_1291, %mul3A_1293, %broadcast_in_dim3A_1295 : vector<1x1024xi1>, vector<1x1024xf32>
    %jit3A_1297 = arith.constant 0 : i32
    %jit3A_1298 = arith.constant 31 : i32
    %max3A_1299 = vector.broadcast %jit3A_1297 : i32 to vector<1x1024xi32>
    %max3A_1300 = arith.maxsi %max3A_1299, %add3A_1273 : vector<1x1024xi32>
    %min3A_1301 = vector.broadcast %jit3A_1298 : i32 to vector<1x1024xi32>
    %min3A_1302 = arith.minsi %min3A_1301, %max3A_1300 : vector<1x1024xi32>
    %mul3A_1303 = arith.constant 32 : i32
    %mul3A_1304 = vector.broadcast %mul3A_1303 : i32 to vector<1x1024xi32>
    %mul3A_1305 = arith.muli %min3A_1302, %mul3A_1304 : vector<1x1024xi32>
    %jit3A_1306 = arith.constant 0 : i32
    %jit3A_1307 = arith.constant 31 : i32
    %max3A_1308 = vector.broadcast %jit3A_1306 : i32 to vector<1x1024xi32>
    %max3A_1309 = arith.maxsi %max3A_1308, %add3A_1276 : vector<1x1024xi32>
    %min3A_1310 = vector.broadcast %jit3A_1307 : i32 to vector<1x1024xi32>
    %min3A_1311 = arith.minsi %min3A_1310, %max3A_1309 : vector<1x1024xi32>
    %add3A_1312 = arith.addi %mul3A_1305, %min3A_1311 : vector<1x1024xi32>
    %add3A_1313 = vector.broadcast %mul3A_960 : i32 to vector<1x1024xi32>
    %add3A_1314 = arith.addi %add3A_1312, %add3A_1313 : vector<1x1024xi32>
    %add3A_1315 = arith.constant 1 : i32
    %add3A_1316 = vector.broadcast %add3A_1315 : i32 to vector<1x1024xi32>
    %add3A_1317 = arith.addi %convert_element_type3A_1183, %add3A_1316 : vector<1x1024xi32>
    %ge3A_1318 = arith.constant 0 : i32
    %ge3A_1319 = vector.broadcast %ge3A_1318 : i32 to vector<1x1024xi32>
    %ge3A_1320 = arith.cmpi sge, %add3A_1317, %ge3A_1319 : vector<1x1024xi32>
    %le3A_1321 = arith.constant 31 : i32
    %le3A_1322 = vector.broadcast %le3A_1321 : i32 to vector<1x1024xi32>
    %le3A_1323 = arith.cmpi sle, %add3A_1317, %le3A_1322 : vector<1x1024xi32>
    %and3A_1324 = arith.andi %ge3A_1320, %le3A_1323 : vector<1x1024xi1>
    %ge3A_1325 = arith.constant 0 : i32
    %ge3A_1326 = vector.broadcast %ge3A_1325 : i32 to vector<1x1024xi32>
    %ge3A_1327 = arith.cmpi sge, %add3A_1273, %ge3A_1326 : vector<1x1024xi32>
    %and3A_1328 = arith.andi %and3A_1324, %ge3A_1327 : vector<1x1024xi1>
    %le3A_1329 = arith.constant 31 : i32
    %le3A_1330 = vector.broadcast %le3A_1329 : i32 to vector<1x1024xi32>
    %le3A_1331 = arith.cmpi sle, %add3A_1273, %le3A_1330 : vector<1x1024xi32>
    %and3A_1332 = arith.andi %and3A_1328, %le3A_1331 : vector<1x1024xi1>
    %mul3A_1333 = arith.mulf %sub3A_1175, %sub3A_1179 : vector<1x1024xf32>
    %mul3A_1334 = arith.mulf %mul3A_1333, %mul3A_1185 : vector<1x1024xf32>
    %jit3A_1335 = arith.constant 0.000000e+00 : f32
    %broadcast_in_dim3A_1336 = vector.broadcast %jit3A_1335 : f32 to vector<1x1024xf32>
    %select_n3A_1337 = arith.select %and3A_1332, %mul3A_1334, %broadcast_in_dim3A_1336 : vector<1x1024xi1>, vector<1x1024xf32>
    %jit3A_1338 = arith.constant 0 : i32
    %jit3A_1339 = arith.constant 31 : i32
    %max3A_1340 = vector.broadcast %jit3A_1338 : i32 to vector<1x1024xi32>
    %max3A_1341 = arith.maxsi %max3A_1340, %add3A_1273 : vector<1x1024xi32>
    %min3A_1342 = vector.broadcast %jit3A_1339 : i32 to vector<1x1024xi32>
    %min3A_1343 = arith.minsi %min3A_1342, %max3A_1341 : vector<1x1024xi32>
    %mul3A_1344 = arith.constant 32 : i32
    %mul3A_1345 = vector.broadcast %mul3A_1344 : i32 to vector<1x1024xi32>
    %mul3A_1346 = arith.muli %min3A_1343, %mul3A_1345 : vector<1x1024xi32>
    %jit3A_1347 = arith.constant 0 : i32
    %jit3A_1348 = arith.constant 31 : i32
    %max3A_1349 = vector.broadcast %jit3A_1347 : i32 to vector<1x1024xi32>
    %max3A_1350 = arith.maxsi %max3A_1349, %add3A_1317 : vector<1x1024xi32>
    %min3A_1351 = vector.broadcast %jit3A_1348 : i32 to vector<1x1024xi32>
    %min3A_1352 = arith.minsi %min3A_1351, %max3A_1350 : vector<1x1024xi32>
    %add3A_1353 = arith.addi %mul3A_1346, %min3A_1352 : vector<1x1024xi32>
    %add3A_1354 = vector.broadcast %mul3A_960 : i32 to vector<1x1024xi32>
    %add3A_1355 = arith.addi %add3A_1353, %add3A_1354 : vector<1x1024xi32>
    %slice3A_1356 = vector.extract_strided_slice %add3A_95 {offsets = [12, 0], sizes = [1, 1024], strides = [1, 1]} : vector<32x1024xf32> to vector<1x1024xf32>
    %add3A_1357 = arith.addf %convert_element_type3A, %slice3A_1356 : vector<1x1024xf32>
    %slice3A_1358 = vector.extract_strided_slice %add3A_95 {offsets = [13, 0], sizes = [1, 1024], strides = [1, 1]} : vector<32x1024xf32> to vector<1x1024xf32>
    %add3A_1359 = arith.addf %convert_element_type3A_151, %slice3A_1358 : vector<1x1024xf32>
    %floor3A_1360 = math.floor %add3A_1357 : vector<1x1024xf32>
    %floor3A_1361 = math.floor %add3A_1359 : vector<1x1024xf32>
    %sub3A_1362 = arith.subf %add3A_1357, %floor3A_1360 : vector<1x1024xf32>
    %sub3A_1363 = arith.constant 1.000000e+00 : f32
    %sub3A_1364 = vector.broadcast %sub3A_1363 : f32 to vector<1x1024xf32>
    %sub3A_1365 = arith.subf %sub3A_1364, %sub3A_1362 : vector<1x1024xf32>
    %sub3A_1366 = arith.subf %add3A_1359, %floor3A_1361 : vector<1x1024xf32>
    %sub3A_1367 = arith.constant 1.000000e+00 : f32
    %sub3A_1368 = vector.broadcast %sub3A_1367 : f32 to vector<1x1024xf32>
    %sub3A_1369 = arith.subf %sub3A_1368, %sub3A_1366 : vector<1x1024xf32>
    %convert_element_type3A_1370 = arith.fptosi %floor3A_1360 : vector<1x1024xf32> to vector<1x1024xi32>
    %convert_element_type3A_1371 = arith.fptosi %floor3A_1361 : vector<1x1024xf32> to vector<1x1024xi32>
    %mul3A_1372 = arith.mulf %exp3A_973, %div3A_981 : vector<1x1024xf32>
    %add3A_1373 = arith.constant 0 : i32
    %add3A_1374 = vector.broadcast %add3A_1373 : i32 to vector<1x1024xi32>
    %add3A_1375 = arith.addi %convert_element_type3A_1371, %add3A_1374 : vector<1x1024xi32>
    %add3A_1376 = arith.constant 0 : i32
    %add3A_1377 = vector.broadcast %add3A_1376 : i32 to vector<1x1024xi32>
    %add3A_1378 = arith.addi %convert_element_type3A_1370, %add3A_1377 : vector<1x1024xi32>
    %ge3A_1379 = arith.constant 0 : i32
    %ge3A_1380 = vector.broadcast %ge3A_1379 : i32 to vector<1x1024xi32>
    %ge3A_1381 = arith.cmpi sge, %add3A_1378, %ge3A_1380 : vector<1x1024xi32>
    %le3A_1382 = arith.constant 31 : i32
    %le3A_1383 = vector.broadcast %le3A_1382 : i32 to vector<1x1024xi32>
    %le3A_1384 = arith.cmpi sle, %add3A_1378, %le3A_1383 : vector<1x1024xi32>
    %and3A_1385 = arith.andi %ge3A_1381, %le3A_1384 : vector<1x1024xi1>
    %ge3A_1386 = arith.constant 0 : i32
    %ge3A_1387 = vector.broadcast %ge3A_1386 : i32 to vector<1x1024xi32>
    %ge3A_1388 = arith.cmpi sge, %add3A_1375, %ge3A_1387 : vector<1x1024xi32>
    %and3A_1389 = arith.andi %and3A_1385, %ge3A_1388 : vector<1x1024xi1>
    %le3A_1390 = arith.constant 31 : i32
    %le3A_1391 = vector.broadcast %le3A_1390 : i32 to vector<1x1024xi32>
    %le3A_1392 = arith.cmpi sle, %add3A_1375, %le3A_1391 : vector<1x1024xi32>
    %and3A_1393 = arith.andi %and3A_1389, %le3A_1392 : vector<1x1024xi1>
    %mul3A_1394 = arith.mulf %sub3A_1365, %sub3A_1369 : vector<1x1024xf32>
    %mul3A_1395 = arith.mulf %mul3A_1394, %mul3A_1372 : vector<1x1024xf32>
    %jit3A_1396 = arith.constant 0.000000e+00 : f32
    %broadcast_in_dim3A_1397 = vector.broadcast %jit3A_1396 : f32 to vector<1x1024xf32>
    %select_n3A_1398 = arith.select %and3A_1393, %mul3A_1395, %broadcast_in_dim3A_1397 : vector<1x1024xi1>, vector<1x1024xf32>
    %jit3A_1399 = arith.constant 0 : i32
    %jit3A_1400 = arith.constant 31 : i32
    %max3A_1401 = vector.broadcast %jit3A_1399 : i32 to vector<1x1024xi32>
    %max3A_1402 = arith.maxsi %max3A_1401, %add3A_1375 : vector<1x1024xi32>
    %min3A_1403 = vector.broadcast %jit3A_1400 : i32 to vector<1x1024xi32>
    %min3A_1404 = arith.minsi %min3A_1403, %max3A_1402 : vector<1x1024xi32>
    %mul3A_1405 = arith.constant 32 : i32
    %mul3A_1406 = vector.broadcast %mul3A_1405 : i32 to vector<1x1024xi32>
    %mul3A_1407 = arith.muli %min3A_1404, %mul3A_1406 : vector<1x1024xi32>
    %jit3A_1408 = arith.constant 0 : i32
    %jit3A_1409 = arith.constant 31 : i32
    %max3A_1410 = vector.broadcast %jit3A_1408 : i32 to vector<1x1024xi32>
    %max3A_1411 = arith.maxsi %max3A_1410, %add3A_1378 : vector<1x1024xi32>
    %min3A_1412 = vector.broadcast %jit3A_1409 : i32 to vector<1x1024xi32>
    %min3A_1413 = arith.minsi %min3A_1412, %max3A_1411 : vector<1x1024xi32>
    %add3A_1414 = arith.addi %mul3A_1407, %min3A_1413 : vector<1x1024xi32>
    %add3A_1415 = vector.broadcast %mul3A_960 : i32 to vector<1x1024xi32>
    %add3A_1416 = arith.addi %add3A_1414, %add3A_1415 : vector<1x1024xi32>
    %add3A_1417 = arith.constant 1 : i32
    %add3A_1418 = vector.broadcast %add3A_1417 : i32 to vector<1x1024xi32>
    %add3A_1419 = arith.addi %convert_element_type3A_1370, %add3A_1418 : vector<1x1024xi32>
    %ge3A_1420 = arith.constant 0 : i32
    %ge3A_1421 = vector.broadcast %ge3A_1420 : i32 to vector<1x1024xi32>
    %ge3A_1422 = arith.cmpi sge, %add3A_1419, %ge3A_1421 : vector<1x1024xi32>
    %le3A_1423 = arith.constant 31 : i32
    %le3A_1424 = vector.broadcast %le3A_1423 : i32 to vector<1x1024xi32>
    %le3A_1425 = arith.cmpi sle, %add3A_1419, %le3A_1424 : vector<1x1024xi32>
    %and3A_1426 = arith.andi %ge3A_1422, %le3A_1425 : vector<1x1024xi1>
    %ge3A_1427 = arith.constant 0 : i32
    %ge3A_1428 = vector.broadcast %ge3A_1427 : i32 to vector<1x1024xi32>
    %ge3A_1429 = arith.cmpi sge, %add3A_1375, %ge3A_1428 : vector<1x1024xi32>
    %and3A_1430 = arith.andi %and3A_1426, %ge3A_1429 : vector<1x1024xi1>
    %le3A_1431 = arith.constant 31 : i32
    %le3A_1432 = vector.broadcast %le3A_1431 : i32 to vector<1x1024xi32>
    %le3A_1433 = arith.cmpi sle, %add3A_1375, %le3A_1432 : vector<1x1024xi32>
    %and3A_1434 = arith.andi %and3A_1430, %le3A_1433 : vector<1x1024xi1>
    %mul3A_1435 = arith.mulf %sub3A_1362, %sub3A_1369 : vector<1x1024xf32>
    %mul3A_1436 = arith.mulf %mul3A_1435, %mul3A_1372 : vector<1x1024xf32>
    %jit3A_1437 = arith.constant 0.000000e+00 : f32
    %broadcast_in_dim3A_1438 = vector.broadcast %jit3A_1437 : f32 to vector<1x1024xf32>
    %select_n3A_1439 = arith.select %and3A_1434, %mul3A_1436, %broadcast_in_dim3A_1438 : vector<1x1024xi1>, vector<1x1024xf32>
    %jit3A_1440 = arith.constant 0 : i32
    %jit3A_1441 = arith.constant 31 : i32
    %max3A_1442 = vector.broadcast %jit3A_1440 : i32 to vector<1x1024xi32>
    %max3A_1443 = arith.maxsi %max3A_1442, %add3A_1375 : vector<1x1024xi32>
    %min3A_1444 = vector.broadcast %jit3A_1441 : i32 to vector<1x1024xi32>
    %min3A_1445 = arith.minsi %min3A_1444, %max3A_1443 : vector<1x1024xi32>
    %mul3A_1446 = arith.constant 32 : i32
    %mul3A_1447 = vector.broadcast %mul3A_1446 : i32 to vector<1x1024xi32>
    %mul3A_1448 = arith.muli %min3A_1445, %mul3A_1447 : vector<1x1024xi32>
    %jit3A_1449 = arith.constant 0 : i32
    %jit3A_1450 = arith.constant 31 : i32
    %max3A_1451 = vector.broadcast %jit3A_1449 : i32 to vector<1x1024xi32>
    %max3A_1452 = arith.maxsi %max3A_1451, %add3A_1419 : vector<1x1024xi32>
    %min3A_1453 = vector.broadcast %jit3A_1450 : i32 to vector<1x1024xi32>
    %min3A_1454 = arith.minsi %min3A_1453, %max3A_1452 : vector<1x1024xi32>
    %add3A_1455 = arith.addi %mul3A_1448, %min3A_1454 : vector<1x1024xi32>
    %add3A_1456 = vector.broadcast %mul3A_960 : i32 to vector<1x1024xi32>
    %add3A_1457 = arith.addi %add3A_1455, %add3A_1456 : vector<1x1024xi32>
    %add3A_1458 = arith.constant 1 : i32
    %add3A_1459 = vector.broadcast %add3A_1458 : i32 to vector<1x1024xi32>
    %add3A_1460 = arith.addi %convert_element_type3A_1371, %add3A_1459 : vector<1x1024xi32>
    %add3A_1461 = arith.constant 0 : i32
    %add3A_1462 = vector.broadcast %add3A_1461 : i32 to vector<1x1024xi32>
    %add3A_1463 = arith.addi %convert_element_type3A_1370, %add3A_1462 : vector<1x1024xi32>
    %ge3A_1464 = arith.constant 0 : i32
    %ge3A_1465 = vector.broadcast %ge3A_1464 : i32 to vector<1x1024xi32>
    %ge3A_1466 = arith.cmpi sge, %add3A_1463, %ge3A_1465 : vector<1x1024xi32>
    %le3A_1467 = arith.constant 31 : i32
    %le3A_1468 = vector.broadcast %le3A_1467 : i32 to vector<1x1024xi32>
    %le3A_1469 = arith.cmpi sle, %add3A_1463, %le3A_1468 : vector<1x1024xi32>
    %and3A_1470 = arith.andi %ge3A_1466, %le3A_1469 : vector<1x1024xi1>
    %ge3A_1471 = arith.constant 0 : i32
    %ge3A_1472 = vector.broadcast %ge3A_1471 : i32 to vector<1x1024xi32>
    %ge3A_1473 = arith.cmpi sge, %add3A_1460, %ge3A_1472 : vector<1x1024xi32>
    %and3A_1474 = arith.andi %and3A_1470, %ge3A_1473 : vector<1x1024xi1>
    %le3A_1475 = arith.constant 31 : i32
    %le3A_1476 = vector.broadcast %le3A_1475 : i32 to vector<1x1024xi32>
    %le3A_1477 = arith.cmpi sle, %add3A_1460, %le3A_1476 : vector<1x1024xi32>
    %and3A_1478 = arith.andi %and3A_1474, %le3A_1477 : vector<1x1024xi1>
    %mul3A_1479 = arith.mulf %sub3A_1365, %sub3A_1366 : vector<1x1024xf32>
    %mul3A_1480 = arith.mulf %mul3A_1479, %mul3A_1372 : vector<1x1024xf32>
    %jit3A_1481 = arith.constant 0.000000e+00 : f32
    %broadcast_in_dim3A_1482 = vector.broadcast %jit3A_1481 : f32 to vector<1x1024xf32>
    %select_n3A_1483 = arith.select %and3A_1478, %mul3A_1480, %broadcast_in_dim3A_1482 : vector<1x1024xi1>, vector<1x1024xf32>
    %jit3A_1484 = arith.constant 0 : i32
    %jit3A_1485 = arith.constant 31 : i32
    %max3A_1486 = vector.broadcast %jit3A_1484 : i32 to vector<1x1024xi32>
    %max3A_1487 = arith.maxsi %max3A_1486, %add3A_1460 : vector<1x1024xi32>
    %min3A_1488 = vector.broadcast %jit3A_1485 : i32 to vector<1x1024xi32>
    %min3A_1489 = arith.minsi %min3A_1488, %max3A_1487 : vector<1x1024xi32>
    %mul3A_1490 = arith.constant 32 : i32
    %mul3A_1491 = vector.broadcast %mul3A_1490 : i32 to vector<1x1024xi32>
    %mul3A_1492 = arith.muli %min3A_1489, %mul3A_1491 : vector<1x1024xi32>
    %jit3A_1493 = arith.constant 0 : i32
    %jit3A_1494 = arith.constant 31 : i32
    %max3A_1495 = vector.broadcast %jit3A_1493 : i32 to vector<1x1024xi32>
    %max3A_1496 = arith.maxsi %max3A_1495, %add3A_1463 : vector<1x1024xi32>
    %min3A_1497 = vector.broadcast %jit3A_1494 : i32 to vector<1x1024xi32>
    %min3A_1498 = arith.minsi %min3A_1497, %max3A_1496 : vector<1x1024xi32>
    %add3A_1499 = arith.addi %mul3A_1492, %min3A_1498 : vector<1x1024xi32>
    %add3A_1500 = vector.broadcast %mul3A_960 : i32 to vector<1x1024xi32>
    %add3A_1501 = arith.addi %add3A_1499, %add3A_1500 : vector<1x1024xi32>
    %add3A_1502 = arith.constant 1 : i32
    %add3A_1503 = vector.broadcast %add3A_1502 : i32 to vector<1x1024xi32>
    %add3A_1504 = arith.addi %convert_element_type3A_1370, %add3A_1503 : vector<1x1024xi32>
    %ge3A_1505 = arith.constant 0 : i32
    %ge3A_1506 = vector.broadcast %ge3A_1505 : i32 to vector<1x1024xi32>
    %ge3A_1507 = arith.cmpi sge, %add3A_1504, %ge3A_1506 : vector<1x1024xi32>
    %le3A_1508 = arith.constant 31 : i32
    %le3A_1509 = vector.broadcast %le3A_1508 : i32 to vector<1x1024xi32>
    %le3A_1510 = arith.cmpi sle, %add3A_1504, %le3A_1509 : vector<1x1024xi32>
    %and3A_1511 = arith.andi %ge3A_1507, %le3A_1510 : vector<1x1024xi1>
    %ge3A_1512 = arith.constant 0 : i32
    %ge3A_1513 = vector.broadcast %ge3A_1512 : i32 to vector<1x1024xi32>
    %ge3A_1514 = arith.cmpi sge, %add3A_1460, %ge3A_1513 : vector<1x1024xi32>
    %and3A_1515 = arith.andi %and3A_1511, %ge3A_1514 : vector<1x1024xi1>
    %le3A_1516 = arith.constant 31 : i32
    %le3A_1517 = vector.broadcast %le3A_1516 : i32 to vector<1x1024xi32>
    %le3A_1518 = arith.cmpi sle, %add3A_1460, %le3A_1517 : vector<1x1024xi32>
    %and3A_1519 = arith.andi %and3A_1515, %le3A_1518 : vector<1x1024xi1>
    %mul3A_1520 = arith.mulf %sub3A_1362, %sub3A_1366 : vector<1x1024xf32>
    %mul3A_1521 = arith.mulf %mul3A_1520, %mul3A_1372 : vector<1x1024xf32>
    %jit3A_1522 = arith.constant 0.000000e+00 : f32
    %broadcast_in_dim3A_1523 = vector.broadcast %jit3A_1522 : f32 to vector<1x1024xf32>
    %select_n3A_1524 = arith.select %and3A_1519, %mul3A_1521, %broadcast_in_dim3A_1523 : vector<1x1024xi1>, vector<1x1024xf32>
    %jit3A_1525 = arith.constant 0 : i32
    %jit3A_1526 = arith.constant 31 : i32
    %max3A_1527 = vector.broadcast %jit3A_1525 : i32 to vector<1x1024xi32>
    %max3A_1528 = arith.maxsi %max3A_1527, %add3A_1460 : vector<1x1024xi32>
    %min3A_1529 = vector.broadcast %jit3A_1526 : i32 to vector<1x1024xi32>
    %min3A_1530 = arith.minsi %min3A_1529, %max3A_1528 : vector<1x1024xi32>
    %mul3A_1531 = arith.constant 32 : i32
    %mul3A_1532 = vector.broadcast %mul3A_1531 : i32 to vector<1x1024xi32>
    %mul3A_1533 = arith.muli %min3A_1530, %mul3A_1532 : vector<1x1024xi32>
    %jit3A_1534 = arith.constant 0 : i32
    %jit3A_1535 = arith.constant 31 : i32
    %max3A_1536 = vector.broadcast %jit3A_1534 : i32 to vector<1x1024xi32>
    %max3A_1537 = arith.maxsi %max3A_1536, %add3A_1504 : vector<1x1024xi32>
    %min3A_1538 = vector.broadcast %jit3A_1535 : i32 to vector<1x1024xi32>
    %min3A_1539 = arith.minsi %min3A_1538, %max3A_1537 : vector<1x1024xi32>
    %add3A_1540 = arith.addi %mul3A_1533, %min3A_1539 : vector<1x1024xi32>
    %add3A_1541 = vector.broadcast %mul3A_960 : i32 to vector<1x1024xi32>
    %add3A_1542 = arith.addi %add3A_1540, %add3A_1541 : vector<1x1024xi32>
    %slice3A_1543 = vector.extract_strided_slice %add3A_95 {offsets = [14, 0], sizes = [1, 1024], strides = [1, 1]} : vector<32x1024xf32> to vector<1x1024xf32>
    %add3A_1544 = arith.addf %convert_element_type3A, %slice3A_1543 : vector<1x1024xf32>
    %slice3A_1545 = vector.extract_strided_slice %add3A_95 {offsets = [15, 0], sizes = [1, 1024], strides = [1, 1]} : vector<32x1024xf32> to vector<1x1024xf32>
    %add3A_1546 = arith.addf %convert_element_type3A_151, %slice3A_1545 : vector<1x1024xf32>
    %floor3A_1547 = math.floor %add3A_1544 : vector<1x1024xf32>
    %floor3A_1548 = math.floor %add3A_1546 : vector<1x1024xf32>
    %sub3A_1549 = arith.subf %add3A_1544, %floor3A_1547 : vector<1x1024xf32>
    %sub3A_1550 = arith.constant 1.000000e+00 : f32
    %sub3A_1551 = vector.broadcast %sub3A_1550 : f32 to vector<1x1024xf32>
    %sub3A_1552 = arith.subf %sub3A_1551, %sub3A_1549 : vector<1x1024xf32>
    %sub3A_1553 = arith.subf %add3A_1546, %floor3A_1548 : vector<1x1024xf32>
    %sub3A_1554 = arith.constant 1.000000e+00 : f32
    %sub3A_1555 = vector.broadcast %sub3A_1554 : f32 to vector<1x1024xf32>
    %sub3A_1556 = arith.subf %sub3A_1555, %sub3A_1553 : vector<1x1024xf32>
    %convert_element_type3A_1557 = arith.fptosi %floor3A_1547 : vector<1x1024xf32> to vector<1x1024xi32>
    %convert_element_type3A_1558 = arith.fptosi %floor3A_1548 : vector<1x1024xf32> to vector<1x1024xi32>
    %mul3A_1559 = arith.mulf %exp3A_975, %div3A_981 : vector<1x1024xf32>
    %add3A_1560 = arith.constant 0 : i32
    %add3A_1561 = vector.broadcast %add3A_1560 : i32 to vector<1x1024xi32>
    %add3A_1562 = arith.addi %convert_element_type3A_1558, %add3A_1561 : vector<1x1024xi32>
    %add3A_1563 = arith.constant 0 : i32
    %add3A_1564 = vector.broadcast %add3A_1563 : i32 to vector<1x1024xi32>
    %add3A_1565 = arith.addi %convert_element_type3A_1557, %add3A_1564 : vector<1x1024xi32>
    %ge3A_1566 = arith.constant 0 : i32
    %ge3A_1567 = vector.broadcast %ge3A_1566 : i32 to vector<1x1024xi32>
    %ge3A_1568 = arith.cmpi sge, %add3A_1565, %ge3A_1567 : vector<1x1024xi32>
    %le3A_1569 = arith.constant 31 : i32
    %le3A_1570 = vector.broadcast %le3A_1569 : i32 to vector<1x1024xi32>
    %le3A_1571 = arith.cmpi sle, %add3A_1565, %le3A_1570 : vector<1x1024xi32>
    %and3A_1572 = arith.andi %ge3A_1568, %le3A_1571 : vector<1x1024xi1>
    %ge3A_1573 = arith.constant 0 : i32
    %ge3A_1574 = vector.broadcast %ge3A_1573 : i32 to vector<1x1024xi32>
    %ge3A_1575 = arith.cmpi sge, %add3A_1562, %ge3A_1574 : vector<1x1024xi32>
    %and3A_1576 = arith.andi %and3A_1572, %ge3A_1575 : vector<1x1024xi1>
    %le3A_1577 = arith.constant 31 : i32
    %le3A_1578 = vector.broadcast %le3A_1577 : i32 to vector<1x1024xi32>
    %le3A_1579 = arith.cmpi sle, %add3A_1562, %le3A_1578 : vector<1x1024xi32>
    %and3A_1580 = arith.andi %and3A_1576, %le3A_1579 : vector<1x1024xi1>
    %mul3A_1581 = arith.mulf %sub3A_1552, %sub3A_1556 : vector<1x1024xf32>
    %mul3A_1582 = arith.mulf %mul3A_1581, %mul3A_1559 : vector<1x1024xf32>
    %jit3A_1583 = arith.constant 0.000000e+00 : f32
    %broadcast_in_dim3A_1584 = vector.broadcast %jit3A_1583 : f32 to vector<1x1024xf32>
    %select_n3A_1585 = arith.select %and3A_1580, %mul3A_1582, %broadcast_in_dim3A_1584 : vector<1x1024xi1>, vector<1x1024xf32>
    %jit3A_1586 = arith.constant 0 : i32
    %jit3A_1587 = arith.constant 31 : i32
    %max3A_1588 = vector.broadcast %jit3A_1586 : i32 to vector<1x1024xi32>
    %max3A_1589 = arith.maxsi %max3A_1588, %add3A_1562 : vector<1x1024xi32>
    %min3A_1590 = vector.broadcast %jit3A_1587 : i32 to vector<1x1024xi32>
    %min3A_1591 = arith.minsi %min3A_1590, %max3A_1589 : vector<1x1024xi32>
    %mul3A_1592 = arith.constant 32 : i32
    %mul3A_1593 = vector.broadcast %mul3A_1592 : i32 to vector<1x1024xi32>
    %mul3A_1594 = arith.muli %min3A_1591, %mul3A_1593 : vector<1x1024xi32>
    %jit3A_1595 = arith.constant 0 : i32
    %jit3A_1596 = arith.constant 31 : i32
    %max3A_1597 = vector.broadcast %jit3A_1595 : i32 to vector<1x1024xi32>
    %max3A_1598 = arith.maxsi %max3A_1597, %add3A_1565 : vector<1x1024xi32>
    %min3A_1599 = vector.broadcast %jit3A_1596 : i32 to vector<1x1024xi32>
    %min3A_1600 = arith.minsi %min3A_1599, %max3A_1598 : vector<1x1024xi32>
    %add3A_1601 = arith.addi %mul3A_1594, %min3A_1600 : vector<1x1024xi32>
    %add3A_1602 = vector.broadcast %mul3A_960 : i32 to vector<1x1024xi32>
    %add3A_1603 = arith.addi %add3A_1601, %add3A_1602 : vector<1x1024xi32>
    %add3A_1604 = arith.constant 1 : i32
    %add3A_1605 = vector.broadcast %add3A_1604 : i32 to vector<1x1024xi32>
    %add3A_1606 = arith.addi %convert_element_type3A_1557, %add3A_1605 : vector<1x1024xi32>
    %ge3A_1607 = arith.constant 0 : i32
    %ge3A_1608 = vector.broadcast %ge3A_1607 : i32 to vector<1x1024xi32>
    %ge3A_1609 = arith.cmpi sge, %add3A_1606, %ge3A_1608 : vector<1x1024xi32>
    %le3A_1610 = arith.constant 31 : i32
    %le3A_1611 = vector.broadcast %le3A_1610 : i32 to vector<1x1024xi32>
    %le3A_1612 = arith.cmpi sle, %add3A_1606, %le3A_1611 : vector<1x1024xi32>
    %and3A_1613 = arith.andi %ge3A_1609, %le3A_1612 : vector<1x1024xi1>
    %ge3A_1614 = arith.constant 0 : i32
    %ge3A_1615 = vector.broadcast %ge3A_1614 : i32 to vector<1x1024xi32>
    %ge3A_1616 = arith.cmpi sge, %add3A_1562, %ge3A_1615 : vector<1x1024xi32>
    %and3A_1617 = arith.andi %and3A_1613, %ge3A_1616 : vector<1x1024xi1>
    %le3A_1618 = arith.constant 31 : i32
    %le3A_1619 = vector.broadcast %le3A_1618 : i32 to vector<1x1024xi32>
    %le3A_1620 = arith.cmpi sle, %add3A_1562, %le3A_1619 : vector<1x1024xi32>
    %and3A_1621 = arith.andi %and3A_1617, %le3A_1620 : vector<1x1024xi1>
    %mul3A_1622 = arith.mulf %sub3A_1549, %sub3A_1556 : vector<1x1024xf32>
    %mul3A_1623 = arith.mulf %mul3A_1622, %mul3A_1559 : vector<1x1024xf32>
    %jit3A_1624 = arith.constant 0.000000e+00 : f32
    %broadcast_in_dim3A_1625 = vector.broadcast %jit3A_1624 : f32 to vector<1x1024xf32>
    %select_n3A_1626 = arith.select %and3A_1621, %mul3A_1623, %broadcast_in_dim3A_1625 : vector<1x1024xi1>, vector<1x1024xf32>
    %jit3A_1627 = arith.constant 0 : i32
    %jit3A_1628 = arith.constant 31 : i32
    %max3A_1629 = vector.broadcast %jit3A_1627 : i32 to vector<1x1024xi32>
    %max3A_1630 = arith.maxsi %max3A_1629, %add3A_1562 : vector<1x1024xi32>
    %min3A_1631 = vector.broadcast %jit3A_1628 : i32 to vector<1x1024xi32>
    %min3A_1632 = arith.minsi %min3A_1631, %max3A_1630 : vector<1x1024xi32>
    %mul3A_1633 = arith.constant 32 : i32
    %mul3A_1634 = vector.broadcast %mul3A_1633 : i32 to vector<1x1024xi32>
    %mul3A_1635 = arith.muli %min3A_1632, %mul3A_1634 : vector<1x1024xi32>
    %jit3A_1636 = arith.constant 0 : i32
    %jit3A_1637 = arith.constant 31 : i32
    %max3A_1638 = vector.broadcast %jit3A_1636 : i32 to vector<1x1024xi32>
    %max3A_1639 = arith.maxsi %max3A_1638, %add3A_1606 : vector<1x1024xi32>
    %min3A_1640 = vector.broadcast %jit3A_1637 : i32 to vector<1x1024xi32>
    %min3A_1641 = arith.minsi %min3A_1640, %max3A_1639 : vector<1x1024xi32>
    %add3A_1642 = arith.addi %mul3A_1635, %min3A_1641 : vector<1x1024xi32>
    %add3A_1643 = vector.broadcast %mul3A_960 : i32 to vector<1x1024xi32>
    %add3A_1644 = arith.addi %add3A_1642, %add3A_1643 : vector<1x1024xi32>
    %add3A_1645 = arith.constant 1 : i32
    %add3A_1646 = vector.broadcast %add3A_1645 : i32 to vector<1x1024xi32>
    %add3A_1647 = arith.addi %convert_element_type3A_1558, %add3A_1646 : vector<1x1024xi32>
    %add3A_1648 = arith.constant 0 : i32
    %add3A_1649 = vector.broadcast %add3A_1648 : i32 to vector<1x1024xi32>
    %add3A_1650 = arith.addi %convert_element_type3A_1557, %add3A_1649 : vector<1x1024xi32>
    %ge3A_1651 = arith.constant 0 : i32
    %ge3A_1652 = vector.broadcast %ge3A_1651 : i32 to vector<1x1024xi32>
    %ge3A_1653 = arith.cmpi sge, %add3A_1650, %ge3A_1652 : vector<1x1024xi32>
    %le3A_1654 = arith.constant 31 : i32
    %le3A_1655 = vector.broadcast %le3A_1654 : i32 to vector<1x1024xi32>
    %le3A_1656 = arith.cmpi sle, %add3A_1650, %le3A_1655 : vector<1x1024xi32>
    %and3A_1657 = arith.andi %ge3A_1653, %le3A_1656 : vector<1x1024xi1>
    %ge3A_1658 = arith.constant 0 : i32
    %ge3A_1659 = vector.broadcast %ge3A_1658 : i32 to vector<1x1024xi32>
    %ge3A_1660 = arith.cmpi sge, %add3A_1647, %ge3A_1659 : vector<1x1024xi32>
    %and3A_1661 = arith.andi %and3A_1657, %ge3A_1660 : vector<1x1024xi1>
    %le3A_1662 = arith.constant 31 : i32
    %le3A_1663 = vector.broadcast %le3A_1662 : i32 to vector<1x1024xi32>
    %le3A_1664 = arith.cmpi sle, %add3A_1647, %le3A_1663 : vector<1x1024xi32>
    %and3A_1665 = arith.andi %and3A_1661, %le3A_1664 : vector<1x1024xi1>
    %mul3A_1666 = arith.mulf %sub3A_1552, %sub3A_1553 : vector<1x1024xf32>
    %mul3A_1667 = arith.mulf %mul3A_1666, %mul3A_1559 : vector<1x1024xf32>
    %jit3A_1668 = arith.constant 0.000000e+00 : f32
    %broadcast_in_dim3A_1669 = vector.broadcast %jit3A_1668 : f32 to vector<1x1024xf32>
    %select_n3A_1670 = arith.select %and3A_1665, %mul3A_1667, %broadcast_in_dim3A_1669 : vector<1x1024xi1>, vector<1x1024xf32>
    %jit3A_1671 = arith.constant 0 : i32
    %jit3A_1672 = arith.constant 31 : i32
    %max3A_1673 = vector.broadcast %jit3A_1671 : i32 to vector<1x1024xi32>
    %max3A_1674 = arith.maxsi %max3A_1673, %add3A_1647 : vector<1x1024xi32>
    %min3A_1675 = vector.broadcast %jit3A_1672 : i32 to vector<1x1024xi32>
    %min3A_1676 = arith.minsi %min3A_1675, %max3A_1674 : vector<1x1024xi32>
    %mul3A_1677 = arith.constant 32 : i32
    %mul3A_1678 = vector.broadcast %mul3A_1677 : i32 to vector<1x1024xi32>
    %mul3A_1679 = arith.muli %min3A_1676, %mul3A_1678 : vector<1x1024xi32>
    %jit3A_1680 = arith.constant 0 : i32
    %jit3A_1681 = arith.constant 31 : i32
    %max3A_1682 = vector.broadcast %jit3A_1680 : i32 to vector<1x1024xi32>
    %max3A_1683 = arith.maxsi %max3A_1682, %add3A_1650 : vector<1x1024xi32>
    %min3A_1684 = vector.broadcast %jit3A_1681 : i32 to vector<1x1024xi32>
    %min3A_1685 = arith.minsi %min3A_1684, %max3A_1683 : vector<1x1024xi32>
    %add3A_1686 = arith.addi %mul3A_1679, %min3A_1685 : vector<1x1024xi32>
    %add3A_1687 = vector.broadcast %mul3A_960 : i32 to vector<1x1024xi32>
    %add3A_1688 = arith.addi %add3A_1686, %add3A_1687 : vector<1x1024xi32>
    %add3A_1689 = arith.constant 1 : i32
    %add3A_1690 = vector.broadcast %add3A_1689 : i32 to vector<1x1024xi32>
    %add3A_1691 = arith.addi %convert_element_type3A_1557, %add3A_1690 : vector<1x1024xi32>
    %ge3A_1692 = arith.constant 0 : i32
    %ge3A_1693 = vector.broadcast %ge3A_1692 : i32 to vector<1x1024xi32>
    %ge3A_1694 = arith.cmpi sge, %add3A_1691, %ge3A_1693 : vector<1x1024xi32>
    %le3A_1695 = arith.constant 31 : i32
    %le3A_1696 = vector.broadcast %le3A_1695 : i32 to vector<1x1024xi32>
    %le3A_1697 = arith.cmpi sle, %add3A_1691, %le3A_1696 : vector<1x1024xi32>
    %and3A_1698 = arith.andi %ge3A_1694, %le3A_1697 : vector<1x1024xi1>
    %ge3A_1699 = arith.constant 0 : i32
    %ge3A_1700 = vector.broadcast %ge3A_1699 : i32 to vector<1x1024xi32>
    %ge3A_1701 = arith.cmpi sge, %add3A_1647, %ge3A_1700 : vector<1x1024xi32>
    %and3A_1702 = arith.andi %and3A_1698, %ge3A_1701 : vector<1x1024xi1>
    %le3A_1703 = arith.constant 31 : i32
    %le3A_1704 = vector.broadcast %le3A_1703 : i32 to vector<1x1024xi32>
    %le3A_1705 = arith.cmpi sle, %add3A_1647, %le3A_1704 : vector<1x1024xi32>
    %and3A_1706 = arith.andi %and3A_1702, %le3A_1705 : vector<1x1024xi1>
    %mul3A_1707 = arith.mulf %sub3A_1549, %sub3A_1553 : vector<1x1024xf32>
    %mul3A_1708 = arith.mulf %mul3A_1707, %mul3A_1559 : vector<1x1024xf32>
    %jit3A_1709 = arith.constant 0.000000e+00 : f32
    %broadcast_in_dim3A_1710 = vector.broadcast %jit3A_1709 : f32 to vector<1x1024xf32>
    %select_n3A_1711 = arith.select %and3A_1706, %mul3A_1708, %broadcast_in_dim3A_1710 : vector<1x1024xi1>, vector<1x1024xf32>
    %jit3A_1712 = arith.constant 0 : i32
    %jit3A_1713 = arith.constant 31 : i32
    %max3A_1714 = vector.broadcast %jit3A_1712 : i32 to vector<1x1024xi32>
    %max3A_1715 = arith.maxsi %max3A_1714, %add3A_1647 : vector<1x1024xi32>
    %min3A_1716 = vector.broadcast %jit3A_1713 : i32 to vector<1x1024xi32>
    %min3A_1717 = arith.minsi %min3A_1716, %max3A_1715 : vector<1x1024xi32>
    %mul3A_1718 = arith.constant 32 : i32
    %mul3A_1719 = vector.broadcast %mul3A_1718 : i32 to vector<1x1024xi32>
    %mul3A_1720 = arith.muli %min3A_1717, %mul3A_1719 : vector<1x1024xi32>
    %jit3A_1721 = arith.constant 0 : i32
    %jit3A_1722 = arith.constant 31 : i32
    %max3A_1723 = vector.broadcast %jit3A_1721 : i32 to vector<1x1024xi32>
    %max3A_1724 = arith.maxsi %max3A_1723, %add3A_1691 : vector<1x1024xi32>
    %min3A_1725 = vector.broadcast %jit3A_1722 : i32 to vector<1x1024xi32>
    %min3A_1726 = arith.minsi %min3A_1725, %max3A_1724 : vector<1x1024xi32>
    %add3A_1727 = arith.addi %mul3A_1720, %min3A_1726 : vector<1x1024xi32>
    %add3A_1728 = vector.broadcast %mul3A_960 : i32 to vector<1x1024xi32>
    %add3A_1729 = arith.addi %add3A_1727, %add3A_1728 : vector<1x1024xi32>
    %concatenate3A_1730 = tpu.concatenate %select_n3A_1024, %select_n3A_1065, %select_n3A_1109, %select_n3A_1150, %select_n3A_1211, %select_n3A_1252, %select_n3A_1296, %select_n3A_1337, %select_n3A_1398, %select_n3A_1439, %select_n3A_1483, %select_n3A_1524, %select_n3A_1585, %select_n3A_1626, %select_n3A_1670, %select_n3A_1711 in 0 : vector<1x1024xf32>, vector<1x1024xf32>, vector<1x1024xf32>, vector<1x1024xf32>, vector<1x1024xf32>, vector<1x1024xf32>, vector<1x1024xf32>, vector<1x1024xf32>, vector<1x1024xf32>, vector<1x1024xf32>, vector<1x1024xf32>, vector<1x1024xf32>, vector<1x1024xf32>, vector<1x1024xf32>, vector<1x1024xf32>, vector<1x1024xf32> -> vector<16x1024xf32>
    %transpose3A_1731 = tpu.transpose %concatenate3A_1730, [1, 0] : vector<16x1024xf32> -> vector<1024x16xf32>
    %swap3A_1732 = arith.constant 0 : index
    %swap3A_1733 = arith.constant 1 : index
    %swap3A_1734 = arith.constant 0 : index
    %swap3A_1735 = arith.constant 0 : index
    %swap3A_1736 = vector.load %arg16[%swap3A_1732, %swap3A_1733, %swap3A_1734, %swap3A_1735] : memref<1x4x1024x16xf32, #tpu.memory_space<vmem>>, vector<1x1x1024x16xf32>
    %swap3A_1737 = vector.shape_cast %swap3A_1736 : vector<1x1x1024x16xf32> to vector<1024x16xf32>
    %swap3A_1738 = vector.shape_cast %transpose3A_1731 : vector<1024x16xf32> to vector<1x1x1024x16xf32>
    tpu.vector_store %arg16[%swap3A_1732, %swap3A_1733, %swap3A_1734, %swap3A_1735], %swap3A_1738 {strides = array<i32>} : memref<1x4x1024x16xf32, #tpu.memory_space<vmem>>, vector<1x1x1024x16xf32>,
    %concatenate3A_1739 = tpu.concatenate %add3A_1042, %add3A_1083, %add3A_1127, %add3A_1168, %add3A_1229, %add3A_1270, %add3A_1314, %add3A_1355, %add3A_1416, %add3A_1457, %add3A_1501, %add3A_1542, %add3A_1603, %add3A_1644, %add3A_1688, %add3A_1729 in 0 : vector<1x1024xi32>, vector<1x1024xi32>, vector<1x1024xi32>, vector<1x1024xi32>, vector<1x1024xi32>, vector<1x1024xi32>, vector<1x1024xi32>, vector<1x1024xi32>, vector<1x1024xi32>, vector<1x1024xi32>, vector<1x1024xi32>, vector<1x1024xi32>, vector<1x1024xi32>, vector<1x1024xi32>, vector<1x1024xi32>, vector<1x1024xi32> -> vector<16x1024xi32>
    %transpose3A_1740 = tpu.transpose %concatenate3A_1739, [1, 0] : vector<16x1024xi32> -> vector<1024x16xi32>
    %swap3A_1741 = arith.constant 0 : index
    %swap3A_1742 = arith.constant 1 : index
    %swap3A_1743 = arith.constant 0 : index
    %swap3A_1744 = arith.constant 0 : index
    %swap3A_1745 = vector.load %arg15[%swap3A_1741, %swap3A_1742, %swap3A_1743, %swap3A_1744] : memref<1x4x1024x16xi32, #tpu.memory_space<vmem>>, vector<1x1x1024x16xi32>
    %swap3A_1746 = vector.shape_cast %swap3A_1745 : vector<1x1x1024x16xi32> to vector<1024x16xi32>
    %swap3A_1747 = vector.shape_cast %transpose3A_1740 : vector<1024x16xi32> to vector<1x1x1024x16xi32>
    tpu.vector_store %arg15[%swap3A_1741, %swap3A_1742, %swap3A_1743, %swap3A_1744], %swap3A_1747 {strides = array<i32>} : memref<1x4x1024x16xi32, #tpu.memory_space<vmem>>, vector<1x1x1024x16xi32>,
    %slice3A_1748 = vector.extract_strided_slice %add3A_86 {offsets = [0, 192], sizes = [1024, 96], strides = [1, 1]} : vector<1024x384xf32> to vector<1024x96xf32>
    %concatenate3A_1749 = tpu.concatenate %slice3A_1748, %broadcast_in_dim3A_153 in 1 : vector<1024x96xf32>, vector<1024x32xf32> -> vector<1024x128xf32>
    %swap3A_1750 = arith.constant 0 : index
    %swap3A_1751 = arith.constant 2 : index
    %swap3A_1752 = arith.constant 0 : index
    %swap3A_1753 = arith.constant 0 : index
    %swap3A_1754 = vector.load %arg14[%swap3A_1750, %swap3A_1751, %swap3A_1752, %swap3A_1753] : memref<1x4x1024x128xf32, #tpu.memory_space<vmem>>, vector<1x1x1024x128xf32>
    %swap3A_1755 = vector.shape_cast %swap3A_1754 : vector<1x1x1024x128xf32> to vector<1024x128xf32>
    %swap3A_1756 = vector.shape_cast %concatenate3A_1749 : vector<1024x128xf32> to vector<1x1x1024x128xf32>
    tpu.vector_store %arg14[%swap3A_1750, %swap3A_1751, %swap3A_1752, %swap3A_1753], %swap3A_1756 {strides = array<i32>} : memref<1x4x1024x128xf32, #tpu.memory_space<vmem>>, vector<1x1x1024x128xf32>,
    %mul3A_1757 = arith.constant 4 : i32
    %mul3A_1758 = arith.muli %arg0, %mul3A_1757 : i32
    %add3A_1759 = arith.constant 2 : i32
    %add3A_1760 = arith.addi %mul3A_1758, %add3A_1759 : i32
    %mul3A_1761 = arith.constant 1024 : i32
    %mul3A_1762 = arith.muli %add3A_1760, %mul3A_1761 : i32
    %slice3A_1763 = vector.extract_strided_slice %add3A_105 {offsets = [8, 0], sizes = [1, 1024], strides = [1, 1]} : vector<16x1024xf32> to vector<1x1024xf32>
    %slice3A_1764 = vector.extract_strided_slice %add3A_105 {offsets = [9, 0], sizes = [1, 1024], strides = [1, 1]} : vector<16x1024xf32> to vector<1x1024xf32>
    %slice3A_1765 = vector.extract_strided_slice %add3A_105 {offsets = [10, 0], sizes = [1, 1024], strides = [1, 1]} : vector<16x1024xf32> to vector<1x1024xf32>
    %slice3A_1766 = vector.extract_strided_slice %add3A_105 {offsets = [11, 0], sizes = [1, 1024], strides = [1, 1]} : vector<16x1024xf32> to vector<1x1024xf32>
    %max3A_1767 = arith.maximumf %slice3A_1763, %slice3A_1764 : vector<1x1024xf32>
    %max3A_1768 = arith.maximumf %slice3A_1765, %slice3A_1766 : vector<1x1024xf32>
    %max3A_1769 = arith.maximumf %max3A_1767, %max3A_1768 : vector<1x1024xf32>
    %sub3A_1770 = arith.subf %slice3A_1763, %max3A_1769 : vector<1x1024xf32>
    %exp3A_1771 = math.exp %sub3A_1770 : vector<1x1024xf32>
    %sub3A_1772 = arith.subf %slice3A_1764, %max3A_1769 : vector<1x1024xf32>
    %exp3A_1773 = math.exp %sub3A_1772 : vector<1x1024xf32>
    %sub3A_1774 = arith.subf %slice3A_1765, %max3A_1769 : vector<1x1024xf32>
    %exp3A_1775 = math.exp %sub3A_1774 : vector<1x1024xf32>
    %sub3A_1776 = arith.subf %slice3A_1766, %max3A_1769 : vector<1x1024xf32>
    %exp3A_1777 = math.exp %sub3A_1776 : vector<1x1024xf32>
    %add3A_1778 = arith.addf %exp3A_1771, %exp3A_1773 : vector<1x1024xf32>
    %add3A_1779 = arith.addf %add3A_1778, %exp3A_1775 : vector<1x1024xf32>
    %add3A_1780 = arith.addf %add3A_1779, %exp3A_1777 : vector<1x1024xf32>
    %div3A_1781 = arith.constant 1.000000e+00 : f32
    %div3A_1782 = vector.broadcast %div3A_1781 : f32 to vector<1x1024xf32>
    %div3A_1783 = arith.divf %div3A_1782, %add3A_1780 : vector<1x1024xf32>
    %slice3A_1784 = vector.extract_strided_slice %add3A_95 {offsets = [16, 0], sizes = [1, 1024], strides = [1, 1]} : vector<32x1024xf32> to vector<1x1024xf32>
    %add3A_1785 = arith.addf %convert_element_type3A, %slice3A_1784 : vector<1x1024xf32>
    %slice3A_1786 = vector.extract_strided_slice %add3A_95 {offsets = [17, 0], sizes = [1, 1024], strides = [1, 1]} : vector<32x1024xf32> to vector<1x1024xf32>
    %add3A_1787 = arith.addf %convert_element_type3A_151, %slice3A_1786 : vector<1x1024xf32>
    %floor3A_1788 = math.floor %add3A_1785 : vector<1x1024xf32>
    %floor3A_1789 = math.floor %add3A_1787 : vector<1x1024xf32>
    %sub3A_1790 = arith.subf %add3A_1785, %floor3A_1788 : vector<1x1024xf32>
    %sub3A_1791 = arith.constant 1.000000e+00 : f32
    %sub3A_1792 = vector.broadcast %sub3A_1791 : f32 to vector<1x1024xf32>
    %sub3A_1793 = arith.subf %sub3A_1792, %sub3A_1790 : vector<1x1024xf32>
    %sub3A_1794 = arith.subf %add3A_1787, %floor3A_1789 : vector<1x1024xf32>
    %sub3A_1795 = arith.constant 1.000000e+00 : f32
    %sub3A_1796 = vector.broadcast %sub3A_1795 : f32 to vector<1x1024xf32>
    %sub3A_1797 = arith.subf %sub3A_1796, %sub3A_1794 : vector<1x1024xf32>
    %convert_element_type3A_1798 = arith.fptosi %floor3A_1788 : vector<1x1024xf32> to vector<1x1024xi32>
    %convert_element_type3A_1799 = arith.fptosi %floor3A_1789 : vector<1x1024xf32> to vector<1x1024xi32>
    %mul3A_1800 = arith.mulf %exp3A_1771, %div3A_1783 : vector<1x1024xf32>
    %add3A_1801 = arith.constant 0 : i32
    %add3A_1802 = vector.broadcast %add3A_1801 : i32 to vector<1x1024xi32>
    %add3A_1803 = arith.addi %convert_element_type3A_1799, %add3A_1802 : vector<1x1024xi32>
    %add3A_1804 = arith.constant 0 : i32
    %add3A_1805 = vector.broadcast %add3A_1804 : i32 to vector<1x1024xi32>
    %add3A_1806 = arith.addi %convert_element_type3A_1798, %add3A_1805 : vector<1x1024xi32>
    %ge3A_1807 = arith.constant 0 : i32
    %ge3A_1808 = vector.broadcast %ge3A_1807 : i32 to vector<1x1024xi32>
    %ge3A_1809 = arith.cmpi sge, %add3A_1806, %ge3A_1808 : vector<1x1024xi32>
    %le3A_1810 = arith.constant 31 : i32
    %le3A_1811 = vector.broadcast %le3A_1810 : i32 to vector<1x1024xi32>
    %le3A_1812 = arith.cmpi sle, %add3A_1806, %le3A_1811 : vector<1x1024xi32>
    %and3A_1813 = arith.andi %ge3A_1809, %le3A_1812 : vector<1x1024xi1>
    %ge3A_1814 = arith.constant 0 : i32
    %ge3A_1815 = vector.broadcast %ge3A_1814 : i32 to vector<1x1024xi32>
    %ge3A_1816 = arith.cmpi sge, %add3A_1803, %ge3A_1815 : vector<1x1024xi32>
    %and3A_1817 = arith.andi %and3A_1813, %ge3A_1816 : vector<1x1024xi1>
    %le3A_1818 = arith.constant 31 : i32
    %le3A_1819 = vector.broadcast %le3A_1818 : i32 to vector<1x1024xi32>
    %le3A_1820 = arith.cmpi sle, %add3A_1803, %le3A_1819 : vector<1x1024xi32>
    %and3A_1821 = arith.andi %and3A_1817, %le3A_1820 : vector<1x1024xi1>
    %mul3A_1822 = arith.mulf %sub3A_1793, %sub3A_1797 : vector<1x1024xf32>
    %mul3A_1823 = arith.mulf %mul3A_1822, %mul3A_1800 : vector<1x1024xf32>
    %jit3A_1824 = arith.constant 0.000000e+00 : f32
    %broadcast_in_dim3A_1825 = vector.broadcast %jit3A_1824 : f32 to vector<1x1024xf32>
    %select_n3A_1826 = arith.select %and3A_1821, %mul3A_1823, %broadcast_in_dim3A_1825 : vector<1x1024xi1>, vector<1x1024xf32>
    %jit3A_1827 = arith.constant 0 : i32
    %jit3A_1828 = arith.constant 31 : i32
    %max3A_1829 = vector.broadcast %jit3A_1827 : i32 to vector<1x1024xi32>
    %max3A_1830 = arith.maxsi %max3A_1829, %add3A_1803 : vector<1x1024xi32>
    %min3A_1831 = vector.broadcast %jit3A_1828 : i32 to vector<1x1024xi32>
    %min3A_1832 = arith.minsi %min3A_1831, %max3A_1830 : vector<1x1024xi32>
    %mul3A_1833 = arith.constant 32 : i32
    %mul3A_1834 = vector.broadcast %mul3A_1833 : i32 to vector<1x1024xi32>
    %mul3A_1835 = arith.muli %min3A_1832, %mul3A_1834 : vector<1x1024xi32>
    %jit3A_1836 = arith.constant 0 : i32
    %jit3A_1837 = arith.constant 31 : i32
    %max3A_1838 = vector.broadcast %jit3A_1836 : i32 to vector<1x1024xi32>
    %max3A_1839 = arith.maxsi %max3A_1838, %add3A_1806 : vector<1x1024xi32>
    %min3A_1840 = vector.broadcast %jit3A_1837 : i32 to vector<1x1024xi32>
    %min3A_1841 = arith.minsi %min3A_1840, %max3A_1839 : vector<1x1024xi32>
    %add3A_1842 = arith.addi %mul3A_1835, %min3A_1841 : vector<1x1024xi32>
    %add3A_1843 = vector.broadcast %mul3A_1762 : i32 to vector<1x1024xi32>
    %add3A_1844 = arith.addi %add3A_1842, %add3A_1843 : vector<1x1024xi32>
    %add3A_1845 = arith.constant 1 : i32
    %add3A_1846 = vector.broadcast %add3A_1845 : i32 to vector<1x1024xi32>
    %add3A_1847 = arith.addi %convert_element_type3A_1798, %add3A_1846 : vector<1x1024xi32>
    %ge3A_1848 = arith.constant 0 : i32
    %ge3A_1849 = vector.broadcast %ge3A_1848 : i32 to vector<1x1024xi32>
    %ge3A_1850 = arith.cmpi sge, %add3A_1847, %ge3A_1849 : vector<1x1024xi32>
    %le3A_1851 = arith.constant 31 : i32
    %le3A_1852 = vector.broadcast %le3A_1851 : i32 to vector<1x1024xi32>
    %le3A_1853 = arith.cmpi sle, %add3A_1847, %le3A_1852 : vector<1x1024xi32>
    %and3A_1854 = arith.andi %ge3A_1850, %le3A_1853 : vector<1x1024xi1>
    %ge3A_1855 = arith.constant 0 : i32
    %ge3A_1856 = vector.broadcast %ge3A_1855 : i32 to vector<1x1024xi32>
    %ge3A_1857 = arith.cmpi sge, %add3A_1803, %ge3A_1856 : vector<1x1024xi32>
    %and3A_1858 = arith.andi %and3A_1854, %ge3A_1857 : vector<1x1024xi1>
    %le3A_1859 = arith.constant 31 : i32
    %le3A_1860 = vector.broadcast %le3A_1859 : i32 to vector<1x1024xi32>
    %le3A_1861 = arith.cmpi sle, %add3A_1803, %le3A_1860 : vector<1x1024xi32>
    %and3A_1862 = arith.andi %and3A_1858, %le3A_1861 : vector<1x1024xi1>
    %mul3A_1863 = arith.mulf %sub3A_1790, %sub3A_1797 : vector<1x1024xf32>
    %mul3A_1864 = arith.mulf %mul3A_1863, %mul3A_1800 : vector<1x1024xf32>
    %jit3A_1865 = arith.constant 0.000000e+00 : f32
    %broadcast_in_dim3A_1866 = vector.broadcast %jit3A_1865 : f32 to vector<1x1024xf32>
    %select_n3A_1867 = arith.select %and3A_1862, %mul3A_1864, %broadcast_in_dim3A_1866 : vector<1x1024xi1>, vector<1x1024xf32>
    %jit3A_1868 = arith.constant 0 : i32
    %jit3A_1869 = arith.constant 31 : i32
    %max3A_1870 = vector.broadcast %jit3A_1868 : i32 to vector<1x1024xi32>
    %max3A_1871 = arith.maxsi %max3A_1870, %add3A_1803 : vector<1x1024xi32>
    %min3A_1872 = vector.broadcast %jit3A_1869 : i32 to vector<1x1024xi32>
    %min3A_1873 = arith.minsi %min3A_1872, %max3A_1871 : vector<1x1024xi32>
    %mul3A_1874 = arith.constant 32 : i32
    %mul3A_1875 = vector.broadcast %mul3A_1874 : i32 to vector<1x1024xi32>
    %mul3A_1876 = arith.muli %min3A_1873, %mul3A_1875 : vector<1x1024xi32>
    %jit3A_1877 = arith.constant 0 : i32
    %jit3A_1878 = arith.constant 31 : i32
    %max3A_1879 = vector.broadcast %jit3A_1877 : i32 to vector<1x1024xi32>
    %max3A_1880 = arith.maxsi %max3A_1879, %add3A_1847 : vector<1x1024xi32>
    %min3A_1881 = vector.broadcast %jit3A_1878 : i32 to vector<1x1024xi32>
    %min3A_1882 = arith.minsi %min3A_1881, %max3A_1880 : vector<1x1024xi32>
    %add3A_1883 = arith.addi %mul3A_1876, %min3A_1882 : vector<1x1024xi32>
    %add3A_1884 = vector.broadcast %mul3A_1762 : i32 to vector<1x1024xi32>
    %add3A_1885 = arith.addi %add3A_1883, %add3A_1884 : vector<1x1024xi32>
    %add3A_1886 = arith.constant 1 : i32
    %add3A_1887 = vector.broadcast %add3A_1886 : i32 to vector<1x1024xi32>
    %add3A_1888 = arith.addi %convert_element_type3A_1799, %add3A_1887 : vector<1x1024xi32>
    %add3A_1889 = arith.constant 0 : i32
    %add3A_1890 = vector.broadcast %add3A_1889 : i32 to vector<1x1024xi32>
    %add3A_1891 = arith.addi %convert_element_type3A_1798, %add3A_1890 : vector<1x1024xi32>
    %ge3A_1892 = arith.constant 0 : i32
    %ge3A_1893 = vector.broadcast %ge3A_1892 : i32 to vector<1x1024xi32>
    %ge3A_1894 = arith.cmpi sge, %add3A_1891, %ge3A_1893 : vector<1x1024xi32>
    %le3A_1895 = arith.constant 31 : i32
    %le3A_1896 = vector.broadcast %le3A_1895 : i32 to vector<1x1024xi32>
    %le3A_1897 = arith.cmpi sle, %add3A_1891, %le3A_1896 : vector<1x1024xi32>
    %and3A_1898 = arith.andi %ge3A_1894, %le3A_1897 : vector<1x1024xi1>
    %ge3A_1899 = arith.constant 0 : i32
    %ge3A_1900 = vector.broadcast %ge3A_1899 : i32 to vector<1x1024xi32>
    %ge3A_1901 = arith.cmpi sge, %add3A_1888, %ge3A_1900 : vector<1x1024xi32>
    %and3A_1902 = arith.andi %and3A_1898, %ge3A_1901 : vector<1x1024xi1>
    %le3A_1903 = arith.constant 31 : i32
    %le3A_1904 = vector.broadcast %le3A_1903 : i32 to vector<1x1024xi32>
    %le3A_1905 = arith.cmpi sle, %add3A_1888, %le3A_1904 : vector<1x1024xi32>
    %and3A_1906 = arith.andi %and3A_1902, %le3A_1905 : vector<1x1024xi1>
    %mul3A_1907 = arith.mulf %sub3A_1793, %sub3A_1794 : vector<1x1024xf32>
    %mul3A_1908 = arith.mulf %mul3A_1907, %mul3A_1800 : vector<1x1024xf32>
    %jit3A_1909 = arith.constant 0.000000e+00 : f32
    %broadcast_in_dim3A_1910 = vector.broadcast %jit3A_1909 : f32 to vector<1x1024xf32>
    %select_n3A_1911 = arith.select %and3A_1906, %mul3A_1908, %broadcast_in_dim3A_1910 : vector<1x1024xi1>, vector<1x1024xf32>
    %jit3A_1912 = arith.constant 0 : i32
    %jit3A_1913 = arith.constant 31 : i32
    %max3A_1914 = vector.broadcast %jit3A_1912 : i32 to vector<1x1024xi32>
    %max3A_1915 = arith.maxsi %max3A_1914, %add3A_1888 : vector<1x1024xi32>
    %min3A_1916 = vector.broadcast %jit3A_1913 : i32 to vector<1x1024xi32>
    %min3A_1917 = arith.minsi %min3A_1916, %max3A_1915 : vector<1x1024xi32>
    %mul3A_1918 = arith.constant 32 : i32
    %mul3A_1919 = vector.broadcast %mul3A_1918 : i32 to vector<1x1024xi32>
    %mul3A_1920 = arith.muli %min3A_1917, %mul3A_1919 : vector<1x1024xi32>
    %jit3A_1921 = arith.constant 0 : i32
    %jit3A_1922 = arith.constant 31 : i32
    %max3A_1923 = vector.broadcast %jit3A_1921 : i32 to vector<1x1024xi32>
    %max3A_1924 = arith.maxsi %max3A_1923, %add3A_1891 : vector<1x1024xi32>
    %min3A_1925 = vector.broadcast %jit3A_1922 : i32 to vector<1x1024xi32>
    %min3A_1926 = arith.minsi %min3A_1925, %max3A_1924 : vector<1x1024xi32>
    %add3A_1927 = arith.addi %mul3A_1920, %min3A_1926 : vector<1x1024xi32>
    %add3A_1928 = vector.broadcast %mul3A_1762 : i32 to vector<1x1024xi32>
    %add3A_1929 = arith.addi %add3A_1927, %add3A_1928 : vector<1x1024xi32>
    %add3A_1930 = arith.constant 1 : i32
    %add3A_1931 = vector.broadcast %add3A_1930 : i32 to vector<1x1024xi32>
    %add3A_1932 = arith.addi %convert_element_type3A_1798, %add3A_1931 : vector<1x1024xi32>
    %ge3A_1933 = arith.constant 0 : i32
    %ge3A_1934 = vector.broadcast %ge3A_1933 : i32 to vector<1x1024xi32>
    %ge3A_1935 = arith.cmpi sge, %add3A_1932, %ge3A_1934 : vector<1x1024xi32>
    %le3A_1936 = arith.constant 31 : i32
    %le3A_1937 = vector.broadcast %le3A_1936 : i32 to vector<1x1024xi32>
    %le3A_1938 = arith.cmpi sle, %add3A_1932, %le3A_1937 : vector<1x1024xi32>
    %and3A_1939 = arith.andi %ge3A_1935, %le3A_1938 : vector<1x1024xi1>
    %ge3A_1940 = arith.constant 0 : i32
    %ge3A_1941 = vector.broadcast %ge3A_1940 : i32 to vector<1x1024xi32>
    %ge3A_1942 = arith.cmpi sge, %add3A_1888, %ge3A_1941 : vector<1x1024xi32>
    %and3A_1943 = arith.andi %and3A_1939, %ge3A_1942 : vector<1x1024xi1>
    %le3A_1944 = arith.constant 31 : i32
    %le3A_1945 = vector.broadcast %le3A_1944 : i32 to vector<1x1024xi32>
    %le3A_1946 = arith.cmpi sle, %add3A_1888, %le3A_1945 : vector<1x1024xi32>
    %and3A_1947 = arith.andi %and3A_1943, %le3A_1946 : vector<1x1024xi1>
    %mul3A_1948 = arith.mulf %sub3A_1790, %sub3A_1794 : vector<1x1024xf32>
    %mul3A_1949 = arith.mulf %mul3A_1948, %mul3A_1800 : vector<1x1024xf32>
    %jit3A_1950 = arith.constant 0.000000e+00 : f32
    %broadcast_in_dim3A_1951 = vector.broadcast %jit3A_1950 : f32 to vector<1x1024xf32>
    %select_n3A_1952 = arith.select %and3A_1947, %mul3A_1949, %broadcast_in_dim3A_1951 : vector<1x1024xi1>, vector<1x1024xf32>
    %jit3A_1953 = arith.constant 0 : i32
    %jit3A_1954 = arith.constant 31 : i32
    %max3A_1955 = vector.broadcast %jit3A_1953 : i32 to vector<1x1024xi32>
    %max3A_1956 = arith.maxsi %max3A_1955, %add3A_1888 : vector<1x1024xi32>
    %min3A_1957 = vector.broadcast %jit3A_1954 : i32 to vector<1x1024xi32>
    %min3A_1958 = arith.minsi %min3A_1957, %max3A_1956 : vector<1x1024xi32>
    %mul3A_1959 = arith.constant 32 : i32
    %mul3A_1960 = vector.broadcast %mul3A_1959 : i32 to vector<1x1024xi32>
    %mul3A_1961 = arith.muli %min3A_1958, %mul3A_1960 : vector<1x1024xi32>
    %jit3A_1962 = arith.constant 0 : i32
    %jit3A_1963 = arith.constant 31 : i32
    %max3A_1964 = vector.broadcast %jit3A_1962 : i32 to vector<1x1024xi32>
    %max3A_1965 = arith.maxsi %max3A_1964, %add3A_1932 : vector<1x1024xi32>
    %min3A_1966 = vector.broadcast %jit3A_1963 : i32 to vector<1x1024xi32>
    %min3A_1967 = arith.minsi %min3A_1966, %max3A_1965 : vector<1x1024xi32>
    %add3A_1968 = arith.addi %mul3A_1961, %min3A_1967 : vector<1x1024xi32>
    %add3A_1969 = vector.broadcast %mul3A_1762 : i32 to vector<1x1024xi32>
    %add3A_1970 = arith.addi %add3A_1968, %add3A_1969 : vector<1x1024xi32>
    %slice3A_1971 = vector.extract_strided_slice %add3A_95 {offsets = [18, 0], sizes = [1, 1024], strides = [1, 1]} : vector<32x1024xf32> to vector<1x1024xf32>
    %add3A_1972 = arith.addf %convert_element_type3A, %slice3A_1971 : vector<1x1024xf32>
    %slice3A_1973 = vector.extract_strided_slice %add3A_95 {offsets = [19, 0], sizes = [1, 1024], strides = [1, 1]} : vector<32x1024xf32> to vector<1x1024xf32>
    %add3A_1974 = arith.addf %convert_element_type3A_151, %slice3A_1973 : vector<1x1024xf32>
    %floor3A_1975 = math.floor %add3A_1972 : vector<1x1024xf32>
    %floor3A_1976 = math.floor %add3A_1974 : vector<1x1024xf32>
    %sub3A_1977 = arith.subf %add3A_1972, %floor3A_1975 : vector<1x1024xf32>
    %sub3A_1978 = arith.constant 1.000000e+00 : f32
    %sub3A_1979 = vector.broadcast %sub3A_1978 : f32 to vector<1x1024xf32>
    %sub3A_1980 = arith.subf %sub3A_1979, %sub3A_1977 : vector<1x1024xf32>
    %sub3A_1981 = arith.subf %add3A_1974, %floor3A_1976 : vector<1x1024xf32>
    %sub3A_1982 = arith.constant 1.000000e+00 : f32
    %sub3A_1983 = vector.broadcast %sub3A_1982 : f32 to vector<1x1024xf32>
    %sub3A_1984 = arith.subf %sub3A_1983, %sub3A_1981 : vector<1x1024xf32>
    %convert_element_type3A_1985 = arith.fptosi %floor3A_1975 : vector<1x1024xf32> to vector<1x1024xi32>
    %convert_element_type3A_1986 = arith.fptosi %floor3A_1976 : vector<1x1024xf32> to vector<1x1024xi32>
    %mul3A_1987 = arith.mulf %exp3A_1773, %div3A_1783 : vector<1x1024xf32>
    %add3A_1988 = arith.constant 0 : i32
    %add3A_1989 = vector.broadcast %add3A_1988 : i32 to vector<1x1024xi32>
    %add3A_1990 = arith.addi %convert_element_type3A_1986, %add3A_1989 : vector<1x1024xi32>
    %add3A_1991 = arith.constant 0 : i32
    %add3A_1992 = vector.broadcast %add3A_1991 : i32 to vector<1x1024xi32>
    %add3A_1993 = arith.addi %convert_element_type3A_1985, %add3A_1992 : vector<1x1024xi32>
    %ge3A_1994 = arith.constant 0 : i32
    %ge3A_1995 = vector.broadcast %ge3A_1994 : i32 to vector<1x1024xi32>
    %ge3A_1996 = arith.cmpi sge, %add3A_1993, %ge3A_1995 : vector<1x1024xi32>
    %le3A_1997 = arith.constant 31 : i32
    %le3A_1998 = vector.broadcast %le3A_1997 : i32 to vector<1x1024xi32>
    %le3A_1999 = arith.cmpi sle, %add3A_1993, %le3A_1998 : vector<1x1024xi32>
    %and3A_2000 = arith.andi %ge3A_1996, %le3A_1999 : vector<1x1024xi1>
    %ge3A_2001 = arith.constant 0 : i32
    %ge3A_2002 = vector.broadcast %ge3A_2001 : i32 to vector<1x1024xi32>
    %ge3A_2003 = arith.cmpi sge, %add3A_1990, %ge3A_2002 : vector<1x1024xi32>
    %and3A_2004 = arith.andi %and3A_2000, %ge3A_2003 : vector<1x1024xi1>
    %le3A_2005 = arith.constant 31 : i32
    %le3A_2006 = vector.broadcast %le3A_2005 : i32 to vector<1x1024xi32>
    %le3A_2007 = arith.cmpi sle, %add3A_1990, %le3A_2006 : vector<1x1024xi32>
    %and3A_2008 = arith.andi %and3A_2004, %le3A_2007 : vector<1x1024xi1>
    %mul3A_2009 = arith.mulf %sub3A_1980, %sub3A_1984 : vector<1x1024xf32>
    %mul3A_2010 = arith.mulf %mul3A_2009, %mul3A_1987 : vector<1x1024xf32>
    %jit3A_2011 = arith.constant 0.000000e+00 : f32
    %broadcast_in_dim3A_2012 = vector.broadcast %jit3A_2011 : f32 to vector<1x1024xf32>
    %select_n3A_2013 = arith.select %and3A_2008, %mul3A_2010, %broadcast_in_dim3A_2012 : vector<1x1024xi1>, vector<1x1024xf32>
    %jit3A_2014 = arith.constant 0 : i32
    %jit3A_2015 = arith.constant 31 : i32
    %max3A_2016 = vector.broadcast %jit3A_2014 : i32 to vector<1x1024xi32>
    %max3A_2017 = arith.maxsi %max3A_2016, %add3A_1990 : vector<1x1024xi32>
    %min3A_2018 = vector.broadcast %jit3A_2015 : i32 to vector<1x1024xi32>
    %min3A_2019 = arith.minsi %min3A_2018, %max3A_2017 : vector<1x1024xi32>
    %mul3A_2020 = arith.constant 32 : i32
    %mul3A_2021 = vector.broadcast %mul3A_2020 : i32 to vector<1x1024xi32>
    %mul3A_2022 = arith.muli %min3A_2019, %mul3A_2021 : vector<1x1024xi32>
    %jit3A_2023 = arith.constant 0 : i32
    %jit3A_2024 = arith.constant 31 : i32
    %max3A_2025 = vector.broadcast %jit3A_2023 : i32 to vector<1x1024xi32>
    %max3A_2026 = arith.maxsi %max3A_2025, %add3A_1993 : vector<1x1024xi32>
    %min3A_2027 = vector.broadcast %jit3A_2024 : i32 to vector<1x1024xi32>
    %min3A_2028 = arith.minsi %min3A_2027, %max3A_2026 : vector<1x1024xi32>
    %add3A_2029 = arith.addi %mul3A_2022, %min3A_2028 : vector<1x1024xi32>
    %add3A_2030 = vector.broadcast %mul3A_1762 : i32 to vector<1x1024xi32>
    %add3A_2031 = arith.addi %add3A_2029, %add3A_2030 : vector<1x1024xi32>
    %add3A_2032 = arith.constant 1 : i32
    %add3A_2033 = vector.broadcast %add3A_2032 : i32 to vector<1x1024xi32>
    %add3A_2034 = arith.addi %convert_element_type3A_1985, %add3A_2033 : vector<1x1024xi32>
    %ge3A_2035 = arith.constant 0 : i32
    %ge3A_2036 = vector.broadcast %ge3A_2035 : i32 to vector<1x1024xi32>
    %ge3A_2037 = arith.cmpi sge, %add3A_2034, %ge3A_2036 : vector<1x1024xi32>
    %le3A_2038 = arith.constant 31 : i32
    %le3A_2039 = vector.broadcast %le3A_2038 : i32 to vector<1x1024xi32>
    %le3A_2040 = arith.cmpi sle, %add3A_2034, %le3A_2039 : vector<1x1024xi32>
    %and3A_2041 = arith.andi %ge3A_2037, %le3A_2040 : vector<1x1024xi1>
    %ge3A_2042 = arith.constant 0 : i32
    %ge3A_2043 = vector.broadcast %ge3A_2042 : i32 to vector<1x1024xi32>
    %ge3A_2044 = arith.cmpi sge, %add3A_1990, %ge3A_2043 : vector<1x1024xi32>
    %and3A_2045 = arith.andi %and3A_2041, %ge3A_2044 : vector<1x1024xi1>
    %le3A_2046 = arith.constant 31 : i32
    %le3A_2047 = vector.broadcast %le3A_2046 : i32 to vector<1x1024xi32>
    %le3A_2048 = arith.cmpi sle, %add3A_1990, %le3A_2047 : vector<1x1024xi32>
    %and3A_2049 = arith.andi %and3A_2045, %le3A_2048 : vector<1x1024xi1>
    %mul3A_2050 = arith.mulf %sub3A_1977, %sub3A_1984 : vector<1x1024xf32>
    %mul3A_2051 = arith.mulf %mul3A_2050, %mul3A_1987 : vector<1x1024xf32>
    %jit3A_2052 = arith.constant 0.000000e+00 : f32
    %broadcast_in_dim3A_2053 = vector.broadcast %jit3A_2052 : f32 to vector<1x1024xf32>
    %select_n3A_2054 = arith.select %and3A_2049, %mul3A_2051, %broadcast_in_dim3A_2053 : vector<1x1024xi1>, vector<1x1024xf32>
    %jit3A_2055 = arith.constant 0 : i32
    %jit3A_2056 = arith.constant 31 : i32
    %max3A_2057 = vector.broadcast %jit3A_2055 : i32 to vector<1x1024xi32>
    %max3A_2058 = arith.maxsi %max3A_2057, %add3A_1990 : vector<1x1024xi32>
    %min3A_2059 = vector.broadcast %jit3A_2056 : i32 to vector<1x1024xi32>
    %min3A_2060 = arith.minsi %min3A_2059, %max3A_2058 : vector<1x1024xi32>
    %mul3A_2061 = arith.constant 32 : i32
    %mul3A_2062 = vector.broadcast %mul3A_2061 : i32 to vector<1x1024xi32>
    %mul3A_2063 = arith.muli %min3A_2060, %mul3A_2062 : vector<1x1024xi32>
    %jit3A_2064 = arith.constant 0 : i32
    %jit3A_2065 = arith.constant 31 : i32
    %max3A_2066 = vector.broadcast %jit3A_2064 : i32 to vector<1x1024xi32>
    %max3A_2067 = arith.maxsi %max3A_2066, %add3A_2034 : vector<1x1024xi32>
    %min3A_2068 = vector.broadcast %jit3A_2065 : i32 to vector<1x1024xi32>
    %min3A_2069 = arith.minsi %min3A_2068, %max3A_2067 : vector<1x1024xi32>
    %add3A_2070 = arith.addi %mul3A_2063, %min3A_2069 : vector<1x1024xi32>
    %add3A_2071 = vector.broadcast %mul3A_1762 : i32 to vector<1x1024xi32>
    %add3A_2072 = arith.addi %add3A_2070, %add3A_2071 : vector<1x1024xi32>
    %add3A_2073 = arith.constant 1 : i32
    %add3A_2074 = vector.broadcast %add3A_2073 : i32 to vector<1x1024xi32>
    %add3A_2075 = arith.addi %convert_element_type3A_1986, %add3A_2074 : vector<1x1024xi32>
    %add3A_2076 = arith.constant 0 : i32
    %add3A_2077 = vector.broadcast %add3A_2076 : i32 to vector<1x1024xi32>
    %add3A_2078 = arith.addi %convert_element_type3A_1985, %add3A_2077 : vector<1x1024xi32>
    %ge3A_2079 = arith.constant 0 : i32
    %ge3A_2080 = vector.broadcast %ge3A_2079 : i32 to vector<1x1024xi32>
    %ge3A_2081 = arith.cmpi sge, %add3A_2078, %ge3A_2080 : vector<1x1024xi32>
    %le3A_2082 = arith.constant 31 : i32
    %le3A_2083 = vector.broadcast %le3A_2082 : i32 to vector<1x1024xi32>
    %le3A_2084 = arith.cmpi sle, %add3A_2078, %le3A_2083 : vector<1x1024xi32>
    %and3A_2085 = arith.andi %ge3A_2081, %le3A_2084 : vector<1x1024xi1>
    %ge3A_2086 = arith.constant 0 : i32
    %ge3A_2087 = vector.broadcast %ge3A_2086 : i32 to vector<1x1024xi32>
    %ge3A_2088 = arith.cmpi sge, %add3A_2075, %ge3A_2087 : vector<1x1024xi32>
    %and3A_2089 = arith.andi %and3A_2085, %ge3A_2088 : vector<1x1024xi1>
    %le3A_2090 = arith.constant 31 : i32
    %le3A_2091 = vector.broadcast %le3A_2090 : i32 to vector<1x1024xi32>
    %le3A_2092 = arith.cmpi sle, %add3A_2075, %le3A_2091 : vector<1x1024xi32>
    %and3A_2093 = arith.andi %and3A_2089, %le3A_2092 : vector<1x1024xi1>
    %mul3A_2094 = arith.mulf %sub3A_1980, %sub3A_1981 : vector<1x1024xf32>
    %mul3A_2095 = arith.mulf %mul3A_2094, %mul3A_1987 : vector<1x1024xf32>
    %jit3A_2096 = arith.constant 0.000000e+00 : f32
    %broadcast_in_dim3A_2097 = vector.broadcast %jit3A_2096 : f32 to vector<1x1024xf32>
    %select_n3A_2098 = arith.select %and3A_2093, %mul3A_2095, %broadcast_in_dim3A_2097 : vector<1x1024xi1>, vector<1x1024xf32>
    %jit3A_2099 = arith.constant 0 : i32
    %jit3A_2100 = arith.constant 31 : i32
    %max3A_2101 = vector.broadcast %jit3A_2099 : i32 to vector<1x1024xi32>
    %max3A_2102 = arith.maxsi %max3A_2101, %add3A_2075 : vector<1x1024xi32>
    %min3A_2103 = vector.broadcast %jit3A_2100 : i32 to vector<1x1024xi32>
    %min3A_2104 = arith.minsi %min3A_2103, %max3A_2102 : vector<1x1024xi32>
    %mul3A_2105 = arith.constant 32 : i32
    %mul3A_2106 = vector.broadcast %mul3A_2105 : i32 to vector<1x1024xi32>
    %mul3A_2107 = arith.muli %min3A_2104, %mul3A_2106 : vector<1x1024xi32>
    %jit3A_2108 = arith.constant 0 : i32
    %jit3A_2109 = arith.constant 31 : i32
    %max3A_2110 = vector.broadcast %jit3A_2108 : i32 to vector<1x1024xi32>
    %max3A_2111 = arith.maxsi %max3A_2110, %add3A_2078 : vector<1x1024xi32>
    %min3A_2112 = vector.broadcast %jit3A_2109 : i32 to vector<1x1024xi32>
    %min3A_2113 = arith.minsi %min3A_2112, %max3A_2111 : vector<1x1024xi32>
    %add3A_2114 = arith.addi %mul3A_2107, %min3A_2113 : vector<1x1024xi32>
    %add3A_2115 = vector.broadcast %mul3A_1762 : i32 to vector<1x1024xi32>
    %add3A_2116 = arith.addi %add3A_2114, %add3A_2115 : vector<1x1024xi32>
    %add3A_2117 = arith.constant 1 : i32
    %add3A_2118 = vector.broadcast %add3A_2117 : i32 to vector<1x1024xi32>
    %add3A_2119 = arith.addi %convert_element_type3A_1985, %add3A_2118 : vector<1x1024xi32>
    %ge3A_2120 = arith.constant 0 : i32
    %ge3A_2121 = vector.broadcast %ge3A_2120 : i32 to vector<1x1024xi32>
    %ge3A_2122 = arith.cmpi sge, %add3A_2119, %ge3A_2121 : vector<1x1024xi32>
    %le3A_2123 = arith.constant 31 : i32
    %le3A_2124 = vector.broadcast %le3A_2123 : i32 to vector<1x1024xi32>
    %le3A_2125 = arith.cmpi sle, %add3A_2119, %le3A_2124 : vector<1x1024xi32>
    %and3A_2126 = arith.andi %ge3A_2122, %le3A_2125 : vector<1x1024xi1>
    %ge3A_2127 = arith.constant 0 : i32
    %ge3A_2128 = vector.broadcast %ge3A_2127 : i32 to vector<1x1024xi32>
    %ge3A_2129 = arith.cmpi sge, %add3A_2075, %ge3A_2128 : vector<1x1024xi32>
    %and3A_2130 = arith.andi %and3A_2126, %ge3A_2129 : vector<1x1024xi1>
    %le3A_2131 = arith.constant 31 : i32
    %le3A_2132 = vector.broadcast %le3A_2131 : i32 to vector<1x1024xi32>
    %le3A_2133 = arith.cmpi sle, %add3A_2075, %le3A_2132 : vector<1x1024xi32>
    %and3A_2134 = arith.andi %and3A_2130, %le3A_2133 : vector<1x1024xi1>
    %mul3A_2135 = arith.mulf %sub3A_1977, %sub3A_1981 : vector<1x1024xf32>
    %mul3A_2136 = arith.mulf %mul3A_2135, %mul3A_1987 : vector<1x1024xf32>
    %jit3A_2137 = arith.constant 0.000000e+00 : f32
    %broadcast_in_dim3A_2138 = vector.broadcast %jit3A_2137 : f32 to vector<1x1024xf32>
    %select_n3A_2139 = arith.select %and3A_2134, %mul3A_2136, %broadcast_in_dim3A_2138 : vector<1x1024xi1>, vector<1x1024xf32>
    %jit3A_2140 = arith.constant 0 : i32
    %jit3A_2141 = arith.constant 31 : i32
    %max3A_2142 = vector.broadcast %jit3A_2140 : i32 to vector<1x1024xi32>
    %max3A_2143 = arith.maxsi %max3A_2142, %add3A_2075 : vector<1x1024xi32>
    %min3A_2144 = vector.broadcast %jit3A_2141 : i32 to vector<1x1024xi32>
    %min3A_2145 = arith.minsi %min3A_2144, %max3A_2143 : vector<1x1024xi32>
    %mul3A_2146 = arith.constant 32 : i32
    %mul3A_2147 = vector.broadcast %mul3A_2146 : i32 to vector<1x1024xi32>
    %mul3A_2148 = arith.muli %min3A_2145, %mul3A_2147 : vector<1x1024xi32>
    %jit3A_2149 = arith.constant 0 : i32
    %jit3A_2150 = arith.constant 31 : i32
    %max3A_2151 = vector.broadcast %jit3A_2149 : i32 to vector<1x1024xi32>
    %max3A_2152 = arith.maxsi %max3A_2151, %add3A_2119 : vector<1x1024xi32>
    %min3A_2153 = vector.broadcast %jit3A_2150 : i32 to vector<1x1024xi32>
    %min3A_2154 = arith.minsi %min3A_2153, %max3A_2152 : vector<1x1024xi32>
    %add3A_2155 = arith.addi %mul3A_2148, %min3A_2154 : vector<1x1024xi32>
    %add3A_2156 = vector.broadcast %mul3A_1762 : i32 to vector<1x1024xi32>
    %add3A_2157 = arith.addi %add3A_2155, %add3A_2156 : vector<1x1024xi32>
    %slice3A_2158 = vector.extract_strided_slice %add3A_95 {offsets = [20, 0], sizes = [1, 1024], strides = [1, 1]} : vector<32x1024xf32> to vector<1x1024xf32>
    %add3A_2159 = arith.addf %convert_element_type3A, %slice3A_2158 : vector<1x1024xf32>
    %slice3A_2160 = vector.extract_strided_slice %add3A_95 {offsets = [21, 0], sizes = [1, 1024], strides = [1, 1]} : vector<32x1024xf32> to vector<1x1024xf32>
    %add3A_2161 = arith.addf %convert_element_type3A_151, %slice3A_2160 : vector<1x1024xf32>
    %floor3A_2162 = math.floor %add3A_2159 : vector<1x1024xf32>
    %floor3A_2163 = math.floor %add3A_2161 : vector<1x1024xf32>
    %sub3A_2164 = arith.subf %add3A_2159, %floor3A_2162 : vector<1x1024xf32>
    %sub3A_2165 = arith.constant 1.000000e+00 : f32
    %sub3A_2166 = vector.broadcast %sub3A_2165 : f32 to vector<1x1024xf32>
    %sub3A_2167 = arith.subf %sub3A_2166, %sub3A_2164 : vector<1x1024xf32>
    %sub3A_2168 = arith.subf %add3A_2161, %floor3A_2163 : vector<1x1024xf32>
    %sub3A_2169 = arith.constant 1.000000e+00 : f32
    %sub3A_2170 = vector.broadcast %sub3A_2169 : f32 to vector<1x1024xf32>
    %sub3A_2171 = arith.subf %sub3A_2170, %sub3A_2168 : vector<1x1024xf32>
    %convert_element_type3A_2172 = arith.fptosi %floor3A_2162 : vector<1x1024xf32> to vector<1x1024xi32>
    %convert_element_type3A_2173 = arith.fptosi %floor3A_2163 : vector<1x1024xf32> to vector<1x1024xi32>
    %mul3A_2174 = arith.mulf %exp3A_1775, %div3A_1783 : vector<1x1024xf32>
    %add3A_2175 = arith.constant 0 : i32
    %add3A_2176 = vector.broadcast %add3A_2175 : i32 to vector<1x1024xi32>
    %add3A_2177 = arith.addi %convert_element_type3A_2173, %add3A_2176 : vector<1x1024xi32>
    %add3A_2178 = arith.constant 0 : i32
    %add3A_2179 = vector.broadcast %add3A_2178 : i32 to vector<1x1024xi32>
    %add3A_2180 = arith.addi %convert_element_type3A_2172, %add3A_2179 : vector<1x1024xi32>
    %ge3A_2181 = arith.constant 0 : i32
    %ge3A_2182 = vector.broadcast %ge3A_2181 : i32 to vector<1x1024xi32>
    %ge3A_2183 = arith.cmpi sge, %add3A_2180, %ge3A_2182 : vector<1x1024xi32>
    %le3A_2184 = arith.constant 31 : i32
    %le3A_2185 = vector.broadcast %le3A_2184 : i32 to vector<1x1024xi32>
    %le3A_2186 = arith.cmpi sle, %add3A_2180, %le3A_2185 : vector<1x1024xi32>
    %and3A_2187 = arith.andi %ge3A_2183, %le3A_2186 : vector<1x1024xi1>
    %ge3A_2188 = arith.constant 0 : i32
    %ge3A_2189 = vector.broadcast %ge3A_2188 : i32 to vector<1x1024xi32>
    %ge3A_2190 = arith.cmpi sge, %add3A_2177, %ge3A_2189 : vector<1x1024xi32>
    %and3A_2191 = arith.andi %and3A_2187, %ge3A_2190 : vector<1x1024xi1>
    %le3A_2192 = arith.constant 31 : i32
    %le3A_2193 = vector.broadcast %le3A_2192 : i32 to vector<1x1024xi32>
    %le3A_2194 = arith.cmpi sle, %add3A_2177, %le3A_2193 : vector<1x1024xi32>
    %and3A_2195 = arith.andi %and3A_2191, %le3A_2194 : vector<1x1024xi1>
    %mul3A_2196 = arith.mulf %sub3A_2167, %sub3A_2171 : vector<1x1024xf32>
    %mul3A_2197 = arith.mulf %mul3A_2196, %mul3A_2174 : vector<1x1024xf32>
    %jit3A_2198 = arith.constant 0.000000e+00 : f32
    %broadcast_in_dim3A_2199 = vector.broadcast %jit3A_2198 : f32 to vector<1x1024xf32>
    %select_n3A_2200 = arith.select %and3A_2195, %mul3A_2197, %broadcast_in_dim3A_2199 : vector<1x1024xi1>, vector<1x1024xf32>
    %jit3A_2201 = arith.constant 0 : i32
    %jit3A_2202 = arith.constant 31 : i32
    %max3A_2203 = vector.broadcast %jit3A_2201 : i32 to vector<1x1024xi32>
    %max3A_2204 = arith.maxsi %max3A_2203, %add3A_2177 : vector<1x1024xi32>
    %min3A_2205 = vector.broadcast %jit3A_2202 : i32 to vector<1x1024xi32>
    %min3A_2206 = arith.minsi %min3A_2205, %max3A_2204 : vector<1x1024xi32>
    %mul3A_2207 = arith.constant 32 : i32
    %mul3A_2208 = vector.broadcast %mul3A_2207 : i32 to vector<1x1024xi32>
    %mul3A_2209 = arith.muli %min3A_2206, %mul3A_2208 : vector<1x1024xi32>
    %jit3A_2210 = arith.constant 0 : i32
    %jit3A_2211 = arith.constant 31 : i32
    %max3A_2212 = vector.broadcast %jit3A_2210 : i32 to vector<1x1024xi32>
    %max3A_2213 = arith.maxsi %max3A_2212, %add3A_2180 : vector<1x1024xi32>
    %min3A_2214 = vector.broadcast %jit3A_2211 : i32 to vector<1x1024xi32>
    %min3A_2215 = arith.minsi %min3A_2214, %max3A_2213 : vector<1x1024xi32>
    %add3A_2216 = arith.addi %mul3A_2209, %min3A_2215 : vector<1x1024xi32>
    %add3A_2217 = vector.broadcast %mul3A_1762 : i32 to vector<1x1024xi32>
    %add3A_2218 = arith.addi %add3A_2216, %add3A_2217 : vector<1x1024xi32>
    %add3A_2219 = arith.constant 1 : i32
    %add3A_2220 = vector.broadcast %add3A_2219 : i32 to vector<1x1024xi32>
    %add3A_2221 = arith.addi %convert_element_type3A_2172, %add3A_2220 : vector<1x1024xi32>
    %ge3A_2222 = arith.constant 0 : i32
    %ge3A_2223 = vector.broadcast %ge3A_2222 : i32 to vector<1x1024xi32>
    %ge3A_2224 = arith.cmpi sge, %add3A_2221, %ge3A_2223 : vector<1x1024xi32>
    %le3A_2225 = arith.constant 31 : i32
    %le3A_2226 = vector.broadcast %le3A_2225 : i32 to vector<1x1024xi32>
    %le3A_2227 = arith.cmpi sle, %add3A_2221, %le3A_2226 : vector<1x1024xi32>
    %and3A_2228 = arith.andi %ge3A_2224, %le3A_2227 : vector<1x1024xi1>
    %ge3A_2229 = arith.constant 0 : i32
    %ge3A_2230 = vector.broadcast %ge3A_2229 : i32 to vector<1x1024xi32>
    %ge3A_2231 = arith.cmpi sge, %add3A_2177, %ge3A_2230 : vector<1x1024xi32>
    %and3A_2232 = arith.andi %and3A_2228, %ge3A_2231 : vector<1x1024xi1>
    %le3A_2233 = arith.constant 31 : i32
    %le3A_2234 = vector.broadcast %le3A_2233 : i32 to vector<1x1024xi32>
    %le3A_2235 = arith.cmpi sle, %add3A_2177, %le3A_2234 : vector<1x1024xi32>
    %and3A_2236 = arith.andi %and3A_2232, %le3A_2235 : vector<1x1024xi1>
    %mul3A_2237 = arith.mulf %sub3A_2164, %sub3A_2171 : vector<1x1024xf32>
    %mul3A_2238 = arith.mulf %mul3A_2237, %mul3A_2174 : vector<1x1024xf32>
    %jit3A_2239 = arith.constant 0.000000e+00 : f32
    %broadcast_in_dim3A_2240 = vector.broadcast %jit3A_2239 : f32 to vector<1x1024xf32>
    %select_n3A_2241 = arith.select %and3A_2236, %mul3A_2238, %broadcast_in_dim3A_2240 : vector<1x1024xi1>, vector<1x1024xf32>
    %jit3A_2242 = arith.constant 0 : i32
    %jit3A_2243 = arith.constant 31 : i32
    %max3A_2244 = vector.broadcast %jit3A_2242 : i32 to vector<1x1024xi32>
    %max3A_2245 = arith.maxsi %max3A_2244, %add3A_2177 : vector<1x1024xi32>
    %min3A_2246 = vector.broadcast %jit3A_2243 : i32 to vector<1x1024xi32>
    %min3A_2247 = arith.minsi %min3A_2246, %max3A_2245 : vector<1x1024xi32>
    %mul3A_2248 = arith.constant 32 : i32
    %mul3A_2249 = vector.broadcast %mul3A_2248 : i32 to vector<1x1024xi32>
    %mul3A_2250 = arith.muli %min3A_2247, %mul3A_2249 : vector<1x1024xi32>
    %jit3A_2251 = arith.constant 0 : i32
    %jit3A_2252 = arith.constant 31 : i32
    %max3A_2253 = vector.broadcast %jit3A_2251 : i32 to vector<1x1024xi32>
    %max3A_2254 = arith.maxsi %max3A_2253, %add3A_2221 : vector<1x1024xi32>
    %min3A_2255 = vector.broadcast %jit3A_2252 : i32 to vector<1x1024xi32>
    %min3A_2256 = arith.minsi %min3A_2255, %max3A_2254 : vector<1x1024xi32>
    %add3A_2257 = arith.addi %mul3A_2250, %min3A_2256 : vector<1x1024xi32>
    %add3A_2258 = vector.broadcast %mul3A_1762 : i32 to vector<1x1024xi32>
    %add3A_2259 = arith.addi %add3A_2257, %add3A_2258 : vector<1x1024xi32>
    %add3A_2260 = arith.constant 1 : i32
    %add3A_2261 = vector.broadcast %add3A_2260 : i32 to vector<1x1024xi32>
    %add3A_2262 = arith.addi %convert_element_type3A_2173, %add3A_2261 : vector<1x1024xi32>
    %add3A_2263 = arith.constant 0 : i32
    %add3A_2264 = vector.broadcast %add3A_2263 : i32 to vector<1x1024xi32>
    %add3A_2265 = arith.addi %convert_element_type3A_2172, %add3A_2264 : vector<1x1024xi32>
    %ge3A_2266 = arith.constant 0 : i32
    %ge3A_2267 = vector.broadcast %ge3A_2266 : i32 to vector<1x1024xi32>
    %ge3A_2268 = arith.cmpi sge, %add3A_2265, %ge3A_2267 : vector<1x1024xi32>
    %le3A_2269 = arith.constant 31 : i32
    %le3A_2270 = vector.broadcast %le3A_2269 : i32 to vector<1x1024xi32>
    %le3A_2271 = arith.cmpi sle, %add3A_2265, %le3A_2270 : vector<1x1024xi32>
    %and3A_2272 = arith.andi %ge3A_2268, %le3A_2271 : vector<1x1024xi1>
    %ge3A_2273 = arith.constant 0 : i32
    %ge3A_2274 = vector.broadcast %ge3A_2273 : i32 to vector<1x1024xi32>
    %ge3A_2275 = arith.cmpi sge, %add3A_2262, %ge3A_2274 : vector<1x1024xi32>
    %and3A_2276 = arith.andi %and3A_2272, %ge3A_2275 : vector<1x1024xi1>
    %le3A_2277 = arith.constant 31 : i32
    %le3A_2278 = vector.broadcast %le3A_2277 : i32 to vector<1x1024xi32>
    %le3A_2279 = arith.cmpi sle, %add3A_2262, %le3A_2278 : vector<1x1024xi32>
    %and3A_2280 = arith.andi %and3A_2276, %le3A_2279 : vector<1x1024xi1>
    %mul3A_2281 = arith.mulf %sub3A_2167, %sub3A_2168 : vector<1x1024xf32>
    %mul3A_2282 = arith.mulf %mul3A_2281, %mul3A_2174 : vector<1x1024xf32>
    %jit3A_2283 = arith.constant 0.000000e+00 : f32
    %broadcast_in_dim3A_2284 = vector.broadcast %jit3A_2283 : f32 to vector<1x1024xf32>
    %select_n3A_2285 = arith.select %and3A_2280, %mul3A_2282, %broadcast_in_dim3A_2284 : vector<1x1024xi1>, vector<1x1024xf32>
    %jit3A_2286 = arith.constant 0 : i32
    %jit3A_2287 = arith.constant 31 : i32
    %max3A_2288 = vector.broadcast %jit3A_2286 : i32 to vector<1x1024xi32>
    %max3A_2289 = arith.maxsi %max3A_2288, %add3A_2262 : vector<1x1024xi32>
    %min3A_2290 = vector.broadcast %jit3A_2287 : i32 to vector<1x1024xi32>
    %min3A_2291 = arith.minsi %min3A_2290, %max3A_2289 : vector<1x1024xi32>
    %mul3A_2292 = arith.constant 32 : i32
    %mul3A_2293 = vector.broadcast %mul3A_2292 : i32 to vector<1x1024xi32>
    %mul3A_2294 = arith.muli %min3A_2291, %mul3A_2293 : vector<1x1024xi32>
    %jit3A_2295 = arith.constant 0 : i32
    %jit3A_2296 = arith.constant 31 : i32
    %max3A_2297 = vector.broadcast %jit3A_2295 : i32 to vector<1x1024xi32>
    %max3A_2298 = arith.maxsi %max3A_2297, %add3A_2265 : vector<1x1024xi32>
    %min3A_2299 = vector.broadcast %jit3A_2296 : i32 to vector<1x1024xi32>
    %min3A_2300 = arith.minsi %min3A_2299, %max3A_2298 : vector<1x1024xi32>
    %add3A_2301 = arith.addi %mul3A_2294, %min3A_2300 : vector<1x1024xi32>
    %add3A_2302 = vector.broadcast %mul3A_1762 : i32 to vector<1x1024xi32>
    %add3A_2303 = arith.addi %add3A_2301, %add3A_2302 : vector<1x1024xi32>
    %add3A_2304 = arith.constant 1 : i32
    %add3A_2305 = vector.broadcast %add3A_2304 : i32 to vector<1x1024xi32>
    %add3A_2306 = arith.addi %convert_element_type3A_2172, %add3A_2305 : vector<1x1024xi32>
    %ge3A_2307 = arith.constant 0 : i32
    %ge3A_2308 = vector.broadcast %ge3A_2307 : i32 to vector<1x1024xi32>
    %ge3A_2309 = arith.cmpi sge, %add3A_2306, %ge3A_2308 : vector<1x1024xi32>
    %le3A_2310 = arith.constant 31 : i32
    %le3A_2311 = vector.broadcast %le3A_2310 : i32 to vector<1x1024xi32>
    %le3A_2312 = arith.cmpi sle, %add3A_2306, %le3A_2311 : vector<1x1024xi32>
    %and3A_2313 = arith.andi %ge3A_2309, %le3A_2312 : vector<1x1024xi1>
    %ge3A_2314 = arith.constant 0 : i32
    %ge3A_2315 = vector.broadcast %ge3A_2314 : i32 to vector<1x1024xi32>
    %ge3A_2316 = arith.cmpi sge, %add3A_2262, %ge3A_2315 : vector<1x1024xi32>
    %and3A_2317 = arith.andi %and3A_2313, %ge3A_2316 : vector<1x1024xi1>
    %le3A_2318 = arith.constant 31 : i32
    %le3A_2319 = vector.broadcast %le3A_2318 : i32 to vector<1x1024xi32>
    %le3A_2320 = arith.cmpi sle, %add3A_2262, %le3A_2319 : vector<1x1024xi32>
    %and3A_2321 = arith.andi %and3A_2317, %le3A_2320 : vector<1x1024xi1>
    %mul3A_2322 = arith.mulf %sub3A_2164, %sub3A_2168 : vector<1x1024xf32>
    %mul3A_2323 = arith.mulf %mul3A_2322, %mul3A_2174 : vector<1x1024xf32>
    %jit3A_2324 = arith.constant 0.000000e+00 : f32
    %broadcast_in_dim3A_2325 = vector.broadcast %jit3A_2324 : f32 to vector<1x1024xf32>
    %select_n3A_2326 = arith.select %and3A_2321, %mul3A_2323, %broadcast_in_dim3A_2325 : vector<1x1024xi1>, vector<1x1024xf32>
    %jit3A_2327 = arith.constant 0 : i32
    %jit3A_2328 = arith.constant 31 : i32
    %max3A_2329 = vector.broadcast %jit3A_2327 : i32 to vector<1x1024xi32>
    %max3A_2330 = arith.maxsi %max3A_2329, %add3A_2262 : vector<1x1024xi32>
    %min3A_2331 = vector.broadcast %jit3A_2328 : i32 to vector<1x1024xi32>
    %min3A_2332 = arith.minsi %min3A_2331, %max3A_2330 : vector<1x1024xi32>
    %mul3A_2333 = arith.constant 32 : i32
    %mul3A_2334 = vector.broadcast %mul3A_2333 : i32 to vector<1x1024xi32>
    %mul3A_2335 = arith.muli %min3A_2332, %mul3A_2334 : vector<1x1024xi32>
    %jit3A_2336 = arith.constant 0 : i32
    %jit3A_2337 = arith.constant 31 : i32
    %max3A_2338 = vector.broadcast %jit3A_2336 : i32 to vector<1x1024xi32>
    %max3A_2339 = arith.maxsi %max3A_2338, %add3A_2306 : vector<1x1024xi32>
    %min3A_2340 = vector.broadcast %jit3A_2337 : i32 to vector<1x1024xi32>
    %min3A_2341 = arith.minsi %min3A_2340, %max3A_2339 : vector<1x1024xi32>
    %add3A_2342 = arith.addi %mul3A_2335, %min3A_2341 : vector<1x1024xi32>
    %add3A_2343 = vector.broadcast %mul3A_1762 : i32 to vector<1x1024xi32>
    %add3A_2344 = arith.addi %add3A_2342, %add3A_2343 : vector<1x1024xi32>
    %slice3A_2345 = vector.extract_strided_slice %add3A_95 {offsets = [22, 0], sizes = [1, 1024], strides = [1, 1]} : vector<32x1024xf32> to vector<1x1024xf32>
    %add3A_2346 = arith.addf %convert_element_type3A, %slice3A_2345 : vector<1x1024xf32>
    %slice3A_2347 = vector.extract_strided_slice %add3A_95 {offsets = [23, 0], sizes = [1, 1024], strides = [1, 1]} : vector<32x1024xf32> to vector<1x1024xf32>
    %add3A_2348 = arith.addf %convert_element_type3A_151, %slice3A_2347 : vector<1x1024xf32>
    %floor3A_2349 = math.floor %add3A_2346 : vector<1x1024xf32>
    %floor3A_2350 = math.floor %add3A_2348 : vector<1x1024xf32>
    %sub3A_2351 = arith.subf %add3A_2346, %floor3A_2349 : vector<1x1024xf32>
    %sub3A_2352 = arith.constant 1.000000e+00 : f32
    %sub3A_2353 = vector.broadcast %sub3A_2352 : f32 to vector<1x1024xf32>
    %sub3A_2354 = arith.subf %sub3A_2353, %sub3A_2351 : vector<1x1024xf32>
    %sub3A_2355 = arith.subf %add3A_2348, %floor3A_2350 : vector<1x1024xf32>
    %sub3A_2356 = arith.constant 1.000000e+00 : f32
    %sub3A_2357 = vector.broadcast %sub3A_2356 : f32 to vector<1x1024xf32>
    %sub3A_2358 = arith.subf %sub3A_2357, %sub3A_2355 : vector<1x1024xf32>
    %convert_element_type3A_2359 = arith.fptosi %floor3A_2349 : vector<1x1024xf32> to vector<1x1024xi32>
    %convert_element_type3A_2360 = arith.fptosi %floor3A_2350 : vector<1x1024xf32> to vector<1x1024xi32>
    %mul3A_2361 = arith.mulf %exp3A_1777, %div3A_1783 : vector<1x1024xf32>
    %add3A_2362 = arith.constant 0 : i32
    %add3A_2363 = vector.broadcast %add3A_2362 : i32 to vector<1x1024xi32>
    %add3A_2364 = arith.addi %convert_element_type3A_2360, %add3A_2363 : vector<1x1024xi32>
    %add3A_2365 = arith.constant 0 : i32
    %add3A_2366 = vector.broadcast %add3A_2365 : i32 to vector<1x1024xi32>
    %add3A_2367 = arith.addi %convert_element_type3A_2359, %add3A_2366 : vector<1x1024xi32>
    %ge3A_2368 = arith.constant 0 : i32
    %ge3A_2369 = vector.broadcast %ge3A_2368 : i32 to vector<1x1024xi32>
    %ge3A_2370 = arith.cmpi sge, %add3A_2367, %ge3A_2369 : vector<1x1024xi32>
    %le3A_2371 = arith.constant 31 : i32
    %le3A_2372 = vector.broadcast %le3A_2371 : i32 to vector<1x1024xi32>
    %le3A_2373 = arith.cmpi sle, %add3A_2367, %le3A_2372 : vector<1x1024xi32>
    %and3A_2374 = arith.andi %ge3A_2370, %le3A_2373 : vector<1x1024xi1>
    %ge3A_2375 = arith.constant 0 : i32
    %ge3A_2376 = vector.broadcast %ge3A_2375 : i32 to vector<1x1024xi32>
    %ge3A_2377 = arith.cmpi sge, %add3A_2364, %ge3A_2376 : vector<1x1024xi32>
    %and3A_2378 = arith.andi %and3A_2374, %ge3A_2377 : vector<1x1024xi1>
    %le3A_2379 = arith.constant 31 : i32
    %le3A_2380 = vector.broadcast %le3A_2379 : i32 to vector<1x1024xi32>
    %le3A_2381 = arith.cmpi sle, %add3A_2364, %le3A_2380 : vector<1x1024xi32>
    %and3A_2382 = arith.andi %and3A_2378, %le3A_2381 : vector<1x1024xi1>
    %mul3A_2383 = arith.mulf %sub3A_2354, %sub3A_2358 : vector<1x1024xf32>
    %mul3A_2384 = arith.mulf %mul3A_2383, %mul3A_2361 : vector<1x1024xf32>
    %jit3A_2385 = arith.constant 0.000000e+00 : f32
    %broadcast_in_dim3A_2386 = vector.broadcast %jit3A_2385 : f32 to vector<1x1024xf32>
    %select_n3A_2387 = arith.select %and3A_2382, %mul3A_2384, %broadcast_in_dim3A_2386 : vector<1x1024xi1>, vector<1x1024xf32>
    %jit3A_2388 = arith.constant 0 : i32
    %jit3A_2389 = arith.constant 31 : i32
    %max3A_2390 = vector.broadcast %jit3A_2388 : i32 to vector<1x1024xi32>
    %max3A_2391 = arith.maxsi %max3A_2390, %add3A_2364 : vector<1x1024xi32>
    %min3A_2392 = vector.broadcast %jit3A_2389 : i32 to vector<1x1024xi32>
    %min3A_2393 = arith.minsi %min3A_2392, %max3A_2391 : vector<1x1024xi32>
    %mul3A_2394 = arith.constant 32 : i32
    %mul3A_2395 = vector.broadcast %mul3A_2394 : i32 to vector<1x1024xi32>
    %mul3A_2396 = arith.muli %min3A_2393, %mul3A_2395 : vector<1x1024xi32>
    %jit3A_2397 = arith.constant 0 : i32
    %jit3A_2398 = arith.constant 31 : i32
    %max3A_2399 = vector.broadcast %jit3A_2397 : i32 to vector<1x1024xi32>
    %max3A_2400 = arith.maxsi %max3A_2399, %add3A_2367 : vector<1x1024xi32>
    %min3A_2401 = vector.broadcast %jit3A_2398 : i32 to vector<1x1024xi32>
    %min3A_2402 = arith.minsi %min3A_2401, %max3A_2400 : vector<1x1024xi32>
    %add3A_2403 = arith.addi %mul3A_2396, %min3A_2402 : vector<1x1024xi32>
    %add3A_2404 = vector.broadcast %mul3A_1762 : i32 to vector<1x1024xi32>
    %add3A_2405 = arith.addi %add3A_2403, %add3A_2404 : vector<1x1024xi32>
    %add3A_2406 = arith.constant 1 : i32
    %add3A_2407 = vector.broadcast %add3A_2406 : i32 to vector<1x1024xi32>
    %add3A_2408 = arith.addi %convert_element_type3A_2359, %add3A_2407 : vector<1x1024xi32>
    %ge3A_2409 = arith.constant 0 : i32
    %ge3A_2410 = vector.broadcast %ge3A_2409 : i32 to vector<1x1024xi32>
    %ge3A_2411 = arith.cmpi sge, %add3A_2408, %ge3A_2410 : vector<1x1024xi32>
    %le3A_2412 = arith.constant 31 : i32
    %le3A_2413 = vector.broadcast %le3A_2412 : i32 to vector<1x1024xi32>
    %le3A_2414 = arith.cmpi sle, %add3A_2408, %le3A_2413 : vector<1x1024xi32>
    %and3A_2415 = arith.andi %ge3A_2411, %le3A_2414 : vector<1x1024xi1>
    %ge3A_2416 = arith.constant 0 : i32
    %ge3A_2417 = vector.broadcast %ge3A_2416 : i32 to vector<1x1024xi32>
    %ge3A_2418 = arith.cmpi sge, %add3A_2364, %ge3A_2417 : vector<1x1024xi32>
    %and3A_2419 = arith.andi %and3A_2415, %ge3A_2418 : vector<1x1024xi1>
    %le3A_2420 = arith.constant 31 : i32
    %le3A_2421 = vector.broadcast %le3A_2420 : i32 to vector<1x1024xi32>
    %le3A_2422 = arith.cmpi sle, %add3A_2364, %le3A_2421 : vector<1x1024xi32>
    %and3A_2423 = arith.andi %and3A_2419, %le3A_2422 : vector<1x1024xi1>
    %mul3A_2424 = arith.mulf %sub3A_2351, %sub3A_2358 : vector<1x1024xf32>
    %mul3A_2425 = arith.mulf %mul3A_2424, %mul3A_2361 : vector<1x1024xf32>
    %jit3A_2426 = arith.constant 0.000000e+00 : f32
    %broadcast_in_dim3A_2427 = vector.broadcast %jit3A_2426 : f32 to vector<1x1024xf32>
    %select_n3A_2428 = arith.select %and3A_2423, %mul3A_2425, %broadcast_in_dim3A_2427 : vector<1x1024xi1>, vector<1x1024xf32>
    %jit3A_2429 = arith.constant 0 : i32
    %jit3A_2430 = arith.constant 31 : i32
    %max3A_2431 = vector.broadcast %jit3A_2429 : i32 to vector<1x1024xi32>
    %max3A_2432 = arith.maxsi %max3A_2431, %add3A_2364 : vector<1x1024xi32>
    %min3A_2433 = vector.broadcast %jit3A_2430 : i32 to vector<1x1024xi32>
    %min3A_2434 = arith.minsi %min3A_2433, %max3A_2432 : vector<1x1024xi32>
    %mul3A_2435 = arith.constant 32 : i32
    %mul3A_2436 = vector.broadcast %mul3A_2435 : i32 to vector<1x1024xi32>
    %mul3A_2437 = arith.muli %min3A_2434, %mul3A_2436 : vector<1x1024xi32>
    %jit3A_2438 = arith.constant 0 : i32
    %jit3A_2439 = arith.constant 31 : i32
    %max3A_2440 = vector.broadcast %jit3A_2438 : i32 to vector<1x1024xi32>
    %max3A_2441 = arith.maxsi %max3A_2440, %add3A_2408 : vector<1x1024xi32>
    %min3A_2442 = vector.broadcast %jit3A_2439 : i32 to vector<1x1024xi32>
    %min3A_2443 = arith.minsi %min3A_2442, %max3A_2441 : vector<1x1024xi32>
    %add3A_2444 = arith.addi %mul3A_2437, %min3A_2443 : vector<1x1024xi32>
    %add3A_2445 = vector.broadcast %mul3A_1762 : i32 to vector<1x1024xi32>
    %add3A_2446 = arith.addi %add3A_2444, %add3A_2445 : vector<1x1024xi32>
    %add3A_2447 = arith.constant 1 : i32
    %add3A_2448 = vector.broadcast %add3A_2447 : i32 to vector<1x1024xi32>
    %add3A_2449 = arith.addi %convert_element_type3A_2360, %add3A_2448 : vector<1x1024xi32>
    %add3A_2450 = arith.constant 0 : i32
    %add3A_2451 = vector.broadcast %add3A_2450 : i32 to vector<1x1024xi32>
    %add3A_2452 = arith.addi %convert_element_type3A_2359, %add3A_2451 : vector<1x1024xi32>
    %ge3A_2453 = arith.constant 0 : i32
    %ge3A_2454 = vector.broadcast %ge3A_2453 : i32 to vector<1x1024xi32>
    %ge3A_2455 = arith.cmpi sge, %add3A_2452, %ge3A_2454 : vector<1x1024xi32>
    %le3A_2456 = arith.constant 31 : i32
    %le3A_2457 = vector.broadcast %le3A_2456 : i32 to vector<1x1024xi32>
    %le3A_2458 = arith.cmpi sle, %add3A_2452, %le3A_2457 : vector<1x1024xi32>
    %and3A_2459 = arith.andi %ge3A_2455, %le3A_2458 : vector<1x1024xi1>
    %ge3A_2460 = arith.constant 0 : i32
    %ge3A_2461 = vector.broadcast %ge3A_2460 : i32 to vector<1x1024xi32>
    %ge3A_2462 = arith.cmpi sge, %add3A_2449, %ge3A_2461 : vector<1x1024xi32>
    %and3A_2463 = arith.andi %and3A_2459, %ge3A_2462 : vector<1x1024xi1>
    %le3A_2464 = arith.constant 31 : i32
    %le3A_2465 = vector.broadcast %le3A_2464 : i32 to vector<1x1024xi32>
    %le3A_2466 = arith.cmpi sle, %add3A_2449, %le3A_2465 : vector<1x1024xi32>
    %and3A_2467 = arith.andi %and3A_2463, %le3A_2466 : vector<1x1024xi1>
    %mul3A_2468 = arith.mulf %sub3A_2354, %sub3A_2355 : vector<1x1024xf32>
    %mul3A_2469 = arith.mulf %mul3A_2468, %mul3A_2361 : vector<1x1024xf32>
    %jit3A_2470 = arith.constant 0.000000e+00 : f32
    %broadcast_in_dim3A_2471 = vector.broadcast %jit3A_2470 : f32 to vector<1x1024xf32>
    %select_n3A_2472 = arith.select %and3A_2467, %mul3A_2469, %broadcast_in_dim3A_2471 : vector<1x1024xi1>, vector<1x1024xf32>
    %jit3A_2473 = arith.constant 0 : i32
    %jit3A_2474 = arith.constant 31 : i32
    %max3A_2475 = vector.broadcast %jit3A_2473 : i32 to vector<1x1024xi32>
    %max3A_2476 = arith.maxsi %max3A_2475, %add3A_2449 : vector<1x1024xi32>
    %min3A_2477 = vector.broadcast %jit3A_2474 : i32 to vector<1x1024xi32>
    %min3A_2478 = arith.minsi %min3A_2477, %max3A_2476 : vector<1x1024xi32>
    %mul3A_2479 = arith.constant 32 : i32
    %mul3A_2480 = vector.broadcast %mul3A_2479 : i32 to vector<1x1024xi32>
    %mul3A_2481 = arith.muli %min3A_2478, %mul3A_2480 : vector<1x1024xi32>
    %jit3A_2482 = arith.constant 0 : i32
    %jit3A_2483 = arith.constant 31 : i32
    %max3A_2484 = vector.broadcast %jit3A_2482 : i32 to vector<1x1024xi32>
    %max3A_2485 = arith.maxsi %max3A_2484, %add3A_2452 : vector<1x1024xi32>
    %min3A_2486 = vector.broadcast %jit3A_2483 : i32 to vector<1x1024xi32>
    %min3A_2487 = arith.minsi %min3A_2486, %max3A_2485 : vector<1x1024xi32>
    %add3A_2488 = arith.addi %mul3A_2481, %min3A_2487 : vector<1x1024xi32>
    %add3A_2489 = vector.broadcast %mul3A_1762 : i32 to vector<1x1024xi32>
    %add3A_2490 = arith.addi %add3A_2488, %add3A_2489 : vector<1x1024xi32>
    %add3A_2491 = arith.constant 1 : i32
    %add3A_2492 = vector.broadcast %add3A_2491 : i32 to vector<1x1024xi32>
    %add3A_2493 = arith.addi %convert_element_type3A_2359, %add3A_2492 : vector<1x1024xi32>
    %ge3A_2494 = arith.constant 0 : i32
    %ge3A_2495 = vector.broadcast %ge3A_2494 : i32 to vector<1x1024xi32>
    %ge3A_2496 = arith.cmpi sge, %add3A_2493, %ge3A_2495 : vector<1x1024xi32>
    %le3A_2497 = arith.constant 31 : i32
    %le3A_2498 = vector.broadcast %le3A_2497 : i32 to vector<1x1024xi32>
    %le3A_2499 = arith.cmpi sle, %add3A_2493, %le3A_2498 : vector<1x1024xi32>
    %and3A_2500 = arith.andi %ge3A_2496, %le3A_2499 : vector<1x1024xi1>
    %ge3A_2501 = arith.constant 0 : i32
    %ge3A_2502 = vector.broadcast %ge3A_2501 : i32 to vector<1x1024xi32>
    %ge3A_2503 = arith.cmpi sge, %add3A_2449, %ge3A_2502 : vector<1x1024xi32>
    %and3A_2504 = arith.andi %and3A_2500, %ge3A_2503 : vector<1x1024xi1>
    %le3A_2505 = arith.constant 31 : i32
    %le3A_2506 = vector.broadcast %le3A_2505 : i32 to vector<1x1024xi32>
    %le3A_2507 = arith.cmpi sle, %add3A_2449, %le3A_2506 : vector<1x1024xi32>
    %and3A_2508 = arith.andi %and3A_2504, %le3A_2507 : vector<1x1024xi1>
    %mul3A_2509 = arith.mulf %sub3A_2351, %sub3A_2355 : vector<1x1024xf32>
    %mul3A_2510 = arith.mulf %mul3A_2509, %mul3A_2361 : vector<1x1024xf32>
    %jit3A_2511 = arith.constant 0.000000e+00 : f32
    %broadcast_in_dim3A_2512 = vector.broadcast %jit3A_2511 : f32 to vector<1x1024xf32>
    %select_n3A_2513 = arith.select %and3A_2508, %mul3A_2510, %broadcast_in_dim3A_2512 : vector<1x1024xi1>, vector<1x1024xf32>
    %jit3A_2514 = arith.constant 0 : i32
    %jit3A_2515 = arith.constant 31 : i32
    %max3A_2516 = vector.broadcast %jit3A_2514 : i32 to vector<1x1024xi32>
    %max3A_2517 = arith.maxsi %max3A_2516, %add3A_2449 : vector<1x1024xi32>
    %min3A_2518 = vector.broadcast %jit3A_2515 : i32 to vector<1x1024xi32>
    %min3A_2519 = arith.minsi %min3A_2518, %max3A_2517 : vector<1x1024xi32>
    %mul3A_2520 = arith.constant 32 : i32
    %mul3A_2521 = vector.broadcast %mul3A_2520 : i32 to vector<1x1024xi32>
    %mul3A_2522 = arith.muli %min3A_2519, %mul3A_2521 : vector<1x1024xi32>
    %jit3A_2523 = arith.constant 0 : i32
    %jit3A_2524 = arith.constant 31 : i32
    %max3A_2525 = vector.broadcast %jit3A_2523 : i32 to vector<1x1024xi32>
    %max3A_2526 = arith.maxsi %max3A_2525, %add3A_2493 : vector<1x1024xi32>
    %min3A_2527 = vector.broadcast %jit3A_2524 : i32 to vector<1x1024xi32>
    %min3A_2528 = arith.minsi %min3A_2527, %max3A_2526 : vector<1x1024xi32>
    %add3A_2529 = arith.addi %mul3A_2522, %min3A_2528 : vector<1x1024xi32>
    %add3A_2530 = vector.broadcast %mul3A_1762 : i32 to vector<1x1024xi32>
    %add3A_2531 = arith.addi %add3A_2529, %add3A_2530 : vector<1x1024xi32>
    %concatenate3A_2532 = tpu.concatenate %select_n3A_1826, %select_n3A_1867, %select_n3A_1911, %select_n3A_1952, %select_n3A_2013, %select_n3A_2054, %select_n3A_2098, %select_n3A_2139, %select_n3A_2200, %select_n3A_2241, %select_n3A_2285, %select_n3A_2326, %select_n3A_2387, %select_n3A_2428, %select_n3A_2472, %select_n3A_2513 in 0 : vector<1x1024xf32>, vector<1x1024xf32>, vector<1x1024xf32>, vector<1x1024xf32>, vector<1x1024xf32>, vector<1x1024xf32>, vector<1x1024xf32>, vector<1x1024xf32>, vector<1x1024xf32>, vector<1x1024xf32>, vector<1x1024xf32>, vector<1x1024xf32>, vector<1x1024xf32>, vector<1x1024xf32>, vector<1x1024xf32>, vector<1x1024xf32> -> vector<16x1024xf32>
    %transpose3A_2533 = tpu.transpose %concatenate3A_2532, [1, 0] : vector<16x1024xf32> -> vector<1024x16xf32>
    %swap3A_2534 = arith.constant 0 : index
    %swap3A_2535 = arith.constant 2 : index
    %swap3A_2536 = arith.constant 0 : index
    %swap3A_2537 = arith.constant 0 : index
    %swap3A_2538 = vector.load %arg16[%swap3A_2534, %swap3A_2535, %swap3A_2536, %swap3A_2537] : memref<1x4x1024x16xf32, #tpu.memory_space<vmem>>, vector<1x1x1024x16xf32>
    %swap3A_2539 = vector.shape_cast %swap3A_2538 : vector<1x1x1024x16xf32> to vector<1024x16xf32>
    %swap3A_2540 = vector.shape_cast %transpose3A_2533 : vector<1024x16xf32> to vector<1x1x1024x16xf32>
    tpu.vector_store %arg16[%swap3A_2534, %swap3A_2535, %swap3A_2536, %swap3A_2537], %swap3A_2540 {strides = array<i32>} : memref<1x4x1024x16xf32, #tpu.memory_space<vmem>>, vector<1x1x1024x16xf32>,
    %concatenate3A_2541 = tpu.concatenate %add3A_1844, %add3A_1885, %add3A_1929, %add3A_1970, %add3A_2031, %add3A_2072, %add3A_2116, %add3A_2157, %add3A_2218, %add3A_2259, %add3A_2303, %add3A_2344, %add3A_2405, %add3A_2446, %add3A_2490, %add3A_2531 in 0 : vector<1x1024xi32>, vector<1x1024xi32>, vector<1x1024xi32>, vector<1x1024xi32>, vector<1x1024xi32>, vector<1x1024xi32>, vector<1x1024xi32>, vector<1x1024xi32>, vector<1x1024xi32>, vector<1x1024xi32>, vector<1x1024xi32>, vector<1x1024xi32>, vector<1x1024xi32>, vector<1x1024xi32>, vector<1x1024xi32>, vector<1x1024xi32> -> vector<16x1024xi32>
    %transpose3A_2542 = tpu.transpose %concatenate3A_2541, [1, 0] : vector<16x1024xi32> -> vector<1024x16xi32>
    %swap3A_2543 = arith.constant 0 : index
    %swap3A_2544 = arith.constant 2 : index
    %swap3A_2545 = arith.constant 0 : index
    %swap3A_2546 = arith.constant 0 : index
    %swap3A_2547 = vector.load %arg15[%swap3A_2543, %swap3A_2544, %swap3A_2545, %swap3A_2546] : memref<1x4x1024x16xi32, #tpu.memory_space<vmem>>, vector<1x1x1024x16xi32>
    %swap3A_2548 = vector.shape_cast %swap3A_2547 : vector<1x1x1024x16xi32> to vector<1024x16xi32>
    %swap3A_2549 = vector.shape_cast %transpose3A_2542 : vector<1024x16xi32> to vector<1x1x1024x16xi32>
    tpu.vector_store %arg15[%swap3A_2543, %swap3A_2544, %swap3A_2545, %swap3A_2546], %swap3A_2549 {strides = array<i32>} : memref<1x4x1024x16xi32, #tpu.memory_space<vmem>>, vector<1x1x1024x16xi32>,
    %slice3A_2550 = vector.extract_strided_slice %add3A_86 {offsets = [0, 288], sizes = [1024, 96], strides = [1, 1]} : vector<1024x384xf32> to vector<1024x96xf32>
    %concatenate3A_2551 = tpu.concatenate %slice3A_2550, %broadcast_in_dim3A_153 in 1 : vector<1024x96xf32>, vector<1024x32xf32> -> vector<1024x128xf32>
    %swap3A_2552 = arith.constant 0 : index
    %swap3A_2553 = arith.constant 3 : index
    %swap3A_2554 = arith.constant 0 : index
    %swap3A_2555 = arith.constant 0 : index
    %swap3A_2556 = vector.load %arg14[%swap3A_2552, %swap3A_2553, %swap3A_2554, %swap3A_2555] : memref<1x4x1024x128xf32, #tpu.memory_space<vmem>>, vector<1x1x1024x128xf32>
    %swap3A_2557 = vector.shape_cast %swap3A_2556 : vector<1x1x1024x128xf32> to vector<1024x128xf32>
    %swap3A_2558 = vector.shape_cast %concatenate3A_2551 : vector<1024x128xf32> to vector<1x1x1024x128xf32>
    tpu.vector_store %arg14[%swap3A_2552, %swap3A_2553, %swap3A_2554, %swap3A_2555], %swap3A_2558 {strides = array<i32>} : memref<1x4x1024x128xf32, #tpu.memory_space<vmem>>, vector<1x1x1024x128xf32>,
    %mul3A_2559 = arith.constant 4 : i32
    %mul3A_2560 = arith.muli %arg0, %mul3A_2559 : i32
    %add3A_2561 = arith.constant 3 : i32
    %add3A_2562 = arith.addi %mul3A_2560, %add3A_2561 : i32
    %mul3A_2563 = arith.constant 1024 : i32
    %mul3A_2564 = arith.muli %add3A_2562, %mul3A_2563 : i32
    %slice3A_2565 = vector.extract_strided_slice %add3A_105 {offsets = [12, 0], sizes = [1, 1024], strides = [1, 1]} : vector<16x1024xf32> to vector<1x1024xf32>
    %slice3A_2566 = vector.extract_strided_slice %add3A_105 {offsets = [13, 0], sizes = [1, 1024], strides = [1, 1]} : vector<16x1024xf32> to vector<1x1024xf32>
    %slice3A_2567 = vector.extract_strided_slice %add3A_105 {offsets = [14, 0], sizes = [1, 1024], strides = [1, 1]} : vector<16x1024xf32> to vector<1x1024xf32>
    %slice3A_2568 = vector.extract_strided_slice %add3A_105 {offsets = [15, 0], sizes = [1, 1024], strides = [1, 1]} : vector<16x1024xf32> to vector<1x1024xf32>
    %max3A_2569 = arith.maximumf %slice3A_2565, %slice3A_2566 : vector<1x1024xf32>
    %max3A_2570 = arith.maximumf %slice3A_2567, %slice3A_2568 : vector<1x1024xf32>
    %max3A_2571 = arith.maximumf %max3A_2569, %max3A_2570 : vector<1x1024xf32>
    %sub3A_2572 = arith.subf %slice3A_2565, %max3A_2571 : vector<1x1024xf32>
    %exp3A_2573 = math.exp %sub3A_2572 : vector<1x1024xf32>
    %sub3A_2574 = arith.subf %slice3A_2566, %max3A_2571 : vector<1x1024xf32>
    %exp3A_2575 = math.exp %sub3A_2574 : vector<1x1024xf32>
    %sub3A_2576 = arith.subf %slice3A_2567, %max3A_2571 : vector<1x1024xf32>
    %exp3A_2577 = math.exp %sub3A_2576 : vector<1x1024xf32>
    %sub3A_2578 = arith.subf %slice3A_2568, %max3A_2571 : vector<1x1024xf32>
    %exp3A_2579 = math.exp %sub3A_2578 : vector<1x1024xf32>
    %add3A_2580 = arith.addf %exp3A_2573, %exp3A_2575 : vector<1x1024xf32>
    %add3A_2581 = arith.addf %add3A_2580, %exp3A_2577 : vector<1x1024xf32>
    %add3A_2582 = arith.addf %add3A_2581, %exp3A_2579 : vector<1x1024xf32>
    %div3A_2583 = arith.constant 1.000000e+00 : f32
    %div3A_2584 = vector.broadcast %div3A_2583 : f32 to vector<1x1024xf32>
    %div3A_2585 = arith.divf %div3A_2584, %add3A_2582 : vector<1x1024xf32>
    %slice3A_2586 = vector.extract_strided_slice %add3A_95 {offsets = [24, 0], sizes = [1, 1024], strides = [1, 1]} : vector<32x1024xf32> to vector<1x1024xf32>
    %add3A_2587 = arith.addf %convert_element_type3A, %slice3A_2586 : vector<1x1024xf32>
    %slice3A_2588 = vector.extract_strided_slice %add3A_95 {offsets = [25, 0], sizes = [1, 1024], strides = [1, 1]} : vector<32x1024xf32> to vector<1x1024xf32>
    %add3A_2589 = arith.addf %convert_element_type3A_151, %slice3A_2588 : vector<1x1024xf32>
    %floor3A_2590 = math.floor %add3A_2587 : vector<1x1024xf32>
    %floor3A_2591 = math.floor %add3A_2589 : vector<1x1024xf32>
    %sub3A_2592 = arith.subf %add3A_2587, %floor3A_2590 : vector<1x1024xf32>
    %sub3A_2593 = arith.constant 1.000000e+00 : f32
    %sub3A_2594 = vector.broadcast %sub3A_2593 : f32 to vector<1x1024xf32>
    %sub3A_2595 = arith.subf %sub3A_2594, %sub3A_2592 : vector<1x1024xf32>
    %sub3A_2596 = arith.subf %add3A_2589, %floor3A_2591 : vector<1x1024xf32>
    %sub3A_2597 = arith.constant 1.000000e+00 : f32
    %sub3A_2598 = vector.broadcast %sub3A_2597 : f32 to vector<1x1024xf32>
    %sub3A_2599 = arith.subf %sub3A_2598, %sub3A_2596 : vector<1x1024xf32>
    %convert_element_type3A_2600 = arith.fptosi %floor3A_2590 : vector<1x1024xf32> to vector<1x1024xi32>
    %convert_element_type3A_2601 = arith.fptosi %floor3A_2591 : vector<1x1024xf32> to vector<1x1024xi32>
    %mul3A_2602 = arith.mulf %exp3A_2573, %div3A_2585 : vector<1x1024xf32>
    %add3A_2603 = arith.constant 0 : i32
    %add3A_2604 = vector.broadcast %add3A_2603 : i32 to vector<1x1024xi32>
    %add3A_2605 = arith.addi %convert_element_type3A_2601, %add3A_2604 : vector<1x1024xi32>
    %add3A_2606 = arith.constant 0 : i32
    %add3A_2607 = vector.broadcast %add3A_2606 : i32 to vector<1x1024xi32>
    %add3A_2608 = arith.addi %convert_element_type3A_2600, %add3A_2607 : vector<1x1024xi32>
    %ge3A_2609 = arith.constant 0 : i32
    %ge3A_2610 = vector.broadcast %ge3A_2609 : i32 to vector<1x1024xi32>
    %ge3A_2611 = arith.cmpi sge, %add3A_2608, %ge3A_2610 : vector<1x1024xi32>
    %le3A_2612 = arith.constant 31 : i32
    %le3A_2613 = vector.broadcast %le3A_2612 : i32 to vector<1x1024xi32>
    %le3A_2614 = arith.cmpi sle, %add3A_2608, %le3A_2613 : vector<1x1024xi32>
    %and3A_2615 = arith.andi %ge3A_2611, %le3A_2614 : vector<1x1024xi1>
    %ge3A_2616 = arith.constant 0 : i32
    %ge3A_2617 = vector.broadcast %ge3A_2616 : i32 to vector<1x1024xi32>
    %ge3A_2618 = arith.cmpi sge, %add3A_2605, %ge3A_2617 : vector<1x1024xi32>
    %and3A_2619 = arith.andi %and3A_2615, %ge3A_2618 : vector<1x1024xi1>
    %le3A_2620 = arith.constant 31 : i32
    %le3A_2621 = vector.broadcast %le3A_2620 : i32 to vector<1x1024xi32>
    %le3A_2622 = arith.cmpi sle, %add3A_2605, %le3A_2621 : vector<1x1024xi32>
    %and3A_2623 = arith.andi %and3A_2619, %le3A_2622 : vector<1x1024xi1>
    %mul3A_2624 = arith.mulf %sub3A_2595, %sub3A_2599 : vector<1x1024xf32>
    %mul3A_2625 = arith.mulf %mul3A_2624, %mul3A_2602 : vector<1x1024xf32>
    %jit3A_2626 = arith.constant 0.000000e+00 : f32
    %broadcast_in_dim3A_2627 = vector.broadcast %jit3A_2626 : f32 to vector<1x1024xf32>
    %select_n3A_2628 = arith.select %and3A_2623, %mul3A_2625, %broadcast_in_dim3A_2627 : vector<1x1024xi1>, vector<1x1024xf32>
    %jit3A_2629 = arith.constant 0 : i32
    %jit3A_2630 = arith.constant 31 : i32
    %max3A_2631 = vector.broadcast %jit3A_2629 : i32 to vector<1x1024xi32>
    %max3A_2632 = arith.maxsi %max3A_2631, %add3A_2605 : vector<1x1024xi32>
    %min3A_2633 = vector.broadcast %jit3A_2630 : i32 to vector<1x1024xi32>
    %min3A_2634 = arith.minsi %min3A_2633, %max3A_2632 : vector<1x1024xi32>
    %mul3A_2635 = arith.constant 32 : i32
    %mul3A_2636 = vector.broadcast %mul3A_2635 : i32 to vector<1x1024xi32>
    %mul3A_2637 = arith.muli %min3A_2634, %mul3A_2636 : vector<1x1024xi32>
    %jit3A_2638 = arith.constant 0 : i32
    %jit3A_2639 = arith.constant 31 : i32
    %max3A_2640 = vector.broadcast %jit3A_2638 : i32 to vector<1x1024xi32>
    %max3A_2641 = arith.maxsi %max3A_2640, %add3A_2608 : vector<1x1024xi32>
    %min3A_2642 = vector.broadcast %jit3A_2639 : i32 to vector<1x1024xi32>
    %min3A_2643 = arith.minsi %min3A_2642, %max3A_2641 : vector<1x1024xi32>
    %add3A_2644 = arith.addi %mul3A_2637, %min3A_2643 : vector<1x1024xi32>
    %add3A_2645 = vector.broadcast %mul3A_2564 : i32 to vector<1x1024xi32>
    %add3A_2646 = arith.addi %add3A_2644, %add3A_2645 : vector<1x1024xi32>
    %add3A_2647 = arith.constant 1 : i32
    %add3A_2648 = vector.broadcast %add3A_2647 : i32 to vector<1x1024xi32>
    %add3A_2649 = arith.addi %convert_element_type3A_2600, %add3A_2648 : vector<1x1024xi32>
    %ge3A_2650 = arith.constant 0 : i32
    %ge3A_2651 = vector.broadcast %ge3A_2650 : i32 to vector<1x1024xi32>
    %ge3A_2652 = arith.cmpi sge, %add3A_2649, %ge3A_2651 : vector<1x1024xi32>
    %le3A_2653 = arith.constant 31 : i32
    %le3A_2654 = vector.broadcast %le3A_2653 : i32 to vector<1x1024xi32>
    %le3A_2655 = arith.cmpi sle, %add3A_2649, %le3A_2654 : vector<1x1024xi32>
    %and3A_2656 = arith.andi %ge3A_2652, %le3A_2655 : vector<1x1024xi1>
    %ge3A_2657 = arith.constant 0 : i32
    %ge3A_2658 = vector.broadcast %ge3A_2657 : i32 to vector<1x1024xi32>
    %ge3A_2659 = arith.cmpi sge, %add3A_2605, %ge3A_2658 : vector<1x1024xi32>
    %and3A_2660 = arith.andi %and3A_2656, %ge3A_2659 : vector<1x1024xi1>
    %le3A_2661 = arith.constant 31 : i32
    %le3A_2662 = vector.broadcast %le3A_2661 : i32 to vector<1x1024xi32>
    %le3A_2663 = arith.cmpi sle, %add3A_2605, %le3A_2662 : vector<1x1024xi32>
    %and3A_2664 = arith.andi %and3A_2660, %le3A_2663 : vector<1x1024xi1>
    %mul3A_2665 = arith.mulf %sub3A_2592, %sub3A_2599 : vector<1x1024xf32>
    %mul3A_2666 = arith.mulf %mul3A_2665, %mul3A_2602 : vector<1x1024xf32>
    %jit3A_2667 = arith.constant 0.000000e+00 : f32
    %broadcast_in_dim3A_2668 = vector.broadcast %jit3A_2667 : f32 to vector<1x1024xf32>
    %select_n3A_2669 = arith.select %and3A_2664, %mul3A_2666, %broadcast_in_dim3A_2668 : vector<1x1024xi1>, vector<1x1024xf32>
    %jit3A_2670 = arith.constant 0 : i32
    %jit3A_2671 = arith.constant 31 : i32
    %max3A_2672 = vector.broadcast %jit3A_2670 : i32 to vector<1x1024xi32>
    %max3A_2673 = arith.maxsi %max3A_2672, %add3A_2605 : vector<1x1024xi32>
    %min3A_2674 = vector.broadcast %jit3A_2671 : i32 to vector<1x1024xi32>
    %min3A_2675 = arith.minsi %min3A_2674, %max3A_2673 : vector<1x1024xi32>
    %mul3A_2676 = arith.constant 32 : i32
    %mul3A_2677 = vector.broadcast %mul3A_2676 : i32 to vector<1x1024xi32>
    %mul3A_2678 = arith.muli %min3A_2675, %mul3A_2677 : vector<1x1024xi32>
    %jit3A_2679 = arith.constant 0 : i32
    %jit3A_2680 = arith.constant 31 : i32
    %max3A_2681 = vector.broadcast %jit3A_2679 : i32 to vector<1x1024xi32>
    %max3A_2682 = arith.maxsi %max3A_2681, %add3A_2649 : vector<1x1024xi32>
    %min3A_2683 = vector.broadcast %jit3A_2680 : i32 to vector<1x1024xi32>
    %min3A_2684 = arith.minsi %min3A_2683, %max3A_2682 : vector<1x1024xi32>
    %add3A_2685 = arith.addi %mul3A_2678, %min3A_2684 : vector<1x1024xi32>
    %add3A_2686 = vector.broadcast %mul3A_2564 : i32 to vector<1x1024xi32>
    %add3A_2687 = arith.addi %add3A_2685, %add3A_2686 : vector<1x1024xi32>
    %add3A_2688 = arith.constant 1 : i32
    %add3A_2689 = vector.broadcast %add3A_2688 : i32 to vector<1x1024xi32>
    %add3A_2690 = arith.addi %convert_element_type3A_2601, %add3A_2689 : vector<1x1024xi32>
    %add3A_2691 = arith.constant 0 : i32
    %add3A_2692 = vector.broadcast %add3A_2691 : i32 to vector<1x1024xi32>
    %add3A_2693 = arith.addi %convert_element_type3A_2600, %add3A_2692 : vector<1x1024xi32>
    %ge3A_2694 = arith.constant 0 : i32
    %ge3A_2695 = vector.broadcast %ge3A_2694 : i32 to vector<1x1024xi32>
    %ge3A_2696 = arith.cmpi sge, %add3A_2693, %ge3A_2695 : vector<1x1024xi32>
    %le3A_2697 = arith.constant 31 : i32
    %le3A_2698 = vector.broadcast %le3A_2697 : i32 to vector<1x1024xi32>
    %le3A_2699 = arith.cmpi sle, %add3A_2693, %le3A_2698 : vector<1x1024xi32>
    %and3A_2700 = arith.andi %ge3A_2696, %le3A_2699 : vector<1x1024xi1>
    %ge3A_2701 = arith.constant 0 : i32
    %ge3A_2702 = vector.broadcast %ge3A_2701 : i32 to vector<1x1024xi32>
    %ge3A_2703 = arith.cmpi sge, %add3A_2690, %ge3A_2702 : vector<1x1024xi32>
    %and3A_2704 = arith.andi %and3A_2700, %ge3A_2703 : vector<1x1024xi1>
    %le3A_2705 = arith.constant 31 : i32
    %le3A_2706 = vector.broadcast %le3A_2705 : i32 to vector<1x1024xi32>
    %le3A_2707 = arith.cmpi sle, %add3A_2690, %le3A_2706 : vector<1x1024xi32>
    %and3A_2708 = arith.andi %and3A_2704, %le3A_2707 : vector<1x1024xi1>
    %mul3A_2709 = arith.mulf %sub3A_2595, %sub3A_2596 : vector<1x1024xf32>
    %mul3A_2710 = arith.mulf %mul3A_2709, %mul3A_2602 : vector<1x1024xf32>
    %jit3A_2711 = arith.constant 0.000000e+00 : f32
    %broadcast_in_dim3A_2712 = vector.broadcast %jit3A_2711 : f32 to vector<1x1024xf32>
    %select_n3A_2713 = arith.select %and3A_2708, %mul3A_2710, %broadcast_in_dim3A_2712 : vector<1x1024xi1>, vector<1x1024xf32>
    %jit3A_2714 = arith.constant 0 : i32
    %jit3A_2715 = arith.constant 31 : i32
    %max3A_2716 = vector.broadcast %jit3A_2714 : i32 to vector<1x1024xi32>
    %max3A_2717 = arith.maxsi %max3A_2716, %add3A_2690 : vector<1x1024xi32>
    %min3A_2718 = vector.broadcast %jit3A_2715 : i32 to vector<1x1024xi32>
    %min3A_2719 = arith.minsi %min3A_2718, %max3A_2717 : vector<1x1024xi32>
    %mul3A_2720 = arith.constant 32 : i32
    %mul3A_2721 = vector.broadcast %mul3A_2720 : i32 to vector<1x1024xi32>
    %mul3A_2722 = arith.muli %min3A_2719, %mul3A_2721 : vector<1x1024xi32>
    %jit3A_2723 = arith.constant 0 : i32
    %jit3A_2724 = arith.constant 31 : i32
    %max3A_2725 = vector.broadcast %jit3A_2723 : i32 to vector<1x1024xi32>
    %max3A_2726 = arith.maxsi %max3A_2725, %add3A_2693 : vector<1x1024xi32>
    %min3A_2727 = vector.broadcast %jit3A_2724 : i32 to vector<1x1024xi32>
    %min3A_2728 = arith.minsi %min3A_2727, %max3A_2726 : vector<1x1024xi32>
    %add3A_2729 = arith.addi %mul3A_2722, %min3A_2728 : vector<1x1024xi32>
    %add3A_2730 = vector.broadcast %mul3A_2564 : i32 to vector<1x1024xi32>
    %add3A_2731 = arith.addi %add3A_2729, %add3A_2730 : vector<1x1024xi32>
    %add3A_2732 = arith.constant 1 : i32
    %add3A_2733 = vector.broadcast %add3A_2732 : i32 to vector<1x1024xi32>
    %add3A_2734 = arith.addi %convert_element_type3A_2600, %add3A_2733 : vector<1x1024xi32>
    %ge3A_2735 = arith.constant 0 : i32
    %ge3A_2736 = vector.broadcast %ge3A_2735 : i32 to vector<1x1024xi32>
    %ge3A_2737 = arith.cmpi sge, %add3A_2734, %ge3A_2736 : vector<1x1024xi32>
    %le3A_2738 = arith.constant 31 : i32
    %le3A_2739 = vector.broadcast %le3A_2738 : i32 to vector<1x1024xi32>
    %le3A_2740 = arith.cmpi sle, %add3A_2734, %le3A_2739 : vector<1x1024xi32>
    %and3A_2741 = arith.andi %ge3A_2737, %le3A_2740 : vector<1x1024xi1>
    %ge3A_2742 = arith.constant 0 : i32
    %ge3A_2743 = vector.broadcast %ge3A_2742 : i32 to vector<1x1024xi32>
    %ge3A_2744 = arith.cmpi sge, %add3A_2690, %ge3A_2743 : vector<1x1024xi32>
    %and3A_2745 = arith.andi %and3A_2741, %ge3A_2744 : vector<1x1024xi1>
    %le3A_2746 = arith.constant 31 : i32
    %le3A_2747 = vector.broadcast %le3A_2746 : i32 to vector<1x1024xi32>
    %le3A_2748 = arith.cmpi sle, %add3A_2690, %le3A_2747 : vector<1x1024xi32>
    %and3A_2749 = arith.andi %and3A_2745, %le3A_2748 : vector<1x1024xi1>
    %mul3A_2750 = arith.mulf %sub3A_2592, %sub3A_2596 : vector<1x1024xf32>
    %mul3A_2751 = arith.mulf %mul3A_2750, %mul3A_2602 : vector<1x1024xf32>
    %jit3A_2752 = arith.constant 0.000000e+00 : f32
    %broadcast_in_dim3A_2753 = vector.broadcast %jit3A_2752 : f32 to vector<1x1024xf32>
    %select_n3A_2754 = arith.select %and3A_2749, %mul3A_2751, %broadcast_in_dim3A_2753 : vector<1x1024xi1>, vector<1x1024xf32>
    %jit3A_2755 = arith.constant 0 : i32
    %jit3A_2756 = arith.constant 31 : i32
    %max3A_2757 = vector.broadcast %jit3A_2755 : i32 to vector<1x1024xi32>
    %max3A_2758 = arith.maxsi %max3A_2757, %add3A_2690 : vector<1x1024xi32>
    %min3A_2759 = vector.broadcast %jit3A_2756 : i32 to vector<1x1024xi32>
    %min3A_2760 = arith.minsi %min3A_2759, %max3A_2758 : vector<1x1024xi32>
    %mul3A_2761 = arith.constant 32 : i32
    %mul3A_2762 = vector.broadcast %mul3A_2761 : i32 to vector<1x1024xi32>
    %mul3A_2763 = arith.muli %min3A_2760, %mul3A_2762 : vector<1x1024xi32>
    %jit3A_2764 = arith.constant 0 : i32
    %jit3A_2765 = arith.constant 31 : i32
    %max3A_2766 = vector.broadcast %jit3A_2764 : i32 to vector<1x1024xi32>
    %max3A_2767 = arith.maxsi %max3A_2766, %add3A_2734 : vector<1x1024xi32>
    %min3A_2768 = vector.broadcast %jit3A_2765 : i32 to vector<1x1024xi32>
    %min3A_2769 = arith.minsi %min3A_2768, %max3A_2767 : vector<1x1024xi32>
    %add3A_2770 = arith.addi %mul3A_2763, %min3A_2769 : vector<1x1024xi32>
    %add3A_2771 = vector.broadcast %mul3A_2564 : i32 to vector<1x1024xi32>
    %add3A_2772 = arith.addi %add3A_2770, %add3A_2771 : vector<1x1024xi32>
    %slice3A_2773 = vector.extract_strided_slice %add3A_95 {offsets = [26, 0], sizes = [1, 1024], strides = [1, 1]} : vector<32x1024xf32> to vector<1x1024xf32>
    %add3A_2774 = arith.addf %convert_element_type3A, %slice3A_2773 : vector<1x1024xf32>
    %slice3A_2775 = vector.extract_strided_slice %add3A_95 {offsets = [27, 0], sizes = [1, 1024], strides = [1, 1]} : vector<32x1024xf32> to vector<1x1024xf32>
    %add3A_2776 = arith.addf %convert_element_type3A_151, %slice3A_2775 : vector<1x1024xf32>
    %floor3A_2777 = math.floor %add3A_2774 : vector<1x1024xf32>
    %floor3A_2778 = math.floor %add3A_2776 : vector<1x1024xf32>
    %sub3A_2779 = arith.subf %add3A_2774, %floor3A_2777 : vector<1x1024xf32>
    %sub3A_2780 = arith.constant 1.000000e+00 : f32
    %sub3A_2781 = vector.broadcast %sub3A_2780 : f32 to vector<1x1024xf32>
    %sub3A_2782 = arith.subf %sub3A_2781, %sub3A_2779 : vector<1x1024xf32>
    %sub3A_2783 = arith.subf %add3A_2776, %floor3A_2778 : vector<1x1024xf32>
    %sub3A_2784 = arith.constant 1.000000e+00 : f32
    %sub3A_2785 = vector.broadcast %sub3A_2784 : f32 to vector<1x1024xf32>
    %sub3A_2786 = arith.subf %sub3A_2785, %sub3A_2783 : vector<1x1024xf32>
    %convert_element_type3A_2787 = arith.fptosi %floor3A_2777 : vector<1x1024xf32> to vector<1x1024xi32>
    %convert_element_type3A_2788 = arith.fptosi %floor3A_2778 : vector<1x1024xf32> to vector<1x1024xi32>
    %mul3A_2789 = arith.mulf %exp3A_2575, %div3A_2585 : vector<1x1024xf32>
    %add3A_2790 = arith.constant 0 : i32
    %add3A_2791 = vector.broadcast %add3A_2790 : i32 to vector<1x1024xi32>
    %add3A_2792 = arith.addi %convert_element_type3A_2788, %add3A_2791 : vector<1x1024xi32>
    %add3A_2793 = arith.constant 0 : i32
    %add3A_2794 = vector.broadcast %add3A_2793 : i32 to vector<1x1024xi32>
    %add3A_2795 = arith.addi %convert_element_type3A_2787, %add3A_2794 : vector<1x1024xi32>
    %ge3A_2796 = arith.constant 0 : i32
    %ge3A_2797 = vector.broadcast %ge3A_2796 : i32 to vector<1x1024xi32>
    %ge3A_2798 = arith.cmpi sge, %add3A_2795, %ge3A_2797 : vector<1x1024xi32>
    %le3A_2799 = arith.constant 31 : i32
    %le3A_2800 = vector.broadcast %le3A_2799 : i32 to vector<1x1024xi32>
    %le3A_2801 = arith.cmpi sle, %add3A_2795, %le3A_2800 : vector<1x1024xi32>
    %and3A_2802 = arith.andi %ge3A_2798, %le3A_2801 : vector<1x1024xi1>
    %ge3A_2803 = arith.constant 0 : i32
    %ge3A_2804 = vector.broadcast %ge3A_2803 : i32 to vector<1x1024xi32>
    %ge3A_2805 = arith.cmpi sge, %add3A_2792, %ge3A_2804 : vector<1x1024xi32>
    %and3A_2806 = arith.andi %and3A_2802, %ge3A_2805 : vector<1x1024xi1>
    %le3A_2807 = arith.constant 31 : i32
    %le3A_2808 = vector.broadcast %le3A_2807 : i32 to vector<1x1024xi32>
    %le3A_2809 = arith.cmpi sle, %add3A_2792, %le3A_2808 : vector<1x1024xi32>
    %and3A_2810 = arith.andi %and3A_2806, %le3A_2809 : vector<1x1024xi1>
    %mul3A_2811 = arith.mulf %sub3A_2782, %sub3A_2786 : vector<1x1024xf32>
    %mul3A_2812 = arith.mulf %mul3A_2811, %mul3A_2789 : vector<1x1024xf32>
    %jit3A_2813 = arith.constant 0.000000e+00 : f32
    %broadcast_in_dim3A_2814 = vector.broadcast %jit3A_2813 : f32 to vector<1x1024xf32>
    %select_n3A_2815 = arith.select %and3A_2810, %mul3A_2812, %broadcast_in_dim3A_2814 : vector<1x1024xi1>, vector<1x1024xf32>
    %jit3A_2816 = arith.constant 0 : i32
    %jit3A_2817 = arith.constant 31 : i32
    %max3A_2818 = vector.broadcast %jit3A_2816 : i32 to vector<1x1024xi32>
    %max3A_2819 = arith.maxsi %max3A_2818, %add3A_2792 : vector<1x1024xi32>
    %min3A_2820 = vector.broadcast %jit3A_2817 : i32 to vector<1x1024xi32>
    %min3A_2821 = arith.minsi %min3A_2820, %max3A_2819 : vector<1x1024xi32>
    %mul3A_2822 = arith.constant 32 : i32
    %mul3A_2823 = vector.broadcast %mul3A_2822 : i32 to vector<1x1024xi32>
    %mul3A_2824 = arith.muli %min3A_2821, %mul3A_2823 : vector<1x1024xi32>
    %jit3A_2825 = arith.constant 0 : i32
    %jit3A_2826 = arith.constant 31 : i32
    %max3A_2827 = vector.broadcast %jit3A_2825 : i32 to vector<1x1024xi32>
    %max3A_2828 = arith.maxsi %max3A_2827, %add3A_2795 : vector<1x1024xi32>
    %min3A_2829 = vector.broadcast %jit3A_2826 : i32 to vector<1x1024xi32>
    %min3A_2830 = arith.minsi %min3A_2829, %max3A_2828 : vector<1x1024xi32>
    %add3A_2831 = arith.addi %mul3A_2824, %min3A_2830 : vector<1x1024xi32>
    %add3A_2832 = vector.broadcast %mul3A_2564 : i32 to vector<1x1024xi32>
    %add3A_2833 = arith.addi %add3A_2831, %add3A_2832 : vector<1x1024xi32>
    %add3A_2834 = arith.constant 1 : i32
    %add3A_2835 = vector.broadcast %add3A_2834 : i32 to vector<1x1024xi32>
    %add3A_2836 = arith.addi %convert_element_type3A_2787, %add3A_2835 : vector<1x1024xi32>
    %ge3A_2837 = arith.constant 0 : i32
    %ge3A_2838 = vector.broadcast %ge3A_2837 : i32 to vector<1x1024xi32>
    %ge3A_2839 = arith.cmpi sge, %add3A_2836, %ge3A_2838 : vector<1x1024xi32>
    %le3A_2840 = arith.constant 31 : i32
    %le3A_2841 = vector.broadcast %le3A_2840 : i32 to vector<1x1024xi32>
    %le3A_2842 = arith.cmpi sle, %add3A_2836, %le3A_2841 : vector<1x1024xi32>
    %and3A_2843 = arith.andi %ge3A_2839, %le3A_2842 : vector<1x1024xi1>
    %ge3A_2844 = arith.constant 0 : i32
    %ge3A_2845 = vector.broadcast %ge3A_2844 : i32 to vector<1x1024xi32>
    %ge3A_2846 = arith.cmpi sge, %add3A_2792, %ge3A_2845 : vector<1x1024xi32>
    %and3A_2847 = arith.andi %and3A_2843, %ge3A_2846 : vector<1x1024xi1>
    %le3A_2848 = arith.constant 31 : i32
    %le3A_2849 = vector.broadcast %le3A_2848 : i32 to vector<1x1024xi32>
    %le3A_2850 = arith.cmpi sle, %add3A_2792, %le3A_2849 : vector<1x1024xi32>
    %and3A_2851 = arith.andi %and3A_2847, %le3A_2850 : vector<1x1024xi1>
    %mul3A_2852 = arith.mulf %sub3A_2779, %sub3A_2786 : vector<1x1024xf32>
    %mul3A_2853 = arith.mulf %mul3A_2852, %mul3A_2789 : vector<1x1024xf32>
    %jit3A_2854 = arith.constant 0.000000e+00 : f32
    %broadcast_in_dim3A_2855 = vector.broadcast %jit3A_2854 : f32 to vector<1x1024xf32>
    %select_n3A_2856 = arith.select %and3A_2851, %mul3A_2853, %broadcast_in_dim3A_2855 : vector<1x1024xi1>, vector<1x1024xf32>
    %jit3A_2857 = arith.constant 0 : i32
    %jit3A_2858 = arith.constant 31 : i32
    %max3A_2859 = vector.broadcast %jit3A_2857 : i32 to vector<1x1024xi32>
    %max3A_2860 = arith.maxsi %max3A_2859, %add3A_2792 : vector<1x1024xi32>
    %min3A_2861 = vector.broadcast %jit3A_2858 : i32 to vector<1x1024xi32>
    %min3A_2862 = arith.minsi %min3A_2861, %max3A_2860 : vector<1x1024xi32>
    %mul3A_2863 = arith.constant 32 : i32
    %mul3A_2864 = vector.broadcast %mul3A_2863 : i32 to vector<1x1024xi32>
    %mul3A_2865 = arith.muli %min3A_2862, %mul3A_2864 : vector<1x1024xi32>
    %jit3A_2866 = arith.constant 0 : i32
    %jit3A_2867 = arith.constant 31 : i32
    %max3A_2868 = vector.broadcast %jit3A_2866 : i32 to vector<1x1024xi32>
    %max3A_2869 = arith.maxsi %max3A_2868, %add3A_2836 : vector<1x1024xi32>
    %min3A_2870 = vector.broadcast %jit3A_2867 : i32 to vector<1x1024xi32>
    %min3A_2871 = arith.minsi %min3A_2870, %max3A_2869 : vector<1x1024xi32>
    %add3A_2872 = arith.addi %mul3A_2865, %min3A_2871 : vector<1x1024xi32>
    %add3A_2873 = vector.broadcast %mul3A_2564 : i32 to vector<1x1024xi32>
    %add3A_2874 = arith.addi %add3A_2872, %add3A_2873 : vector<1x1024xi32>
    %add3A_2875 = arith.constant 1 : i32
    %add3A_2876 = vector.broadcast %add3A_2875 : i32 to vector<1x1024xi32>
    %add3A_2877 = arith.addi %convert_element_type3A_2788, %add3A_2876 : vector<1x1024xi32>
    %add3A_2878 = arith.constant 0 : i32
    %add3A_2879 = vector.broadcast %add3A_2878 : i32 to vector<1x1024xi32>
    %add3A_2880 = arith.addi %convert_element_type3A_2787, %add3A_2879 : vector<1x1024xi32>
    %ge3A_2881 = arith.constant 0 : i32
    %ge3A_2882 = vector.broadcast %ge3A_2881 : i32 to vector<1x1024xi32>
    %ge3A_2883 = arith.cmpi sge, %add3A_2880, %ge3A_2882 : vector<1x1024xi32>
    %le3A_2884 = arith.constant 31 : i32
    %le3A_2885 = vector.broadcast %le3A_2884 : i32 to vector<1x1024xi32>
    %le3A_2886 = arith.cmpi sle, %add3A_2880, %le3A_2885 : vector<1x1024xi32>
    %and3A_2887 = arith.andi %ge3A_2883, %le3A_2886 : vector<1x1024xi1>
    %ge3A_2888 = arith.constant 0 : i32
    %ge3A_2889 = vector.broadcast %ge3A_2888 : i32 to vector<1x1024xi32>
    %ge3A_2890 = arith.cmpi sge, %add3A_2877, %ge3A_2889 : vector<1x1024xi32>
    %and3A_2891 = arith.andi %and3A_2887, %ge3A_2890 : vector<1x1024xi1>
    %le3A_2892 = arith.constant 31 : i32
    %le3A_2893 = vector.broadcast %le3A_2892 : i32 to vector<1x1024xi32>
    %le3A_2894 = arith.cmpi sle, %add3A_2877, %le3A_2893 : vector<1x1024xi32>
    %and3A_2895 = arith.andi %and3A_2891, %le3A_2894 : vector<1x1024xi1>
    %mul3A_2896 = arith.mulf %sub3A_2782, %sub3A_2783 : vector<1x1024xf32>
    %mul3A_2897 = arith.mulf %mul3A_2896, %mul3A_2789 : vector<1x1024xf32>
    %jit3A_2898 = arith.constant 0.000000e+00 : f32
    %broadcast_in_dim3A_2899 = vector.broadcast %jit3A_2898 : f32 to vector<1x1024xf32>
    %select_n3A_2900 = arith.select %and3A_2895, %mul3A_2897, %broadcast_in_dim3A_2899 : vector<1x1024xi1>, vector<1x1024xf32>
    %jit3A_2901 = arith.constant 0 : i32
    %jit3A_2902 = arith.constant 31 : i32
    %max3A_2903 = vector.broadcast %jit3A_2901 : i32 to vector<1x1024xi32>
    %max3A_2904 = arith.maxsi %max3A_2903, %add3A_2877 : vector<1x1024xi32>
    %min3A_2905 = vector.broadcast %jit3A_2902 : i32 to vector<1x1024xi32>
    %min3A_2906 = arith.minsi %min3A_2905, %max3A_2904 : vector<1x1024xi32>
    %mul3A_2907 = arith.constant 32 : i32
    %mul3A_2908 = vector.broadcast %mul3A_2907 : i32 to vector<1x1024xi32>
    %mul3A_2909 = arith.muli %min3A_2906, %mul3A_2908 : vector<1x1024xi32>
    %jit3A_2910 = arith.constant 0 : i32
    %jit3A_2911 = arith.constant 31 : i32
    %max3A_2912 = vector.broadcast %jit3A_2910 : i32 to vector<1x1024xi32>
    %max3A_2913 = arith.maxsi %max3A_2912, %add3A_2880 : vector<1x1024xi32>
    %min3A_2914 = vector.broadcast %jit3A_2911 : i32 to vector<1x1024xi32>
    %min3A_2915 = arith.minsi %min3A_2914, %max3A_2913 : vector<1x1024xi32>
    %add3A_2916 = arith.addi %mul3A_2909, %min3A_2915 : vector<1x1024xi32>
    %add3A_2917 = vector.broadcast %mul3A_2564 : i32 to vector<1x1024xi32>
    %add3A_2918 = arith.addi %add3A_2916, %add3A_2917 : vector<1x1024xi32>
    %add3A_2919 = arith.constant 1 : i32
    %add3A_2920 = vector.broadcast %add3A_2919 : i32 to vector<1x1024xi32>
    %add3A_2921 = arith.addi %convert_element_type3A_2787, %add3A_2920 : vector<1x1024xi32>
    %ge3A_2922 = arith.constant 0 : i32
    %ge3A_2923 = vector.broadcast %ge3A_2922 : i32 to vector<1x1024xi32>
    %ge3A_2924 = arith.cmpi sge, %add3A_2921, %ge3A_2923 : vector<1x1024xi32>
    %le3A_2925 = arith.constant 31 : i32
    %le3A_2926 = vector.broadcast %le3A_2925 : i32 to vector<1x1024xi32>
    %le3A_2927 = arith.cmpi sle, %add3A_2921, %le3A_2926 : vector<1x1024xi32>
    %and3A_2928 = arith.andi %ge3A_2924, %le3A_2927 : vector<1x1024xi1>
    %ge3A_2929 = arith.constant 0 : i32
    %ge3A_2930 = vector.broadcast %ge3A_2929 : i32 to vector<1x1024xi32>
    %ge3A_2931 = arith.cmpi sge, %add3A_2877, %ge3A_2930 : vector<1x1024xi32>
    %and3A_2932 = arith.andi %and3A_2928, %ge3A_2931 : vector<1x1024xi1>
    %le3A_2933 = arith.constant 31 : i32
    %le3A_2934 = vector.broadcast %le3A_2933 : i32 to vector<1x1024xi32>
    %le3A_2935 = arith.cmpi sle, %add3A_2877, %le3A_2934 : vector<1x1024xi32>
    %and3A_2936 = arith.andi %and3A_2932, %le3A_2935 : vector<1x1024xi1>
    %mul3A_2937 = arith.mulf %sub3A_2779, %sub3A_2783 : vector<1x1024xf32>
    %mul3A_2938 = arith.mulf %mul3A_2937, %mul3A_2789 : vector<1x1024xf32>
    %jit3A_2939 = arith.constant 0.000000e+00 : f32
    %broadcast_in_dim3A_2940 = vector.broadcast %jit3A_2939 : f32 to vector<1x1024xf32>
    %select_n3A_2941 = arith.select %and3A_2936, %mul3A_2938, %broadcast_in_dim3A_2940 : vector<1x1024xi1>, vector<1x1024xf32>
    %jit3A_2942 = arith.constant 0 : i32
    %jit3A_2943 = arith.constant 31 : i32
    %max3A_2944 = vector.broadcast %jit3A_2942 : i32 to vector<1x1024xi32>
    %max3A_2945 = arith.maxsi %max3A_2944, %add3A_2877 : vector<1x1024xi32>
    %min3A_2946 = vector.broadcast %jit3A_2943 : i32 to vector<1x1024xi32>
    %min3A_2947 = arith.minsi %min3A_2946, %max3A_2945 : vector<1x1024xi32>
    %mul3A_2948 = arith.constant 32 : i32
    %mul3A_2949 = vector.broadcast %mul3A_2948 : i32 to vector<1x1024xi32>
    %mul3A_2950 = arith.muli %min3A_2947, %mul3A_2949 : vector<1x1024xi32>
    %jit3A_2951 = arith.constant 0 : i32
    %jit3A_2952 = arith.constant 31 : i32
    %max3A_2953 = vector.broadcast %jit3A_2951 : i32 to vector<1x1024xi32>
    %max3A_2954 = arith.maxsi %max3A_2953, %add3A_2921 : vector<1x1024xi32>
    %min3A_2955 = vector.broadcast %jit3A_2952 : i32 to vector<1x1024xi32>
    %min3A_2956 = arith.minsi %min3A_2955, %max3A_2954 : vector<1x1024xi32>
    %add3A_2957 = arith.addi %mul3A_2950, %min3A_2956 : vector<1x1024xi32>
    %add3A_2958 = vector.broadcast %mul3A_2564 : i32 to vector<1x1024xi32>
    %add3A_2959 = arith.addi %add3A_2957, %add3A_2958 : vector<1x1024xi32>
    %slice3A_2960 = vector.extract_strided_slice %add3A_95 {offsets = [28, 0], sizes = [1, 1024], strides = [1, 1]} : vector<32x1024xf32> to vector<1x1024xf32>
    %add3A_2961 = arith.addf %convert_element_type3A, %slice3A_2960 : vector<1x1024xf32>
    %slice3A_2962 = vector.extract_strided_slice %add3A_95 {offsets = [29, 0], sizes = [1, 1024], strides = [1, 1]} : vector<32x1024xf32> to vector<1x1024xf32>
    %add3A_2963 = arith.addf %convert_element_type3A_151, %slice3A_2962 : vector<1x1024xf32>
    %floor3A_2964 = math.floor %add3A_2961 : vector<1x1024xf32>
    %floor3A_2965 = math.floor %add3A_2963 : vector<1x1024xf32>
    %sub3A_2966 = arith.subf %add3A_2961, %floor3A_2964 : vector<1x1024xf32>
    %sub3A_2967 = arith.constant 1.000000e+00 : f32
    %sub3A_2968 = vector.broadcast %sub3A_2967 : f32 to vector<1x1024xf32>
    %sub3A_2969 = arith.subf %sub3A_2968, %sub3A_2966 : vector<1x1024xf32>
    %sub3A_2970 = arith.subf %add3A_2963, %floor3A_2965 : vector<1x1024xf32>
    %sub3A_2971 = arith.constant 1.000000e+00 : f32
    %sub3A_2972 = vector.broadcast %sub3A_2971 : f32 to vector<1x1024xf32>
    %sub3A_2973 = arith.subf %sub3A_2972, %sub3A_2970 : vector<1x1024xf32>
    %convert_element_type3A_2974 = arith.fptosi %floor3A_2964 : vector<1x1024xf32> to vector<1x1024xi32>
    %convert_element_type3A_2975 = arith.fptosi %floor3A_2965 : vector<1x1024xf32> to vector<1x1024xi32>
    %mul3A_2976 = arith.mulf %exp3A_2577, %div3A_2585 : vector<1x1024xf32>
    %add3A_2977 = arith.constant 0 : i32
    %add3A_2978 = vector.broadcast %add3A_2977 : i32 to vector<1x1024xi32>
    %add3A_2979 = arith.addi %convert_element_type3A_2975, %add3A_2978 : vector<1x1024xi32>
    %add3A_2980 = arith.constant 0 : i32
    %add3A_2981 = vector.broadcast %add3A_2980 : i32 to vector<1x1024xi32>
    %add3A_2982 = arith.addi %convert_element_type3A_2974, %add3A_2981 : vector<1x1024xi32>
    %ge3A_2983 = arith.constant 0 : i32
    %ge3A_2984 = vector.broadcast %ge3A_2983 : i32 to vector<1x1024xi32>
    %ge3A_2985 = arith.cmpi sge, %add3A_2982, %ge3A_2984 : vector<1x1024xi32>
    %le3A_2986 = arith.constant 31 : i32
    %le3A_2987 = vector.broadcast %le3A_2986 : i32 to vector<1x1024xi32>
    %le3A_2988 = arith.cmpi sle, %add3A_2982, %le3A_2987 : vector<1x1024xi32>
    %and3A_2989 = arith.andi %ge3A_2985, %le3A_2988 : vector<1x1024xi1>
    %ge3A_2990 = arith.constant 0 : i32
    %ge3A_2991 = vector.broadcast %ge3A_2990 : i32 to vector<1x1024xi32>
    %ge3A_2992 = arith.cmpi sge, %add3A_2979, %ge3A_2991 : vector<1x1024xi32>
    %and3A_2993 = arith.andi %and3A_2989, %ge3A_2992 : vector<1x1024xi1>
    %le3A_2994 = arith.constant 31 : i32
    %le3A_2995 = vector.broadcast %le3A_2994 : i32 to vector<1x1024xi32>
    %le3A_2996 = arith.cmpi sle, %add3A_2979, %le3A_2995 : vector<1x1024xi32>
    %and3A_2997 = arith.andi %and3A_2993, %le3A_2996 : vector<1x1024xi1>
    %mul3A_2998 = arith.mulf %sub3A_2969, %sub3A_2973 : vector<1x1024xf32>
    %mul3A_2999 = arith.mulf %mul3A_2998, %mul3A_2976 : vector<1x1024xf32>
    %jit3A_3000 = arith.constant 0.000000e+00 : f32
    %broadcast_in_dim3A_3001 = vector.broadcast %jit3A_3000 : f32 to vector<1x1024xf32>
    %select_n3A_3002 = arith.select %and3A_2997, %mul3A_2999, %broadcast_in_dim3A_3001 : vector<1x1024xi1>, vector<1x1024xf32>
    %jit3A_3003 = arith.constant 0 : i32
    %jit3A_3004 = arith.constant 31 : i32
    %max3A_3005 = vector.broadcast %jit3A_3003 : i32 to vector<1x1024xi32>
    %max3A_3006 = arith.maxsi %max3A_3005, %add3A_2979 : vector<1x1024xi32>
    %min3A_3007 = vector.broadcast %jit3A_3004 : i32 to vector<1x1024xi32>
    %min3A_3008 = arith.minsi %min3A_3007, %max3A_3006 : vector<1x1024xi32>
    %mul3A_3009 = arith.constant 32 : i32
    %mul3A_3010 = vector.broadcast %mul3A_3009 : i32 to vector<1x1024xi32>
    %mul3A_3011 = arith.muli %min3A_3008, %mul3A_3010 : vector<1x1024xi32>
    %jit3A_3012 = arith.constant 0 : i32
    %jit3A_3013 = arith.constant 31 : i32
    %max3A_3014 = vector.broadcast %jit3A_3012 : i32 to vector<1x1024xi32>
    %max3A_3015 = arith.maxsi %max3A_3014, %add3A_2982 : vector<1x1024xi32>
    %min3A_3016 = vector.broadcast %jit3A_3013 : i32 to vector<1x1024xi32>
    %min3A_3017 = arith.minsi %min3A_3016, %max3A_3015 : vector<1x1024xi32>
    %add3A_3018 = arith.addi %mul3A_3011, %min3A_3017 : vector<1x1024xi32>
    %add3A_3019 = vector.broadcast %mul3A_2564 : i32 to vector<1x1024xi32>
    %add3A_3020 = arith.addi %add3A_3018, %add3A_3019 : vector<1x1024xi32>
    %add3A_3021 = arith.constant 1 : i32
    %add3A_3022 = vector.broadcast %add3A_3021 : i32 to vector<1x1024xi32>
    %add3A_3023 = arith.addi %convert_element_type3A_2974, %add3A_3022 : vector<1x1024xi32>
    %ge3A_3024 = arith.constant 0 : i32
    %ge3A_3025 = vector.broadcast %ge3A_3024 : i32 to vector<1x1024xi32>
    %ge3A_3026 = arith.cmpi sge, %add3A_3023, %ge3A_3025 : vector<1x1024xi32>
    %le3A_3027 = arith.constant 31 : i32
    %le3A_3028 = vector.broadcast %le3A_3027 : i32 to vector<1x1024xi32>
    %le3A_3029 = arith.cmpi sle, %add3A_3023, %le3A_3028 : vector<1x1024xi32>
    %and3A_3030 = arith.andi %ge3A_3026, %le3A_3029 : vector<1x1024xi1>
    %ge3A_3031 = arith.constant 0 : i32
    %ge3A_3032 = vector.broadcast %ge3A_3031 : i32 to vector<1x1024xi32>
    %ge3A_3033 = arith.cmpi sge, %add3A_2979, %ge3A_3032 : vector<1x1024xi32>
    %and3A_3034 = arith.andi %and3A_3030, %ge3A_3033 : vector<1x1024xi1>
    %le3A_3035 = arith.constant 31 : i32
    %le3A_3036 = vector.broadcast %le3A_3035 : i32 to vector<1x1024xi32>
    %le3A_3037 = arith.cmpi sle, %add3A_2979, %le3A_3036 : vector<1x1024xi32>
    %and3A_3038 = arith.andi %and3A_3034, %le3A_3037 : vector<1x1024xi1>
    %mul3A_3039 = arith.mulf %sub3A_2966, %sub3A_2973 : vector<1x1024xf32>
    %mul3A_3040 = arith.mulf %mul3A_3039, %mul3A_2976 : vector<1x1024xf32>
    %jit3A_3041 = arith.constant 0.000000e+00 : f32
    %broadcast_in_dim3A_3042 = vector.broadcast %jit3A_3041 : f32 to vector<1x1024xf32>
    %select_n3A_3043 = arith.select %and3A_3038, %mul3A_3040, %broadcast_in_dim3A_3042 : vector<1x1024xi1>, vector<1x1024xf32>
    %jit3A_3044 = arith.constant 0 : i32
    %jit3A_3045 = arith.constant 31 : i32
    %max3A_3046 = vector.broadcast %jit3A_3044 : i32 to vector<1x1024xi32>
    %max3A_3047 = arith.maxsi %max3A_3046, %add3A_2979 : vector<1x1024xi32>
    %min3A_3048 = vector.broadcast %jit3A_3045 : i32 to vector<1x1024xi32>
    %min3A_3049 = arith.minsi %min3A_3048, %max3A_3047 : vector<1x1024xi32>
    %mul3A_3050 = arith.constant 32 : i32
    %mul3A_3051 = vector.broadcast %mul3A_3050 : i32 to vector<1x1024xi32>
    %mul3A_3052 = arith.muli %min3A_3049, %mul3A_3051 : vector<1x1024xi32>
    %jit3A_3053 = arith.constant 0 : i32
    %jit3A_3054 = arith.constant 31 : i32
    %max3A_3055 = vector.broadcast %jit3A_3053 : i32 to vector<1x1024xi32>
    %max3A_3056 = arith.maxsi %max3A_3055, %add3A_3023 : vector<1x1024xi32>
    %min3A_3057 = vector.broadcast %jit3A_3054 : i32 to vector<1x1024xi32>
    %min3A_3058 = arith.minsi %min3A_3057, %max3A_3056 : vector<1x1024xi32>
    %add3A_3059 = arith.addi %mul3A_3052, %min3A_3058 : vector<1x1024xi32>
    %add3A_3060 = vector.broadcast %mul3A_2564 : i32 to vector<1x1024xi32>
    %add3A_3061 = arith.addi %add3A_3059, %add3A_3060 : vector<1x1024xi32>
    %add3A_3062 = arith.constant 1 : i32
    %add3A_3063 = vector.broadcast %add3A_3062 : i32 to vector<1x1024xi32>
    %add3A_3064 = arith.addi %convert_element_type3A_2975, %add3A_3063 : vector<1x1024xi32>
    %add3A_3065 = arith.constant 0 : i32
    %add3A_3066 = vector.broadcast %add3A_3065 : i32 to vector<1x1024xi32>
    %add3A_3067 = arith.addi %convert_element_type3A_2974, %add3A_3066 : vector<1x1024xi32>
    %ge3A_3068 = arith.constant 0 : i32
    %ge3A_3069 = vector.broadcast %ge3A_3068 : i32 to vector<1x1024xi32>
    %ge3A_3070 = arith.cmpi sge, %add3A_3067, %ge3A_3069 : vector<1x1024xi32>
    %le3A_3071 = arith.constant 31 : i32
    %le3A_3072 = vector.broadcast %le3A_3071 : i32 to vector<1x1024xi32>
    %le3A_3073 = arith.cmpi sle, %add3A_3067, %le3A_3072 : vector<1x1024xi32>
    %and3A_3074 = arith.andi %ge3A_3070, %le3A_3073 : vector<1x1024xi1>
    %ge3A_3075 = arith.constant 0 : i32
    %ge3A_3076 = vector.broadcast %ge3A_3075 : i32 to vector<1x1024xi32>
    %ge3A_3077 = arith.cmpi sge, %add3A_3064, %ge3A_3076 : vector<1x1024xi32>
    %and3A_3078 = arith.andi %and3A_3074, %ge3A_3077 : vector<1x1024xi1>
    %le3A_3079 = arith.constant 31 : i32
    %le3A_3080 = vector.broadcast %le3A_3079 : i32 to vector<1x1024xi32>
    %le3A_3081 = arith.cmpi sle, %add3A_3064, %le3A_3080 : vector<1x1024xi32>
    %and3A_3082 = arith.andi %and3A_3078, %le3A_3081 : vector<1x1024xi1>
    %mul3A_3083 = arith.mulf %sub3A_2969, %sub3A_2970 : vector<1x1024xf32>
    %mul3A_3084 = arith.mulf %mul3A_3083, %mul3A_2976 : vector<1x1024xf32>
    %jit3A_3085 = arith.constant 0.000000e+00 : f32
    %broadcast_in_dim3A_3086 = vector.broadcast %jit3A_3085 : f32 to vector<1x1024xf32>
    %select_n3A_3087 = arith.select %and3A_3082, %mul3A_3084, %broadcast_in_dim3A_3086 : vector<1x1024xi1>, vector<1x1024xf32>
    %jit3A_3088 = arith.constant 0 : i32
    %jit3A_3089 = arith.constant 31 : i32
    %max3A_3090 = vector.broadcast %jit3A_3088 : i32 to vector<1x1024xi32>
    %max3A_3091 = arith.maxsi %max3A_3090, %add3A_3064 : vector<1x1024xi32>
    %min3A_3092 = vector.broadcast %jit3A_3089 : i32 to vector<1x1024xi32>
    %min3A_3093 = arith.minsi %min3A_3092, %max3A_3091 : vector<1x1024xi32>
    %mul3A_3094 = arith.constant 32 : i32
    %mul3A_3095 = vector.broadcast %mul3A_3094 : i32 to vector<1x1024xi32>
    %mul3A_3096 = arith.muli %min3A_3093, %mul3A_3095 : vector<1x1024xi32>
    %jit3A_3097 = arith.constant 0 : i32
    %jit3A_3098 = arith.constant 31 : i32
    %max3A_3099 = vector.broadcast %jit3A_3097 : i32 to vector<1x1024xi32>
    %max3A_3100 = arith.maxsi %max3A_3099, %add3A_3067 : vector<1x1024xi32>
    %min3A_3101 = vector.broadcast %jit3A_3098 : i32 to vector<1x1024xi32>
    %min3A_3102 = arith.minsi %min3A_3101, %max3A_3100 : vector<1x1024xi32>
    %add3A_3103 = arith.addi %mul3A_3096, %min3A_3102 : vector<1x1024xi32>
    %add3A_3104 = vector.broadcast %mul3A_2564 : i32 to vector<1x1024xi32>
    %add3A_3105 = arith.addi %add3A_3103, %add3A_3104 : vector<1x1024xi32>
    %add3A_3106 = arith.constant 1 : i32
    %add3A_3107 = vector.broadcast %add3A_3106 : i32 to vector<1x1024xi32>
    %add3A_3108 = arith.addi %convert_element_type3A_2974, %add3A_3107 : vector<1x1024xi32>
    %ge3A_3109 = arith.constant 0 : i32
    %ge3A_3110 = vector.broadcast %ge3A_3109 : i32 to vector<1x1024xi32>
    %ge3A_3111 = arith.cmpi sge, %add3A_3108, %ge3A_3110 : vector<1x1024xi32>
    %le3A_3112 = arith.constant 31 : i32
    %le3A_3113 = vector.broadcast %le3A_3112 : i32 to vector<1x1024xi32>
    %le3A_3114 = arith.cmpi sle, %add3A_3108, %le3A_3113 : vector<1x1024xi32>
    %and3A_3115 = arith.andi %ge3A_3111, %le3A_3114 : vector<1x1024xi1>
    %ge3A_3116 = arith.constant 0 : i32
    %ge3A_3117 = vector.broadcast %ge3A_3116 : i32 to vector<1x1024xi32>
    %ge3A_3118 = arith.cmpi sge, %add3A_3064, %ge3A_3117 : vector<1x1024xi32>
    %and3A_3119 = arith.andi %and3A_3115, %ge3A_3118 : vector<1x1024xi1>
    %le3A_3120 = arith.constant 31 : i32
    %le3A_3121 = vector.broadcast %le3A_3120 : i32 to vector<1x1024xi32>
    %le3A_3122 = arith.cmpi sle, %add3A_3064, %le3A_3121 : vector<1x1024xi32>
    %and3A_3123 = arith.andi %and3A_3119, %le3A_3122 : vector<1x1024xi1>
    %mul3A_3124 = arith.mulf %sub3A_2966, %sub3A_2970 : vector<1x1024xf32>
    %mul3A_3125 = arith.mulf %mul3A_3124, %mul3A_2976 : vector<1x1024xf32>
    %jit3A_3126 = arith.constant 0.000000e+00 : f32
    %broadcast_in_dim3A_3127 = vector.broadcast %jit3A_3126 : f32 to vector<1x1024xf32>
    %select_n3A_3128 = arith.select %and3A_3123, %mul3A_3125, %broadcast_in_dim3A_3127 : vector<1x1024xi1>, vector<1x1024xf32>
    %jit3A_3129 = arith.constant 0 : i32
    %jit3A_3130 = arith.constant 31 : i32
    %max3A_3131 = vector.broadcast %jit3A_3129 : i32 to vector<1x1024xi32>
    %max3A_3132 = arith.maxsi %max3A_3131, %add3A_3064 : vector<1x1024xi32>
    %min3A_3133 = vector.broadcast %jit3A_3130 : i32 to vector<1x1024xi32>
    %min3A_3134 = arith.minsi %min3A_3133, %max3A_3132 : vector<1x1024xi32>
    %mul3A_3135 = arith.constant 32 : i32
    %mul3A_3136 = vector.broadcast %mul3A_3135 : i32 to vector<1x1024xi32>
    %mul3A_3137 = arith.muli %min3A_3134, %mul3A_3136 : vector<1x1024xi32>
    %jit3A_3138 = arith.constant 0 : i32
    %jit3A_3139 = arith.constant 31 : i32
    %max3A_3140 = vector.broadcast %jit3A_3138 : i32 to vector<1x1024xi32>
    %max3A_3141 = arith.maxsi %max3A_3140, %add3A_3108 : vector<1x1024xi32>
    %min3A_3142 = vector.broadcast %jit3A_3139 : i32 to vector<1x1024xi32>
    %min3A_3143 = arith.minsi %min3A_3142, %max3A_3141 : vector<1x1024xi32>
    %add3A_3144 = arith.addi %mul3A_3137, %min3A_3143 : vector<1x1024xi32>
    %add3A_3145 = vector.broadcast %mul3A_2564 : i32 to vector<1x1024xi32>
    %add3A_3146 = arith.addi %add3A_3144, %add3A_3145 : vector<1x1024xi32>
    %slice3A_3147 = vector.extract_strided_slice %add3A_95 {offsets = [30, 0], sizes = [1, 1024], strides = [1, 1]} : vector<32x1024xf32> to vector<1x1024xf32>
    %add3A_3148 = arith.addf %convert_element_type3A, %slice3A_3147 : vector<1x1024xf32>
    %slice3A_3149 = vector.extract_strided_slice %add3A_95 {offsets = [31, 0], sizes = [1, 1024], strides = [1, 1]} : vector<32x1024xf32> to vector<1x1024xf32>
    %add3A_3150 = arith.addf %convert_element_type3A_151, %slice3A_3149 : vector<1x1024xf32>
    %floor3A_3151 = math.floor %add3A_3148 : vector<1x1024xf32>
    %floor3A_3152 = math.floor %add3A_3150 : vector<1x1024xf32>
    %sub3A_3153 = arith.subf %add3A_3148, %floor3A_3151 : vector<1x1024xf32>
    %sub3A_3154 = arith.constant 1.000000e+00 : f32
    %sub3A_3155 = vector.broadcast %sub3A_3154 : f32 to vector<1x1024xf32>
    %sub3A_3156 = arith.subf %sub3A_3155, %sub3A_3153 : vector<1x1024xf32>
    %sub3A_3157 = arith.subf %add3A_3150, %floor3A_3152 : vector<1x1024xf32>
    %sub3A_3158 = arith.constant 1.000000e+00 : f32
    %sub3A_3159 = vector.broadcast %sub3A_3158 : f32 to vector<1x1024xf32>
    %sub3A_3160 = arith.subf %sub3A_3159, %sub3A_3157 : vector<1x1024xf32>
    %convert_element_type3A_3161 = arith.fptosi %floor3A_3151 : vector<1x1024xf32> to vector<1x1024xi32>
    %convert_element_type3A_3162 = arith.fptosi %floor3A_3152 : vector<1x1024xf32> to vector<1x1024xi32>
    %mul3A_3163 = arith.mulf %exp3A_2579, %div3A_2585 : vector<1x1024xf32>
    %add3A_3164 = arith.constant 0 : i32
    %add3A_3165 = vector.broadcast %add3A_3164 : i32 to vector<1x1024xi32>
    %add3A_3166 = arith.addi %convert_element_type3A_3162, %add3A_3165 : vector<1x1024xi32>
    %add3A_3167 = arith.constant 0 : i32
    %add3A_3168 = vector.broadcast %add3A_3167 : i32 to vector<1x1024xi32>
    %add3A_3169 = arith.addi %convert_element_type3A_3161, %add3A_3168 : vector<1x1024xi32>
    %ge3A_3170 = arith.constant 0 : i32
    %ge3A_3171 = vector.broadcast %ge3A_3170 : i32 to vector<1x1024xi32>
    %ge3A_3172 = arith.cmpi sge, %add3A_3169, %ge3A_3171 : vector<1x1024xi32>
    %le3A_3173 = arith.constant 31 : i32
    %le3A_3174 = vector.broadcast %le3A_3173 : i32 to vector<1x1024xi32>
    %le3A_3175 = arith.cmpi sle, %add3A_3169, %le3A_3174 : vector<1x1024xi32>
    %and3A_3176 = arith.andi %ge3A_3172, %le3A_3175 : vector<1x1024xi1>
    %ge3A_3177 = arith.constant 0 : i32
    %ge3A_3178 = vector.broadcast %ge3A_3177 : i32 to vector<1x1024xi32>
    %ge3A_3179 = arith.cmpi sge, %add3A_3166, %ge3A_3178 : vector<1x1024xi32>
    %and3A_3180 = arith.andi %and3A_3176, %ge3A_3179 : vector<1x1024xi1>
    %le3A_3181 = arith.constant 31 : i32
    %le3A_3182 = vector.broadcast %le3A_3181 : i32 to vector<1x1024xi32>
    %le3A_3183 = arith.cmpi sle, %add3A_3166, %le3A_3182 : vector<1x1024xi32>
    %and3A_3184 = arith.andi %and3A_3180, %le3A_3183 : vector<1x1024xi1>
    %mul3A_3185 = arith.mulf %sub3A_3156, %sub3A_3160 : vector<1x1024xf32>
    %mul3A_3186 = arith.mulf %mul3A_3185, %mul3A_3163 : vector<1x1024xf32>
    %jit3A_3187 = arith.constant 0.000000e+00 : f32
    %broadcast_in_dim3A_3188 = vector.broadcast %jit3A_3187 : f32 to vector<1x1024xf32>
    %select_n3A_3189 = arith.select %and3A_3184, %mul3A_3186, %broadcast_in_dim3A_3188 : vector<1x1024xi1>, vector<1x1024xf32>
    %jit3A_3190 = arith.constant 0 : i32
    %jit3A_3191 = arith.constant 31 : i32
    %max3A_3192 = vector.broadcast %jit3A_3190 : i32 to vector<1x1024xi32>
    %max3A_3193 = arith.maxsi %max3A_3192, %add3A_3166 : vector<1x1024xi32>
    %min3A_3194 = vector.broadcast %jit3A_3191 : i32 to vector<1x1024xi32>
    %min3A_3195 = arith.minsi %min3A_3194, %max3A_3193 : vector<1x1024xi32>
    %mul3A_3196 = arith.constant 32 : i32
    %mul3A_3197 = vector.broadcast %mul3A_3196 : i32 to vector<1x1024xi32>
    %mul3A_3198 = arith.muli %min3A_3195, %mul3A_3197 : vector<1x1024xi32>
    %jit3A_3199 = arith.constant 0 : i32
    %jit3A_3200 = arith.constant 31 : i32
    %max3A_3201 = vector.broadcast %jit3A_3199 : i32 to vector<1x1024xi32>
    %max3A_3202 = arith.maxsi %max3A_3201, %add3A_3169 : vector<1x1024xi32>
    %min3A_3203 = vector.broadcast %jit3A_3200 : i32 to vector<1x1024xi32>
    %min3A_3204 = arith.minsi %min3A_3203, %max3A_3202 : vector<1x1024xi32>
    %add3A_3205 = arith.addi %mul3A_3198, %min3A_3204 : vector<1x1024xi32>
    %add3A_3206 = vector.broadcast %mul3A_2564 : i32 to vector<1x1024xi32>
    %add3A_3207 = arith.addi %add3A_3205, %add3A_3206 : vector<1x1024xi32>
    %add3A_3208 = arith.constant 1 : i32
    %add3A_3209 = vector.broadcast %add3A_3208 : i32 to vector<1x1024xi32>
    %add3A_3210 = arith.addi %convert_element_type3A_3161, %add3A_3209 : vector<1x1024xi32>
    %ge3A_3211 = arith.constant 0 : i32
    %ge3A_3212 = vector.broadcast %ge3A_3211 : i32 to vector<1x1024xi32>
    %ge3A_3213 = arith.cmpi sge, %add3A_3210, %ge3A_3212 : vector<1x1024xi32>
    %le3A_3214 = arith.constant 31 : i32
    %le3A_3215 = vector.broadcast %le3A_3214 : i32 to vector<1x1024xi32>
    %le3A_3216 = arith.cmpi sle, %add3A_3210, %le3A_3215 : vector<1x1024xi32>
    %and3A_3217 = arith.andi %ge3A_3213, %le3A_3216 : vector<1x1024xi1>
    %ge3A_3218 = arith.constant 0 : i32
    %ge3A_3219 = vector.broadcast %ge3A_3218 : i32 to vector<1x1024xi32>
    %ge3A_3220 = arith.cmpi sge, %add3A_3166, %ge3A_3219 : vector<1x1024xi32>
    %and3A_3221 = arith.andi %and3A_3217, %ge3A_3220 : vector<1x1024xi1>
    %le3A_3222 = arith.constant 31 : i32
    %le3A_3223 = vector.broadcast %le3A_3222 : i32 to vector<1x1024xi32>
    %le3A_3224 = arith.cmpi sle, %add3A_3166, %le3A_3223 : vector<1x1024xi32>
    %and3A_3225 = arith.andi %and3A_3221, %le3A_3224 : vector<1x1024xi1>
    %mul3A_3226 = arith.mulf %sub3A_3153, %sub3A_3160 : vector<1x1024xf32>
    %mul3A_3227 = arith.mulf %mul3A_3226, %mul3A_3163 : vector<1x1024xf32>
    %jit3A_3228 = arith.constant 0.000000e+00 : f32
    %broadcast_in_dim3A_3229 = vector.broadcast %jit3A_3228 : f32 to vector<1x1024xf32>
    %select_n3A_3230 = arith.select %and3A_3225, %mul3A_3227, %broadcast_in_dim3A_3229 : vector<1x1024xi1>, vector<1x1024xf32>
    %jit3A_3231 = arith.constant 0 : i32
    %jit3A_3232 = arith.constant 31 : i32
    %max3A_3233 = vector.broadcast %jit3A_3231 : i32 to vector<1x1024xi32>
    %max3A_3234 = arith.maxsi %max3A_3233, %add3A_3166 : vector<1x1024xi32>
    %min3A_3235 = vector.broadcast %jit3A_3232 : i32 to vector<1x1024xi32>
    %min3A_3236 = arith.minsi %min3A_3235, %max3A_3234 : vector<1x1024xi32>
    %mul3A_3237 = arith.constant 32 : i32
    %mul3A_3238 = vector.broadcast %mul3A_3237 : i32 to vector<1x1024xi32>
    %mul3A_3239 = arith.muli %min3A_3236, %mul3A_3238 : vector<1x1024xi32>
    %jit3A_3240 = arith.constant 0 : i32
    %jit3A_3241 = arith.constant 31 : i32
    %max3A_3242 = vector.broadcast %jit3A_3240 : i32 to vector<1x1024xi32>
    %max3A_3243 = arith.maxsi %max3A_3242, %add3A_3210 : vector<1x1024xi32>
    %min3A_3244 = vector.broadcast %jit3A_3241 : i32 to vector<1x1024xi32>
    %min3A_3245 = arith.minsi %min3A_3244, %max3A_3243 : vector<1x1024xi32>
    %add3A_3246 = arith.addi %mul3A_3239, %min3A_3245 : vector<1x1024xi32>
    %add3A_3247 = vector.broadcast %mul3A_2564 : i32 to vector<1x1024xi32>
    %add3A_3248 = arith.addi %add3A_3246, %add3A_3247 : vector<1x1024xi32>
    %add3A_3249 = arith.constant 1 : i32
    %add3A_3250 = vector.broadcast %add3A_3249 : i32 to vector<1x1024xi32>
    %add3A_3251 = arith.addi %convert_element_type3A_3162, %add3A_3250 : vector<1x1024xi32>
    %add3A_3252 = arith.constant 0 : i32
    %add3A_3253 = vector.broadcast %add3A_3252 : i32 to vector<1x1024xi32>
    %add3A_3254 = arith.addi %convert_element_type3A_3161, %add3A_3253 : vector<1x1024xi32>
    %ge3A_3255 = arith.constant 0 : i32
    %ge3A_3256 = vector.broadcast %ge3A_3255 : i32 to vector<1x1024xi32>
    %ge3A_3257 = arith.cmpi sge, %add3A_3254, %ge3A_3256 : vector<1x1024xi32>
    %le3A_3258 = arith.constant 31 : i32
    %le3A_3259 = vector.broadcast %le3A_3258 : i32 to vector<1x1024xi32>
    %le3A_3260 = arith.cmpi sle, %add3A_3254, %le3A_3259 : vector<1x1024xi32>
    %and3A_3261 = arith.andi %ge3A_3257, %le3A_3260 : vector<1x1024xi1>
    %ge3A_3262 = arith.constant 0 : i32
    %ge3A_3263 = vector.broadcast %ge3A_3262 : i32 to vector<1x1024xi32>
    %ge3A_3264 = arith.cmpi sge, %add3A_3251, %ge3A_3263 : vector<1x1024xi32>
    %and3A_3265 = arith.andi %and3A_3261, %ge3A_3264 : vector<1x1024xi1>
    %le3A_3266 = arith.constant 31 : i32
    %le3A_3267 = vector.broadcast %le3A_3266 : i32 to vector<1x1024xi32>
    %le3A_3268 = arith.cmpi sle, %add3A_3251, %le3A_3267 : vector<1x1024xi32>
    %and3A_3269 = arith.andi %and3A_3265, %le3A_3268 : vector<1x1024xi1>
    %mul3A_3270 = arith.mulf %sub3A_3156, %sub3A_3157 : vector<1x1024xf32>
    %mul3A_3271 = arith.mulf %mul3A_3270, %mul3A_3163 : vector<1x1024xf32>
    %jit3A_3272 = arith.constant 0.000000e+00 : f32
    %broadcast_in_dim3A_3273 = vector.broadcast %jit3A_3272 : f32 to vector<1x1024xf32>
    %select_n3A_3274 = arith.select %and3A_3269, %mul3A_3271, %broadcast_in_dim3A_3273 : vector<1x1024xi1>, vector<1x1024xf32>
    %jit3A_3275 = arith.constant 0 : i32
    %jit3A_3276 = arith.constant 31 : i32
    %max3A_3277 = vector.broadcast %jit3A_3275 : i32 to vector<1x1024xi32>
    %max3A_3278 = arith.maxsi %max3A_3277, %add3A_3251 : vector<1x1024xi32>
    %min3A_3279 = vector.broadcast %jit3A_3276 : i32 to vector<1x1024xi32>
    %min3A_3280 = arith.minsi %min3A_3279, %max3A_3278 : vector<1x1024xi32>
    %mul3A_3281 = arith.constant 32 : i32
    %mul3A_3282 = vector.broadcast %mul3A_3281 : i32 to vector<1x1024xi32>
    %mul3A_3283 = arith.muli %min3A_3280, %mul3A_3282 : vector<1x1024xi32>
    %jit3A_3284 = arith.constant 0 : i32
    %jit3A_3285 = arith.constant 31 : i32
    %max3A_3286 = vector.broadcast %jit3A_3284 : i32 to vector<1x1024xi32>
    %max3A_3287 = arith.maxsi %max3A_3286, %add3A_3254 : vector<1x1024xi32>
    %min3A_3288 = vector.broadcast %jit3A_3285 : i32 to vector<1x1024xi32>
    %min3A_3289 = arith.minsi %min3A_3288, %max3A_3287 : vector<1x1024xi32>
    %add3A_3290 = arith.addi %mul3A_3283, %min3A_3289 : vector<1x1024xi32>
    %add3A_3291 = vector.broadcast %mul3A_2564 : i32 to vector<1x1024xi32>
    %add3A_3292 = arith.addi %add3A_3290, %add3A_3291 : vector<1x1024xi32>
    %add3A_3293 = arith.constant 1 : i32
    %add3A_3294 = vector.broadcast %add3A_3293 : i32 to vector<1x1024xi32>
    %add3A_3295 = arith.addi %convert_element_type3A_3161, %add3A_3294 : vector<1x1024xi32>
    %ge3A_3296 = arith.constant 0 : i32
    %ge3A_3297 = vector.broadcast %ge3A_3296 : i32 to vector<1x1024xi32>
    %ge3A_3298 = arith.cmpi sge, %add3A_3295, %ge3A_3297 : vector<1x1024xi32>
    %le3A_3299 = arith.constant 31 : i32
    %le3A_3300 = vector.broadcast %le3A_3299 : i32 to vector<1x1024xi32>
    %le3A_3301 = arith.cmpi sle, %add3A_3295, %le3A_3300 : vector<1x1024xi32>
    %and3A_3302 = arith.andi %ge3A_3298, %le3A_3301 : vector<1x1024xi1>
    %ge3A_3303 = arith.constant 0 : i32
    %ge3A_3304 = vector.broadcast %ge3A_3303 : i32 to vector<1x1024xi32>
    %ge3A_3305 = arith.cmpi sge, %add3A_3251, %ge3A_3304 : vector<1x1024xi32>
    %and3A_3306 = arith.andi %and3A_3302, %ge3A_3305 : vector<1x1024xi1>
    %le3A_3307 = arith.constant 31 : i32
    %le3A_3308 = vector.broadcast %le3A_3307 : i32 to vector<1x1024xi32>
    %le3A_3309 = arith.cmpi sle, %add3A_3251, %le3A_3308 : vector<1x1024xi32>
    %and3A_3310 = arith.andi %and3A_3306, %le3A_3309 : vector<1x1024xi1>
    %mul3A_3311 = arith.mulf %sub3A_3153, %sub3A_3157 : vector<1x1024xf32>
    %mul3A_3312 = arith.mulf %mul3A_3311, %mul3A_3163 : vector<1x1024xf32>
    %jit3A_3313 = arith.constant 0.000000e+00 : f32
    %broadcast_in_dim3A_3314 = vector.broadcast %jit3A_3313 : f32 to vector<1x1024xf32>
    %select_n3A_3315 = arith.select %and3A_3310, %mul3A_3312, %broadcast_in_dim3A_3314 : vector<1x1024xi1>, vector<1x1024xf32>
    %jit3A_3316 = arith.constant 0 : i32
    %jit3A_3317 = arith.constant 31 : i32
    %max3A_3318 = vector.broadcast %jit3A_3316 : i32 to vector<1x1024xi32>
    %max3A_3319 = arith.maxsi %max3A_3318, %add3A_3251 : vector<1x1024xi32>
    %min3A_3320 = vector.broadcast %jit3A_3317 : i32 to vector<1x1024xi32>
    %min3A_3321 = arith.minsi %min3A_3320, %max3A_3319 : vector<1x1024xi32>
    %mul3A_3322 = arith.constant 32 : i32
    %mul3A_3323 = vector.broadcast %mul3A_3322 : i32 to vector<1x1024xi32>
    %mul3A_3324 = arith.muli %min3A_3321, %mul3A_3323 : vector<1x1024xi32>
    %jit3A_3325 = arith.constant 0 : i32
    %jit3A_3326 = arith.constant 31 : i32
    %max3A_3327 = vector.broadcast %jit3A_3325 : i32 to vector<1x1024xi32>
    %max3A_3328 = arith.maxsi %max3A_3327, %add3A_3295 : vector<1x1024xi32>
    %min3A_3329 = vector.broadcast %jit3A_3326 : i32 to vector<1x1024xi32>
    %min3A_3330 = arith.minsi %min3A_3329, %max3A_3328 : vector<1x1024xi32>
    %add3A_3331 = arith.addi %mul3A_3324, %min3A_3330 : vector<1x1024xi32>
    %add3A_3332 = vector.broadcast %mul3A_2564 : i32 to vector<1x1024xi32>
    %add3A_3333 = arith.addi %add3A_3331, %add3A_3332 : vector<1x1024xi32>
    %concatenate3A_3334 = tpu.concatenate %select_n3A_2628, %select_n3A_2669, %select_n3A_2713, %select_n3A_2754, %select_n3A_2815, %select_n3A_2856, %select_n3A_2900, %select_n3A_2941, %select_n3A_3002, %select_n3A_3043, %select_n3A_3087, %select_n3A_3128, %select_n3A_3189, %select_n3A_3230, %select_n3A_3274, %select_n3A_3315 in 0 : vector<1x1024xf32>, vector<1x1024xf32>, vector<1x1024xf32>, vector<1x1024xf32>, vector<1x1024xf32>, vector<1x1024xf32>, vector<1x1024xf32>, vector<1x1024xf32>, vector<1x1024xf32>, vector<1x1024xf32>, vector<1x1024xf32>, vector<1x1024xf32>, vector<1x1024xf32>, vector<1x1024xf32>, vector<1x1024xf32>, vector<1x1024xf32> -> vector<16x1024xf32>
    %transpose3A_3335 = tpu.transpose %concatenate3A_3334, [1, 0] : vector<16x1024xf32> -> vector<1024x16xf32>
    %swap3A_3336 = arith.constant 0 : index
    %swap3A_3337 = arith.constant 3 : index
    %swap3A_3338 = arith.constant 0 : index
    %swap3A_3339 = arith.constant 0 : index
    %swap3A_3340 = vector.load %arg16[%swap3A_3336, %swap3A_3337, %swap3A_3338, %swap3A_3339] : memref<1x4x1024x16xf32, #tpu.memory_space<vmem>>, vector<1x1x1024x16xf32>
    %swap3A_3341 = vector.shape_cast %swap3A_3340 : vector<1x1x1024x16xf32> to vector<1024x16xf32>
    %swap3A_3342 = vector.shape_cast %transpose3A_3335 : vector<1024x16xf32> to vector<1x1x1024x16xf32>
    tpu.vector_store %arg16[%swap3A_3336, %swap3A_3337, %swap3A_3338, %swap3A_3339], %swap3A_3342 {strides = array<i32>} : memref<1x4x1024x16xf32, #tpu.memory_space<vmem>>, vector<1x1x1024x16xf32>,
    %concatenate3A_3343 = tpu.concatenate %add3A_2646, %add3A_2687, %add3A_2731, %add3A_2772, %add3A_2833, %add3A_2874, %add3A_2918, %add3A_2959, %add3A_3020, %add3A_3061, %add3A_3105, %add3A_3146, %add3A_3207, %add3A_3248, %add3A_3292, %add3A_3333 in 0 : vector<1x1024xi32>, vector<1x1024xi32>, vector<1x1024xi32>, vector<1x1024xi32>, vector<1x1024xi32>, vector<1x1024xi32>, vector<1x1024xi32>, vector<1x1024xi32>, vector<1x1024xi32>, vector<1x1024xi32>, vector<1x1024xi32>, vector<1x1024xi32>, vector<1x1024xi32>, vector<1x1024xi32>, vector<1x1024xi32>, vector<1x1024xi32> -> vector<16x1024xi32>
    %transpose3A_3344 = tpu.transpose %concatenate3A_3343, [1, 0] : vector<16x1024xi32> -> vector<1024x16xi32>
    %swap3A_3345 = arith.constant 0 : index
    %swap3A_3346 = arith.constant 3 : index
    %swap3A_3347 = arith.constant 0 : index
    %swap3A_3348 = arith.constant 0 : index
    %swap3A_3349 = vector.load %arg15[%swap3A_3345, %swap3A_3346, %swap3A_3347, %swap3A_3348] : memref<1x4x1024x16xi32, #tpu.memory_space<vmem>>, vector<1x1x1024x16xi32>
    %swap3A_3350 = vector.shape_cast %swap3A_3349 : vector<1x1x1024x16xi32> to vector<1024x16xi32>
    %swap3A_3351 = vector.shape_cast %transpose3A_3344 : vector<1024x16xi32> to vector<1x1x1024x16xi32>
    tpu.vector_store %arg15[%swap3A_3345, %swap3A_3346, %swap3A_3347, %swap3A_3348], %swap3A_3351 {strides = array<i32>} : memref<1x4x1024x16xi32, #tpu.memory_space<vmem>>, vector<1x1x1024x16xi32>,
    return
  }
  func.func @transform_0(%arg0: i32) -> (i32, i32, i32) {
    %c0_i32 = arith.constant 0 : i32
    %c0_i32_0 = arith.constant 0 : i32
    %c0_i32_1 = arith.constant 0 : i32
    return %arg0, %c0_i32, %c0_i32_0 : i32, i32, i32
  }
  func.func @transform_1(%arg0: i32) -> (i32, i32, i32) {
    %c0_i32 = arith.constant 0 : i32
    %c0_i32_0 = arith.constant 0 : i32
    %c0_i32_1 = arith.constant 0 : i32
    return %arg0, %c0_i32, %c0_i32_0 : i32, i32, i32
  }
  func.func @transform_2(%arg0: i32) -> (i32, i32) {
    %c0_i32 = arith.constant 0 : i32
    %c0_i32_0 = arith.constant 0 : i32
    %c0_i32_1 = arith.constant 0 : i32
    return %c0_i32, %c0_i32_0 : i32, i32
  }
  func.func @transform_3(%arg0: i32) -> (i32, i32) {
    %c0_i32 = arith.constant 0 : i32
    %c0_i32_0 = arith.constant 0 : i32
    %c0_i32_1 = arith.constant 0 : i32
    return %c0_i32, %c0_i32_0 : i32, i32
  }
  func.func @transform_4(%arg0: i32) -> (i32, i32) {
    %c0_i32 = arith.constant 0 : i32
    %c0_i32_0 = arith.constant 0 : i32
    %c0_i32_1 = arith.constant 0 : i32
    return %c0_i32, %c0_i32_0 : i32, i32
  }
  func.func @transform_5(%arg0: i32) -> (i32, i32) {
    %c0_i32 = arith.constant 0 : i32
    %c0_i32_0 = arith.constant 0 : i32
    %c0_i32_1 = arith.constant 0 : i32
    return %c0_i32, %c0_i32_0 : i32, i32
  }
  func.func @transform_6(%arg0: i32) -> (i32, i32) {
    %c0_i32 = arith.constant 0 : i32
    %c0_i32_0 = arith.constant 0 : i32
    %c0_i32_1 = arith.constant 0 : i32
    return %c0_i32, %c0_i32_0 : i32, i32
  }
  func.func @transform_7(%arg0: i32) -> (i32, i32) {
    %c0_i32 = arith.constant 0 : i32
    %c0_i32_0 = arith.constant 0 : i32
    %c0_i32_1 = arith.constant 0 : i32
    return %c0_i32, %c0_i32_0 : i32, i32
  }
  func.func @transform_8(%arg0: i32) -> i32 {
    %c0_i32 = arith.constant 0 : i32
    %c0_i32_0 = arith.constant 0 : i32
    return %c0_i32 : i32
  }
  func.func @transform_9(%arg0: i32) -> (i32, i32) {
    %c0_i32 = arith.constant 0 : i32
    %c0_i32_0 = arith.constant 0 : i32
    %c0_i32_1 = arith.constant 0 : i32
    return %c0_i32, %c0_i32_0 : i32, i32
  }
  func.func @transform_10(%arg0: i32) -> i32 {
    %c0_i32 = arith.constant 0 : i32
    %c0_i32_0 = arith.constant 0 : i32
    return %c0_i32 : i32
  }
  func.func @transform_11(%arg0: i32) -> (i32, i32) {
    %c0_i32 = arith.constant 0 : i32
    %c0_i32_0 = arith.constant 0 : i32
    %c0_i32_1 = arith.constant 0 : i32
    return %c0_i32, %c0_i32_0 : i32, i32
  }
  func.func @transform_12(%arg0: i32) -> (i32, i32) {
    %c0_i32 = arith.constant 0 : i32
    %c0_i32_0 = arith.constant 0 : i32
    %c0_i32_1 = arith.constant 0 : i32
    return %c0_i32, %c0_i32_0 : i32, i32
  }
  func.func @transform_13(%arg0: i32) -> (i32, i32, i32, i32) {
    %c0_i32 = arith.constant 0 : i32
    %c0_i32_0 = arith.constant 0 : i32
    %c0_i32_1 = arith.constant 0 : i32
    %c0_i32_2 = arith.constant 0 : i32
    return %arg0, %c0_i32, %c0_i32_0, %c0_i32_1 : i32, i32, i32, i32
  }
  func.func @transform_14(%arg0: i32) -> (i32, i32, i32, i32) {
    %c0_i32 = arith.constant 0 : i32
    %c0_i32_0 = arith.constant 0 : i32
    %c0_i32_1 = arith.constant 0 : i32
    %c0_i32_2 = arith.constant 0 : i32
    return %arg0, %c0_i32, %c0_i32_0, %c0_i32_1 : i32, i32, i32, i32
  }
  func.func @transform_15(%arg0: i32) -> (i32, i32, i32, i32) {
    %c0_i32 = arith.constant 0 : i32
    %c0_i32_0 = arith.constant 0 : i32
    %c0_i32_1 = arith.constant 0 : i32
    %c0_i32_2 = arith.constant 0 : i32
    return %arg0, %c0_i32, %c0_i32_0, %c0_i32_1 : i32, i32, i32, i32
  }
}

module attributes {stable_mosaic.version = 14 : i64} {
  func.func @_dense_body(%arg0: i32, %arg1: memref<1x1024x384xf32, #tpu.memory_space<vmem>>, %arg2: memref<1x1024x384xf32, #tpu.memory_space<vmem>>, %arg3: memref<1024x384xf32, #tpu.memory_space<vmem>>, %arg4: memref<1x384xf32, #tpu.memory_space<vmem>>, %arg5: memref<1x384xf32, #tpu.memory_space<vmem>>, %arg6: memref<1x384xf32, #tpu.memory_space<vmem>>, %arg7: memref<1x384xf32, #tpu.memory_space<vmem>>, %arg8: memref<384x32xf32, #tpu.memory_space<vmem>>, %arg9: memref<32xf32, #tpu.memory_space<vmem>>, %arg10: memref<384x16xf32, #tpu.memory_space<vmem>>, %arg11: memref<16xf32, #tpu.memory_space<vmem>>, %arg12: memref<384x384xf32, #tpu.memory_space<vmem>>, %arg13: memref<1x384xf32, #tpu.memory_space<vmem>>, %arg14: memref<384x384xf32, #tpu.memory_space<vmem>>, %arg15: memref<1x384xf32, #tpu.memory_space<vmem>>, %arg16: memref<1x1024x384xf32, #tpu.memory_space<vmem>>) attributes {dimension_semantics = [#tpu.dimension_semantics<arbitrary>], iteration_bounds = array<i64: 6>, scalar_prefetch = 0 : i64, scratch_operands = 0 : i64, tpu.core_type = #tpu.core_type<tc>, window_params = [{transform_indices = @transform_0, window_bounds = array<i64: 1, 1024, 384>}, {transform_indices = @transform_1, window_bounds = array<i64: 1, 1024, 384>}, {pipeline_mode = #tpu.pipeline_mode<synchronous>, transform_indices = @transform_2, window_bounds = array<i64: 1024, 384>}, {pipeline_mode = #tpu.pipeline_mode<synchronous>, transform_indices = @transform_3, window_bounds = array<i64: 1, 384>}, {pipeline_mode = #tpu.pipeline_mode<synchronous>, transform_indices = @transform_4, window_bounds = array<i64: 1, 384>}, {pipeline_mode = #tpu.pipeline_mode<synchronous>, transform_indices = @transform_5, window_bounds = array<i64: 1, 384>}, {pipeline_mode = #tpu.pipeline_mode<synchronous>, transform_indices = @transform_6, window_bounds = array<i64: 1, 384>}, {pipeline_mode = #tpu.pipeline_mode<synchronous>, transform_indices = @transform_7, window_bounds = array<i64: 384, 32>}, {pipeline_mode = #tpu.pipeline_mode<synchronous>, transform_indices = @transform_8, window_bounds = array<i64: 32>}, {pipeline_mode = #tpu.pipeline_mode<synchronous>, transform_indices = @transform_9, window_bounds = array<i64: 384, 16>}, {pipeline_mode = #tpu.pipeline_mode<synchronous>, transform_indices = @transform_10, window_bounds = array<i64: 16>}, {pipeline_mode = #tpu.pipeline_mode<synchronous>, transform_indices = @transform_11, window_bounds = array<i64: 384, 384>}, {pipeline_mode = #tpu.pipeline_mode<synchronous>, transform_indices = @transform_12, window_bounds = array<i64: 1, 384>}, {pipeline_mode = #tpu.pipeline_mode<synchronous>, transform_indices = @transform_13, window_bounds = array<i64: 384, 384>}, {pipeline_mode = #tpu.pipeline_mode<synchronous>, transform_indices = @transform_14, window_bounds = array<i64: 1, 384>}, {transform_indices = @transform_15, window_bounds = array<i64: 1, 1024, 384>}]} {
    %get3A = arith.constant 0 : index
    %get3A_0 = arith.constant 0 : index
    %get3A_1 = arith.constant 0 : index
    %get3A_2 = vector.load %arg1[%get3A, %get3A_0, %get3A_1] : memref<1x1024x384xf32, #tpu.memory_space<vmem>>, vector<1x1024x384xf32>
    %get3A_3 = vector.shape_cast %get3A_2 : vector<1x1024x384xf32> to vector<1024x384xf32>
    %get3A_4 = arith.constant 0 : index
    %get3A_5 = arith.constant 0 : index
    %get3A_6 = arith.constant 0 : index
    %get3A_7 = vector.load %arg2[%get3A_4, %get3A_5, %get3A_6] : memref<1x1024x384xf32, #tpu.memory_space<vmem>>, vector<1x1024x384xf32>
    %get3A_8 = vector.shape_cast %get3A_7 : vector<1x1024x384xf32> to vector<1024x384xf32>
    %get3A_9 = arith.constant 0 : index
    %get3A_10 = arith.constant 0 : index
    %get3A_11 = vector.load %arg4[%get3A_9, %get3A_10] : memref<1x384xf32, #tpu.memory_space<vmem>>, vector<1x384xf32>
    %get3A_12 = vector.shape_cast %get3A_11 : vector<1x384xf32> to vector<384xf32>
    %get3A_13 = arith.constant 0 : index
    %get3A_14 = arith.constant 0 : index
    %get3A_15 = vector.load %arg5[%get3A_13, %get3A_14] : memref<1x384xf32, #tpu.memory_space<vmem>>, vector<1x384xf32>
    %get3A_16 = vector.shape_cast %get3A_15 : vector<1x384xf32> to vector<384xf32>
    %reduce_sum3A = arith.constant dense<0.000000e+00> : vector<1024xf32>
    %reduce_sum3A_17 = vector.multi_reduction <add>, %get3A_3, %reduce_sum3A [1] : vector<1024x384xf32> to vector<1024xf32>
    %broadcast_in_dim3A = vector.shape_cast %reduce_sum3A_17 : vector<1024xf32> to vector<1024x1xf32>
    %div3A = arith.constant 3.840000e+02 : f32
    %div3A_18 = vector.broadcast %div3A : f32 to vector<1024x1xf32>
    %div3A_19 = arith.divf %broadcast_in_dim3A, %div3A_18 : vector<1024x1xf32>
    %sub3A = vector.broadcast %div3A_19 : vector<1024x1xf32> to vector<1024x384xf32>
    %sub3A_20 = arith.subf %get3A_3, %sub3A : vector<1024x384xf32>
    %mul3A = arith.mulf %sub3A_20, %sub3A_20 : vector<1024x384xf32>
    %reduce_sum3A_21 = arith.constant dense<0.000000e+00> : vector<1024xf32>
    %reduce_sum3A_22 = vector.multi_reduction <add>, %mul3A, %reduce_sum3A_21 [1] : vector<1024x384xf32> to vector<1024xf32>
    %broadcast_in_dim3A_23 = vector.shape_cast %reduce_sum3A_22 : vector<1024xf32> to vector<1024x1xf32>
    %div3A_24 = arith.constant 3.840000e+02 : f32
    %div3A_25 = vector.broadcast %div3A_24 : f32 to vector<1024x1xf32>
    %div3A_26 = arith.divf %broadcast_in_dim3A_23, %div3A_25 : vector<1024x1xf32>
    %add3A = arith.constant 9.99999974E-6 : f32
    %add3A_27 = vector.broadcast %add3A : f32 to vector<1024x1xf32>
    %add3A_28 = arith.addf %div3A_26, %add3A_27 : vector<1024x1xf32>
    %rsqrt3A = math.rsqrt %add3A_28 : vector<1024x1xf32>
    %mul3A_29 = vector.broadcast %rsqrt3A : vector<1024x1xf32> to vector<1024x384xf32>
    %mul3A_30 = arith.mulf %sub3A_20, %mul3A_29 : vector<1024x384xf32>
    %broadcast_in_dim3A_31 = vector.shape_cast %get3A_12 : vector<384xf32> to vector<1x384xf32>
    %mul3A_32 = vector.broadcast %broadcast_in_dim3A_31 : vector<1x384xf32> to vector<1024x384xf32>
    %mul3A_33 = arith.mulf %mul3A_30, %mul3A_32 : vector<1024x384xf32>
    %broadcast_in_dim3A_34 = vector.shape_cast %get3A_16 : vector<384xf32> to vector<1x384xf32>
    %add3A_35 = vector.broadcast %broadcast_in_dim3A_34 : vector<1x384xf32> to vector<1024x384xf32>
    %add3A_36 = arith.addf %mul3A_33, %add3A_35 : vector<1024x384xf32>
    %get3A_37 = arith.constant 0 : index
    %get3A_38 = arith.constant 0 : index
    %get3A_39 = vector.load %arg3[%get3A_37, %get3A_38] : memref<1024x384xf32, #tpu.memory_space<vmem>>, vector<1024x384xf32>
    %add3A_40 = arith.addf %add3A_36, %get3A_39 : vector<1024x384xf32>
    %get3A_41 = arith.constant 0 : index
    %get3A_42 = arith.constant 0 : index
    %get3A_43 = vector.load %arg6[%get3A_41, %get3A_42] : memref<1x384xf32, #tpu.memory_space<vmem>>, vector<1x384xf32>
    %get3A_44 = vector.shape_cast %get3A_43 : vector<1x384xf32> to vector<384xf32>
    %get3A_45 = arith.constant 0 : index
    %get3A_46 = arith.constant 0 : index
    %get3A_47 = vector.load %arg7[%get3A_45, %get3A_46] : memref<1x384xf32, #tpu.memory_space<vmem>>, vector<1x384xf32>
    %get3A_48 = vector.shape_cast %get3A_47 : vector<1x384xf32> to vector<384xf32>
    %reduce_sum3A_49 = arith.constant dense<0.000000e+00> : vector<1024xf32>
    %reduce_sum3A_50 = vector.multi_reduction <add>, %get3A_8, %reduce_sum3A_49 [1] : vector<1024x384xf32> to vector<1024xf32>
    %broadcast_in_dim3A_51 = vector.shape_cast %reduce_sum3A_50 : vector<1024xf32> to vector<1024x1xf32>
    %div3A_52 = arith.constant 3.840000e+02 : f32
    %div3A_53 = vector.broadcast %div3A_52 : f32 to vector<1024x1xf32>
    %div3A_54 = arith.divf %broadcast_in_dim3A_51, %div3A_53 : vector<1024x1xf32>
    %sub3A_55 = vector.broadcast %div3A_54 : vector<1024x1xf32> to vector<1024x384xf32>
    %sub3A_56 = arith.subf %get3A_8, %sub3A_55 : vector<1024x384xf32>
    %mul3A_57 = arith.mulf %sub3A_56, %sub3A_56 : vector<1024x384xf32>
    %reduce_sum3A_58 = arith.constant dense<0.000000e+00> : vector<1024xf32>
    %reduce_sum3A_59 = vector.multi_reduction <add>, %mul3A_57, %reduce_sum3A_58 [1] : vector<1024x384xf32> to vector<1024xf32>
    %broadcast_in_dim3A_60 = vector.shape_cast %reduce_sum3A_59 : vector<1024xf32> to vector<1024x1xf32>
    %div3A_61 = arith.constant 3.840000e+02 : f32
    %div3A_62 = vector.broadcast %div3A_61 : f32 to vector<1024x1xf32>
    %div3A_63 = arith.divf %broadcast_in_dim3A_60, %div3A_62 : vector<1024x1xf32>
    %add3A_64 = arith.constant 9.99999974E-6 : f32
    %add3A_65 = vector.broadcast %add3A_64 : f32 to vector<1024x1xf32>
    %add3A_66 = arith.addf %div3A_63, %add3A_65 : vector<1024x1xf32>
    %rsqrt3A_67 = math.rsqrt %add3A_66 : vector<1024x1xf32>
    %mul3A_68 = vector.broadcast %rsqrt3A_67 : vector<1024x1xf32> to vector<1024x384xf32>
    %mul3A_69 = arith.mulf %sub3A_56, %mul3A_68 : vector<1024x384xf32>
    %broadcast_in_dim3A_70 = vector.shape_cast %get3A_44 : vector<384xf32> to vector<1x384xf32>
    %mul3A_71 = vector.broadcast %broadcast_in_dim3A_70 : vector<1x384xf32> to vector<1024x384xf32>
    %mul3A_72 = arith.mulf %mul3A_69, %mul3A_71 : vector<1024x384xf32>
    %broadcast_in_dim3A_73 = vector.shape_cast %get3A_48 : vector<384xf32> to vector<1x384xf32>
    %add3A_74 = vector.broadcast %broadcast_in_dim3A_73 : vector<1x384xf32> to vector<1024x384xf32>
    %add3A_75 = arith.addf %mul3A_72, %add3A_74 : vector<1024x384xf32>
    %get3A_76 = arith.constant 0 : index
    %get3A_77 = arith.constant 0 : index
    %get3A_78 = vector.load %arg12[%get3A_76, %get3A_77] : memref<384x384xf32, #tpu.memory_space<vmem>>, vector<384x384xf32>
    %dot_general3A = arith.constant dense<0.000000e+00> : vector<1024x384xf32>
    %dot_general3A_79 = tpu.matmul %add3A_75, %get3A_78, %dot_general3A {dimension_numbers = #tpu.dot_dimension_numbers<[1], [0], [0], [1], [0, 0, 1, 1], [], []>, transpose_lhs_hint = false} : vector<1024x384xf32>, vector<384x384xf32>, vector<1024x384xf32> -> vector<1024x384xf32>
    %get3A_80 = arith.constant 0 : index
    %get3A_81 = arith.constant 0 : index
    %get3A_82 = vector.load %arg13[%get3A_80, %get3A_81] : memref<1x384xf32, #tpu.memory_space<vmem>>, vector<1x384xf32>
    %get3A_83 = vector.shape_cast %get3A_82 : vector<1x384xf32> to vector<384xf32>
    %broadcast_in_dim3A_84 = vector.shape_cast %get3A_83 : vector<384xf32> to vector<1x384xf32>
    %add3A_85 = vector.broadcast %broadcast_in_dim3A_84 : vector<1x384xf32> to vector<1024x384xf32>
    %add3A_86 = arith.addf %dot_general3A_79, %add3A_85 : vector<1024x384xf32>
    %get3A_87 = arith.constant 0 : index
    %get3A_88 = arith.constant 0 : index
    %get3A_89 = vector.load %arg8[%get3A_87, %get3A_88] : memref<384x32xf32, #tpu.memory_space<vmem>>, vector<384x32xf32>
    %dot_general3A_90 = arith.constant dense<0.000000e+00> : vector<32x1024xf32>
    %dot_general3A_91 = tpu.matmul %get3A_89, %add3A_40, %dot_general3A_90 {dimension_numbers = #tpu.dot_dimension_numbers<[0], [1], [1], [0], [0, 1, 1, 0], [], []>, transpose_lhs_hint = false} : vector<384x32xf32>, vector<1024x384xf32>, vector<32x1024xf32> -> vector<32x1024xf32>
    %get3A_92 = arith.constant 0 : index
    %get3A_93 = vector.load %arg9[%get3A_92] : memref<32xf32, #tpu.memory_space<vmem>>, vector<32xf32>
    %reshape3A = vector.shape_cast %get3A_93 : vector<32xf32> to vector<32x1xf32>
    %add3A_94 = vector.broadcast %reshape3A : vector<32x1xf32> to vector<32x1024xf32>
    %add3A_95 = arith.addf %dot_general3A_91, %add3A_94 : vector<32x1024xf32>
    %get3A_96 = arith.constant 0 : index
    %get3A_97 = arith.constant 0 : index
    %get3A_98 = vector.load %arg10[%get3A_96, %get3A_97] : memref<384x16xf32, #tpu.memory_space<vmem>>, vector<384x16xf32>
    %dot_general3A_99 = arith.constant dense<0.000000e+00> : vector<16x1024xf32>
    %dot_general3A_100 = tpu.matmul %get3A_98, %add3A_40, %dot_general3A_99 {dimension_numbers = #tpu.dot_dimension_numbers<[0], [1], [1], [0], [0, 1, 1, 0], [], []>, transpose_lhs_hint = false} : vector<384x16xf32>, vector<1024x384xf32>, vector<16x1024xf32> -> vector<16x1024xf32>
    %get3A_101 = arith.constant 0 : index
    %get3A_102 = vector.load %arg11[%get3A_101] : memref<16xf32, #tpu.memory_space<vmem>>, vector<16xf32>
    %reshape3A_103 = vector.shape_cast %get3A_102 : vector<16xf32> to vector<16x1xf32>
    %add3A_104 = vector.broadcast %reshape3A_103 : vector<16x1xf32> to vector<16x1024xf32>
    %add3A_105 = arith.addf %dot_general3A_100, %add3A_104 : vector<16x1024xf32>
    %iota3A = tpu.iota {dimensions = array<i32: 1>} : vector<1x1024xi32>
    %jit3A = arith.constant 32 : i32
    %eq3A = arith.constant 0 : i32
    %eq3A_106 = arith.cmpi eq, %jit3A, %eq3A : i32
    %jit3A_107 = arith.constant 1 : i32
    %select_n3A = arith.select %eq3A_106, %jit3A_107, %jit3A : i32
    %rem3A = vector.broadcast %select_n3A : i32 to vector<1x1024xi32>
    %rem3A_108 = arith.remsi %iota3A, %rem3A : vector<1x1024xi32>
    %ne3A = arith.constant 0 : i32
    %ne3A_109 = vector.broadcast %ne3A : i32 to vector<1x1024xi32>
    %ne3A_110 = arith.cmpi ne, %rem3A_108, %ne3A_109 : vector<1x1024xi32>
    %lt3A = arith.constant 0 : i32
    %lt3A_111 = vector.broadcast %lt3A : i32 to vector<1x1024xi32>
    %lt3A_112 = arith.cmpi slt, %rem3A_108, %lt3A_111 : vector<1x1024xi32>
    %lt3A_113 = arith.constant 0 : i32
    %lt3A_114 = arith.cmpi slt, %select_n3A, %lt3A_113 : i32
    %ne3A_115 = vector.broadcast %lt3A_114 : i1 to vector<1x1024xi1>
    %ne3A_116 = vector.broadcast %ne3A_115 : vector<1x1024xi1> to vector<1x1024xi1>
    %ne3A_117 = arith.xori %lt3A_112, %ne3A_116 : vector<1x1024xi1>
    %and3A = arith.andi %ne3A_117, %ne3A_110 : vector<1x1024xi1>
    %add3A_118 = vector.broadcast %select_n3A : i32 to vector<1x1024xi32>
    %add3A_119 = arith.addi %rem3A_108, %add3A_118 : vector<1x1024xi32>
    %select_n3A_120 = arith.select %and3A, %add3A_119, %rem3A_108 : vector<1x1024xi1>, vector<1x1024xi32>
    %convert_element_type3A = arith.sitofp %select_n3A_120 : vector<1x1024xi32> to vector<1x1024xf32>
    %jit3A_121 = arith.constant 32 : i32
    %div3A_122 = vector.broadcast %jit3A_121 : i32 to vector<1x1024xi32>
    %div3A_123 = arith.divsi %iota3A, %div3A_122 : vector<1x1024xi32>
    %sign3A = arith.constant 0 : i32
    %sign3A_124 = vector.broadcast %sign3A : i32 to vector<1x1024xi32>
    %sign3A_125 = arith.cmpi sgt, %iota3A, %sign3A_124 : vector<1x1024xi32>
    %sign3A_126 = arith.extui %sign3A_125 : vector<1x1024xi1> to vector<1x1024xi32>
    %sign3A_127 = arith.constant 0 : i32
    %sign3A_128 = vector.broadcast %sign3A_127 : i32 to vector<1x1024xi32>
    %sign3A_129 = arith.cmpi slt, %iota3A, %sign3A_128 : vector<1x1024xi32>
    %sign3A_130 = arith.extui %sign3A_129 : vector<1x1024xi1> to vector<1x1024xi32>
    %sign3A_131 = arith.subi %sign3A_126, %sign3A_130 : vector<1x1024xi32>
    %sign3A_132 = arith.constant 0 : i32
    %sign3A_133 = arith.cmpi sgt, %jit3A_121, %sign3A_132 : i32
    %sign3A_134 = arith.extui %sign3A_133 : i1 to i32
    %sign3A_135 = arith.constant 0 : i32
    %sign3A_136 = arith.cmpi slt, %jit3A_121, %sign3A_135 : i32
    %sign3A_137 = arith.extui %sign3A_136 : i1 to i32
    %sign3A_138 = arith.subi %sign3A_134, %sign3A_137 : i32
    %ne3A_139 = vector.broadcast %sign3A_138 : i32 to vector<1x1024xi32>
    %ne3A_140 = arith.cmpi ne, %sign3A_131, %ne3A_139 : vector<1x1024xi32>
    %rem3A_141 = vector.broadcast %jit3A_121 : i32 to vector<1x1024xi32>
    %rem3A_142 = arith.remsi %iota3A, %rem3A_141 : vector<1x1024xi32>
    %ne3A_143 = arith.constant 0 : i32
    %ne3A_144 = vector.broadcast %ne3A_143 : i32 to vector<1x1024xi32>
    %ne3A_145 = arith.cmpi ne, %rem3A_142, %ne3A_144 : vector<1x1024xi32>
    %and3A_146 = arith.andi %ne3A_140, %ne3A_145 : vector<1x1024xi1>
    %sub3A_147 = arith.constant 1 : i32
    %sub3A_148 = vector.broadcast %sub3A_147 : i32 to vector<1x1024xi32>
    %sub3A_149 = arith.subi %div3A_123, %sub3A_148 : vector<1x1024xi32>
    %select_n3A_150 = arith.select %and3A_146, %sub3A_149, %div3A_123 : vector<1x1024xi1>, vector<1x1024xi32>
    %convert_element_type3A_151 = arith.sitofp %select_n3A_150 : vector<1x1024xi32> to vector<1x1024xf32>
    %iota3A_152 = tpu.iota {dimensions = array<i32: 0>} : vector<32x1024xi32>
    %convert_element_type3A_153 = arith.sitofp %iota3A_152 : vector<32x1024xi32> to vector<32x1024xf32>
    %slice3A = vector.extract_strided_slice %add3A_105 {offsets = [0, 0], sizes = [1, 1024], strides = [1, 1]} : vector<16x1024xf32> to vector<1x1024xf32>
    %slice3A_154 = vector.extract_strided_slice %add3A_105 {offsets = [1, 0], sizes = [1, 1024], strides = [1, 1]} : vector<16x1024xf32> to vector<1x1024xf32>
    %slice3A_155 = vector.extract_strided_slice %add3A_105 {offsets = [2, 0], sizes = [1, 1024], strides = [1, 1]} : vector<16x1024xf32> to vector<1x1024xf32>
    %slice3A_156 = vector.extract_strided_slice %add3A_105 {offsets = [3, 0], sizes = [1, 1024], strides = [1, 1]} : vector<16x1024xf32> to vector<1x1024xf32>
    %max3A = arith.maximumf %slice3A, %slice3A_154 : vector<1x1024xf32>
    %max3A_157 = arith.maximumf %slice3A_155, %slice3A_156 : vector<1x1024xf32>
    %max3A_158 = arith.maximumf %max3A, %max3A_157 : vector<1x1024xf32>
    %sub3A_159 = arith.subf %slice3A, %max3A_158 : vector<1x1024xf32>
    %exp3A = math.exp %sub3A_159 : vector<1x1024xf32>
    %sub3A_160 = arith.subf %slice3A_154, %max3A_158 : vector<1x1024xf32>
    %exp3A_161 = math.exp %sub3A_160 : vector<1x1024xf32>
    %sub3A_162 = arith.subf %slice3A_155, %max3A_158 : vector<1x1024xf32>
    %exp3A_163 = math.exp %sub3A_162 : vector<1x1024xf32>
    %sub3A_164 = arith.subf %slice3A_156, %max3A_158 : vector<1x1024xf32>
    %exp3A_165 = math.exp %sub3A_164 : vector<1x1024xf32>
    %add3A_166 = arith.addf %exp3A, %exp3A_161 : vector<1x1024xf32>
    %add3A_167 = arith.addf %add3A_166, %exp3A_163 : vector<1x1024xf32>
    %add3A_168 = arith.addf %add3A_167, %exp3A_165 : vector<1x1024xf32>
    %div3A_169 = arith.constant 1.000000e+00 : f32
    %div3A_170 = vector.broadcast %div3A_169 : f32 to vector<1x1024xf32>
    %div3A_171 = arith.divf %div3A_170, %add3A_168 : vector<1x1024xf32>
    %slice3A_172 = vector.extract_strided_slice %add3A_95 {offsets = [0, 0], sizes = [1, 1024], strides = [1, 1]} : vector<32x1024xf32> to vector<1x1024xf32>
    %add3A_173 = arith.addf %convert_element_type3A, %slice3A_172 : vector<1x1024xf32>
    %slice3A_174 = vector.extract_strided_slice %add3A_95 {offsets = [1, 0], sizes = [1, 1024], strides = [1, 1]} : vector<32x1024xf32> to vector<1x1024xf32>
    %add3A_175 = arith.addf %convert_element_type3A_151, %slice3A_174 : vector<1x1024xf32>
    %sub3A_176 = vector.broadcast %add3A_173 : vector<1x1024xf32> to vector<32x1024xf32>
    %sub3A_177 = arith.subf %sub3A_176, %convert_element_type3A_153 : vector<32x1024xf32>
    %abs3A = math.absf %sub3A_177 : vector<32x1024xf32>
    %sub3A_178 = arith.constant 1.000000e+00 : f32
    %sub3A_179 = vector.broadcast %sub3A_178 : f32 to vector<32x1024xf32>
    %sub3A_180 = arith.subf %sub3A_179, %abs3A : vector<32x1024xf32>
    %max3A_181 = arith.constant 0.000000e+00 : f32
    %max3A_182 = vector.broadcast %max3A_181 : f32 to vector<32x1024xf32>
    %max3A_183 = arith.maximumf %sub3A_180, %max3A_182 : vector<32x1024xf32>
    %sub3A_184 = vector.broadcast %add3A_175 : vector<1x1024xf32> to vector<32x1024xf32>
    %sub3A_185 = arith.subf %sub3A_184, %convert_element_type3A_153 : vector<32x1024xf32>
    %abs3A_186 = math.absf %sub3A_185 : vector<32x1024xf32>
    %sub3A_187 = arith.constant 1.000000e+00 : f32
    %sub3A_188 = vector.broadcast %sub3A_187 : f32 to vector<32x1024xf32>
    %sub3A_189 = arith.subf %sub3A_188, %abs3A_186 : vector<32x1024xf32>
    %max3A_190 = arith.constant 0.000000e+00 : f32
    %max3A_191 = vector.broadcast %max3A_190 : f32 to vector<32x1024xf32>
    %max3A_192 = arith.maximumf %sub3A_189, %max3A_191 : vector<32x1024xf32>
    %mul3A_193 = arith.mulf %exp3A, %div3A_171 : vector<1x1024xf32>
    %mul3A_194 = vector.broadcast %mul3A_193 : vector<1x1024xf32> to vector<32x1024xf32>
    %mul3A_195 = arith.mulf %max3A_183, %mul3A_194 : vector<32x1024xf32>
    %broadcast_in_dim3A_196 = vector.shape_cast %max3A_192 : vector<32x1024xf32> to vector<32x1x1024xf32>
    %broadcast_in_dim3A_197 = vector.shape_cast %mul3A_195 : vector<32x1024xf32> to vector<1x32x1024xf32>
    %mul3A_198 = vector.broadcast %broadcast_in_dim3A_196 : vector<32x1x1024xf32> to vector<32x32x1024xf32>
    %mul3A_199 = vector.broadcast %broadcast_in_dim3A_197 : vector<1x32x1024xf32> to vector<32x32x1024xf32>
    %mul3A_200 = arith.mulf %mul3A_198, %mul3A_199 : vector<32x32x1024xf32>
    %slice3A_201 = vector.extract_strided_slice %add3A_95 {offsets = [2, 0], sizes = [1, 1024], strides = [1, 1]} : vector<32x1024xf32> to vector<1x1024xf32>
    %add3A_202 = arith.addf %convert_element_type3A, %slice3A_201 : vector<1x1024xf32>
    %slice3A_203 = vector.extract_strided_slice %add3A_95 {offsets = [3, 0], sizes = [1, 1024], strides = [1, 1]} : vector<32x1024xf32> to vector<1x1024xf32>
    %add3A_204 = arith.addf %convert_element_type3A_151, %slice3A_203 : vector<1x1024xf32>
    %sub3A_205 = vector.broadcast %add3A_202 : vector<1x1024xf32> to vector<32x1024xf32>
    %sub3A_206 = arith.subf %sub3A_205, %convert_element_type3A_153 : vector<32x1024xf32>
    %abs3A_207 = math.absf %sub3A_206 : vector<32x1024xf32>
    %sub3A_208 = arith.constant 1.000000e+00 : f32
    %sub3A_209 = vector.broadcast %sub3A_208 : f32 to vector<32x1024xf32>
    %sub3A_210 = arith.subf %sub3A_209, %abs3A_207 : vector<32x1024xf32>
    %max3A_211 = arith.constant 0.000000e+00 : f32
    %max3A_212 = vector.broadcast %max3A_211 : f32 to vector<32x1024xf32>
    %max3A_213 = arith.maximumf %sub3A_210, %max3A_212 : vector<32x1024xf32>
    %sub3A_214 = vector.broadcast %add3A_204 : vector<1x1024xf32> to vector<32x1024xf32>
    %sub3A_215 = arith.subf %sub3A_214, %convert_element_type3A_153 : vector<32x1024xf32>
    %abs3A_216 = math.absf %sub3A_215 : vector<32x1024xf32>
    %sub3A_217 = arith.constant 1.000000e+00 : f32
    %sub3A_218 = vector.broadcast %sub3A_217 : f32 to vector<32x1024xf32>
    %sub3A_219 = arith.subf %sub3A_218, %abs3A_216 : vector<32x1024xf32>
    %max3A_220 = arith.constant 0.000000e+00 : f32
    %max3A_221 = vector.broadcast %max3A_220 : f32 to vector<32x1024xf32>
    %max3A_222 = arith.maximumf %sub3A_219, %max3A_221 : vector<32x1024xf32>
    %mul3A_223 = arith.mulf %exp3A_161, %div3A_171 : vector<1x1024xf32>
    %mul3A_224 = vector.broadcast %mul3A_223 : vector<1x1024xf32> to vector<32x1024xf32>
    %mul3A_225 = arith.mulf %max3A_213, %mul3A_224 : vector<32x1024xf32>
    %broadcast_in_dim3A_226 = vector.shape_cast %max3A_222 : vector<32x1024xf32> to vector<32x1x1024xf32>
    %broadcast_in_dim3A_227 = vector.shape_cast %mul3A_225 : vector<32x1024xf32> to vector<1x32x1024xf32>
    %mul3A_228 = vector.broadcast %broadcast_in_dim3A_226 : vector<32x1x1024xf32> to vector<32x32x1024xf32>
    %mul3A_229 = vector.broadcast %broadcast_in_dim3A_227 : vector<1x32x1024xf32> to vector<32x32x1024xf32>
    %mul3A_230 = arith.mulf %mul3A_228, %mul3A_229 : vector<32x32x1024xf32>
    %add3A_231 = arith.addf %mul3A_200, %mul3A_230 : vector<32x32x1024xf32>
    %slice3A_232 = vector.extract_strided_slice %add3A_95 {offsets = [4, 0], sizes = [1, 1024], strides = [1, 1]} : vector<32x1024xf32> to vector<1x1024xf32>
    %add3A_233 = arith.addf %convert_element_type3A, %slice3A_232 : vector<1x1024xf32>
    %slice3A_234 = vector.extract_strided_slice %add3A_95 {offsets = [5, 0], sizes = [1, 1024], strides = [1, 1]} : vector<32x1024xf32> to vector<1x1024xf32>
    %add3A_235 = arith.addf %convert_element_type3A_151, %slice3A_234 : vector<1x1024xf32>
    %sub3A_236 = vector.broadcast %add3A_233 : vector<1x1024xf32> to vector<32x1024xf32>
    %sub3A_237 = arith.subf %sub3A_236, %convert_element_type3A_153 : vector<32x1024xf32>
    %abs3A_238 = math.absf %sub3A_237 : vector<32x1024xf32>
    %sub3A_239 = arith.constant 1.000000e+00 : f32
    %sub3A_240 = vector.broadcast %sub3A_239 : f32 to vector<32x1024xf32>
    %sub3A_241 = arith.subf %sub3A_240, %abs3A_238 : vector<32x1024xf32>
    %max3A_242 = arith.constant 0.000000e+00 : f32
    %max3A_243 = vector.broadcast %max3A_242 : f32 to vector<32x1024xf32>
    %max3A_244 = arith.maximumf %sub3A_241, %max3A_243 : vector<32x1024xf32>
    %sub3A_245 = vector.broadcast %add3A_235 : vector<1x1024xf32> to vector<32x1024xf32>
    %sub3A_246 = arith.subf %sub3A_245, %convert_element_type3A_153 : vector<32x1024xf32>
    %abs3A_247 = math.absf %sub3A_246 : vector<32x1024xf32>
    %sub3A_248 = arith.constant 1.000000e+00 : f32
    %sub3A_249 = vector.broadcast %sub3A_248 : f32 to vector<32x1024xf32>
    %sub3A_250 = arith.subf %sub3A_249, %abs3A_247 : vector<32x1024xf32>
    %max3A_251 = arith.constant 0.000000e+00 : f32
    %max3A_252 = vector.broadcast %max3A_251 : f32 to vector<32x1024xf32>
    %max3A_253 = arith.maximumf %sub3A_250, %max3A_252 : vector<32x1024xf32>
    %mul3A_254 = arith.mulf %exp3A_163, %div3A_171 : vector<1x1024xf32>
    %mul3A_255 = vector.broadcast %mul3A_254 : vector<1x1024xf32> to vector<32x1024xf32>
    %mul3A_256 = arith.mulf %max3A_244, %mul3A_255 : vector<32x1024xf32>
    %broadcast_in_dim3A_257 = vector.shape_cast %max3A_253 : vector<32x1024xf32> to vector<32x1x1024xf32>
    %broadcast_in_dim3A_258 = vector.shape_cast %mul3A_256 : vector<32x1024xf32> to vector<1x32x1024xf32>
    %mul3A_259 = vector.broadcast %broadcast_in_dim3A_257 : vector<32x1x1024xf32> to vector<32x32x1024xf32>
    %mul3A_260 = vector.broadcast %broadcast_in_dim3A_258 : vector<1x32x1024xf32> to vector<32x32x1024xf32>
    %mul3A_261 = arith.mulf %mul3A_259, %mul3A_260 : vector<32x32x1024xf32>
    %add3A_262 = arith.addf %add3A_231, %mul3A_261 : vector<32x32x1024xf32>
    %slice3A_263 = vector.extract_strided_slice %add3A_95 {offsets = [6, 0], sizes = [1, 1024], strides = [1, 1]} : vector<32x1024xf32> to vector<1x1024xf32>
    %add3A_264 = arith.addf %convert_element_type3A, %slice3A_263 : vector<1x1024xf32>
    %slice3A_265 = vector.extract_strided_slice %add3A_95 {offsets = [7, 0], sizes = [1, 1024], strides = [1, 1]} : vector<32x1024xf32> to vector<1x1024xf32>
    %add3A_266 = arith.addf %convert_element_type3A_151, %slice3A_265 : vector<1x1024xf32>
    %sub3A_267 = vector.broadcast %add3A_264 : vector<1x1024xf32> to vector<32x1024xf32>
    %sub3A_268 = arith.subf %sub3A_267, %convert_element_type3A_153 : vector<32x1024xf32>
    %abs3A_269 = math.absf %sub3A_268 : vector<32x1024xf32>
    %sub3A_270 = arith.constant 1.000000e+00 : f32
    %sub3A_271 = vector.broadcast %sub3A_270 : f32 to vector<32x1024xf32>
    %sub3A_272 = arith.subf %sub3A_271, %abs3A_269 : vector<32x1024xf32>
    %max3A_273 = arith.constant 0.000000e+00 : f32
    %max3A_274 = vector.broadcast %max3A_273 : f32 to vector<32x1024xf32>
    %max3A_275 = arith.maximumf %sub3A_272, %max3A_274 : vector<32x1024xf32>
    %sub3A_276 = vector.broadcast %add3A_266 : vector<1x1024xf32> to vector<32x1024xf32>
    %sub3A_277 = arith.subf %sub3A_276, %convert_element_type3A_153 : vector<32x1024xf32>
    %abs3A_278 = math.absf %sub3A_277 : vector<32x1024xf32>
    %sub3A_279 = arith.constant 1.000000e+00 : f32
    %sub3A_280 = vector.broadcast %sub3A_279 : f32 to vector<32x1024xf32>
    %sub3A_281 = arith.subf %sub3A_280, %abs3A_278 : vector<32x1024xf32>
    %max3A_282 = arith.constant 0.000000e+00 : f32
    %max3A_283 = vector.broadcast %max3A_282 : f32 to vector<32x1024xf32>
    %max3A_284 = arith.maximumf %sub3A_281, %max3A_283 : vector<32x1024xf32>
    %mul3A_285 = arith.mulf %exp3A_165, %div3A_171 : vector<1x1024xf32>
    %mul3A_286 = vector.broadcast %mul3A_285 : vector<1x1024xf32> to vector<32x1024xf32>
    %mul3A_287 = arith.mulf %max3A_275, %mul3A_286 : vector<32x1024xf32>
    %broadcast_in_dim3A_288 = vector.shape_cast %max3A_284 : vector<32x1024xf32> to vector<32x1x1024xf32>
    %broadcast_in_dim3A_289 = vector.shape_cast %mul3A_287 : vector<32x1024xf32> to vector<1x32x1024xf32>
    %mul3A_290 = vector.broadcast %broadcast_in_dim3A_288 : vector<32x1x1024xf32> to vector<32x32x1024xf32>
    %mul3A_291 = vector.broadcast %broadcast_in_dim3A_289 : vector<1x32x1024xf32> to vector<32x32x1024xf32>
    %mul3A_292 = arith.mulf %mul3A_290, %mul3A_291 : vector<32x32x1024xf32>
    %add3A_293 = arith.addf %add3A_262, %mul3A_292 : vector<32x32x1024xf32>
    %reshape3A_294 = vector.shape_cast %add3A_293 : vector<32x32x1024xf32> to vector<1024x1024xf32>
    %slice3A_295 = vector.extract_strided_slice %add3A_86 {offsets = [0, 0], sizes = [1024, 96], strides = [1, 1]} : vector<1024x384xf32> to vector<1024x96xf32>
    %dot_general3A_296 = arith.constant dense<0.000000e+00> : vector<1024x96xf32>
    %dot_general3A_297 = tpu.matmul %reshape3A_294, %slice3A_295, %dot_general3A_296 {dimension_numbers = #tpu.dot_dimension_numbers<[0], [0], [1], [1], [0, 1, 1, 1], [], []>, transpose_lhs_hint = false} : vector<1024x1024xf32>, vector<1024x96xf32>, vector<1024x96xf32> -> vector<1024x96xf32>
    %slice3A_298 = vector.extract_strided_slice %add3A_105 {offsets = [4, 0], sizes = [1, 1024], strides = [1, 1]} : vector<16x1024xf32> to vector<1x1024xf32>
    %slice3A_299 = vector.extract_strided_slice %add3A_105 {offsets = [5, 0], sizes = [1, 1024], strides = [1, 1]} : vector<16x1024xf32> to vector<1x1024xf32>
    %slice3A_300 = vector.extract_strided_slice %add3A_105 {offsets = [6, 0], sizes = [1, 1024], strides = [1, 1]} : vector<16x1024xf32> to vector<1x1024xf32>
    %slice3A_301 = vector.extract_strided_slice %add3A_105 {offsets = [7, 0], sizes = [1, 1024], strides = [1, 1]} : vector<16x1024xf32> to vector<1x1024xf32>
    %max3A_302 = arith.maximumf %slice3A_298, %slice3A_299 : vector<1x1024xf32>
    %max3A_303 = arith.maximumf %slice3A_300, %slice3A_301 : vector<1x1024xf32>
    %max3A_304 = arith.maximumf %max3A_302, %max3A_303 : vector<1x1024xf32>
    %sub3A_305 = arith.subf %slice3A_298, %max3A_304 : vector<1x1024xf32>
    %exp3A_306 = math.exp %sub3A_305 : vector<1x1024xf32>
    %sub3A_307 = arith.subf %slice3A_299, %max3A_304 : vector<1x1024xf32>
    %exp3A_308 = math.exp %sub3A_307 : vector<1x1024xf32>
    %sub3A_309 = arith.subf %slice3A_300, %max3A_304 : vector<1x1024xf32>
    %exp3A_310 = math.exp %sub3A_309 : vector<1x1024xf32>
    %sub3A_311 = arith.subf %slice3A_301, %max3A_304 : vector<1x1024xf32>
    %exp3A_312 = math.exp %sub3A_311 : vector<1x1024xf32>
    %add3A_313 = arith.addf %exp3A_306, %exp3A_308 : vector<1x1024xf32>
    %add3A_314 = arith.addf %add3A_313, %exp3A_310 : vector<1x1024xf32>
    %add3A_315 = arith.addf %add3A_314, %exp3A_312 : vector<1x1024xf32>
    %div3A_316 = arith.constant 1.000000e+00 : f32
    %div3A_317 = vector.broadcast %div3A_316 : f32 to vector<1x1024xf32>
    %div3A_318 = arith.divf %div3A_317, %add3A_315 : vector<1x1024xf32>
    %slice3A_319 = vector.extract_strided_slice %add3A_95 {offsets = [8, 0], sizes = [1, 1024], strides = [1, 1]} : vector<32x1024xf32> to vector<1x1024xf32>
    %add3A_320 = arith.addf %convert_element_type3A, %slice3A_319 : vector<1x1024xf32>
    %slice3A_321 = vector.extract_strided_slice %add3A_95 {offsets = [9, 0], sizes = [1, 1024], strides = [1, 1]} : vector<32x1024xf32> to vector<1x1024xf32>
    %add3A_322 = arith.addf %convert_element_type3A_151, %slice3A_321 : vector<1x1024xf32>
    %sub3A_323 = vector.broadcast %add3A_320 : vector<1x1024xf32> to vector<32x1024xf32>
    %sub3A_324 = arith.subf %sub3A_323, %convert_element_type3A_153 : vector<32x1024xf32>
    %abs3A_325 = math.absf %sub3A_324 : vector<32x1024xf32>
    %sub3A_326 = arith.constant 1.000000e+00 : f32
    %sub3A_327 = vector.broadcast %sub3A_326 : f32 to vector<32x1024xf32>
    %sub3A_328 = arith.subf %sub3A_327, %abs3A_325 : vector<32x1024xf32>
    %max3A_329 = arith.constant 0.000000e+00 : f32
    %max3A_330 = vector.broadcast %max3A_329 : f32 to vector<32x1024xf32>
    %max3A_331 = arith.maximumf %sub3A_328, %max3A_330 : vector<32x1024xf32>
    %sub3A_332 = vector.broadcast %add3A_322 : vector<1x1024xf32> to vector<32x1024xf32>
    %sub3A_333 = arith.subf %sub3A_332, %convert_element_type3A_153 : vector<32x1024xf32>
    %abs3A_334 = math.absf %sub3A_333 : vector<32x1024xf32>
    %sub3A_335 = arith.constant 1.000000e+00 : f32
    %sub3A_336 = vector.broadcast %sub3A_335 : f32 to vector<32x1024xf32>
    %sub3A_337 = arith.subf %sub3A_336, %abs3A_334 : vector<32x1024xf32>
    %max3A_338 = arith.constant 0.000000e+00 : f32
    %max3A_339 = vector.broadcast %max3A_338 : f32 to vector<32x1024xf32>
    %max3A_340 = arith.maximumf %sub3A_337, %max3A_339 : vector<32x1024xf32>
    %mul3A_341 = arith.mulf %exp3A_306, %div3A_318 : vector<1x1024xf32>
    %mul3A_342 = vector.broadcast %mul3A_341 : vector<1x1024xf32> to vector<32x1024xf32>
    %mul3A_343 = arith.mulf %max3A_331, %mul3A_342 : vector<32x1024xf32>
    %broadcast_in_dim3A_344 = vector.shape_cast %max3A_340 : vector<32x1024xf32> to vector<32x1x1024xf32>
    %broadcast_in_dim3A_345 = vector.shape_cast %mul3A_343 : vector<32x1024xf32> to vector<1x32x1024xf32>
    %mul3A_346 = vector.broadcast %broadcast_in_dim3A_344 : vector<32x1x1024xf32> to vector<32x32x1024xf32>
    %mul3A_347 = vector.broadcast %broadcast_in_dim3A_345 : vector<1x32x1024xf32> to vector<32x32x1024xf32>
    %mul3A_348 = arith.mulf %mul3A_346, %mul3A_347 : vector<32x32x1024xf32>
    %slice3A_349 = vector.extract_strided_slice %add3A_95 {offsets = [10, 0], sizes = [1, 1024], strides = [1, 1]} : vector<32x1024xf32> to vector<1x1024xf32>
    %add3A_350 = arith.addf %convert_element_type3A, %slice3A_349 : vector<1x1024xf32>
    %slice3A_351 = vector.extract_strided_slice %add3A_95 {offsets = [11, 0], sizes = [1, 1024], strides = [1, 1]} : vector<32x1024xf32> to vector<1x1024xf32>
    %add3A_352 = arith.addf %convert_element_type3A_151, %slice3A_351 : vector<1x1024xf32>
    %sub3A_353 = vector.broadcast %add3A_350 : vector<1x1024xf32> to vector<32x1024xf32>
    %sub3A_354 = arith.subf %sub3A_353, %convert_element_type3A_153 : vector<32x1024xf32>
    %abs3A_355 = math.absf %sub3A_354 : vector<32x1024xf32>
    %sub3A_356 = arith.constant 1.000000e+00 : f32
    %sub3A_357 = vector.broadcast %sub3A_356 : f32 to vector<32x1024xf32>
    %sub3A_358 = arith.subf %sub3A_357, %abs3A_355 : vector<32x1024xf32>
    %max3A_359 = arith.constant 0.000000e+00 : f32
    %max3A_360 = vector.broadcast %max3A_359 : f32 to vector<32x1024xf32>
    %max3A_361 = arith.maximumf %sub3A_358, %max3A_360 : vector<32x1024xf32>
    %sub3A_362 = vector.broadcast %add3A_352 : vector<1x1024xf32> to vector<32x1024xf32>
    %sub3A_363 = arith.subf %sub3A_362, %convert_element_type3A_153 : vector<32x1024xf32>
    %abs3A_364 = math.absf %sub3A_363 : vector<32x1024xf32>
    %sub3A_365 = arith.constant 1.000000e+00 : f32
    %sub3A_366 = vector.broadcast %sub3A_365 : f32 to vector<32x1024xf32>
    %sub3A_367 = arith.subf %sub3A_366, %abs3A_364 : vector<32x1024xf32>
    %max3A_368 = arith.constant 0.000000e+00 : f32
    %max3A_369 = vector.broadcast %max3A_368 : f32 to vector<32x1024xf32>
    %max3A_370 = arith.maximumf %sub3A_367, %max3A_369 : vector<32x1024xf32>
    %mul3A_371 = arith.mulf %exp3A_308, %div3A_318 : vector<1x1024xf32>
    %mul3A_372 = vector.broadcast %mul3A_371 : vector<1x1024xf32> to vector<32x1024xf32>
    %mul3A_373 = arith.mulf %max3A_361, %mul3A_372 : vector<32x1024xf32>
    %broadcast_in_dim3A_374 = vector.shape_cast %max3A_370 : vector<32x1024xf32> to vector<32x1x1024xf32>
    %broadcast_in_dim3A_375 = vector.shape_cast %mul3A_373 : vector<32x1024xf32> to vector<1x32x1024xf32>
    %mul3A_376 = vector.broadcast %broadcast_in_dim3A_374 : vector<32x1x1024xf32> to vector<32x32x1024xf32>
    %mul3A_377 = vector.broadcast %broadcast_in_dim3A_375 : vector<1x32x1024xf32> to vector<32x32x1024xf32>
    %mul3A_378 = arith.mulf %mul3A_376, %mul3A_377 : vector<32x32x1024xf32>
    %add3A_379 = arith.addf %mul3A_348, %mul3A_378 : vector<32x32x1024xf32>
    %slice3A_380 = vector.extract_strided_slice %add3A_95 {offsets = [12, 0], sizes = [1, 1024], strides = [1, 1]} : vector<32x1024xf32> to vector<1x1024xf32>
    %add3A_381 = arith.addf %convert_element_type3A, %slice3A_380 : vector<1x1024xf32>
    %slice3A_382 = vector.extract_strided_slice %add3A_95 {offsets = [13, 0], sizes = [1, 1024], strides = [1, 1]} : vector<32x1024xf32> to vector<1x1024xf32>
    %add3A_383 = arith.addf %convert_element_type3A_151, %slice3A_382 : vector<1x1024xf32>
    %sub3A_384 = vector.broadcast %add3A_381 : vector<1x1024xf32> to vector<32x1024xf32>
    %sub3A_385 = arith.subf %sub3A_384, %convert_element_type3A_153 : vector<32x1024xf32>
    %abs3A_386 = math.absf %sub3A_385 : vector<32x1024xf32>
    %sub3A_387 = arith.constant 1.000000e+00 : f32
    %sub3A_388 = vector.broadcast %sub3A_387 : f32 to vector<32x1024xf32>
    %sub3A_389 = arith.subf %sub3A_388, %abs3A_386 : vector<32x1024xf32>
    %max3A_390 = arith.constant 0.000000e+00 : f32
    %max3A_391 = vector.broadcast %max3A_390 : f32 to vector<32x1024xf32>
    %max3A_392 = arith.maximumf %sub3A_389, %max3A_391 : vector<32x1024xf32>
    %sub3A_393 = vector.broadcast %add3A_383 : vector<1x1024xf32> to vector<32x1024xf32>
    %sub3A_394 = arith.subf %sub3A_393, %convert_element_type3A_153 : vector<32x1024xf32>
    %abs3A_395 = math.absf %sub3A_394 : vector<32x1024xf32>
    %sub3A_396 = arith.constant 1.000000e+00 : f32
    %sub3A_397 = vector.broadcast %sub3A_396 : f32 to vector<32x1024xf32>
    %sub3A_398 = arith.subf %sub3A_397, %abs3A_395 : vector<32x1024xf32>
    %max3A_399 = arith.constant 0.000000e+00 : f32
    %max3A_400 = vector.broadcast %max3A_399 : f32 to vector<32x1024xf32>
    %max3A_401 = arith.maximumf %sub3A_398, %max3A_400 : vector<32x1024xf32>
    %mul3A_402 = arith.mulf %exp3A_310, %div3A_318 : vector<1x1024xf32>
    %mul3A_403 = vector.broadcast %mul3A_402 : vector<1x1024xf32> to vector<32x1024xf32>
    %mul3A_404 = arith.mulf %max3A_392, %mul3A_403 : vector<32x1024xf32>
    %broadcast_in_dim3A_405 = vector.shape_cast %max3A_401 : vector<32x1024xf32> to vector<32x1x1024xf32>
    %broadcast_in_dim3A_406 = vector.shape_cast %mul3A_404 : vector<32x1024xf32> to vector<1x32x1024xf32>
    %mul3A_407 = vector.broadcast %broadcast_in_dim3A_405 : vector<32x1x1024xf32> to vector<32x32x1024xf32>
    %mul3A_408 = vector.broadcast %broadcast_in_dim3A_406 : vector<1x32x1024xf32> to vector<32x32x1024xf32>
    %mul3A_409 = arith.mulf %mul3A_407, %mul3A_408 : vector<32x32x1024xf32>
    %add3A_410 = arith.addf %add3A_379, %mul3A_409 : vector<32x32x1024xf32>
    %slice3A_411 = vector.extract_strided_slice %add3A_95 {offsets = [14, 0], sizes = [1, 1024], strides = [1, 1]} : vector<32x1024xf32> to vector<1x1024xf32>
    %add3A_412 = arith.addf %convert_element_type3A, %slice3A_411 : vector<1x1024xf32>
    %slice3A_413 = vector.extract_strided_slice %add3A_95 {offsets = [15, 0], sizes = [1, 1024], strides = [1, 1]} : vector<32x1024xf32> to vector<1x1024xf32>
    %add3A_414 = arith.addf %convert_element_type3A_151, %slice3A_413 : vector<1x1024xf32>
    %sub3A_415 = vector.broadcast %add3A_412 : vector<1x1024xf32> to vector<32x1024xf32>
    %sub3A_416 = arith.subf %sub3A_415, %convert_element_type3A_153 : vector<32x1024xf32>
    %abs3A_417 = math.absf %sub3A_416 : vector<32x1024xf32>
    %sub3A_418 = arith.constant 1.000000e+00 : f32
    %sub3A_419 = vector.broadcast %sub3A_418 : f32 to vector<32x1024xf32>
    %sub3A_420 = arith.subf %sub3A_419, %abs3A_417 : vector<32x1024xf32>
    %max3A_421 = arith.constant 0.000000e+00 : f32
    %max3A_422 = vector.broadcast %max3A_421 : f32 to vector<32x1024xf32>
    %max3A_423 = arith.maximumf %sub3A_420, %max3A_422 : vector<32x1024xf32>
    %sub3A_424 = vector.broadcast %add3A_414 : vector<1x1024xf32> to vector<32x1024xf32>
    %sub3A_425 = arith.subf %sub3A_424, %convert_element_type3A_153 : vector<32x1024xf32>
    %abs3A_426 = math.absf %sub3A_425 : vector<32x1024xf32>
    %sub3A_427 = arith.constant 1.000000e+00 : f32
    %sub3A_428 = vector.broadcast %sub3A_427 : f32 to vector<32x1024xf32>
    %sub3A_429 = arith.subf %sub3A_428, %abs3A_426 : vector<32x1024xf32>
    %max3A_430 = arith.constant 0.000000e+00 : f32
    %max3A_431 = vector.broadcast %max3A_430 : f32 to vector<32x1024xf32>
    %max3A_432 = arith.maximumf %sub3A_429, %max3A_431 : vector<32x1024xf32>
    %mul3A_433 = arith.mulf %exp3A_312, %div3A_318 : vector<1x1024xf32>
    %mul3A_434 = vector.broadcast %mul3A_433 : vector<1x1024xf32> to vector<32x1024xf32>
    %mul3A_435 = arith.mulf %max3A_423, %mul3A_434 : vector<32x1024xf32>
    %broadcast_in_dim3A_436 = vector.shape_cast %max3A_432 : vector<32x1024xf32> to vector<32x1x1024xf32>
    %broadcast_in_dim3A_437 = vector.shape_cast %mul3A_435 : vector<32x1024xf32> to vector<1x32x1024xf32>
    %mul3A_438 = vector.broadcast %broadcast_in_dim3A_436 : vector<32x1x1024xf32> to vector<32x32x1024xf32>
    %mul3A_439 = vector.broadcast %broadcast_in_dim3A_437 : vector<1x32x1024xf32> to vector<32x32x1024xf32>
    %mul3A_440 = arith.mulf %mul3A_438, %mul3A_439 : vector<32x32x1024xf32>
    %add3A_441 = arith.addf %add3A_410, %mul3A_440 : vector<32x32x1024xf32>
    %reshape3A_442 = vector.shape_cast %add3A_441 : vector<32x32x1024xf32> to vector<1024x1024xf32>
    %slice3A_443 = vector.extract_strided_slice %add3A_86 {offsets = [0, 96], sizes = [1024, 96], strides = [1, 1]} : vector<1024x384xf32> to vector<1024x96xf32>
    %dot_general3A_444 = arith.constant dense<0.000000e+00> : vector<1024x96xf32>
    %dot_general3A_445 = tpu.matmul %reshape3A_442, %slice3A_443, %dot_general3A_444 {dimension_numbers = #tpu.dot_dimension_numbers<[0], [0], [1], [1], [0, 1, 1, 1], [], []>, transpose_lhs_hint = false} : vector<1024x1024xf32>, vector<1024x96xf32>, vector<1024x96xf32> -> vector<1024x96xf32>
    %slice3A_446 = vector.extract_strided_slice %add3A_105 {offsets = [8, 0], sizes = [1, 1024], strides = [1, 1]} : vector<16x1024xf32> to vector<1x1024xf32>
    %slice3A_447 = vector.extract_strided_slice %add3A_105 {offsets = [9, 0], sizes = [1, 1024], strides = [1, 1]} : vector<16x1024xf32> to vector<1x1024xf32>
    %slice3A_448 = vector.extract_strided_slice %add3A_105 {offsets = [10, 0], sizes = [1, 1024], strides = [1, 1]} : vector<16x1024xf32> to vector<1x1024xf32>
    %slice3A_449 = vector.extract_strided_slice %add3A_105 {offsets = [11, 0], sizes = [1, 1024], strides = [1, 1]} : vector<16x1024xf32> to vector<1x1024xf32>
    %max3A_450 = arith.maximumf %slice3A_446, %slice3A_447 : vector<1x1024xf32>
    %max3A_451 = arith.maximumf %slice3A_448, %slice3A_449 : vector<1x1024xf32>
    %max3A_452 = arith.maximumf %max3A_450, %max3A_451 : vector<1x1024xf32>
    %sub3A_453 = arith.subf %slice3A_446, %max3A_452 : vector<1x1024xf32>
    %exp3A_454 = math.exp %sub3A_453 : vector<1x1024xf32>
    %sub3A_455 = arith.subf %slice3A_447, %max3A_452 : vector<1x1024xf32>
    %exp3A_456 = math.exp %sub3A_455 : vector<1x1024xf32>
    %sub3A_457 = arith.subf %slice3A_448, %max3A_452 : vector<1x1024xf32>
    %exp3A_458 = math.exp %sub3A_457 : vector<1x1024xf32>
    %sub3A_459 = arith.subf %slice3A_449, %max3A_452 : vector<1x1024xf32>
    %exp3A_460 = math.exp %sub3A_459 : vector<1x1024xf32>
    %add3A_461 = arith.addf %exp3A_454, %exp3A_456 : vector<1x1024xf32>
    %add3A_462 = arith.addf %add3A_461, %exp3A_458 : vector<1x1024xf32>
    %add3A_463 = arith.addf %add3A_462, %exp3A_460 : vector<1x1024xf32>
    %div3A_464 = arith.constant 1.000000e+00 : f32
    %div3A_465 = vector.broadcast %div3A_464 : f32 to vector<1x1024xf32>
    %div3A_466 = arith.divf %div3A_465, %add3A_463 : vector<1x1024xf32>
    %slice3A_467 = vector.extract_strided_slice %add3A_95 {offsets = [16, 0], sizes = [1, 1024], strides = [1, 1]} : vector<32x1024xf32> to vector<1x1024xf32>
    %add3A_468 = arith.addf %convert_element_type3A, %slice3A_467 : vector<1x1024xf32>
    %slice3A_469 = vector.extract_strided_slice %add3A_95 {offsets = [17, 0], sizes = [1, 1024], strides = [1, 1]} : vector<32x1024xf32> to vector<1x1024xf32>
    %add3A_470 = arith.addf %convert_element_type3A_151, %slice3A_469 : vector<1x1024xf32>
    %sub3A_471 = vector.broadcast %add3A_468 : vector<1x1024xf32> to vector<32x1024xf32>
    %sub3A_472 = arith.subf %sub3A_471, %convert_element_type3A_153 : vector<32x1024xf32>
    %abs3A_473 = math.absf %sub3A_472 : vector<32x1024xf32>
    %sub3A_474 = arith.constant 1.000000e+00 : f32
    %sub3A_475 = vector.broadcast %sub3A_474 : f32 to vector<32x1024xf32>
    %sub3A_476 = arith.subf %sub3A_475, %abs3A_473 : vector<32x1024xf32>
    %max3A_477 = arith.constant 0.000000e+00 : f32
    %max3A_478 = vector.broadcast %max3A_477 : f32 to vector<32x1024xf32>
    %max3A_479 = arith.maximumf %sub3A_476, %max3A_478 : vector<32x1024xf32>
    %sub3A_480 = vector.broadcast %add3A_470 : vector<1x1024xf32> to vector<32x1024xf32>
    %sub3A_481 = arith.subf %sub3A_480, %convert_element_type3A_153 : vector<32x1024xf32>
    %abs3A_482 = math.absf %sub3A_481 : vector<32x1024xf32>
    %sub3A_483 = arith.constant 1.000000e+00 : f32
    %sub3A_484 = vector.broadcast %sub3A_483 : f32 to vector<32x1024xf32>
    %sub3A_485 = arith.subf %sub3A_484, %abs3A_482 : vector<32x1024xf32>
    %max3A_486 = arith.constant 0.000000e+00 : f32
    %max3A_487 = vector.broadcast %max3A_486 : f32 to vector<32x1024xf32>
    %max3A_488 = arith.maximumf %sub3A_485, %max3A_487 : vector<32x1024xf32>
    %mul3A_489 = arith.mulf %exp3A_454, %div3A_466 : vector<1x1024xf32>
    %mul3A_490 = vector.broadcast %mul3A_489 : vector<1x1024xf32> to vector<32x1024xf32>
    %mul3A_491 = arith.mulf %max3A_479, %mul3A_490 : vector<32x1024xf32>
    %broadcast_in_dim3A_492 = vector.shape_cast %max3A_488 : vector<32x1024xf32> to vector<32x1x1024xf32>
    %broadcast_in_dim3A_493 = vector.shape_cast %mul3A_491 : vector<32x1024xf32> to vector<1x32x1024xf32>
    %mul3A_494 = vector.broadcast %broadcast_in_dim3A_492 : vector<32x1x1024xf32> to vector<32x32x1024xf32>
    %mul3A_495 = vector.broadcast %broadcast_in_dim3A_493 : vector<1x32x1024xf32> to vector<32x32x1024xf32>
    %mul3A_496 = arith.mulf %mul3A_494, %mul3A_495 : vector<32x32x1024xf32>
    %slice3A_497 = vector.extract_strided_slice %add3A_95 {offsets = [18, 0], sizes = [1, 1024], strides = [1, 1]} : vector<32x1024xf32> to vector<1x1024xf32>
    %add3A_498 = arith.addf %convert_element_type3A, %slice3A_497 : vector<1x1024xf32>
    %slice3A_499 = vector.extract_strided_slice %add3A_95 {offsets = [19, 0], sizes = [1, 1024], strides = [1, 1]} : vector<32x1024xf32> to vector<1x1024xf32>
    %add3A_500 = arith.addf %convert_element_type3A_151, %slice3A_499 : vector<1x1024xf32>
    %sub3A_501 = vector.broadcast %add3A_498 : vector<1x1024xf32> to vector<32x1024xf32>
    %sub3A_502 = arith.subf %sub3A_501, %convert_element_type3A_153 : vector<32x1024xf32>
    %abs3A_503 = math.absf %sub3A_502 : vector<32x1024xf32>
    %sub3A_504 = arith.constant 1.000000e+00 : f32
    %sub3A_505 = vector.broadcast %sub3A_504 : f32 to vector<32x1024xf32>
    %sub3A_506 = arith.subf %sub3A_505, %abs3A_503 : vector<32x1024xf32>
    %max3A_507 = arith.constant 0.000000e+00 : f32
    %max3A_508 = vector.broadcast %max3A_507 : f32 to vector<32x1024xf32>
    %max3A_509 = arith.maximumf %sub3A_506, %max3A_508 : vector<32x1024xf32>
    %sub3A_510 = vector.broadcast %add3A_500 : vector<1x1024xf32> to vector<32x1024xf32>
    %sub3A_511 = arith.subf %sub3A_510, %convert_element_type3A_153 : vector<32x1024xf32>
    %abs3A_512 = math.absf %sub3A_511 : vector<32x1024xf32>
    %sub3A_513 = arith.constant 1.000000e+00 : f32
    %sub3A_514 = vector.broadcast %sub3A_513 : f32 to vector<32x1024xf32>
    %sub3A_515 = arith.subf %sub3A_514, %abs3A_512 : vector<32x1024xf32>
    %max3A_516 = arith.constant 0.000000e+00 : f32
    %max3A_517 = vector.broadcast %max3A_516 : f32 to vector<32x1024xf32>
    %max3A_518 = arith.maximumf %sub3A_515, %max3A_517 : vector<32x1024xf32>
    %mul3A_519 = arith.mulf %exp3A_456, %div3A_466 : vector<1x1024xf32>
    %mul3A_520 = vector.broadcast %mul3A_519 : vector<1x1024xf32> to vector<32x1024xf32>
    %mul3A_521 = arith.mulf %max3A_509, %mul3A_520 : vector<32x1024xf32>
    %broadcast_in_dim3A_522 = vector.shape_cast %max3A_518 : vector<32x1024xf32> to vector<32x1x1024xf32>
    %broadcast_in_dim3A_523 = vector.shape_cast %mul3A_521 : vector<32x1024xf32> to vector<1x32x1024xf32>
    %mul3A_524 = vector.broadcast %broadcast_in_dim3A_522 : vector<32x1x1024xf32> to vector<32x32x1024xf32>
    %mul3A_525 = vector.broadcast %broadcast_in_dim3A_523 : vector<1x32x1024xf32> to vector<32x32x1024xf32>
    %mul3A_526 = arith.mulf %mul3A_524, %mul3A_525 : vector<32x32x1024xf32>
    %add3A_527 = arith.addf %mul3A_496, %mul3A_526 : vector<32x32x1024xf32>
    %slice3A_528 = vector.extract_strided_slice %add3A_95 {offsets = [20, 0], sizes = [1, 1024], strides = [1, 1]} : vector<32x1024xf32> to vector<1x1024xf32>
    %add3A_529 = arith.addf %convert_element_type3A, %slice3A_528 : vector<1x1024xf32>
    %slice3A_530 = vector.extract_strided_slice %add3A_95 {offsets = [21, 0], sizes = [1, 1024], strides = [1, 1]} : vector<32x1024xf32> to vector<1x1024xf32>
    %add3A_531 = arith.addf %convert_element_type3A_151, %slice3A_530 : vector<1x1024xf32>
    %sub3A_532 = vector.broadcast %add3A_529 : vector<1x1024xf32> to vector<32x1024xf32>
    %sub3A_533 = arith.subf %sub3A_532, %convert_element_type3A_153 : vector<32x1024xf32>
    %abs3A_534 = math.absf %sub3A_533 : vector<32x1024xf32>
    %sub3A_535 = arith.constant 1.000000e+00 : f32
    %sub3A_536 = vector.broadcast %sub3A_535 : f32 to vector<32x1024xf32>
    %sub3A_537 = arith.subf %sub3A_536, %abs3A_534 : vector<32x1024xf32>
    %max3A_538 = arith.constant 0.000000e+00 : f32
    %max3A_539 = vector.broadcast %max3A_538 : f32 to vector<32x1024xf32>
    %max3A_540 = arith.maximumf %sub3A_537, %max3A_539 : vector<32x1024xf32>
    %sub3A_541 = vector.broadcast %add3A_531 : vector<1x1024xf32> to vector<32x1024xf32>
    %sub3A_542 = arith.subf %sub3A_541, %convert_element_type3A_153 : vector<32x1024xf32>
    %abs3A_543 = math.absf %sub3A_542 : vector<32x1024xf32>
    %sub3A_544 = arith.constant 1.000000e+00 : f32
    %sub3A_545 = vector.broadcast %sub3A_544 : f32 to vector<32x1024xf32>
    %sub3A_546 = arith.subf %sub3A_545, %abs3A_543 : vector<32x1024xf32>
    %max3A_547 = arith.constant 0.000000e+00 : f32
    %max3A_548 = vector.broadcast %max3A_547 : f32 to vector<32x1024xf32>
    %max3A_549 = arith.maximumf %sub3A_546, %max3A_548 : vector<32x1024xf32>
    %mul3A_550 = arith.mulf %exp3A_458, %div3A_466 : vector<1x1024xf32>
    %mul3A_551 = vector.broadcast %mul3A_550 : vector<1x1024xf32> to vector<32x1024xf32>
    %mul3A_552 = arith.mulf %max3A_540, %mul3A_551 : vector<32x1024xf32>
    %broadcast_in_dim3A_553 = vector.shape_cast %max3A_549 : vector<32x1024xf32> to vector<32x1x1024xf32>
    %broadcast_in_dim3A_554 = vector.shape_cast %mul3A_552 : vector<32x1024xf32> to vector<1x32x1024xf32>
    %mul3A_555 = vector.broadcast %broadcast_in_dim3A_553 : vector<32x1x1024xf32> to vector<32x32x1024xf32>
    %mul3A_556 = vector.broadcast %broadcast_in_dim3A_554 : vector<1x32x1024xf32> to vector<32x32x1024xf32>
    %mul3A_557 = arith.mulf %mul3A_555, %mul3A_556 : vector<32x32x1024xf32>
    %add3A_558 = arith.addf %add3A_527, %mul3A_557 : vector<32x32x1024xf32>
    %slice3A_559 = vector.extract_strided_slice %add3A_95 {offsets = [22, 0], sizes = [1, 1024], strides = [1, 1]} : vector<32x1024xf32> to vector<1x1024xf32>
    %add3A_560 = arith.addf %convert_element_type3A, %slice3A_559 : vector<1x1024xf32>
    %slice3A_561 = vector.extract_strided_slice %add3A_95 {offsets = [23, 0], sizes = [1, 1024], strides = [1, 1]} : vector<32x1024xf32> to vector<1x1024xf32>
    %add3A_562 = arith.addf %convert_element_type3A_151, %slice3A_561 : vector<1x1024xf32>
    %sub3A_563 = vector.broadcast %add3A_560 : vector<1x1024xf32> to vector<32x1024xf32>
    %sub3A_564 = arith.subf %sub3A_563, %convert_element_type3A_153 : vector<32x1024xf32>
    %abs3A_565 = math.absf %sub3A_564 : vector<32x1024xf32>
    %sub3A_566 = arith.constant 1.000000e+00 : f32
    %sub3A_567 = vector.broadcast %sub3A_566 : f32 to vector<32x1024xf32>
    %sub3A_568 = arith.subf %sub3A_567, %abs3A_565 : vector<32x1024xf32>
    %max3A_569 = arith.constant 0.000000e+00 : f32
    %max3A_570 = vector.broadcast %max3A_569 : f32 to vector<32x1024xf32>
    %max3A_571 = arith.maximumf %sub3A_568, %max3A_570 : vector<32x1024xf32>
    %sub3A_572 = vector.broadcast %add3A_562 : vector<1x1024xf32> to vector<32x1024xf32>
    %sub3A_573 = arith.subf %sub3A_572, %convert_element_type3A_153 : vector<32x1024xf32>
    %abs3A_574 = math.absf %sub3A_573 : vector<32x1024xf32>
    %sub3A_575 = arith.constant 1.000000e+00 : f32
    %sub3A_576 = vector.broadcast %sub3A_575 : f32 to vector<32x1024xf32>
    %sub3A_577 = arith.subf %sub3A_576, %abs3A_574 : vector<32x1024xf32>
    %max3A_578 = arith.constant 0.000000e+00 : f32
    %max3A_579 = vector.broadcast %max3A_578 : f32 to vector<32x1024xf32>
    %max3A_580 = arith.maximumf %sub3A_577, %max3A_579 : vector<32x1024xf32>
    %mul3A_581 = arith.mulf %exp3A_460, %div3A_466 : vector<1x1024xf32>
    %mul3A_582 = vector.broadcast %mul3A_581 : vector<1x1024xf32> to vector<32x1024xf32>
    %mul3A_583 = arith.mulf %max3A_571, %mul3A_582 : vector<32x1024xf32>
    %broadcast_in_dim3A_584 = vector.shape_cast %max3A_580 : vector<32x1024xf32> to vector<32x1x1024xf32>
    %broadcast_in_dim3A_585 = vector.shape_cast %mul3A_583 : vector<32x1024xf32> to vector<1x32x1024xf32>
    %mul3A_586 = vector.broadcast %broadcast_in_dim3A_584 : vector<32x1x1024xf32> to vector<32x32x1024xf32>
    %mul3A_587 = vector.broadcast %broadcast_in_dim3A_585 : vector<1x32x1024xf32> to vector<32x32x1024xf32>
    %mul3A_588 = arith.mulf %mul3A_586, %mul3A_587 : vector<32x32x1024xf32>
    %add3A_589 = arith.addf %add3A_558, %mul3A_588 : vector<32x32x1024xf32>
    %reshape3A_590 = vector.shape_cast %add3A_589 : vector<32x32x1024xf32> to vector<1024x1024xf32>
    %slice3A_591 = vector.extract_strided_slice %add3A_86 {offsets = [0, 192], sizes = [1024, 96], strides = [1, 1]} : vector<1024x384xf32> to vector<1024x96xf32>
    %dot_general3A_592 = arith.constant dense<0.000000e+00> : vector<1024x96xf32>
    %dot_general3A_593 = tpu.matmul %reshape3A_590, %slice3A_591, %dot_general3A_592 {dimension_numbers = #tpu.dot_dimension_numbers<[0], [0], [1], [1], [0, 1, 1, 1], [], []>, transpose_lhs_hint = false} : vector<1024x1024xf32>, vector<1024x96xf32>, vector<1024x96xf32> -> vector<1024x96xf32>
    %slice3A_594 = vector.extract_strided_slice %add3A_105 {offsets = [12, 0], sizes = [1, 1024], strides = [1, 1]} : vector<16x1024xf32> to vector<1x1024xf32>
    %slice3A_595 = vector.extract_strided_slice %add3A_105 {offsets = [13, 0], sizes = [1, 1024], strides = [1, 1]} : vector<16x1024xf32> to vector<1x1024xf32>
    %slice3A_596 = vector.extract_strided_slice %add3A_105 {offsets = [14, 0], sizes = [1, 1024], strides = [1, 1]} : vector<16x1024xf32> to vector<1x1024xf32>
    %slice3A_597 = vector.extract_strided_slice %add3A_105 {offsets = [15, 0], sizes = [1, 1024], strides = [1, 1]} : vector<16x1024xf32> to vector<1x1024xf32>
    %max3A_598 = arith.maximumf %slice3A_594, %slice3A_595 : vector<1x1024xf32>
    %max3A_599 = arith.maximumf %slice3A_596, %slice3A_597 : vector<1x1024xf32>
    %max3A_600 = arith.maximumf %max3A_598, %max3A_599 : vector<1x1024xf32>
    %sub3A_601 = arith.subf %slice3A_594, %max3A_600 : vector<1x1024xf32>
    %exp3A_602 = math.exp %sub3A_601 : vector<1x1024xf32>
    %sub3A_603 = arith.subf %slice3A_595, %max3A_600 : vector<1x1024xf32>
    %exp3A_604 = math.exp %sub3A_603 : vector<1x1024xf32>
    %sub3A_605 = arith.subf %slice3A_596, %max3A_600 : vector<1x1024xf32>
    %exp3A_606 = math.exp %sub3A_605 : vector<1x1024xf32>
    %sub3A_607 = arith.subf %slice3A_597, %max3A_600 : vector<1x1024xf32>
    %exp3A_608 = math.exp %sub3A_607 : vector<1x1024xf32>
    %add3A_609 = arith.addf %exp3A_602, %exp3A_604 : vector<1x1024xf32>
    %add3A_610 = arith.addf %add3A_609, %exp3A_606 : vector<1x1024xf32>
    %add3A_611 = arith.addf %add3A_610, %exp3A_608 : vector<1x1024xf32>
    %div3A_612 = arith.constant 1.000000e+00 : f32
    %div3A_613 = vector.broadcast %div3A_612 : f32 to vector<1x1024xf32>
    %div3A_614 = arith.divf %div3A_613, %add3A_611 : vector<1x1024xf32>
    %slice3A_615 = vector.extract_strided_slice %add3A_95 {offsets = [24, 0], sizes = [1, 1024], strides = [1, 1]} : vector<32x1024xf32> to vector<1x1024xf32>
    %add3A_616 = arith.addf %convert_element_type3A, %slice3A_615 : vector<1x1024xf32>
    %slice3A_617 = vector.extract_strided_slice %add3A_95 {offsets = [25, 0], sizes = [1, 1024], strides = [1, 1]} : vector<32x1024xf32> to vector<1x1024xf32>
    %add3A_618 = arith.addf %convert_element_type3A_151, %slice3A_617 : vector<1x1024xf32>
    %sub3A_619 = vector.broadcast %add3A_616 : vector<1x1024xf32> to vector<32x1024xf32>
    %sub3A_620 = arith.subf %sub3A_619, %convert_element_type3A_153 : vector<32x1024xf32>
    %abs3A_621 = math.absf %sub3A_620 : vector<32x1024xf32>
    %sub3A_622 = arith.constant 1.000000e+00 : f32
    %sub3A_623 = vector.broadcast %sub3A_622 : f32 to vector<32x1024xf32>
    %sub3A_624 = arith.subf %sub3A_623, %abs3A_621 : vector<32x1024xf32>
    %max3A_625 = arith.constant 0.000000e+00 : f32
    %max3A_626 = vector.broadcast %max3A_625 : f32 to vector<32x1024xf32>
    %max3A_627 = arith.maximumf %sub3A_624, %max3A_626 : vector<32x1024xf32>
    %sub3A_628 = vector.broadcast %add3A_618 : vector<1x1024xf32> to vector<32x1024xf32>
    %sub3A_629 = arith.subf %sub3A_628, %convert_element_type3A_153 : vector<32x1024xf32>
    %abs3A_630 = math.absf %sub3A_629 : vector<32x1024xf32>
    %sub3A_631 = arith.constant 1.000000e+00 : f32
    %sub3A_632 = vector.broadcast %sub3A_631 : f32 to vector<32x1024xf32>
    %sub3A_633 = arith.subf %sub3A_632, %abs3A_630 : vector<32x1024xf32>
    %max3A_634 = arith.constant 0.000000e+00 : f32
    %max3A_635 = vector.broadcast %max3A_634 : f32 to vector<32x1024xf32>
    %max3A_636 = arith.maximumf %sub3A_633, %max3A_635 : vector<32x1024xf32>
    %mul3A_637 = arith.mulf %exp3A_602, %div3A_614 : vector<1x1024xf32>
    %mul3A_638 = vector.broadcast %mul3A_637 : vector<1x1024xf32> to vector<32x1024xf32>
    %mul3A_639 = arith.mulf %max3A_627, %mul3A_638 : vector<32x1024xf32>
    %broadcast_in_dim3A_640 = vector.shape_cast %max3A_636 : vector<32x1024xf32> to vector<32x1x1024xf32>
    %broadcast_in_dim3A_641 = vector.shape_cast %mul3A_639 : vector<32x1024xf32> to vector<1x32x1024xf32>
    %mul3A_642 = vector.broadcast %broadcast_in_dim3A_640 : vector<32x1x1024xf32> to vector<32x32x1024xf32>
    %mul3A_643 = vector.broadcast %broadcast_in_dim3A_641 : vector<1x32x1024xf32> to vector<32x32x1024xf32>
    %mul3A_644 = arith.mulf %mul3A_642, %mul3A_643 : vector<32x32x1024xf32>
    %slice3A_645 = vector.extract_strided_slice %add3A_95 {offsets = [26, 0], sizes = [1, 1024], strides = [1, 1]} : vector<32x1024xf32> to vector<1x1024xf32>
    %add3A_646 = arith.addf %convert_element_type3A, %slice3A_645 : vector<1x1024xf32>
    %slice3A_647 = vector.extract_strided_slice %add3A_95 {offsets = [27, 0], sizes = [1, 1024], strides = [1, 1]} : vector<32x1024xf32> to vector<1x1024xf32>
    %add3A_648 = arith.addf %convert_element_type3A_151, %slice3A_647 : vector<1x1024xf32>
    %sub3A_649 = vector.broadcast %add3A_646 : vector<1x1024xf32> to vector<32x1024xf32>
    %sub3A_650 = arith.subf %sub3A_649, %convert_element_type3A_153 : vector<32x1024xf32>
    %abs3A_651 = math.absf %sub3A_650 : vector<32x1024xf32>
    %sub3A_652 = arith.constant 1.000000e+00 : f32
    %sub3A_653 = vector.broadcast %sub3A_652 : f32 to vector<32x1024xf32>
    %sub3A_654 = arith.subf %sub3A_653, %abs3A_651 : vector<32x1024xf32>
    %max3A_655 = arith.constant 0.000000e+00 : f32
    %max3A_656 = vector.broadcast %max3A_655 : f32 to vector<32x1024xf32>
    %max3A_657 = arith.maximumf %sub3A_654, %max3A_656 : vector<32x1024xf32>
    %sub3A_658 = vector.broadcast %add3A_648 : vector<1x1024xf32> to vector<32x1024xf32>
    %sub3A_659 = arith.subf %sub3A_658, %convert_element_type3A_153 : vector<32x1024xf32>
    %abs3A_660 = math.absf %sub3A_659 : vector<32x1024xf32>
    %sub3A_661 = arith.constant 1.000000e+00 : f32
    %sub3A_662 = vector.broadcast %sub3A_661 : f32 to vector<32x1024xf32>
    %sub3A_663 = arith.subf %sub3A_662, %abs3A_660 : vector<32x1024xf32>
    %max3A_664 = arith.constant 0.000000e+00 : f32
    %max3A_665 = vector.broadcast %max3A_664 : f32 to vector<32x1024xf32>
    %max3A_666 = arith.maximumf %sub3A_663, %max3A_665 : vector<32x1024xf32>
    %mul3A_667 = arith.mulf %exp3A_604, %div3A_614 : vector<1x1024xf32>
    %mul3A_668 = vector.broadcast %mul3A_667 : vector<1x1024xf32> to vector<32x1024xf32>
    %mul3A_669 = arith.mulf %max3A_657, %mul3A_668 : vector<32x1024xf32>
    %broadcast_in_dim3A_670 = vector.shape_cast %max3A_666 : vector<32x1024xf32> to vector<32x1x1024xf32>
    %broadcast_in_dim3A_671 = vector.shape_cast %mul3A_669 : vector<32x1024xf32> to vector<1x32x1024xf32>
    %mul3A_672 = vector.broadcast %broadcast_in_dim3A_670 : vector<32x1x1024xf32> to vector<32x32x1024xf32>
    %mul3A_673 = vector.broadcast %broadcast_in_dim3A_671 : vector<1x32x1024xf32> to vector<32x32x1024xf32>
    %mul3A_674 = arith.mulf %mul3A_672, %mul3A_673 : vector<32x32x1024xf32>
    %add3A_675 = arith.addf %mul3A_644, %mul3A_674 : vector<32x32x1024xf32>
    %slice3A_676 = vector.extract_strided_slice %add3A_95 {offsets = [28, 0], sizes = [1, 1024], strides = [1, 1]} : vector<32x1024xf32> to vector<1x1024xf32>
    %add3A_677 = arith.addf %convert_element_type3A, %slice3A_676 : vector<1x1024xf32>
    %slice3A_678 = vector.extract_strided_slice %add3A_95 {offsets = [29, 0], sizes = [1, 1024], strides = [1, 1]} : vector<32x1024xf32> to vector<1x1024xf32>
    %add3A_679 = arith.addf %convert_element_type3A_151, %slice3A_678 : vector<1x1024xf32>
    %sub3A_680 = vector.broadcast %add3A_677 : vector<1x1024xf32> to vector<32x1024xf32>
    %sub3A_681 = arith.subf %sub3A_680, %convert_element_type3A_153 : vector<32x1024xf32>
    %abs3A_682 = math.absf %sub3A_681 : vector<32x1024xf32>
    %sub3A_683 = arith.constant 1.000000e+00 : f32
    %sub3A_684 = vector.broadcast %sub3A_683 : f32 to vector<32x1024xf32>
    %sub3A_685 = arith.subf %sub3A_684, %abs3A_682 : vector<32x1024xf32>
    %max3A_686 = arith.constant 0.000000e+00 : f32
    %max3A_687 = vector.broadcast %max3A_686 : f32 to vector<32x1024xf32>
    %max3A_688 = arith.maximumf %sub3A_685, %max3A_687 : vector<32x1024xf32>
    %sub3A_689 = vector.broadcast %add3A_679 : vector<1x1024xf32> to vector<32x1024xf32>
    %sub3A_690 = arith.subf %sub3A_689, %convert_element_type3A_153 : vector<32x1024xf32>
    %abs3A_691 = math.absf %sub3A_690 : vector<32x1024xf32>
    %sub3A_692 = arith.constant 1.000000e+00 : f32
    %sub3A_693 = vector.broadcast %sub3A_692 : f32 to vector<32x1024xf32>
    %sub3A_694 = arith.subf %sub3A_693, %abs3A_691 : vector<32x1024xf32>
    %max3A_695 = arith.constant 0.000000e+00 : f32
    %max3A_696 = vector.broadcast %max3A_695 : f32 to vector<32x1024xf32>
    %max3A_697 = arith.maximumf %sub3A_694, %max3A_696 : vector<32x1024xf32>
    %mul3A_698 = arith.mulf %exp3A_606, %div3A_614 : vector<1x1024xf32>
    %mul3A_699 = vector.broadcast %mul3A_698 : vector<1x1024xf32> to vector<32x1024xf32>
    %mul3A_700 = arith.mulf %max3A_688, %mul3A_699 : vector<32x1024xf32>
    %broadcast_in_dim3A_701 = vector.shape_cast %max3A_697 : vector<32x1024xf32> to vector<32x1x1024xf32>
    %broadcast_in_dim3A_702 = vector.shape_cast %mul3A_700 : vector<32x1024xf32> to vector<1x32x1024xf32>
    %mul3A_703 = vector.broadcast %broadcast_in_dim3A_701 : vector<32x1x1024xf32> to vector<32x32x1024xf32>
    %mul3A_704 = vector.broadcast %broadcast_in_dim3A_702 : vector<1x32x1024xf32> to vector<32x32x1024xf32>
    %mul3A_705 = arith.mulf %mul3A_703, %mul3A_704 : vector<32x32x1024xf32>
    %add3A_706 = arith.addf %add3A_675, %mul3A_705 : vector<32x32x1024xf32>
    %slice3A_707 = vector.extract_strided_slice %add3A_95 {offsets = [30, 0], sizes = [1, 1024], strides = [1, 1]} : vector<32x1024xf32> to vector<1x1024xf32>
    %add3A_708 = arith.addf %convert_element_type3A, %slice3A_707 : vector<1x1024xf32>
    %slice3A_709 = vector.extract_strided_slice %add3A_95 {offsets = [31, 0], sizes = [1, 1024], strides = [1, 1]} : vector<32x1024xf32> to vector<1x1024xf32>
    %add3A_710 = arith.addf %convert_element_type3A_151, %slice3A_709 : vector<1x1024xf32>
    %sub3A_711 = vector.broadcast %add3A_708 : vector<1x1024xf32> to vector<32x1024xf32>
    %sub3A_712 = arith.subf %sub3A_711, %convert_element_type3A_153 : vector<32x1024xf32>
    %abs3A_713 = math.absf %sub3A_712 : vector<32x1024xf32>
    %sub3A_714 = arith.constant 1.000000e+00 : f32
    %sub3A_715 = vector.broadcast %sub3A_714 : f32 to vector<32x1024xf32>
    %sub3A_716 = arith.subf %sub3A_715, %abs3A_713 : vector<32x1024xf32>
    %max3A_717 = arith.constant 0.000000e+00 : f32
    %max3A_718 = vector.broadcast %max3A_717 : f32 to vector<32x1024xf32>
    %max3A_719 = arith.maximumf %sub3A_716, %max3A_718 : vector<32x1024xf32>
    %sub3A_720 = vector.broadcast %add3A_710 : vector<1x1024xf32> to vector<32x1024xf32>
    %sub3A_721 = arith.subf %sub3A_720, %convert_element_type3A_153 : vector<32x1024xf32>
    %abs3A_722 = math.absf %sub3A_721 : vector<32x1024xf32>
    %sub3A_723 = arith.constant 1.000000e+00 : f32
    %sub3A_724 = vector.broadcast %sub3A_723 : f32 to vector<32x1024xf32>
    %sub3A_725 = arith.subf %sub3A_724, %abs3A_722 : vector<32x1024xf32>
    %max3A_726 = arith.constant 0.000000e+00 : f32
    %max3A_727 = vector.broadcast %max3A_726 : f32 to vector<32x1024xf32>
    %max3A_728 = arith.maximumf %sub3A_725, %max3A_727 : vector<32x1024xf32>
    %mul3A_729 = arith.mulf %exp3A_608, %div3A_614 : vector<1x1024xf32>
    %mul3A_730 = vector.broadcast %mul3A_729 : vector<1x1024xf32> to vector<32x1024xf32>
    %mul3A_731 = arith.mulf %max3A_719, %mul3A_730 : vector<32x1024xf32>
    %broadcast_in_dim3A_732 = vector.shape_cast %max3A_728 : vector<32x1024xf32> to vector<32x1x1024xf32>
    %broadcast_in_dim3A_733 = vector.shape_cast %mul3A_731 : vector<32x1024xf32> to vector<1x32x1024xf32>
    %mul3A_734 = vector.broadcast %broadcast_in_dim3A_732 : vector<32x1x1024xf32> to vector<32x32x1024xf32>
    %mul3A_735 = vector.broadcast %broadcast_in_dim3A_733 : vector<1x32x1024xf32> to vector<32x32x1024xf32>
    %mul3A_736 = arith.mulf %mul3A_734, %mul3A_735 : vector<32x32x1024xf32>
    %add3A_737 = arith.addf %add3A_706, %mul3A_736 : vector<32x32x1024xf32>
    %reshape3A_738 = vector.shape_cast %add3A_737 : vector<32x32x1024xf32> to vector<1024x1024xf32>
    %slice3A_739 = vector.extract_strided_slice %add3A_86 {offsets = [0, 288], sizes = [1024, 96], strides = [1, 1]} : vector<1024x384xf32> to vector<1024x96xf32>
    %dot_general3A_740 = arith.constant dense<0.000000e+00> : vector<1024x96xf32>
    %dot_general3A_741 = tpu.matmul %reshape3A_738, %slice3A_739, %dot_general3A_740 {dimension_numbers = #tpu.dot_dimension_numbers<[0], [0], [1], [1], [0, 1, 1, 1], [], []>, transpose_lhs_hint = false} : vector<1024x1024xf32>, vector<1024x96xf32>, vector<1024x96xf32> -> vector<1024x96xf32>
    %concatenate3A = tpu.concatenate %dot_general3A_297, %dot_general3A_445, %dot_general3A_593, %dot_general3A_741 in 1 : vector<1024x96xf32>, vector<1024x96xf32>, vector<1024x96xf32>, vector<1024x96xf32> -> vector<1024x384xf32>
    %get3A_742 = arith.constant 0 : index
    %get3A_743 = arith.constant 0 : index
    %get3A_744 = vector.load %arg14[%get3A_742, %get3A_743] : memref<384x384xf32, #tpu.memory_space<vmem>>, vector<384x384xf32>
    %dot_general3A_745 = arith.constant dense<0.000000e+00> : vector<1024x384xf32>
    %dot_general3A_746 = tpu.matmul %concatenate3A, %get3A_744, %dot_general3A_745 {dimension_numbers = #tpu.dot_dimension_numbers<[1], [0], [0], [1], [0, 0, 1, 1], [], []>, transpose_lhs_hint = false} : vector<1024x384xf32>, vector<384x384xf32>, vector<1024x384xf32> -> vector<1024x384xf32>
    %get3A_747 = arith.constant 0 : index
    %get3A_748 = arith.constant 0 : index
    %get3A_749 = vector.load %arg15[%get3A_747, %get3A_748] : memref<1x384xf32, #tpu.memory_space<vmem>>, vector<1x384xf32>
    %get3A_750 = vector.shape_cast %get3A_749 : vector<1x384xf32> to vector<384xf32>
    %broadcast_in_dim3A_751 = vector.shape_cast %get3A_750 : vector<384xf32> to vector<1x384xf32>
    %add3A_752 = vector.broadcast %broadcast_in_dim3A_751 : vector<1x384xf32> to vector<1024x384xf32>
    %add3A_753 = arith.addf %dot_general3A_746, %add3A_752 : vector<1024x384xf32>
    %add3A_754 = arith.addf %add3A_753, %get3A_8 : vector<1024x384xf32>
    %swap3A = arith.constant 0 : index
    %swap3A_755 = arith.constant 0 : index
    %swap3A_756 = arith.constant 0 : index
    %swap3A_757 = vector.load %arg16[%swap3A, %swap3A_755, %swap3A_756] : memref<1x1024x384xf32, #tpu.memory_space<vmem>>, vector<1x1024x384xf32>
    %swap3A_758 = vector.shape_cast %swap3A_757 : vector<1x1024x384xf32> to vector<1024x384xf32>
    %swap3A_759 = vector.shape_cast %add3A_754 : vector<1024x384xf32> to vector<1x1024x384xf32>
    tpu.vector_store %arg16[%swap3A, %swap3A_755, %swap3A_756], %swap3A_759 {strides = array<i32>} : memref<1x1024x384xf32, #tpu.memory_space<vmem>>, vector<1x1024x384xf32>,
    return
  }
  func.func @transform_0(%arg0: i32) -> (i32, i32, i32) {
    %c0_i32 = arith.constant 0 : i32
    %c0_i32_0 = arith.constant 0 : i32
    %c0_i32_1 = arith.constant 0 : i32
    return %arg0, %c0_i32, %c0_i32_0 : i32, i32, i32
  }
  func.func @transform_1(%arg0: i32) -> (i32, i32, i32) {
    %c0_i32 = arith.constant 0 : i32
    %c0_i32_0 = arith.constant 0 : i32
    %c0_i32_1 = arith.constant 0 : i32
    return %arg0, %c0_i32, %c0_i32_0 : i32, i32, i32
  }
  func.func @transform_2(%arg0: i32) -> (i32, i32) {
    %c0_i32 = arith.constant 0 : i32
    %c0_i32_0 = arith.constant 0 : i32
    %c0_i32_1 = arith.constant 0 : i32
    return %c0_i32, %c0_i32_0 : i32, i32
  }
  func.func @transform_3(%arg0: i32) -> (i32, i32) {
    %c0_i32 = arith.constant 0 : i32
    %c0_i32_0 = arith.constant 0 : i32
    %c0_i32_1 = arith.constant 0 : i32
    return %c0_i32, %c0_i32_0 : i32, i32
  }
  func.func @transform_4(%arg0: i32) -> (i32, i32) {
    %c0_i32 = arith.constant 0 : i32
    %c0_i32_0 = arith.constant 0 : i32
    %c0_i32_1 = arith.constant 0 : i32
    return %c0_i32, %c0_i32_0 : i32, i32
  }
  func.func @transform_5(%arg0: i32) -> (i32, i32) {
    %c0_i32 = arith.constant 0 : i32
    %c0_i32_0 = arith.constant 0 : i32
    %c0_i32_1 = arith.constant 0 : i32
    return %c0_i32, %c0_i32_0 : i32, i32
  }
  func.func @transform_6(%arg0: i32) -> (i32, i32) {
    %c0_i32 = arith.constant 0 : i32
    %c0_i32_0 = arith.constant 0 : i32
    %c0_i32_1 = arith.constant 0 : i32
    return %c0_i32, %c0_i32_0 : i32, i32
  }
  func.func @transform_7(%arg0: i32) -> (i32, i32) {
    %c0_i32 = arith.constant 0 : i32
    %c0_i32_0 = arith.constant 0 : i32
    %c0_i32_1 = arith.constant 0 : i32
    return %c0_i32, %c0_i32_0 : i32, i32
  }
  func.func @transform_8(%arg0: i32) -> i32 {
    %c0_i32 = arith.constant 0 : i32
    %c0_i32_0 = arith.constant 0 : i32
    return %c0_i32 : i32
  }
  func.func @transform_9(%arg0: i32) -> (i32, i32) {
    %c0_i32 = arith.constant 0 : i32
    %c0_i32_0 = arith.constant 0 : i32
    %c0_i32_1 = arith.constant 0 : i32
    return %c0_i32, %c0_i32_0 : i32, i32
  }
  func.func @transform_10(%arg0: i32) -> i32 {
    %c0_i32 = arith.constant 0 : i32
    %c0_i32_0 = arith.constant 0 : i32
    return %c0_i32 : i32
  }
  func.func @transform_11(%arg0: i32) -> (i32, i32) {
    %c0_i32 = arith.constant 0 : i32
    %c0_i32_0 = arith.constant 0 : i32
    %c0_i32_1 = arith.constant 0 : i32
    return %c0_i32, %c0_i32_0 : i32, i32
  }
  func.func @transform_12(%arg0: i32) -> (i32, i32) {
    %c0_i32 = arith.constant 0 : i32
    %c0_i32_0 = arith.constant 0 : i32
    %c0_i32_1 = arith.constant 0 : i32
    return %c0_i32, %c0_i32_0 : i32, i32
  }
  func.func @transform_13(%arg0: i32) -> (i32, i32) {
    %c0_i32 = arith.constant 0 : i32
    %c0_i32_0 = arith.constant 0 : i32
    %c0_i32_1 = arith.constant 0 : i32
    return %c0_i32, %c0_i32_0 : i32, i32
  }
  func.func @transform_14(%arg0: i32) -> (i32, i32) {
    %c0_i32 = arith.constant 0 : i32
    %c0_i32_0 = arith.constant 0 : i32
    %c0_i32_1 = arith.constant 0 : i32
    return %c0_i32, %c0_i32_0 : i32, i32
  }
  func.func @transform_15(%arg0: i32) -> (i32, i32, i32) {
    %c0_i32 = arith.constant 0 : i32
    %c0_i32_0 = arith.constant 0 : i32
    %c0_i32_1 = arith.constant 0 : i32
    return %arg0, %c0_i32, %c0_i32_0 : i32, i32, i32
  }
}

module attributes {stable_mosaic.version = 14 : i64} {
  func.func @_out_body(%arg0: i32, %arg1: memref<1x4x1024x96xf32, #tpu.memory_space<vmem>>, %arg2: memref<1x1024x384xf32, #tpu.memory_space<vmem>>, %arg3: memref<384x384xf32, #tpu.memory_space<vmem>>, %arg4: memref<1x384xf32, #tpu.memory_space<vmem>>, %arg5: memref<1x1024x384xf32, #tpu.memory_space<vmem>>) attributes {dimension_semantics = [#tpu.dimension_semantics<arbitrary>], iteration_bounds = array<i64: 2>, scalar_prefetch = 0 : i64, scratch_operands = 0 : i64, tpu.core_type = #tpu.core_type<tc>, window_params = [{transform_indices = @transform_0, window_bounds = array<i64: 1, 4, 1024, 96>}, {transform_indices = @transform_1, window_bounds = array<i64: 1, 1024, 384>}, {pipeline_mode = #tpu.pipeline_mode<synchronous>, transform_indices = @transform_2, window_bounds = array<i64: 384, 384>}, {pipeline_mode = #tpu.pipeline_mode<synchronous>, transform_indices = @transform_3, window_bounds = array<i64: 1, 384>}, {transform_indices = @transform_4, window_bounds = array<i64: 1, 1024, 384>}]} {
    %get3A = arith.constant 0 : index
    %get3A_0 = arith.constant 0 : index
    %get3A_1 = arith.constant 0 : index
    %get3A_2 = arith.constant 0 : index
    %get3A_3 = vector.load %arg1[%get3A, %get3A_0, %get3A_1, %get3A_2] : memref<1x4x1024x96xf32, #tpu.memory_space<vmem>>, vector<1x1x1024x96xf32>
    %get3A_4 = vector.shape_cast %get3A_3 : vector<1x1x1024x96xf32> to vector<1024x96xf32>
    %get3A_5 = arith.constant 0 : index
    %get3A_6 = arith.constant 1 : index
    %get3A_7 = arith.constant 0 : index
    %get3A_8 = arith.constant 0 : index
    %get3A_9 = vector.load %arg1[%get3A_5, %get3A_6, %get3A_7, %get3A_8] : memref<1x4x1024x96xf32, #tpu.memory_space<vmem>>, vector<1x1x1024x96xf32>
    %get3A_10 = vector.shape_cast %get3A_9 : vector<1x1x1024x96xf32> to vector<1024x96xf32>
    %get3A_11 = arith.constant 0 : index
    %get3A_12 = arith.constant 2 : index
    %get3A_13 = arith.constant 0 : index
    %get3A_14 = arith.constant 0 : index
    %get3A_15 = vector.load %arg1[%get3A_11, %get3A_12, %get3A_13, %get3A_14] : memref<1x4x1024x96xf32, #tpu.memory_space<vmem>>, vector<1x1x1024x96xf32>
    %get3A_16 = vector.shape_cast %get3A_15 : vector<1x1x1024x96xf32> to vector<1024x96xf32>
    %get3A_17 = arith.constant 0 : index
    %get3A_18 = arith.constant 3 : index
    %get3A_19 = arith.constant 0 : index
    %get3A_20 = arith.constant 0 : index
    %get3A_21 = vector.load %arg1[%get3A_17, %get3A_18, %get3A_19, %get3A_20] : memref<1x4x1024x96xf32, #tpu.memory_space<vmem>>, vector<1x1x1024x96xf32>
    %get3A_22 = vector.shape_cast %get3A_21 : vector<1x1x1024x96xf32> to vector<1024x96xf32>
    %concatenate3A = tpu.concatenate %get3A_4, %get3A_10, %get3A_16, %get3A_22 in 1 : vector<1024x96xf32>, vector<1024x96xf32>, vector<1024x96xf32>, vector<1024x96xf32> -> vector<1024x384xf32>
    %get3A_23 = arith.constant 0 : index
    %get3A_24 = arith.constant 0 : index
    %get3A_25 = vector.load %arg3[%get3A_23, %get3A_24] : memref<384x384xf32, #tpu.memory_space<vmem>>, vector<384x384xf32>
    %dot_general3A = arith.constant dense<0.000000e+00> : vector<1024x384xf32>
    %dot_general3A_26 = tpu.matmul %concatenate3A, %get3A_25, %dot_general3A {dimension_numbers = #tpu.dot_dimension_numbers<[1], [0], [0], [1], [0, 0, 1, 1], [], []>, transpose_lhs_hint = false} : vector<1024x384xf32>, vector<384x384xf32>, vector<1024x384xf32> -> vector<1024x384xf32>
    %get3A_27 = arith.constant 0 : index
    %get3A_28 = arith.constant 0 : index
    %get3A_29 = vector.load %arg4[%get3A_27, %get3A_28] : memref<1x384xf32, #tpu.memory_space<vmem>>, vector<1x384xf32>
    %get3A_30 = vector.shape_cast %get3A_29 : vector<1x384xf32> to vector<384xf32>
    %broadcast_in_dim3A = vector.shape_cast %get3A_30 : vector<384xf32> to vector<1x384xf32>
    %add3A = vector.broadcast %broadcast_in_dim3A : vector<1x384xf32> to vector<1024x384xf32>
    %add3A_31 = arith.addf %dot_general3A_26, %add3A : vector<1024x384xf32>
    %get3A_32 = arith.constant 0 : index
    %get3A_33 = arith.constant 0 : index
    %get3A_34 = arith.constant 0 : index
    %get3A_35 = vector.load %arg2[%get3A_32, %get3A_33, %get3A_34] : memref<1x1024x384xf32, #tpu.memory_space<vmem>>, vector<1x1024x384xf32>
    %get3A_36 = vector.shape_cast %get3A_35 : vector<1x1024x384xf32> to vector<1024x384xf32>
    %add3A_37 = arith.addf %add3A_31, %get3A_36 : vector<1024x384xf32>
    %swap3A = arith.constant 0 : index
    %swap3A_38 = arith.constant 0 : index
    %swap3A_39 = arith.constant 0 : index
    %swap3A_40 = vector.load %arg5[%swap3A, %swap3A_38, %swap3A_39] : memref<1x1024x384xf32, #tpu.memory_space<vmem>>, vector<1x1024x384xf32>
    %swap3A_41 = vector.shape_cast %swap3A_40 : vector<1x1024x384xf32> to vector<1024x384xf32>
    %swap3A_42 = vector.shape_cast %add3A_37 : vector<1024x384xf32> to vector<1x1024x384xf32>
    tpu.vector_store %arg5[%swap3A, %swap3A_38, %swap3A_39], %swap3A_42 {strides = array<i32>} : memref<1x1024x384xf32, #tpu.memory_space<vmem>>, vector<1x1024x384xf32>,
    return
  }
  func.func @transform_0(%arg0: i32) -> (i32, i32, i32, i32) {
    %c0_i32 = arith.constant 0 : i32
    %c0_i32_0 = arith.constant 0 : i32
    %c0_i32_1 = arith.constant 0 : i32
    %c0_i32_2 = arith.constant 0 : i32
    return %arg0, %c0_i32, %c0_i32_0, %c0_i32_1 : i32, i32, i32, i32
  }
  func.func @transform_1(%arg0: i32) -> (i32, i32, i32) {
    %c0_i32 = arith.constant 0 : i32
    %c0_i32_0 = arith.constant 0 : i32
    %c0_i32_1 = arith.constant 0 : i32
    return %arg0, %c0_i32, %c0_i32_0 : i32, i32, i32
  }
  func.func @transform_2(%arg0: i32) -> (i32, i32) {
    %c0_i32 = arith.constant 0 : i32
    %c0_i32_0 = arith.constant 0 : i32
    %c0_i32_1 = arith.constant 0 : i32
    return %c0_i32, %c0_i32_0 : i32, i32
  }
  func.func @transform_3(%arg0: i32) -> (i32, i32) {
    %c0_i32 = arith.constant 0 : i32
    %c0_i32_0 = arith.constant 0 : i32
    %c0_i32_1 = arith.constant 0 : i32
    return %c0_i32, %c0_i32_0 : i32, i32
  }
  func.func @transform_4(%arg0: i32) -> (i32, i32, i32) {
    %c0_i32 = arith.constant 0 : i32
    %c0_i32_0 = arith.constant 0 : i32
    %c0_i32_1 = arith.constant 0 : i32
    return %arg0, %c0_i32, %c0_i32_0 : i32, i32, i32
  }
}

</mosaic_0001>

<sc_bundles>
// kernel: kernel.6.cloned.1.call-start
scs
__scs_entry_jumppad:
0x0: {  	(pc) =	sbr.rel $0x88, $3  }
0x1: {  	(tag) =	ssettag $0x0;
	lr =	simm.s32 $0x1  }
0x2: {  	[smem:$0x3F92] =	sst lr;
	_ =	strace $0xD0000000  }
0x3: {  	_ = 	snop  }
0x4: {  	_ = 	snop  }
0x5: {  	_ = 	snop  }
0x6: {  	_ = 	snop  }
0x7: {  	_ = 	snop  }
__scs_overlays_trampoline_lowered:
0x8: {  	[smem:$0x3FA1] =	sst s0  }
0x9: {  	[smem:$0x3FA2] =	sst s1  }
0xa: {  	[smem:$0x3FA3] =	sst s2  }
0xb: {  	[smem:$0x3FA4] =	sst s3  }
0xc: {  	[smem:$0x3FA5] =	sst s4  }
0xd: {  	[smem:$0x3FA6] =	sst s5  }
0xe: {  	[smem:$0x3FA7] =	sst s6  }
0xf: {  	[smem:$0x3FA8] =	sst s7  }
0x10: {  	[smem:$0x3FA9] =	sst s8  }
0x11: {  	[smem:$0x3FAA] =	sst s9;
	s0 =	simm.s32 @!p0 $0x0  }
0x12: {  	s1 =	sld [smem:$0x3F90];
	s0 =	simm.s32 @p0 $0x1  }
0x13: {  	[smem:$0x3FAB] =	sst s0;
	s0 =	simm.s32 @!p1 $0x0  }
0x14: {  	s2 =	sld [smem:$0x3F8F];
	s0 =	simm.s32 @p1 $0x1  }
0x15: {  	[smem:$0x3FAC] =	sst s0;
	s0 =	simm.s32 @!p2 $0x0  }
0x16: {  	s3 =	sld [smem:$0x3FDB];
	s0 =	simm.s32 @p2 $0x1  }
0x17: {  	s4 =	simm.s32 $0x1BF5;
	[smem:$0x3FAE] =	sst s0  }
0x18: {  	s0 =	sld [smem:$0x3F91];
	_ =	swait.ge [sflag:s4], $0x0  }
0x19: {  	s7 =	sld [smem:$0x3F92]  }
0x1a: {  	s8 =	sadd.s32 $0xFFFFE003, lr  }
0x1b: {  	s9 =	sadd.s32 $0xFFFFFEF7, lr;
	s5 =	simm.s32 $0xFFFFFFFF;
	p2 =	slt.u32 s8, $0xFFFFF086  }
0x1c: {  	p1 =	slt.u32 s9, $0xF7A;
	s5 =	simm.s32 @!p2 $0x0  }
0x1d: {  	s5 =	simm.s32 @p1 $0x1;
	p0 =	seq.s32 s7, s2  }
0x1e: {  	s7 =	smul.u32 @!p0 $0xF7A, s2;
	p2 =	seq.s32 @!p0 s5, $0x0  }
0x1f: {  	s9 =	smul.u32 $0xF7A, s1;
	s8 =	simm.s32 @!p0 $0x1BF5;
	p2 =	por !p2, p0  }
0x20: {  	[sflag:s8] =	ssyncset.s32 @!p0 $0xFFFFF086;
	s6 =	sadd.s32 @!p0 s3, s7;
	s7 =	simm.s32 @!p0 $0x108  }
0x21: {  	s3 =	sadd.s32 s3, s9;
	s6 =	sadd.s32 @!p0 $0x88, s6;
	s7 =	simm.s32 @p2 $0x1082  }
0x22: {  	[simem:s7], [sflag:s8] =	dma.local @!p0 [hbm:s6], $0xF7A  }
0x23: {  	s9 =	sor.u32 $0xD0000000, s2;
	s6 =	simm.s32 $0x108;
	_ =	swait.ge @!p0 [sflag:s8], $0x0  }
0x24: {  	s3 =	sadd.s32 $0x88, s3;
	s6 =	simm.s32 @!p1 $0x1082;
	[sflag:s4] =	ssyncset.s32 $0xFFFFF086  }
0x25: {  	[simem:s6], [sflag:s4] =	dma.local [hbm:s3], $0xF7A  }
0x26: {  	[smem:$0x3F92] =	sst s1;
	(tag) =	ssettag s2;
	_ =	strace s9  }
0x27: {  	s1 =	sld [smem:$0x3FA2]  }
0x28: {  	s2 =	sld [smem:$0x3FA3]  }
0x29: {  	s4 =	sld [smem:$0x3FA5]  }
0x2a: {  	p0 =	seq.s32 s5, $0x0;
	s5 =	sld [smem:$0x3FA6]  }
0x2b: {  	s6 =	sld [smem:$0x3FA7]  }
0x2c: {  	s7 =	sld [smem:$0x3FA8]  }
0x2d: {  	s3 =	simm.s32 $0x108;
	s8 =	sld [smem:$0x3FA9]  }
0x2e: {  	s3 =	simm.s32 @!p0 $0x1082;
	s9 =	sld [smem:$0x3FAA]  }
0x2f: {  	lr =	sadd.s32 s0, s3;
	s0 =	sld [smem:$0x3FA1]  }
0x30: {  	s3 =	sld [smem:$0x3FA4]  }
0x31: {  	[smem:$0x3FAD] =	sst s10  }
0x32: {  	s10 =	sld [smem:$0x3FAB];
	_ =	sdelay $0x3  }
0x33: {  	p0 =	seq.s32 s10, $0x1;
	s10 =	sld [smem:$0x3FAD];
	_ =	sdelay $0x3  }
0x34: {  	[smem:$0x3FAD] =	sst s10  }
0x35: {  	s10 =	sld [smem:$0x3FAC];
	_ =	sdelay $0x3  }
0x36: {  	p1 =	seq.s32 s10, $0x1;
	s10 =	sld [smem:$0x3FAD];
	_ =	sdelay $0x3  }
0x37: {  	[smem:$0x3FAD] =	sst s10  }
0x38: {  	s10 =	sld [smem:$0x3FAE]  }
0x39: {  	_ = 	snop;
	(pc) =	sbr.ind lr, $3  }
0x3a: {  	_ = 	snop  }
0x3b: {  	_ = 	snop  }
0x3c: {  	p2 =	seq.s32 s10, $0x1;
	s10 =	sld [smem:$0x3FAD]  }
0x3d: {  	_ =	shalt  }
0x3e: {  	_ =	shalt  }
0x3f: {  	_ =	shalt  }
0x40: {  	_ =	shalt  }
0x41: {  	_ =	shalt  }
0x42: {  	_ =	shalt  }
0x43: {  	_ =	shalt  }
0x44: {  	_ =	shalt  }
0x45: {  	_ =	shalt  }
0x46: {  	_ =	shalt  }
0x47: {  	_ =	shalt  }
0x48: {  	_ =	shalt  }
0x49: {  	_ =	shalt  }
0x4a: {  	_ =	shalt  }
0x4b: {  	_ =	shalt  }
0x4c: {  	_ =	shalt  }
0x4d: {  	_ =	shalt  }
0x4e: {  	_ =	shalt  }
0x4f: {  	_ =	shalt  }
0x50: {  	_ =	shalt  }
0x51: {  	_ =	shalt  }
0x52: {  	_ =	shalt  }
0x53: {  	_ =	shalt  }
0x54: {  	_ =	shalt  }
0x55: {  	_ =	shalt  }
0x56: {  	_ =	shalt  }
0x57: {  	_ =	shalt  }
0x58: {  	_ =	shalt  }
0x59: {  	_ =	shalt  }
0x5a: {  	_ =	shalt  }
0x5b: {  	_ =	shalt  }
0x5c: {  	_ =	shalt  }
0x5d: {  	_ =	shalt  }
0x5e: {  	_ =	shalt  }
0x5f: {  	_ =	shalt  }
0x60: {  	_ =	shalt  }
0x61: {  	_ =	shalt  }
0x62: {  	_ =	shalt  }
0x63: {  	_ =	shalt  }
0x64: {  	_ =	shalt  }
0x65: {  	_ =	shalt  }
0x66: {  	_ =	shalt  }
0x67: {  	_ =	shalt  }
0x68: {  	_ =	shalt  }
0x69: {  	_ =	shalt  }
0x6a: {  	_ =	shalt  }
0x6b: {  	_ =	shalt  }
0x6c: {  	_ =	shalt  }
0x6d: {  	_ =	shalt  }
0x6e: {  	_ =	shalt  }
0x6f: {  	_ =	shalt  }
0x70: {  	_ =	shalt  }
0x71: {  	_ =	shalt  }
0x72: {  	_ =	shalt  }
0x73: {  	_ =	shalt  }
0x74: {  	_ =	shalt  }
0x75: {  	_ =	shalt  }
0x76: {  	_ =	shalt  }
0x77: {  	_ =	shalt  }
0x78: {  	_ =	shalt  }
0x79: {  	_ =	shalt  }
0x7a: {  	_ =	shalt  }
0x7b: {  	_ =	shalt  }
0x7c: {  	_ =	shalt  }
0x7d: {  	_ =	shalt  }
0x7e: {  	_ =	shalt  }
0x7f: {  	_ =	shalt  }
0x80: {  	_ =	shalt  }
0x81: {  	_ =	shalt  }
0x82: {  	_ =	shalt  }
0x83: {  	_ =	shalt  }
0x84: {  	_ =	shalt  }
0x85: {  	_ =	shalt  }
0x86: {  	_ =	shalt  }
0x87: {  	_ =	shalt  }
.Lfunc_end0:
.L_simem_size_0:
called_computation_lowered:
.L_overlay_start_0:
0x88: {  	s2 =	sld [smem:$0x3FD9]  }
0x89: {  	s3 =	sld [smem:$0x3FFE];
	_ =	sdelay $0x1  }
0x8a: {  	s1 =	srdreg.scid  }
0x8b: {  	s0 =	sand.u32 $0x1, s1  }
0x8c: {  	s16 =	sshll.u32 s0, $0xA;
	s2 =	sadd.s32 s3, s2  }
0x8d: {  	s2 =	sadd.s32 s2, s16  }
0x8e: {  	[smem:$0x3FB9] =	sst s2  }
0x8f: {  	_ = 	snop  }
0x90: {  	(tm) =	ssettm $0x1  }
0x91: {  	s17 =	sld [smem:$0x3FFB];
	_ =	sdelay $0x3  }
0x92: {  	_ =	strace s17  }
0x93: {  	s2 =	sld [smem:$0x3FFC];
	_ =	sdelay $0x3  }
0x94: {  	_ =	strace s2  }
0x95: {  	s2 =	sld [smem:$0x3FFD];
	_ =	sdelay $0x3  }
0x96: {  	_ =	strace s2  }
0x97: {  	_ =	strace $0x8FFFFFFF  }
0x98: {  	s18 =	sld [smem:$0x3FDB];
	_ =	sdelay $0x1  }
0x99: {  	s19 =	simm.s32 $_scs_section_size  }
0x9a: {  	s4 =	simm.s32 $_size__tile_overlayer_lowered;
	s5 =	simm.s32 $_tile_overlayer_lowered  }
0x9b: {  	s22 =	simm.s32 $0x1BFF;
	s21 =	sshll.u32 s5, $0x1;
	s2 =	sadd.s32 s19, s18  }
0x9c: {  	s6 =	simm.s32 $0x0;
	s20 =	sshll.u32 s4, $0x1;
	s4 =	sadd.s32 s21, s2  }
0x9d: {  	[timem:s6], [sflag:s22] =	dma.local [hbm:s4], s20  }
0x9e: {  	_ =	swait.ge [sflag:s22], s20  }
0x9f: {  	s3 =	ssub.s32 $0x0, s20;
	[sflag:s22] =	ssyncset.done $0x0  }
0xa0: {  	[sflag:s22] =	ssyncadd.s32 s3;
	_ =	sdelay $0x1  }
0xa1: {  	s23 =	simm.s32 $0x1B8B  }
0xa2: {  	_ =	swait.ge [sflag:s23], $0x1  }
0xa3: {  	[sflag:s23] =	ssyncset.done $0x0  }
0xa4: {  	s25 =	simm.s32 $0x1B8E;
	s24 =	sld [smem:$0x3FFE];
	[sflag:s23] =	ssyncadd.s32 $0xFFFFFFFF  }
0xa5: {  	s26 =	simm.s32 $execute0_lowered;
	[smem:$0x3FD2] =	sst s25  }
0xa6: {  	s4 =	sshll.u32 s26, $0x1;
	_ =	strace $0x80000046;
	[dreg:$0x1] =	wrdreg $0xFFFFFFFF  }
0xa7: {  	s28 =	simm.s32 $_size_execute0_lowered;
	s2 =	sadd.s32 s2, s4;
	[dreg:$0x0] =	wrdreg $0x0  }
0xa8: {  	s4 =	sshll.u32 s28, $0x1;
	[dreg:$0x2] =	wrdreg s2  }
0xa9: {  	[dreg:$0x3] =	wrdreg s4  }
0xaa: {  	[dreg:$0x4] =	wrdreg $0xC0  }
0xab: {  	_ =	task [dreg:s6], $0x5FFFF  }
0xac: {  	[dreg:$0x1] =	wrdreg $0xFFFFFFFF  }
0xad: {  	[dreg:$0x0] =	wrdreg $0x60  }
0xae: {  	[dreg:$0x2] =	wrdreg s24  }
0xaf: {  	[dreg:$0x3] =	wrdreg $0x9  }
0xb0: {  	_ =	task.clear_ibuf [dreg:s6], $0x4FFFF;
	_ =	strace $0x90000046  }
0xb1: {  	s29 =	simm.s32 $0x9;
	_ =	strace $0x80000048  }
0xb2: {  	_ =	swait.ge [sflag:s29], $0x1  }
0xb3: {  	[sflag:s29] =	ssyncadd.s32 $0xFFFFFFFF  }
0xb4: {  	_ =	strace $0x90000048  }
0xb5: {  	_ =	sfence  }
0xb6: {  	s30 =	sld [smem:$0x0];
	_ =	sdelay $0x2  }
0xb7: {  	s31 =	sshll.u32 s1, $0xD;
	s1 =	sshrl.u32 s1, $0x2  }
0xb8: {  	s3 =	sand.u32 $0x4000, s31;
	s1 =	sadd.s32 s1, s30  }
0xb9: {  	s0 =	sor.u32 s3, s0;
	s1 =	sshll.u32 s1, $0x11  }
0xba: {  	s0 =	sor.u32 s1, s0  }
0xbb: {  	s0 =	sadd.s32 $0x8F2B, s0  }
0xbc: {  	[sflag:s0] =	ssyncadd.remote.s32 $0x1  }
0xbd: {  	_ =	sfence.sel $0xFFFF  }
0xbe: {  	[dreg:$0x0] =	wrdreg $0xFFFFFFFF;
	(pc) =	sbr.abs _section_cstart, $3  }
0xbf: {  	[dreg:$0x1] =	wrdreg $0xFFFFFFFF  }
0xc0: {  	_ =	task.clear_ibuf [dreg:s6], $0x2FFFF;
	_ =	strace $0x9FFFFFFF  }
0xc1: {  	(tm) =	ssettm $0x7FFFFFFF  }
tec
execute0_lowered:
.L_overlay_start_1:
0x0: {  	(tag) =	ssettag $0x1  }
0x1: {  	s7 =	rddreg [dreg:$0x0]  }
0x2: {  	s0 =	rddreg [dreg:$0x1]  }
0x3: {  	s1 =	simm.s32 $0x0;
	s6 =	srdreg.scid;
	s2 =	stileid.u32  }
0x4: {  	s13 =	simm.s32 $0x1;
	s14 =	simm.s32 $0x4100;
	s15 =	simm.s32 $0x0  }
0x5: {  	[smem:$0x7FF] =	sst s1;
	s3 =	sadd.s32 $0x2400, s7;
	s4 =	sadd.s32 $0x22400, s7  }
0x6: {  	s5 =	sadd.s32 $0x26400, s7;
	s8 =	sand.u32 $0x1, s6;
	s6 =	sshrl.u32 s2, $0x1  }
0x7: {  	s10 =	sshll.u32 s2, $0x1;
	_ =	strace $0x80000047;
	s9 =	ssub.s32 $0x2, s8  }
0x8: {  	s11 =	sshll.u32 s6, $0xE;
	s10 =	sand.u32 $0x2, s10;
	s12 =	sshrl.u32 s9, $0x1  }
0x9: {  	s11 =	sadd.s32 s11, s7;
	s31 =	sor.u32 s8, s10;
	s10 =	simm.s32 $0x2  }
0xa: {  	s9 =	ssub.s32 s9, s12;
	s7 =	sshll.u32 s31, $0x8;
	s8 =	sadd.s32 $0x2A400, s11  }
0xb: {  	s11 =	simm.s32 $0x80;
	s12 =	simm.s32 $0x100;
	s9 =	smax.u32 s9, $0x1  }
.LBB2_1:
0xc: {  	s16 =	simm.s32 $0x0  }
.LBB2_2:
0xd: {  	s17 =	sshll.u32 s16, $0x3  }
0xe: {  	s17 =	sadd.s32 s7, s17  }
0xf: {  	s18 =	sor.u32 s6, s17  }
0x10: {  	s18 =	sshll.u32 s18, $0x4  }
0x11: {  	s19 =	sadd.s32 s4, s18  }
0x12: {  	[tilespmem:s1], [sflag:$0x2] =	stream.linear.gather [hbm4b:s19+s1], $0x80, $0x38;
	[tilespmem:$0x4500] =	vst v63  }
0x13: {  	_ =	swait.ge [sflag:s10], $0x80  }
0x14: {  	[sflag:s10] =	ssyncset.done $0x0  }
0x15: {  	s18 =	sadd.s32 s5, s18;
	[sflag:s10] =	ssyncadd.s32 $0xFFFFFF80  }
0x16: {  	[tilespmem:s11], [sflag:$0x2] =	stream.linear.gather [hbm4b:s18+s1], $0x80, $0x38;
	[tilespmem:$0x4500] =	vst v63  }
0x17: {  	_ =	swait.ge [sflag:s10], $0x80  }
0x18: {  	[sflag:s10] =	ssyncset.done $0x0  }
0x19: {  	[sflag:s10] =	ssyncadd.s32 $0xFFFFFF80  }
0x1a: {  	[tilespmem:s12], [sflag:$0x1] =	stream.indirect.gather [hbm4b:s3+s11], $0x80, s1, s11, $0xb8;
	[tilespmem:$0x4500] =	vst v63  }
0x1b: {  	_ =	swait.ge [sflag:s13], $0x4000  }
0x1c: {  	s20 =	simm.s32 $0x500;
	[sflag:s13] =	ssyncset.done $0x0  }
0x1d: {  	s19 =	simm.s32 $0x4130;
	s18 =	simm.s32 $0xF;
	[sflag:s13] =	ssyncadd.s32 $0xFFFFC000  }
.LBB2_3:
0x1e: {  	v59 =	vld [tilespmem:s20+$0xFFFFFC00]  }
0x1f: {  	v3 =	vld [tilespmem:s20+$0xFFFFFC10]  }
0x20: {  	v4 =	vld [tilespmem:s20+$0xFFFFFC20]  }
0x21: {  	v5 =	vld [tilespmem:s20+$0xFFFFFC30]  }
0x22: {  	v6 =	vld [tilespmem:s20+$0xFFFFFC40]  }
0x23: {  	v7 =	vld [tilespmem:s20+$0xFFFFFC50]  }
0x24: {  	v61 =	vld [tilespmem:s20+$0xFFFFFC80]  }
0x25: {  	v10 =	vld [tilespmem:s20+$0xFFFFFC90]  }
0x26: {  	v11 =	vld [tilespmem:s20+$0xFFFFFCA0]  }
0x27: {  	v12 =	vld [tilespmem:s20+$0xFFFFFCB0]  }
0x28: {  	v13 =	vld [tilespmem:s20+$0xFFFFFCC0]  }
0x29: {  	v14 =	vld [tilespmem:s20+$0xFFFFFCD0]  }
0x2a: {  	v63 =	vld [tilespmem:s20+$0xFFFFFD00]  }
0x2b: {  	v17 =	vld [tilespmem:s20+$0xFFFFFD10]  }
0x2c: {  	v18 =	vld [tilespmem:s20+$0xFFFFFD20]  }
0x2d: {  	v19 =	vld [tilespmem:s20+$0xFFFFFD30]  }
0x2e: {  	v20 =	vld [tilespmem:s20+$0xFFFFFD40]  }
0x2f: {  	v21 =	vld [tilespmem:s20+$0xFFFFFD50]  }
0x30: {  	v55 =	vld [tilespmem:s20+$0xFFFFFD80]  }
0x31: {  	v24 =	vld [tilespmem:s20+$0xFFFFFD90]  }
0x32: {  	v25 =	vld [tilespmem:s20+$0xFFFFFDA0]  }
0x33: {  	v26 =	vld [tilespmem:s20+$0xFFFFFDB0]  }
0x34: {  	v27 =	vld [tilespmem:s20+$0xFFFFFDC0]  }
0x35: {  	v28 =	vld [tilespmem:s20+$0xFFFFFDD0]  }
0x36: {  	v31 =	vld [tilespmem:s20+$0xFFFFFE10]  }
0x37: {  	v32 =	vld [tilespmem:s20+$0xFFFFFE20]  }
0x38: {  	s21 =	sadd.s32 $0xFFFFFFF1, s18;
	v33 =	vld [tilespmem:s20+$0xFFFFFE30]  }
0x39: {  	v34 =	vld [tilespmem:s20+$0xFFFFFE40];
	v0 =	vmov s21  }
0x3a: {  	v35 =	vld [tilespmem:s20+$0xFFFFFE50];
	v0 =	vand.u32 $0xFFFFFFF0, v0  }
0x3b: {  	v38 =	vld [tilespmem:s20+$0xFFFFFE90];
	v0 =	vbroadcast v0, $0x0  }
0x3c: {  	v39 =	vld [tilespmem:s20+$0xFFFFFEA0]  }
0x3d: {  	v40 =	vld [tilespmem:s20+$0xFFFFFEB0]  }
0x3e: {  	s26 =	sadd.s32 $0xFFFFFFF2, s18;
	v41 =	vld [tilespmem:s20+$0xFFFFFEC0]  }
0x3f: {  	v42 =	vld [tilespmem:s20+$0xFFFFFED0];
	v1 =	vmov s26  }
0x40: {  	v44 =	vld [tilespmem:s20+$0xFFFFFF00];
	v58 =	vand.u32 $0xFFFFFFF1, v1  }
0x41: {  	s23 =	sadd.s32 $0xFFFFFFF8, s18;
	v2 =	vld.idx.msk [tilespmem:v0+s11+$0x0], $0xffff;
	v0 =	vbroadcast v58, $0x0  }
0x42: {  	v45 =	vld [tilespmem:s20+$0xFFFFFF10];
	v43 =	vmov s23  }
0x43: {  	v46 =	vld [tilespmem:s20+$0xFFFFFF20];
	v43 =	vand.u32 $0xFFFFFFF7, v43  }
0x44: {  	s28 =	sadd.s32 $0xFFFFFFF3, s18;
	v48 =	vld [tilespmem:s20+$0xFFFFFF30];
	v43 =	vbroadcast v43, $0x0  }
0x45: {  	s29 =	sadd.s32 $0xFFFFFFF4, s18;
	s31 =	sadd.s32 $0xFFFFFFF6, s18;
	s22 =	sadd.s32 $0xFFFFFFF7, s18;
	v49 =	vld [tilespmem:s20+$0xFFFFFF40];
	v8 =	vmov s28  }
0x46: {  	s24 =	sadd.s32 $0xFFFFFFF9, s18;
	v50 =	vld [tilespmem:s20+$0xFFFFFF50];
	v15 =	vmov s29;
	v29 =	vmov s31;
	v36 =	vmov s22  }
0x47: {  	v51 =	vmov s24;
	v60 =	vand.u32 $0xFFFFFFF2, v8;
	v62 =	vand.u32 $0xFFFFFFF3, v15;
	v9 =	vld.idx.msk [tilespmem:v0+s11+$0x0], $0xffff  }
0x48: {  	s25 =	sadd.s32 $0xFFFFFFFA, s18;
	v56 =	vand.u32 $0xFFFFFFF5, v29;
	v29 =	vld [tilespmem:s20+$0xFFFFFE00];
	v57 =	vand.u32 $0xFFFFFFF6, v36;
	v1 =	vmul.f32 v59, v2  }
0x49: {  	v36 =	vld [tilespmem:s20+$0xFFFFFE80];
	v59 =	vand.u32 $0xFFFFFFF8, v51;
	v51 =	vmov s25;
	v0 =	vbroadcast v60, $0x0  }
0x4a: {  	v8 =	vbroadcast v59, $0x0;
	v15 =	vand.u32 $0xFFFFFFF9, v51;
	v47 =	vadd.f32 $0.0e+00, v1;
	v1 =	vld.idx.msk [tilespmem:v43+s11+$0x0], $0xffff  }
0x4b: {  	v4 =	vmul.f32 v4, v2;
	v43 =	vld [tilespmem:s20+$0xFFFFFF80];
	v15 =	vbroadcast v15, $0x0  }
0x4c: {  	v58 =	vmul.f32 v61, v9;
	v61 =	vmul.f32 v13, v9;
	v13 =	vld [tilespmem:s20+$0xFFFFFFA0]  }
0x4d: {  	v10 =	vmul.f32 v10, v9;
	v60 =	vmul.f32 v12, v9;
	v12 =	vld [tilespmem:s20+$0xFFFFFFC0]  }
0x4e: {  	s30 =	sadd.s32 $0xFFFFFFF5, s18;
	v11 =	vmul.f32 v11, v9;
	v9 =	vmul.f32 v14, v9;
	v14 =	vld [tilespmem:s20+$0xFFFFFFD0]  }
0x4f: {  	v22 =	vmov s30;
	v5 =	vmul.f32 v5, v2;
	v16 =	vld.idx.msk [tilespmem:v0+s11+$0x0], $0xffff;
	v0 =	vbroadcast v62, $0x0  }
0x50: {  	v3 =	vmul.f32 v3, v2;
	v6 =	vmul.f32 v6, v2;
	v4 =	vadd.f32 $0.0e+00, v4;
	v8 =	vld.idx.msk [tilespmem:v8+s11+$0x0], $0xffff  }
0x51: {  	v2 =	vmul.f32 v7, v2;
	v5 =	vadd.f32 $0.0e+00, v5;
	v7 =	vadd.f32 v58, v47;
	v47 =	vld [tilespmem:s20+$0xFFFFFF90]  }
0x52: {  	s26 =	sadd.s32 $0xFFFFFFFB, s18;
	v54 =	vand.u32 $0xFFFFFFF4, v22;
	v4 =	vadd.f32 v11, v4;
	v11 =	vld [tilespmem:s20+$0xFFFFFFB0]  }
0x53: {  	v3 =	vadd.f32 $0.0e+00, v3;
	v5 =	vadd.f32 v60, v5;
	v60 =	vmov s26;
	v15 =	vld.idx.msk [tilespmem:v15+s11+$0x0], $0xffff  }
0x54: {  	v6 =	vadd.f32 $0.0e+00, v6;
	v22 =	vand.u32 $0xFFFFFFFA, v60;
	v52 =	vmul.f32 v18, v16;
	v18 =	vld [tilespmem:s20+$0x10]  }
0x55: {  	v2 =	vadd.f32 $0.0e+00, v2;
	v22 =	vbroadcast v22, $0x0;
	v23 =	vld.idx.msk [tilespmem:v0+s11+$0x0], $0xffff;
	v0 =	vbroadcast v54, $0x0  }
0x56: {  	v3 =	vadd.f32 v10, v3;
	v62 =	vmul.f32 v63, v16;
	v63 =	vmul.f32 v17, v16;
	v17 =	vld [tilespmem:s20+$0x0]  }
0x57: {  	v6 =	vadd.f32 v61, v6;
	v53 =	vmul.f32 v19, v16;
	v19 =	vld [tilespmem:s20+$0x40];
	v54 =	vmul.f32 v20, v16  }
0x58: {  	v2 =	vadd.f32 v9, v2;
	v16 =	vmul.f32 v21, v16;
	v20 =	vld [tilespmem:s20+$0x20];
	v7 =	vadd.f32 v62, v7  }
0x59: {  	v13 =	vmul.f32 v13, v1;
	v21 =	vld [tilespmem:s20+$0x50];
	v3 =	vadd.f32 v63, v3;
	v6 =	vadd.f32 v54, v6  }
0x5a: {  	v2 =	vadd.f32 v16, v2;
	v16 =	vld [tilespmem:s20+$0x30];
	v54 =	vmul.f32 v43, v1;
	v60 =	vmul.f32 v18, v8  }
0x5b: {  	v4 =	vadd.f32 v52, v4;
	v55 =	vmul.f32 v55, v23;
	v58 =	vmul.f32 v26, v23;
	v30 =	vld.idx.msk [tilespmem:v0+s11+$0x0], $0xffff  }
0x5c: {  	s29 =	sadd.s32 $0xFFFFFFFD, s18;
	v5 =	vadd.f32 v53, v5;
	v43 =	vld [tilespmem:s20+$0x230];
	v59 =	vmul.f32 v27, v23;
	v61 =	vmul.f32 v28, v23  }
0x5d: {  	v52 =	vmov s29;
	v22 =	vld.idx.msk [tilespmem:v22+s11+$0x0], $0xffff;
	v0 =	vbroadcast v56, $0x0;
	v56 =	vmul.f32 v24, v23  }
0x5e: {  	v27 =	vld [tilespmem:s20+$0xA0];
	v7 =	vadd.f32 v55, v7;
	v6 =	vadd.f32 v59, v6;
	v55 =	vmul.f32 v47, v1  }
0x5f: {  	v26 =	vld [tilespmem:s20+$0xC0];
	v59 =	vmul.f32 v17, v8;
	v3 =	vadd.f32 v56, v3;
	v56 =	vmul.f32 v11, v1  }
0x60: {  	v53 =	vand.u32 $0xFFFFFFFC, v52;
	v28 =	vld [tilespmem:s20+$0xD0];
	v62 =	vmul.f32 v29, v30;
	v63 =	vmul.f32 v31, v30  }
0x61: {  	v24 =	vld [tilespmem:s20+$0xB0];
	v5 =	vadd.f32 v58, v5;
	v31 =	vmul.f32 v32, v30;
	v32 =	vmul.f32 v33, v30  }
0x62: {  	s30 =	sadd.s32 $0xFFFFFFFE, s18;
	v2 =	vadd.f32 v61, v2;
	v11 =	vld [tilespmem:s20+$0x1C0];
	v33 =	vmul.f32 v34, v30;
	v34 =	vmul.f32 v35, v30  }
0x63: {  	s31 =	sadd.s32 $0xFFFFFFFF, s18;
	v61 =	vmov s30;
	v37 =	vld.idx.msk [tilespmem:v0+s11+$0x0], $0xffff;
	v0 =	vbroadcast v57, $0x0;
	v57 =	vmul.f32 v25, v23  }
0x64: {  	v47 =	vmov s31;
	v30 =	vld [tilespmem:s20+$0x100];
	v7 =	vadd.f32 v62, v7;
	v3 =	vadd.f32 v63, v3  }
0x65: {  	v23 =	vld [tilespmem:s20+$0x80];
	v2 =	vadd.f32 v34, v2;
	v62 =	vmul.f32 v20, v8;
	v4 =	vadd.f32 v57, v4  }
0x66: {  	v34 =	vld [tilespmem:s20+$0x120];
	v57 =	vmul.f32 v12, v1;
	v1 =	vmul.f32 v14, v1;
	v14 =	vand.u32 $0xFFFFFFFD, v61  }
0x67: {  	v25 =	vld [tilespmem:s20+$0x90];
	v5 =	vadd.f32 v32, v5;
	v63 =	vmul.f32 v16, v8;
	v14 =	vbroadcast v14, $0x0  }
0x68: {  	v6 =	vadd.f32 v33, v6;
	v32 =	vld [tilespmem:s20+$0x110];
	v35 =	vmul.f32 v36, v37;
	v36 =	vmul.f32 v38, v37  }
0x69: {  	s28 =	sadd.s32 $0xFFFFFFFC, s18;
	v4 =	vadd.f32 v31, v4;
	v39 =	vmul.f32 v39, v37;
	v40 =	vmul.f32 v40, v37;
	v0 =	vld.idx.msk [tilespmem:v0+s11+$0x0], $0xffff  }
0x6a: {  	v33 =	vld [tilespmem:s20+$0x140];
	v38 =	vmov s28;
	v41 =	vmul.f32 v41, v37;
	v42 =	vmul.f32 v42, v37  }
0x6b: {  	v16 =	vld [tilespmem:s20+$0x200];
	v29 =	vand.u32 $0xFFFFFFFB, v38;
	v52 =	vmul.f32 v34, v22;
	v7 =	vadd.f32 v35, v7  }
0x6c: {  	v12 =	vld [tilespmem:s20+$0x1A0];
	v3 =	vadd.f32 v36, v3;
	v29 =	vbroadcast v29, $0x0;
	v4 =	vadd.f32 v39, v4  }
0x6d: {  	v31 =	vld [tilespmem:s20+$0x130];
	v5 =	vadd.f32 v40, v5;
	v39 =	vmul.f32 v23, v15;
	v40 =	vmul.f32 v25, v15  }
0x6e: {  	v37 =	vld [tilespmem:s20+$0x190];
	v2 =	vadd.f32 v42, v2;
	v42 =	vmul.f32 v27, v15;
	v44 =	vmul.f32 v44, v0  }
0x6f: {  	v38 =	vld [tilespmem:s20+$0x210];
	v6 =	vadd.f32 v41, v6;
	v45 =	vmul.f32 v45, v0;
	v46 =	vmul.f32 v46, v0  }
0x70: {  	v35 =	vld [tilespmem:s20+$0x150];
	v48 =	vmul.f32 v48, v0;
	v51 =	vmul.f32 v49, v0;
	v7 =	vadd.f32 v44, v7  }
0x71: {  	v36 =	vld [tilespmem:s20+$0x180];
	v0 =	vmul.f32 v50, v0;
	v3 =	vadd.f32 v45, v3;
	v4 =	vadd.f32 v46, v4  }
0x72: {  	v41 =	vld [tilespmem:s20+$0x220];
	v49 =	vmul.f32 v30, v22;
	v5 =	vadd.f32 v48, v5;
	v6 =	vadd.f32 v51, v6  }
0x73: {  	v9 =	vld.idx.msk [tilespmem:v29+s11+$0x0], $0xffff;
	v29 =	vbroadcast v53, $0x0;
	v0 =	vadd.f32 v0, v2;
	v45 =	vmul.f32 v24, v15  }
0x74: {  	v14 =	vld.idx.msk [tilespmem:v14+s11+$0x0], $0xffff;
	v48 =	vmul.f32 v26, v15;
	v15 =	vmul.f32 v28, v15;
	v7 =	vadd.f32 v54, v7  }
0x75: {  	v50 =	vld [tilespmem:s20+$0x280];
	v51 =	vmul.f32 v32, v22;
	v2 =	vadd.f32 v55, v3;
	v58 =	vadd.f32 v13, v4  }
0x76: {  	v44 =	vld [tilespmem:s20+$0x240];
	v32 =	vmov s18;
	v5 =	vadd.f32 v56, v5;
	v6 =	vadd.f32 v57, v6  }
0x77: {  	v46 =	vld [tilespmem:s20+$0x250];
	v0 =	vadd.f32 v1, v0;
	v54 =	vmul.f32 v31, v22;
	v56 =	vmul.f32 v33, v22  }
0x78: {  	v53 =	vld [tilespmem:s20+$0x290];
	v7 =	vadd.f32 v59, v7;
	v3 =	vadd.f32 v62, v58;
	v58 =	vmul.f32 v35, v22  }
0x79: {  	v4 =	vld [tilespmem:s20+$0x1B0];
	v1 =	vadd.f32 v60, v2;
	v59 =	vmul.f32 v36, v9;
	v61 =	vmul.f32 v37, v9  }
0x7a: {  	v13 =	vld [tilespmem:s20+$0x1D0];
	v2 =	vadd.f32 v63, v5;
	v12 =	vmul.f32 v12, v9;
	v11 =	vmul.f32 v11, v9  }
0x7b: {  	v17 =	vld.idx.msk [tilespmem:v29+s11+$0x0], $0xffff;
	v29 =	vmul.f32 v19, v8;
	v8 =	vmul.f32 v21, v8;
	v5 =	vadd.f32 v39, v7  }
0x7c: {  	v62 =	vld [tilespmem:s20+$0x2D0];
	v1 =	vadd.f32 v40, v1;
	v3 =	vadd.f32 v42, v3;
	v21 =	vand.u32 $0xFFFFFFFE, v47  }
0x7d: {  	v55 =	vld [tilespmem:s20+$0x2A0];
	v2 =	vadd.f32 v45, v2;
	v42 =	vmul.f32 v53, v14;
	v6 =	vadd.f32 v29, v6  }
0x7e: {  	v57 =	vld [tilespmem:s20+$0x2B0];
	v21 =	vbroadcast v21, $0x0;
	v0 =	vadd.f32 v8, v0;
	v5 =	vadd.f32 v49, v5  }
0x7f: {  	v60 =	vld [tilespmem:s20+$0x2C0];
	v4 =	vmul.f32 v4, v9;
	v1 =	vadd.f32 v51, v1;
	v3 =	vadd.f32 v52, v3  }
0x80: {  	v45 =	vld [tilespmem:s20+$0x380];
	v30 =	vmul.f32 v13, v9;
	v2 =	vadd.f32 v54, v2;
	v6 =	vadd.f32 v48, v6  }
0x81: {  	v47 =	vld [tilespmem:s20+$0x390];
	v0 =	vadd.f32 v15, v0;
	v48 =	vmul.f32 v62, v14;
	v33 =	vmul.f32 v16, v17  }
0x82: {  	v13 =	vld.idx.msk [tilespmem:v32+s11+$0x0], $0xffff;
	v5 =	vadd.f32 v59, v5;
	v34 =	vmul.f32 v38, v17;
	v36 =	vmul.f32 v41, v17  }
0x83: {  	v29 =	vld [tilespmem:s20+$0x300];
	v1 =	vadd.f32 v61, v1;
	v10 =	vmul.f32 v43, v17;
	v7 =	vmul.f32 v44, v17  }
0x84: {  	v49 =	vld [tilespmem:s20+$0x3A0];
	v3 =	vadd.f32 v12, v3;
	v39 =	vmul.f32 v46, v17;
	v41 =	vmul.f32 v50, v14  }
0x85: {  	v51 =	vld [tilespmem:s20+$0x3B0];
	v2 =	vadd.f32 v4, v2;
	v43 =	vmul.f32 v55, v14;
	v44 =	vmul.f32 v57, v14  }
0x86: {  	v46 =	vmul.f32 v60, v14;
	v6 =	vadd.f32 v56, v6;
	v0 =	vadd.f32 v58, v0;
	v63 =	vld.idx.msk [tilespmem:v21+s11+$0x0], $0xffff  }
0x87: {  	v31 =	vld [tilespmem:s20+$0x310];
	v55 =	vmul.f32 v45, v13;
	v5 =	vadd.f32 v33, v5;
	v1 =	vadd.f32 v34, v1  }
0x88: {  	v35 =	vld [tilespmem:s20+$0x320];
	v57 =	vmul.f32 v47, v13;
	v3 =	vadd.f32 v36, v3;
	v2 =	vadd.f32 v10, v2  }
0x89: {  	v37 =	vld [tilespmem:s20+$0x330];
	v59 =	vmul.f32 v49, v13;
	v6 =	vadd.f32 v11, v6;
	v0 =	vadd.f32 v30, v0  }
0x8a: {  	v38 =	vld [tilespmem:s20+$0x340];
	v60 =	vmul.f32 v51, v13;
	v5 =	vadd.f32 v41, v5;
	v1 =	vadd.f32 v42, v1  }
0x8b: {  	v40 =	vld [tilespmem:s20+$0x350];
	v3 =	vadd.f32 v43, v3;
	v6 =	vadd.f32 v7, v6;
	v50 =	vmul.f32 v29, v63  }
0x8c: {  	v54 =	vld [tilespmem:s20+$0x3C0];
	v2 =	vadd.f32 v44, v2;
	v0 =	vadd.f32 v39, v0;
	v9 =	vmul.f32 v31, v63  }
0x8d: {  	v56 =	vld [tilespmem:s20+$0x3D0];
	v6 =	vadd.f32 v46, v6;
	v52 =	vmul.f32 v35, v63;
	v5 =	vadd.f32 v50, v5  }
0x8e: {  	v0 =	vadd.f32 v48, v0;
	v53 =	vmul.f32 v37, v63;
	v1 =	vadd.f32 v9, v1  }
0x8f: {  	v58 =	vmul.f32 v38, v63;
	v3 =	vadd.f32 v52, v3;
	v5 =	vadd.f32 v55, v5  }
0x90: {  	v8 =	vmul.f32 v40, v63;
	v2 =	vadd.f32 v53, v2;
	v1 =	vadd.f32 v57, v1  }
0x91: {  	p0 =	sne.s32 s18, $0x7F;
	v61 =	vmul.f32 v54, v13;
	v6 =	vadd.f32 v58, v6;
	v3 =	vadd.f32 v59, v3;
	[tilespmem:s19+$0xFFFFFFD0] =	vst v5  }
.Ltmp0:
0x92: {  	v62 =	vmul.f32 v56, v13;
	v0 =	vadd.f32 v8, v0;
	v2 =	vadd.f32 v60, v2;
	[tilespmem:s19+$0xFFFFFFE0] =	vst v1;
	(pc) =	sbr.rel @p0 .LBB2_3-.Ltmp0, $4  }
0x93: {  	v63 =	vadd.f32 v61, v6;
	[tilespmem:s19+$0xFFFFFFF0] =	vst v3  }
0x94: {  	v0 =	vadd.f32 v62, v0;
	[tilespmem:s19+$0x0] =	vst v2  }
0x95: {  	[tilespmem:s19+$0x10] =	vst v63  }
0x96: {  	s18 =	sadd.s32 $0x10, s18;
	s20 =	sadd.s32 $0x800, s20;
	[tilespmem:s19+$0x20] =	vst v0;
	s19 =	sadd.s32 $0x80, s19  }
0x97: {  	s16 =	sadd.s32 $0x1, s16  }
0x98: {  	s17 =	sshll.u32 s17, $0x4;
	p0 =	sne.s32 s16, $0x20  }
.Ltmp1:
0x99: {  	s17 =	sadd.s32 s17, s8;
	(pc) =	sbr.rel @p0 .LBB2_2-.Ltmp1, $4  }
0x9a: {  	[hbm4b:s17+s1] =	stream.linear.scatter [tilespmem:s14], [sflag:$0x2], $0x400, $0x38;
	[tilespmem:$0x4500] =	vst v63  }
0x9b: {  	_ =	swait.ge [sflag:s10], $0x400  }
0x9c: {  	[sflag:s10] =	ssyncset.done $0x0  }
0x9d: {  	[sflag:s10] =	ssyncadd.s32 $0xFFFFFC00  }
0x9e: {  	s15 =	sadd.s32 $0x1, s15  }
0x9f: {  	p0 =	sne.s32 s15, s9  }
.Ltmp2:
0xa0: {  	_ = 	snop;
	(pc) =	sbr.rel @p0 .LBB2_1-.Ltmp2, $1  }
0xa1: {  	_ =	sdelay $0x3  }
0xa2: {  	_ =	sfence.sel $0x180000  }
0xa3: {  	[bflag:$0x0] =	sbarrier.arrive $0xFFFF  }
0xa4: {  	p0 =	sne.s32 s2, $0x0;
	_ =	strace $0x90000047  }
0xa5: {  	s0 =	sadd.s32 @!p0 $0x100000, s0;
	[bflag:$0x2] =	sbarrier.arrive $0xFFFF  }
0xa6: {  	[sflag:s0] =	ssyncadd.tile.s32 @!p0 $0x1;
	_ =	shalt  }
.Lfunc_end2:
_tile_overlayer_lowered:
.L_overlay_start_2:
0xa7: {  	(tag) =	ssettag $0x2  }
0xa8: {  	s0 =	rddreg [dreg:$0x0];
	s2 =	stileid.u32  }
0xa9: {  	s1 =	rddreg [dreg:$0x1];
	p0 =	sne.s32 s2, $0x0  }
0xaa: {  	s3 =	rddreg [dreg:$0x2];
	[bflag:$0x3] =	sbarrier.arrive $0xFFFF;
	s2 =	simm.s32 @!p0 $0x1C02  }
0xab: {  	[timem:s3], [sflag:s2] =	dma.local @!p0 [hbm:s0], s1  }
0xac: {  	s0 =	simm.s32 @!p0 $0x2  }
0xad: {  	_ =	swait.ge @!p0 [sflag:s0], s1  }
0xae: {  	s1 =	ssub.s32 @!p0 $0x0, s1;
	[sflag:s0] =	ssyncset.done @!p0 $0x0  }
0xaf: {  	[sflag:s0] =	ssyncadd.s32 @!p0 s1  }
0xb0: {  	[bflag:$0x3] =	sbarrier.arrive $0xFFFF  }
0xb1: {  	_ =	shalt  }

</sc_bundles>
